<compile_context>
chip_gen: v7x
topology: tpu7x:2x2x1
jax: 0.10.2.dev20260603
libtpu: 0.0.44.dev20260713+nightly
codegen_flags: <defaults>
</compile_context>

<pallas_src>
import functools
import jax
import jax.numpy as jnp
from jax import lax
from jax.experimental import pallas as pl
from jax.experimental.pallas import tpu as pltpu
from jax.experimental.pallas import tpu_sc as plsc

N_NODE = 50000
E = 800000
EMB = 100
EMBP = 128
B = 1024
L = 50
LAYERS = 3
BETA = 0.01

NC = 2
NS = 16
NW = NC * NS

CH = 12544
TRASH = CH
ACC_ROWS = CH + 128


def _make_sc_gather(n_idx, n_rows, be):
    per_w = n_idx // NW
    nblk = per_w // be
    mesh = plsc.VectorSubcoreMesh(core_axis_name="c", subcore_axis_name="s")

    @functools.partial(
        pl.kernel, mesh=mesh,
        out_type=jax.ShapeDtypeStruct((n_idx, EMBP), jnp.float32),
        scratch_types=[
            pltpu.VMEM((be,), jnp.int32),
            pltpu.VMEM((be, EMBP), jnp.float32),
            pltpu.SemaphoreType.DMA,
        ],
    )
    def k(table_hbm, idx_hbm, out_hbm, idx_v, rows_v, sem):
        wid = lax.axis_index("s") * NC + lax.axis_index("c")
        w_base = wid * per_w

        def blk(i, carry):
            base = pl.multiple_of(w_base + i * be, 8)
            pltpu.sync_copy(idx_hbm.at[pl.ds(base, be)], idx_v)
            pltpu.async_copy(table_hbm.at[idx_v], rows_v, sem).wait()
            pltpu.sync_copy(rows_v, out_hbm.at[pl.ds(base, be), :])
            return carry

        lax.fori_loop(0, nblk, blk, 0)

    return k


def _make_sc_scatter(be):
    per_s = E // NS
    nblk = per_s // be
    ngrp = be // 16
    zrows = ACC_ROWS // NS
    frows = CH // NS
    mesh = plsc.VectorSubcoreMesh(core_axis_name="c", subcore_axis_name="s")

    @functools.partial(
        pl.kernel, mesh=mesh,
        out_type=jax.ShapeDtypeStruct((4 * CH, EMBP), jnp.float32),
        scratch_types=[
            pltpu.VMEM((be,), jnp.int32),
            pltpu.VMEM((be,), jnp.int32),
            pltpu.VMEM((be, EMBP), jnp.float32),
            pltpu.VMEM_SHARED((ACC_ROWS, EMBP), jnp.float32),
        ],
    )
    def k(rows_hbm, idx_hbm, zeros_hbm, out_hbm, idx_v, lidx_v, rows_v, acc_sh):
        cid = lax.axis_index("c")
        sid = lax.axis_index("s")
        s_base = sid * per_s

        for j in range(2):
            lo = (2 * cid + j) * CH
            zoff = pl.multiple_of(sid * zrows, 8)
            pltpu.sync_copy(zeros_hbm.at[pl.ds(zoff, zrows)],
                            acc_sh.at[pl.ds(zoff, zrows)])
            plsc.subcore_barrier()

            def blk(i, carry):
                base = pl.multiple_of(s_base + i * be, 8)
                pltpu.sync_copy(idx_hbm.at[pl.ds(base, be)], idx_v)
                pltpu.sync_copy(rows_hbm.at[pl.ds(base, be), :], rows_v)
                for g in range(ngrp):
                    r = idx_v[pl.ds(g * 16, 16)]
                    loc = r - lo
                    ok = (loc >= 0) & (loc < CH)
                    lidx_v[pl.ds(g * 16, 16)] = jnp.where(ok, loc, TRASH)
                pltpu.sync_copy(rows_v, acc_sh.at[lidx_v], add=True)
                return carry

            lax.fori_loop(0, nblk, blk, 0)
            plsc.subcore_barrier()
            foff = pl.multiple_of(sid * frows, 8)
            ooff = pl.multiple_of(lo + sid * frows, 8)
            pltpu.sync_copy(acc_sh.at[pl.ds(foff, frows)],
                            out_hbm.at[pl.ds(ooff, frows)])
            plsc.subcore_barrier()

    return k


def _tc_scale(rows, vals):
    n = rows.shape[0]
    bn = 1000
    grid = n // bn

    def body(v_ref, x_ref, o_ref):
        o_ref[...] = x_ref[...] * v_ref[...]

    return pl.pallas_call(
        body,
        grid=(grid,),
        in_specs=[
            pl.BlockSpec((bn, 1), lambda i: (i, 0)),
            pl.BlockSpec((bn, EMBP), lambda i: (i, 0)),
        ],
        out_specs=pl.BlockSpec((bn, EMBP), lambda i: (i, 0)),
        out_shape=jax.ShapeDtypeStruct((n, EMBP), jnp.float32),
    )(vals.reshape(n, 1), rows)


def _tc_attention(seq_h, seq_h1, maskf, sess_len, pos50, w1a, w1b, w1_b,
                  glu1_wt, glu1_b, glu2_wt, w2t):
    bb = 128
    grid = B // bb

    def body(sh_ref, sh1_ref, m_ref, len_ref, pos_ref, w1a_ref, w1b_ref,
             b1_ref, g1_ref, g1b_ref, g2_ref, w2_ref, sess_ref, s1_ref):
        sh = sh_ref[...]
        ln = len_ref[...]
        hs = jnp.sum(sh, axis=1) / ln
        sh2 = sh.reshape(bb * L, EMB)
        pos_term = jnp.dot(pos_ref[...], w1a_ref[...],
                           preferred_element_type=jnp.float32)
        seq_term = jnp.dot(sh2, w1b_ref[...],
                           preferred_element_type=jnp.float32)
        nh = jnp.tanh(seq_term.reshape(bb, L, EMB) + pos_term[None, :, :]
                      + b1_ref[...][None, :, :]).reshape(bb * L, EMB)
        hs_rep = jnp.broadcast_to(hs[:, None, :], (bb, L, EMB)).reshape(bb * L, EMB)
        gl = jax.nn.sigmoid(
            jnp.dot(nh, g1_ref[...], preferred_element_type=jnp.float32)
            + g1b_ref[...]
            + jnp.dot(hs_rep, g2_ref[...], preferred_element_type=jnp.float32))
        beta = jnp.sum(gl * w2_ref[...], axis=-1, keepdims=True)
        beta = beta * m_ref[...]
        sess_ref[...] = jnp.sum((beta * sh2).reshape(bb, L, EMB), axis=1)
        s1_ref[...] = jnp.sum(sh1_ref[...], axis=1) / ln

    return pl.pallas_call(
        body,
        grid=(grid,),
        in_specs=[
            pl.BlockSpec((bb, L, EMB), lambda i: (i, 0, 0)),
            pl.BlockSpec((bb, L, EMB), lambda i: (i, 0, 0)),
            pl.BlockSpec((bb * L, 1), lambda i: (i, 0)),
            pl.BlockSpec((bb, 1), lambda i: (i, 0)),
            pl.BlockSpec((L, EMB), lambda i: (0, 0)),
            pl.BlockSpec((EMB, EMB), lambda i: (0, 0)),
            pl.BlockSpec((EMB, EMB), lambda i: (0, 0)),
            pl.BlockSpec((1, EMB), lambda i: (0, 0)),
            pl.BlockSpec((EMB, EMB), lambda i: (0, 0)),
            pl.BlockSpec((1, EMB), lambda i: (0, 0)),
            pl.BlockSpec((EMB, EMB), lambda i: (0, 0)),
            pl.BlockSpec((1, EMB), lambda i: (0, 0)),
        ],
        out_specs=[
            pl.BlockSpec((bb, EMB), lambda i: (i, 0)),
            pl.BlockSpec((bb, EMB), lambda i: (i, 0)),
        ],
        out_shape=[
            jax.ShapeDtypeStruct((B, EMB), jnp.float32),
            jax.ShapeDtypeStruct((B, EMB), jnp.float32),
        ],
    )(seq_h, seq_h1, maskf, sess_len, pos50, w1a, w1b, w1_b.reshape(1, EMB),
      glu1_wt, glu1_b.reshape(1, EMB), glu2_wt, w2t)


def _tc_lineconv_loss(D, A, s1, sess, corrupted):

    def body(d_ref, a_ref, s1_ref, se_ref, co_ref, loss_ref):
        DA = jnp.dot(d_ref[...], a_ref[...], preferred_element_type=jnp.float32)
        s = s1_ref[...]
        acc = s
        for _ in range(LAYERS):
            s = jnp.dot(DA, s, preferred_element_type=jnp.float32)
            acc = acc + s
        lg = acc / (LAYERS + 1.0)
        sess = se_ref[...]
        pos = jnp.sum(sess * lg, axis=1)
        neg = jnp.sum(lg * co_ref[...], axis=1)
        loss = jnp.sum(-jnp.log(1e-08 + jax.nn.sigmoid(pos))
                       - jnp.log(1e-08 + (1.0 - jax.nn.sigmoid(neg))))
        loss_ref[...] = loss.reshape(1, 1)

    return pl.pallas_call(
        body,
        out_shape=jax.ShapeDtypeStruct((1, 1), jnp.float32),
    )(D, A, s1, sess, corrupted)


def kernel(session_item, session_len, D, A, reversed_sess_item, mask,
           adj_indices, adj_values, embedding, pos_embedding, w1_w, w1_b, w2,
           glu1_w, glu1_b, glu2_w):
    row = adj_indices[0].astype(jnp.int32)
    col = adj_indices[1].astype(jnp.int32)

    emb_pad = jnp.pad(embedding, ((0, 0), (0, EMBP - EMB)))
    zeros_acc = jnp.zeros((ACC_ROWS, EMBP), jnp.float32)

    edge_gather = _make_sc_gather(E, N_NODE, 40)
    scatter = _make_sc_scatter(80)

    cur = emb_pad
    acc = emb_pad
    for _ in range(LAYERS):
        gathered = edge_gather(cur, col)
        scaled = _tc_scale(gathered, adj_values)
        summed = scatter(scaled, row, zeros_acc)
        cur = summed[:N_NODE]
        acc = acc + cur
    item_hg_pad = acc / (LAYERS + 1.0)
    item_embeddings_hg = item_hg_pad[:, :EMB]

    zrow = jnp.zeros((1, EMBP), jnp.float32)
    table_hg = jnp.concatenate([zrow, item_hg_pad], axis=0)
    table0 = jnp.concatenate([zrow, emb_pad], axis=0)
    seq_gather = _make_sc_gather(B * L, N_NODE + 1, 40)
    seq_h = seq_gather(table_hg, reversed_sess_item.reshape(-1).astype(jnp.int32))
    seq_h1 = seq_gather(table0, session_item.reshape(-1).astype(jnp.int32))
    seq_h = seq_h[:, :EMB].reshape(B, L, EMB)
    seq_h1 = seq_h1[:, :EMB].reshape(B, L, EMB)

    w1a = w1_w[:, :EMB]
    w1b = w1_w[:, EMB:]
    sess_emb_hgnn, s1 = _tc_attention(
        seq_h, seq_h1, mask.astype(jnp.float32).reshape(B * L, 1), session_len,
        pos_embedding[:L], w1a.T, w1b.T, w1_b, glu1_w.T, glu1_b, glu2_w.T,
        w2.reshape(1, EMB))

    kp = jax.random.key(42)
    perm_r = jax.random.permutation(jax.random.fold_in(kp, 0), B)
    perm_c = jax.random.permutation(jax.random.fold_in(kp, 1), EMB)
    corrupted = sess_emb_hgnn[perm_r][:, perm_c]
    loss = _tc_lineconv_loss(D, A, s1, sess_emb_hgnn, corrupted)

    return (item_embeddings_hg, sess_emb_hgnn, BETA * loss[0, 0])

# --- scband reference (transcript-rebuilt; emitter-appended) ---
"""Pipeline reference for scband-dhcn-52913997086834 (READ-ONLY COPY).

The authoritative reference and input builder live on the scoring server;
editing this copy changes nothing except your own understanding.
"""

import jax, jax.numpy as jnp
import numpy as np

N_NODE = 50000
E = 800000
EMB = 100
B = 1024
L = 50
LAYERS = 3
BETA = 0.01


def setup_inputs(seed: int = 0):
    key = jax.random.key(seed)
    ks = jax.random.split(key, 16)
    stdv = 1.0 / np.sqrt(EMB)
    return {
        "session_item": jax.random.randint(ks[0], (B, L), 0, N_NODE),
        "session_len": jnp.ones((B, 1), jnp.float32),
        "D": jax.random.uniform(ks[1], (B, B), jnp.float32),
        "A": jax.random.uniform(ks[2], (B, B), jnp.float32),
        "reversed_sess_item": jax.random.randint(ks[3], (B, L), 0, N_NODE),
        "mask": jax.random.randint(ks[4], (B, L), 0, 2),
        "adj_indices": jax.random.randint(ks[5], (2, E), 0, N_NODE),
        "adj_values": jax.random.uniform(ks[6], (E,), jnp.float32) / 16.0,
        "embedding": jax.random.uniform(ks[7], (N_NODE, EMB), jnp.float32, -stdv, stdv),
        "pos_embedding": jax.random.uniform(ks[8], (200, EMB), jnp.float32, -stdv, stdv),
        "w1_w": jax.random.uniform(ks[9], (EMB, 2 * EMB), jnp.float32, -stdv, stdv),
        "w1_b": jax.random.uniform(ks[10], (EMB,), jnp.float32, -stdv, stdv),
        "w2": jax.random.uniform(ks[11], (EMB, 1), jnp.float32, -stdv, stdv),
        "glu1_w": jax.random.uniform(ks[12], (EMB, EMB), jnp.float32, -stdv, stdv),
        "glu1_b": jax.random.uniform(ks[13], (EMB,), jnp.float32, -stdv, stdv),
        "glu2_w": jax.random.uniform(ks[14], (EMB, EMB), jnp.float32, -stdv, stdv),
    }


def reference(session_item, session_len, D, A, reversed_sess_item, mask, adj_indices, adj_values,
              embedding, pos_embedding, w1_w, w1_b, w2, glu1_w, glu1_b, glu2_w):
    n_node, emb = embedding.shape
    b, l = session_item.shape
    row, col = adj_indices[0], adj_indices[1]

    # ---- HyperConv: repeated sparse adjacency matmul, layer-averaged ----
    cur = embedding
    acc = embedding
    for _ in range(LAYERS):
        cur = jax.ops.segment_sum(adj_values[:, None] * cur[col], row, num_segments=n_node)
        acc = acc + cur
    item_embeddings_hg = acc / (LAYERS + 1)

    # ---- generate_sess_emb (dataset != 'Tmall'): positional soft attention ----
    table = jnp.concatenate([jnp.zeros((1, emb), embedding.dtype), item_embeddings_hg], axis=0)
    seq_h = table[reversed_sess_item]  # [B, L, emb]
    hs = jnp.sum(seq_h, axis=1) / session_len  # [B, emb]
    maskf = mask.astype(jnp.float32)[:, :, None]
    pos_emb = jnp.broadcast_to(pos_embedding[:l][None, :, :], (b, l, emb))
    hs_rep = jnp.broadcast_to(hs[:, None, :], (b, l, emb))
    nh = jnp.tanh(jnp.concatenate([pos_emb, seq_h], axis=-1) @ w1_w.T + w1_b)
    nh = jax.nn.sigmoid(nh @ glu1_w.T + glu1_b + hs_rep @ glu2_w.T)
    beta_att = (nh @ w2) * maskf  # [B, L, 1]
    sess_emb_hgnn = jnp.sum(beta_att * seq_h, axis=1)

    # ---- LineConv on raw embedding table ----
    table0 = jnp.concatenate([jnp.zeros((1, emb), embedding.dtype), embedding], axis=0)
    seq_h1 = table0[session_item]
    s = jnp.sum(seq_h1, axis=1) / session_len
    acc_s = s
    DA = D @ A
    for _ in range(LAYERS):
        s = DA @ s
        acc_s = acc_s + s
    session_emb_lg = acc_s / (LAYERS + 1)

    # ---- SSL contrastive loss (fixed permutations stand in for torch.randperm) ----
    kp = jax.random.key(42)
    perm_r = jax.random.permutation(jax.random.fold_in(kp, 0), b)
    perm_c = jax.random.permutation(jax.random.fold_in(kp, 1), emb)
    corrupted = sess_emb_hgnn[perm_r][:, perm_c]
    pos_score = jnp.sum(sess_emb_hgnn * session_emb_lg, axis=1)
    neg1 = jnp.sum(session_emb_lg * corrupted, axis=1)
    con_loss = jnp.sum(-jnp.log(1e-08 + jax.nn.sigmoid(pos_score))
                       - jnp.log(1e-08 + (1.0 - jax.nn.sigmoid(neg1))))
    return (item_embeddings_hg, sess_emb_hgnn, BETA * con_loss)

if __name__ == "__main__":
    import jax
    _d = setup_inputs()
    print(jax.jit(kernel)(*tuple(_d.values())))

</pallas_src>

<mosaic_0001>
#map = affine_map<(d0, d1) -> (0, 0)>
#map1 = affine_map<(d0, d1) -> (0)>
module attributes {stable_mosaic.version = 14 : i64} {
  func.func @k(%arg0: i32, %arg1: i32, %arg2: memref<50000x128xf32, #tpu.memory_space<hbm>>, %arg3: memref<800000xi32, #tpu.memory_space<hbm>>, %arg4: memref<800000x128xf32, #tpu.memory_space<hbm>>, %arg5: memref<40xi32, #tpu.memory_space<vmem>>, %arg6: memref<40x128xf32, #tpu.memory_space<vmem>>, %arg7: memref<!tpu.dma_semaphore, #tpu.memory_space<semaphore_mem>>) attributes {dimension_semantics = [#tpu.dimension_semantics<core_parallel>, #tpu.dimension_semantics<subcore_parallel>], iteration_bounds = array<i64: 2, 16>, scalar_prefetch = 0 : i64, scratch_operands = 3 : i64, tpu.core_type = #tpu.core_type<sc_vector_subcore>, window_params = [{transform_indices = #map}, {transform_indices = #map1}, {transform_indices = #map}]} {
    %mul3A = arith.constant 2 : i32
    %mul3A_0 = arith.muli %arg1, %mul3A : i32
    %add3A = arith.addi %mul3A_0, %arg0 : i32
    %mul3A_1 = arith.constant 25000 : i32
    %mul3A_2 = arith.muli %add3A, %mul3A_1 : i32
    %scan3A = arith.constant 0 : i32
    %scan3A_3 = arith.constant 0 : i32
    %scan3A_4 = arith.constant 625 : i32
    %scan3A_5 = arith.addi %scan3A_3, %scan3A_4 : i32
    %scan3A_6 = arith.constant 1 : i32
    scf.for %scan3A_8 = %scan3A_3 to %scan3A_5 step %scan3A_6  : i32 {
      %mul3A_9 = arith.constant 40 : i32
      %mul3A_10 = arith.muli %scan3A_8, %mul3A_9 : i32
      %add3A_11 = arith.addi %mul3A_2, %mul3A_10 : i32
      %multiple_of3A = tpu.assume_multiple %add3A_11, 8 : i32
      "tpu.region"() ({
        %run_scoped3A = tpu.sem_alloc : memref<!tpu.dma_semaphore, #tpu.memory_space<semaphore_mem>>
        %dma_start3A_16 = tpu.memref_slice %arg3[%multiple_of3A] : memref<800000xi32, #tpu.memory_space<hbm>> -> memref<40xi32, #tpu.memory_space<hbm>>
        %dma_start3A_17 = tpu.memref_slice %arg3[%multiple_of3A] : memref<800000xi32, #tpu.memory_space<hbm>> -> memref<40xi32, #tpu.memory_space<hbm>>
        tpu.enqueue_dma source(%dma_start3A_17 : memref<40xi32, #tpu.memory_space<hbm>>) target(%arg5 : memref<40xi32, #tpu.memory_space<vmem>>) target_semaphore(%run_scoped3A : memref<!tpu.dma_semaphore, #tpu.memory_space<semaphore_mem>>)
        %dma_wait3A_18 = tpu.memref_slice %arg3[%multiple_of3A] : memref<800000xi32, #tpu.memory_space<hbm>> -> memref<40xi32, #tpu.memory_space<hbm>>
        %dma_wait3A_19 = tpu.memref_slice %arg3[%multiple_of3A] : memref<800000xi32, #tpu.memory_space<hbm>> -> memref<40xi32, #tpu.memory_space<hbm>>
        tpu.wait_dma2 semaphore(%run_scoped3A : memref<!tpu.dma_semaphore, #tpu.memory_space<semaphore_mem>>) src(%dma_wait3A_19 : memref<40xi32, #tpu.memory_space<hbm>>) dst(%arg5 : memref<40xi32, #tpu.memory_space<vmem>>)
        tpu.yield
      }) : () -> ()
      %dma_start3A = arith.constant 0 : i32
      %dma_start3A_12 = arith.constant 0 : i32
      %dma_start3A_13 = tpu.memref_slice %arg2[%dma_start3A, %dma_start3A_12] : memref<50000x128xf32, #tpu.memory_space<hbm>> -> memref<50000x128xf32, #tpu.memory_space<hbm>>
      tpu.enqueue_indirect_dma source(%dma_start3A_13 : memref<50000x128xf32, #tpu.memory_space<hbm>>) target(%arg6 : memref<40x128xf32, #tpu.memory_space<vmem>>) offsets(%arg5 : memref<40xi32, #tpu.memory_space<vmem>>) semaphore(%arg7 : memref<!tpu.dma_semaphore, #tpu.memory_space<semaphore_mem>>)
      %dma_wait3A = arith.constant 0 : i32
      %dma_wait3A_14 = arith.constant 0 : i32
      %dma_wait3A_15 = tpu.memref_slice %arg2[%dma_wait3A, %dma_wait3A_14] : memref<50000x128xf32, #tpu.memory_space<hbm>> -> memref<50000x128xf32, #tpu.memory_space<hbm>>
      tpu.wait_indirect_dma semaphore(%arg7 : memref<!tpu.dma_semaphore, #tpu.memory_space<semaphore_mem>>) src(%dma_wait3A_15 : memref<50000x128xf32, #tpu.memory_space<hbm>>) dst(%arg6 : memref<40x128xf32, #tpu.memory_space<vmem>>)
      "tpu.region"() ({
        %run_scoped3A = tpu.sem_alloc : memref<!tpu.dma_semaphore, #tpu.memory_space<semaphore_mem>>
        %dma_start3A_16 = arith.constant 0 : i32
        %dma_start3A_17 = tpu.memref_slice %arg4[%multiple_of3A, %dma_start3A_16] : memref<800000x128xf32, #tpu.memory_space<hbm>> -> memref<40x128xf32, #tpu.memory_space<hbm>>
        %dma_start3A_18 = arith.constant 0 : i32
        %dma_start3A_19 = tpu.memref_slice %arg4[%multiple_of3A, %dma_start3A_18] : memref<800000x128xf32, #tpu.memory_space<hbm>> -> memref<40x128xf32, #tpu.memory_space<hbm>>
        tpu.enqueue_dma source(%arg6 : memref<40x128xf32, #tpu.memory_space<vmem>>) target(%dma_start3A_19 : memref<40x128xf32, #tpu.memory_space<hbm>>) target_semaphore(%run_scoped3A : memref<!tpu.dma_semaphore, #tpu.memory_space<semaphore_mem>>)
        %dma_wait3A_20 = arith.constant 0 : i32
        %dma_wait3A_21 = tpu.memref_slice %arg4[%multiple_of3A, %dma_wait3A_20] : memref<800000x128xf32, #tpu.memory_space<hbm>> -> memref<40x128xf32, #tpu.memory_space<hbm>>
        %dma_wait3A_22 = arith.constant 0 : i32
        %dma_wait3A_23 = tpu.memref_slice %arg4[%multiple_of3A, %dma_wait3A_22] : memref<800000x128xf32, #tpu.memory_space<hbm>> -> memref<40x128xf32, #tpu.memory_space<hbm>>
        tpu.wait_dma2 semaphore(%run_scoped3A : memref<!tpu.dma_semaphore, #tpu.memory_space<semaphore_mem>>) src(%arg6 : memref<40x128xf32, #tpu.memory_space<vmem>>) dst(%dma_wait3A_23 : memref<40x128xf32, #tpu.memory_space<hbm>>)
        tpu.yield
      }) : () -> ()
    }
    %scan3A_7 = arith.constant 625 : i32
    return
  }
}

#map = affine_map<(d0, d1) -> (0, 0)>
#map1 = affine_map<(d0, d1) -> (0)>
module attributes {stable_mosaic.version = 14 : i64} {
  func.func @k(%arg0: i32, %arg1: i32, %arg2: memref<800000x128xf32, #tpu.memory_space<hbm>>, %arg3: memref<800000xi32, #tpu.memory_space<hbm>>, %arg4: memref<12672x128xf32, #tpu.memory_space<hbm>>, %arg5: memref<50176x128xf32, #tpu.memory_space<hbm>>, %arg6: memref<80xi32, #tpu.memory_space<vmem>>, %arg7: memref<80xi32, #tpu.memory_space<vmem>>, %arg8: memref<80x128xf32, #tpu.memory_space<vmem>>, %arg9: memref<12672x128xf32, #tpu.memory_space<vmem_shared>>) attributes {dimension_semantics = [#tpu.dimension_semantics<core_parallel>, #tpu.dimension_semantics<subcore_parallel>], iteration_bounds = array<i64: 2, 16>, scalar_prefetch = 0 : i64, scratch_operands = 4 : i64, tpu.core_type = #tpu.core_type<sc_vector_subcore>, window_params = [{transform_indices = #map}, {transform_indices = #map1}, {transform_indices = #map}, {transform_indices = #map}]} {
    %mul3A = arith.constant 50000 : i32
    %mul3A_0 = arith.muli %arg1, %mul3A : i32
    %mul3A_1 = arith.constant 2 : i32
    %mul3A_2 = arith.muli %mul3A_1, %arg0 : i32
    %add3A = arith.constant 0 : i32
    %add3A_3 = arith.addi %mul3A_2, %add3A : i32
    %mul3A_4 = arith.constant 12544 : i32
    %mul3A_5 = arith.muli %add3A_3, %mul3A_4 : i32
    %mul3A_6 = arith.constant 792 : i32
    %mul3A_7 = arith.muli %arg1, %mul3A_6 : i32
    %multiple_of3A = tpu.assume_multiple %mul3A_7, 8 : i32
    "tpu.region"() ({
      %run_scoped3A = tpu.sem_alloc : memref<!tpu.dma_semaphore, #tpu.memory_space<semaphore_mem>>
      %dma_start3A = arith.constant 0 : i32
      %dma_start3A_47 = tpu.memref_slice %arg9[%multiple_of3A, %dma_start3A] : memref<12672x128xf32, #tpu.memory_space<vmem_shared>> -> memref<792x128xf32, #tpu.memory_space<vmem_shared>>
      %dma_start3A_48 = arith.constant 0 : i32
      %dma_start3A_49 = tpu.memref_slice %arg4[%multiple_of3A, %dma_start3A_48] : memref<12672x128xf32, #tpu.memory_space<hbm>> -> memref<792x128xf32, #tpu.memory_space<hbm>>
      tpu.enqueue_dma source(%dma_start3A_49 : memref<792x128xf32, #tpu.memory_space<hbm>>) target(%dma_start3A_47 : memref<792x128xf32, #tpu.memory_space<vmem_shared>>) target_semaphore(%run_scoped3A : memref<!tpu.dma_semaphore, #tpu.memory_space<semaphore_mem>>)
      %dma_wait3A = arith.constant 0 : i32
      %dma_wait3A_50 = tpu.memref_slice %arg9[%multiple_of3A, %dma_wait3A] : memref<12672x128xf32, #tpu.memory_space<vmem_shared>> -> memref<792x128xf32, #tpu.memory_space<vmem_shared>>
      %dma_wait3A_51 = arith.constant 0 : i32
      %dma_wait3A_52 = tpu.memref_slice %arg4[%multiple_of3A, %dma_wait3A_51] : memref<12672x128xf32, #tpu.memory_space<hbm>> -> memref<792x128xf32, #tpu.memory_space<hbm>>
      tpu.wait_dma2 semaphore(%run_scoped3A : memref<!tpu.dma_semaphore, #tpu.memory_space<semaphore_mem>>) src(%dma_wait3A_52 : memref<792x128xf32, #tpu.memory_space<hbm>>) dst(%dma_wait3A_50 : memref<792x128xf32, #tpu.memory_space<vmem_shared>>)
      tpu.yield
    }) : () -> ()
    %barrier3A = arith.constant 0 : index
    tpu.barrier barrier_id(%barrier3A)
    %scan3A = arith.constant 0 : i32
    %scan3A_8 = arith.constant 0 : i32
    %scan3A_9 = arith.constant 625 : i32
    %scan3A_10 = arith.addi %scan3A_8, %scan3A_9 : i32
    %scan3A_11 = arith.constant 1 : i32
    scf.for %scan3A_47 = %scan3A_8 to %scan3A_10 step %scan3A_11  : i32 {
      %mul3A_48 = arith.constant 80 : i32
      %mul3A_49 = arith.muli %scan3A_47, %mul3A_48 : i32
      %add3A_50 = arith.addi %mul3A_0, %mul3A_49 : i32
      %multiple_of3A_51 = tpu.assume_multiple %add3A_50, 8 : i32
      "tpu.region"() ({
        %run_scoped3A = tpu.sem_alloc : memref<!tpu.dma_semaphore, #tpu.memory_space<semaphore_mem>>
        %dma_start3A = tpu.memref_slice %arg3[%multiple_of3A_51] : memref<800000xi32, #tpu.memory_space<hbm>> -> memref<80xi32, #tpu.memory_space<hbm>>
        %dma_start3A_138 = tpu.memref_slice %arg3[%multiple_of3A_51] : memref<800000xi32, #tpu.memory_space<hbm>> -> memref<80xi32, #tpu.memory_space<hbm>>
        tpu.enqueue_dma source(%dma_start3A_138 : memref<80xi32, #tpu.memory_space<hbm>>) target(%arg6 : memref<80xi32, #tpu.memory_space<vmem>>) target_semaphore(%run_scoped3A : memref<!tpu.dma_semaphore, #tpu.memory_space<semaphore_mem>>)
        %dma_wait3A = tpu.memref_slice %arg3[%multiple_of3A_51] : memref<800000xi32, #tpu.memory_space<hbm>> -> memref<80xi32, #tpu.memory_space<hbm>>
        %dma_wait3A_139 = tpu.memref_slice %arg3[%multiple_of3A_51] : memref<800000xi32, #tpu.memory_space<hbm>> -> memref<80xi32, #tpu.memory_space<hbm>>
        tpu.wait_dma2 semaphore(%run_scoped3A : memref<!tpu.dma_semaphore, #tpu.memory_space<semaphore_mem>>) src(%dma_wait3A_139 : memref<80xi32, #tpu.memory_space<hbm>>) dst(%arg6 : memref<80xi32, #tpu.memory_space<vmem>>)
        tpu.yield
      }) : () -> ()
      "tpu.region"() ({
        %run_scoped3A = tpu.sem_alloc : memref<!tpu.dma_semaphore, #tpu.memory_space<semaphore_mem>>
        %dma_start3A = arith.constant 0 : i32
        %dma_start3A_138 = tpu.memref_slice %arg2[%multiple_of3A_51, %dma_start3A] : memref<800000x128xf32, #tpu.memory_space<hbm>> -> memref<80x128xf32, #tpu.memory_space<hbm>>
        %dma_start3A_139 = arith.constant 0 : i32
        %dma_start3A_140 = tpu.memref_slice %arg2[%multiple_of3A_51, %dma_start3A_139] : memref<800000x128xf32, #tpu.memory_space<hbm>> -> memref<80x128xf32, #tpu.memory_space<hbm>>
        tpu.enqueue_dma source(%dma_start3A_140 : memref<80x128xf32, #tpu.memory_space<hbm>>) target(%arg8 : memref<80x128xf32, #tpu.memory_space<vmem>>) target_semaphore(%run_scoped3A : memref<!tpu.dma_semaphore, #tpu.memory_space<semaphore_mem>>)
        %dma_wait3A = arith.constant 0 : i32
        %dma_wait3A_141 = tpu.memref_slice %arg2[%multiple_of3A_51, %dma_wait3A] : memref<800000x128xf32, #tpu.memory_space<hbm>> -> memref<80x128xf32, #tpu.memory_space<hbm>>
        %dma_wait3A_142 = arith.constant 0 : i32
        %dma_wait3A_143 = tpu.memref_slice %arg2[%multiple_of3A_51, %dma_wait3A_142] : memref<800000x128xf32, #tpu.memory_space<hbm>> -> memref<80x128xf32, #tpu.memory_space<hbm>>
        tpu.wait_dma2 semaphore(%run_scoped3A : memref<!tpu.dma_semaphore, #tpu.memory_space<semaphore_mem>>) src(%dma_wait3A_143 : memref<80x128xf32, #tpu.memory_space<hbm>>) dst(%arg8 : memref<80x128xf32, #tpu.memory_space<vmem>>)
        tpu.yield
      }) : () -> ()
      %get3A = arith.constant 0 : index
      %get3A_52 = tpu.vector_load %arg6[%get3A] {strides = array<i32>} : memref<80xi32, #tpu.memory_space<vmem>>, vector<16xi32>,
      %get3A_53 = vector.shape_cast %get3A_52 : vector<16xi32> to vector<16xi32>
      %sub3A = vector.broadcast %mul3A_5 : i32 to vector<16xi32>
      %sub3A_54 = arith.subi %get3A_53, %sub3A : vector<16xi32>
      %ge3A = arith.constant 0 : i32
      %ge3A_55 = vector.broadcast %ge3A : i32 to vector<16xi32>
      %ge3A_56 = arith.cmpi sge, %sub3A_54, %ge3A_55 : vector<16xi32>
      %lt3A = arith.constant 12544 : i32
      %lt3A_57 = vector.broadcast %lt3A : i32 to vector<16xi32>
      %lt3A_58 = arith.cmpi slt, %sub3A_54, %lt3A_57 : vector<16xi32>
      %and3A = arith.andi %ge3A_56, %lt3A_58 : vector<16xi1>
      %jit3A = arith.constant 12544 : i32
      %broadcast_in_dim3A = vector.broadcast %jit3A : i32 to vector<16xi32>
      %select_n3A = arith.select %and3A, %sub3A_54, %broadcast_in_dim3A : vector<16xi1>, vector<16xi32>
      %swap3A = arith.constant 0 : index
      %swap3A_59 = tpu.vector_load %arg7[%swap3A] {strides = array<i32>} : memref<80xi32, #tpu.memory_space<vmem>>, vector<16xi32>,
      %swap3A_60 = vector.shape_cast %swap3A_59 : vector<16xi32> to vector<16xi32>
      %swap3A_61 = vector.shape_cast %select_n3A : vector<16xi32> to vector<16xi32>
      tpu.vector_store %arg7[%swap3A], %swap3A_61 {strides = array<i32>} : memref<80xi32, #tpu.memory_space<vmem>>, vector<16xi32>,
      %get3A_62 = arith.constant 16 : index
      %get3A_63 = tpu.vector_load %arg6[%get3A_62] {strides = array<i32>} : memref<80xi32, #tpu.memory_space<vmem>>, vector<16xi32>,
      %get3A_64 = vector.shape_cast %get3A_63 : vector<16xi32> to vector<16xi32>
      %sub3A_65 = vector.broadcast %mul3A_5 : i32 to vector<16xi32>
      %sub3A_66 = arith.subi %get3A_64, %sub3A_65 : vector<16xi32>
      %ge3A_67 = arith.constant 0 : i32
      %ge3A_68 = vector.broadcast %ge3A_67 : i32 to vector<16xi32>
      %ge3A_69 = arith.cmpi sge, %sub3A_66, %ge3A_68 : vector<16xi32>
      %lt3A_70 = arith.constant 12544 : i32
      %lt3A_71 = vector.broadcast %lt3A_70 : i32 to vector<16xi32>
      %lt3A_72 = arith.cmpi slt, %sub3A_66, %lt3A_71 : vector<16xi32>
      %and3A_73 = arith.andi %ge3A_69, %lt3A_72 : vector<16xi1>
      %jit3A_74 = arith.constant 12544 : i32
      %broadcast_in_dim3A_75 = vector.broadcast %jit3A_74 : i32 to vector<16xi32>
      %select_n3A_76 = arith.select %and3A_73, %sub3A_66, %broadcast_in_dim3A_75 : vector<16xi1>, vector<16xi32>
      %swap3A_77 = arith.constant 16 : index
      %swap3A_78 = tpu.vector_load %arg7[%swap3A_77] {strides = array<i32>} : memref<80xi32, #tpu.memory_space<vmem>>, vector<16xi32>,
      %swap3A_79 = vector.shape_cast %swap3A_78 : vector<16xi32> to vector<16xi32>
      %swap3A_80 = vector.shape_cast %select_n3A_76 : vector<16xi32> to vector<16xi32>
      tpu.vector_store %arg7[%swap3A_77], %swap3A_80 {strides = array<i32>} : memref<80xi32, #tpu.memory_space<vmem>>, vector<16xi32>,
      %get3A_81 = arith.constant 32 : index
      %get3A_82 = tpu.vector_load %arg6[%get3A_81] {strides = array<i32>} : memref<80xi32, #tpu.memory_space<vmem>>, vector<16xi32>,
      %get3A_83 = vector.shape_cast %get3A_82 : vector<16xi32> to vector<16xi32>
      %sub3A_84 = vector.broadcast %mul3A_5 : i32 to vector<16xi32>
      %sub3A_85 = arith.subi %get3A_83, %sub3A_84 : vector<16xi32>
      %ge3A_86 = arith.constant 0 : i32
      %ge3A_87 = vector.broadcast %ge3A_86 : i32 to vector<16xi32>
      %ge3A_88 = arith.cmpi sge, %sub3A_85, %ge3A_87 : vector<16xi32>
      %lt3A_89 = arith.constant 12544 : i32
      %lt3A_90 = vector.broadcast %lt3A_89 : i32 to vector<16xi32>
      %lt3A_91 = arith.cmpi slt, %sub3A_85, %lt3A_90 : vector<16xi32>
      %and3A_92 = arith.andi %ge3A_88, %lt3A_91 : vector<16xi1>
      %jit3A_93 = arith.constant 12544 : i32
      %broadcast_in_dim3A_94 = vector.broadcast %jit3A_93 : i32 to vector<16xi32>
      %select_n3A_95 = arith.select %and3A_92, %sub3A_85, %broadcast_in_dim3A_94 : vector<16xi1>, vector<16xi32>
      %swap3A_96 = arith.constant 32 : index
      %swap3A_97 = tpu.vector_load %arg7[%swap3A_96] {strides = array<i32>} : memref<80xi32, #tpu.memory_space<vmem>>, vector<16xi32>,
      %swap3A_98 = vector.shape_cast %swap3A_97 : vector<16xi32> to vector<16xi32>
      %swap3A_99 = vector.shape_cast %select_n3A_95 : vector<16xi32> to vector<16xi32>
      tpu.vector_store %arg7[%swap3A_96], %swap3A_99 {strides = array<i32>} : memref<80xi32, #tpu.memory_space<vmem>>, vector<16xi32>,
      %get3A_100 = arith.constant 48 : index
      %get3A_101 = tpu.vector_load %arg6[%get3A_100] {strides = array<i32>} : memref<80xi32, #tpu.memory_space<vmem>>, vector<16xi32>,
      %get3A_102 = vector.shape_cast %get3A_101 : vector<16xi32> to vector<16xi32>
      %sub3A_103 = vector.broadcast %mul3A_5 : i32 to vector<16xi32>
      %sub3A_104 = arith.subi %get3A_102, %sub3A_103 : vector<16xi32>
      %ge3A_105 = arith.constant 0 : i32
      %ge3A_106 = vector.broadcast %ge3A_105 : i32 to vector<16xi32>
      %ge3A_107 = arith.cmpi sge, %sub3A_104, %ge3A_106 : vector<16xi32>
      %lt3A_108 = arith.constant 12544 : i32
      %lt3A_109 = vector.broadcast %lt3A_108 : i32 to vector<16xi32>
      %lt3A_110 = arith.cmpi slt, %sub3A_104, %lt3A_109 : vector<16xi32>
      %and3A_111 = arith.andi %ge3A_107, %lt3A_110 : vector<16xi1>
      %jit3A_112 = arith.constant 12544 : i32
      %broadcast_in_dim3A_113 = vector.broadcast %jit3A_112 : i32 to vector<16xi32>
      %select_n3A_114 = arith.select %and3A_111, %sub3A_104, %broadcast_in_dim3A_113 : vector<16xi1>, vector<16xi32>
      %swap3A_115 = arith.constant 48 : index
      %swap3A_116 = tpu.vector_load %arg7[%swap3A_115] {strides = array<i32>} : memref<80xi32, #tpu.memory_space<vmem>>, vector<16xi32>,
      %swap3A_117 = vector.shape_cast %swap3A_116 : vector<16xi32> to vector<16xi32>
      %swap3A_118 = vector.shape_cast %select_n3A_114 : vector<16xi32> to vector<16xi32>
      tpu.vector_store %arg7[%swap3A_115], %swap3A_118 {strides = array<i32>} : memref<80xi32, #tpu.memory_space<vmem>>, vector<16xi32>,
      %get3A_119 = arith.constant 64 : index
      %get3A_120 = tpu.vector_load %arg6[%get3A_119] {strides = array<i32>} : memref<80xi32, #tpu.memory_space<vmem>>, vector<16xi32>,
      %get3A_121 = vector.shape_cast %get3A_120 : vector<16xi32> to vector<16xi32>
      %sub3A_122 = vector.broadcast %mul3A_5 : i32 to vector<16xi32>
      %sub3A_123 = arith.subi %get3A_121, %sub3A_122 : vector<16xi32>
      %ge3A_124 = arith.constant 0 : i32
      %ge3A_125 = vector.broadcast %ge3A_124 : i32 to vector<16xi32>
      %ge3A_126 = arith.cmpi sge, %sub3A_123, %ge3A_125 : vector<16xi32>
      %lt3A_127 = arith.constant 12544 : i32
      %lt3A_128 = vector.broadcast %lt3A_127 : i32 to vector<16xi32>
      %lt3A_129 = arith.cmpi slt, %sub3A_123, %lt3A_128 : vector<16xi32>
      %and3A_130 = arith.andi %ge3A_126, %lt3A_129 : vector<16xi1>
      %jit3A_131 = arith.constant 12544 : i32
      %broadcast_in_dim3A_132 = vector.broadcast %jit3A_131 : i32 to vector<16xi32>
      %select_n3A_133 = arith.select %and3A_130, %sub3A_123, %broadcast_in_dim3A_132 : vector<16xi1>, vector<16xi32>
      %swap3A_134 = arith.constant 64 : index
      %swap3A_135 = tpu.vector_load %arg7[%swap3A_134] {strides = array<i32>} : memref<80xi32, #tpu.memory_space<vmem>>, vector<16xi32>,
      %swap3A_136 = vector.shape_cast %swap3A_135 : vector<16xi32> to vector<16xi32>
      %swap3A_137 = vector.shape_cast %select_n3A_133 : vector<16xi32> to vector<16xi32>
      tpu.vector_store %arg7[%swap3A_134], %swap3A_137 {strides = array<i32>} : memref<80xi32, #tpu.memory_space<vmem>>, vector<16xi32>,
      "tpu.region"() ({
        %run_scoped3A = tpu.sem_alloc : memref<!tpu.dma_semaphore, #tpu.memory_space<semaphore_mem>>
        %dma_start3A = arith.constant 0 : i32
        %dma_start3A_138 = arith.constant 0 : i32
        %dma_start3A_139 = tpu.memref_slice %arg9[%dma_start3A, %dma_start3A_138] : memref<12672x128xf32, #tpu.memory_space<vmem_shared>> -> memref<12672x128xf32, #tpu.memory_space<vmem_shared>>
        tpu.enqueue_indirect_dma source(%arg8 : memref<80x128xf32, #tpu.memory_space<vmem>>) target(%dma_start3A_139 : memref<12672x128xf32, #tpu.memory_space<vmem_shared>>) offsets(%arg7 : memref<80xi32, #tpu.memory_space<vmem>>) semaphore(%run_scoped3A : memref<!tpu.dma_semaphore, #tpu.memory_space<semaphore_mem>>) {add = true}
        %dma_wait3A = arith.constant 0 : i32
        %dma_wait3A_140 = arith.constant 0 : i32
        %dma_wait3A_141 = tpu.memref_slice %arg9[%dma_wait3A, %dma_wait3A_140] : memref<12672x128xf32, #tpu.memory_space<vmem_shared>> -> memref<12672x128xf32, #tpu.memory_space<vmem_shared>>
        tpu.wait_indirect_dma semaphore(%run_scoped3A : memref<!tpu.dma_semaphore, #tpu.memory_space<semaphore_mem>>) src(%arg8 : memref<80x128xf32, #tpu.memory_space<vmem>>) dst(%dma_wait3A_141 : memref<12672x128xf32, #tpu.memory_space<vmem_shared>>)
        tpu.yield
      }) : () -> ()
    }
    %scan3A_12 = arith.constant 625 : i32
    %barrier3A_13 = arith.constant 0 : index
    tpu.barrier barrier_id(%barrier3A_13)
    %mul3A_14 = arith.constant 784 : i32
    %mul3A_15 = arith.muli %arg1, %mul3A_14 : i32
    %multiple_of3A_16 = tpu.assume_multiple %mul3A_15, 8 : i32
    %mul3A_17 = arith.constant 784 : i32
    %mul3A_18 = arith.muli %arg1, %mul3A_17 : i32
    %add3A_19 = arith.addi %mul3A_5, %mul3A_18 : i32
    %multiple_of3A_20 = tpu.assume_multiple %add3A_19, 8 : i32
    "tpu.region"() ({
      %run_scoped3A = tpu.sem_alloc : memref<!tpu.dma_semaphore, #tpu.memory_space<semaphore_mem>>
      %dma_start3A = arith.constant 0 : i32
      %dma_start3A_47 = tpu.memref_slice %arg5[%multiple_of3A_20, %dma_start3A] : memref<50176x128xf32, #tpu.memory_space<hbm>> -> memref<784x128xf32, #tpu.memory_space<hbm>>
      %dma_start3A_48 = arith.constant 0 : i32
      %dma_start3A_49 = tpu.memref_slice %arg9[%multiple_of3A_16, %dma_start3A_48] : memref<12672x128xf32, #tpu.memory_space<vmem_shared>> -> memref<784x128xf32, #tpu.memory_space<vmem_shared>>
      tpu.enqueue_dma source(%dma_start3A_49 : memref<784x128xf32, #tpu.memory_space<vmem_shared>>) target(%dma_start3A_47 : memref<784x128xf32, #tpu.memory_space<hbm>>) target_semaphore(%run_scoped3A : memref<!tpu.dma_semaphore, #tpu.memory_space<semaphore_mem>>)
      %dma_wait3A = arith.constant 0 : i32
      %dma_wait3A_50 = tpu.memref_slice %arg5[%multiple_of3A_20, %dma_wait3A] : memref<50176x128xf32, #tpu.memory_space<hbm>> -> memref<784x128xf32, #tpu.memory_space<hbm>>
      %dma_wait3A_51 = arith.constant 0 : i32
      %dma_wait3A_52 = tpu.memref_slice %arg9[%multiple_of3A_16, %dma_wait3A_51] : memref<12672x128xf32, #tpu.memory_space<vmem_shared>> -> memref<784x128xf32, #tpu.memory_space<vmem_shared>>
      tpu.wait_dma2 semaphore(%run_scoped3A : memref<!tpu.dma_semaphore, #tpu.memory_space<semaphore_mem>>) src(%dma_wait3A_52 : memref<784x128xf32, #tpu.memory_space<vmem_shared>>) dst(%dma_wait3A_50 : memref<784x128xf32, #tpu.memory_space<hbm>>)
      tpu.yield
    }) : () -> ()
    %barrier3A_21 = arith.constant 0 : index
    tpu.barrier barrier_id(%barrier3A_21)
    %mul3A_22 = arith.constant 2 : i32
    %mul3A_23 = arith.muli %mul3A_22, %arg0 : i32
    %add3A_24 = arith.constant 1 : i32
    %add3A_25 = arith.addi %mul3A_23, %add3A_24 : i32
    %mul3A_26 = arith.constant 12544 : i32
    %mul3A_27 = arith.muli %add3A_25, %mul3A_26 : i32
    %mul3A_28 = arith.constant 792 : i32
    %mul3A_29 = arith.muli %arg1, %mul3A_28 : i32
    %multiple_of3A_30 = tpu.assume_multiple %mul3A_29, 8 : i32
    "tpu.region"() ({
      %run_scoped3A = tpu.sem_alloc : memref<!tpu.dma_semaphore, #tpu.memory_space<semaphore_mem>>
      %dma_start3A = arith.constant 0 : i32
      %dma_start3A_47 = tpu.memref_slice %arg9[%multiple_of3A_30, %dma_start3A] : memref<12672x128xf32, #tpu.memory_space<vmem_shared>> -> memref<792x128xf32, #tpu.memory_space<vmem_shared>>
      %dma_start3A_48 = arith.constant 0 : i32
      %dma_start3A_49 = tpu.memref_slice %arg4[%multiple_of3A_30, %dma_start3A_48] : memref<12672x128xf32, #tpu.memory_space<hbm>> -> memref<792x128xf32, #tpu.memory_space<hbm>>
      tpu.enqueue_dma source(%dma_start3A_49 : memref<792x128xf32, #tpu.memory_space<hbm>>) target(%dma_start3A_47 : memref<792x128xf32, #tpu.memory_space<vmem_shared>>) target_semaphore(%run_scoped3A : memref<!tpu.dma_semaphore, #tpu.memory_space<semaphore_mem>>)
      %dma_wait3A = arith.constant 0 : i32
      %dma_wait3A_50 = tpu.memref_slice %arg9[%multiple_of3A_30, %dma_wait3A] : memref<12672x128xf32, #tpu.memory_space<vmem_shared>> -> memref<792x128xf32, #tpu.memory_space<vmem_shared>>
      %dma_wait3A_51 = arith.constant 0 : i32
      %dma_wait3A_52 = tpu.memref_slice %arg4[%multiple_of3A_30, %dma_wait3A_51] : memref<12672x128xf32, #tpu.memory_space<hbm>> -> memref<792x128xf32, #tpu.memory_space<hbm>>
      tpu.wait_dma2 semaphore(%run_scoped3A : memref<!tpu.dma_semaphore, #tpu.memory_space<semaphore_mem>>) src(%dma_wait3A_52 : memref<792x128xf32, #tpu.memory_space<hbm>>) dst(%dma_wait3A_50 : memref<792x128xf32, #tpu.memory_space<vmem_shared>>)
      tpu.yield
    }) : () -> ()
    %barrier3A_31 = arith.constant 0 : index
    tpu.barrier barrier_id(%barrier3A_31)
    %scan3A_32 = arith.constant 0 : i32
    %scan3A_33 = arith.constant 0 : i32
    %scan3A_34 = arith.constant 625 : i32
    %scan3A_35 = arith.addi %scan3A_33, %scan3A_34 : i32
    %scan3A_36 = arith.constant 1 : i32
    scf.for %scan3A_47 = %scan3A_33 to %scan3A_35 step %scan3A_36  : i32 {
      %mul3A_48 = arith.constant 80 : i32
      %mul3A_49 = arith.muli %scan3A_47, %mul3A_48 : i32
      %add3A_50 = arith.addi %mul3A_0, %mul3A_49 : i32
      %multiple_of3A_51 = tpu.assume_multiple %add3A_50, 8 : i32
      "tpu.region"() ({
        %run_scoped3A = tpu.sem_alloc : memref<!tpu.dma_semaphore, #tpu.memory_space<semaphore_mem>>
        %dma_start3A = tpu.memref_slice %arg3[%multiple_of3A_51] : memref<800000xi32, #tpu.memory_space<hbm>> -> memref<80xi32, #tpu.memory_space<hbm>>
        %dma_start3A_138 = tpu.memref_slice %arg3[%multiple_of3A_51] : memref<800000xi32, #tpu.memory_space<hbm>> -> memref<80xi32, #tpu.memory_space<hbm>>
        tpu.enqueue_dma source(%dma_start3A_138 : memref<80xi32, #tpu.memory_space<hbm>>) target(%arg6 : memref<80xi32, #tpu.memory_space<vmem>>) target_semaphore(%run_scoped3A : memref<!tpu.dma_semaphore, #tpu.memory_space<semaphore_mem>>)
        %dma_wait3A = tpu.memref_slice %arg3[%multiple_of3A_51] : memref<800000xi32, #tpu.memory_space<hbm>> -> memref<80xi32, #tpu.memory_space<hbm>>
        %dma_wait3A_139 = tpu.memref_slice %arg3[%multiple_of3A_51] : memref<800000xi32, #tpu.memory_space<hbm>> -> memref<80xi32, #tpu.memory_space<hbm>>
        tpu.wait_dma2 semaphore(%run_scoped3A : memref<!tpu.dma_semaphore, #tpu.memory_space<semaphore_mem>>) src(%dma_wait3A_139 : memref<80xi32, #tpu.memory_space<hbm>>) dst(%arg6 : memref<80xi32, #tpu.memory_space<vmem>>)
        tpu.yield
      }) : () -> ()
      "tpu.region"() ({
        %run_scoped3A = tpu.sem_alloc : memref<!tpu.dma_semaphore, #tpu.memory_space<semaphore_mem>>
        %dma_start3A = arith.constant 0 : i32
        %dma_start3A_138 = tpu.memref_slice %arg2[%multiple_of3A_51, %dma_start3A] : memref<800000x128xf32, #tpu.memory_space<hbm>> -> memref<80x128xf32, #tpu.memory_space<hbm>>
        %dma_start3A_139 = arith.constant 0 : i32
        %dma_start3A_140 = tpu.memref_slice %arg2[%multiple_of3A_51, %dma_start3A_139] : memref<800000x128xf32, #tpu.memory_space<hbm>> -> memref<80x128xf32, #tpu.memory_space<hbm>>
        tpu.enqueue_dma source(%dma_start3A_140 : memref<80x128xf32, #tpu.memory_space<hbm>>) target(%arg8 : memref<80x128xf32, #tpu.memory_space<vmem>>) target_semaphore(%run_scoped3A : memref<!tpu.dma_semaphore, #tpu.memory_space<semaphore_mem>>)
        %dma_wait3A = arith.constant 0 : i32
        %dma_wait3A_141 = tpu.memref_slice %arg2[%multiple_of3A_51, %dma_wait3A] : memref<800000x128xf32, #tpu.memory_space<hbm>> -> memref<80x128xf32, #tpu.memory_space<hbm>>
        %dma_wait3A_142 = arith.constant 0 : i32
        %dma_wait3A_143 = tpu.memref_slice %arg2[%multiple_of3A_51, %dma_wait3A_142] : memref<800000x128xf32, #tpu.memory_space<hbm>> -> memref<80x128xf32, #tpu.memory_space<hbm>>
        tpu.wait_dma2 semaphore(%run_scoped3A : memref<!tpu.dma_semaphore, #tpu.memory_space<semaphore_mem>>) src(%dma_wait3A_143 : memref<80x128xf32, #tpu.memory_space<hbm>>) dst(%arg8 : memref<80x128xf32, #tpu.memory_space<vmem>>)
        tpu.yield
      }) : () -> ()
      %get3A = arith.constant 0 : index
      %get3A_52 = tpu.vector_load %arg6[%get3A] {strides = array<i32>} : memref<80xi32, #tpu.memory_space<vmem>>, vector<16xi32>,
      %get3A_53 = vector.shape_cast %get3A_52 : vector<16xi32> to vector<16xi32>
      %sub3A = vector.broadcast %mul3A_27 : i32 to vector<16xi32>
      %sub3A_54 = arith.subi %get3A_53, %sub3A : vector<16xi32>
      %ge3A = arith.constant 0 : i32
      %ge3A_55 = vector.broadcast %ge3A : i32 to vector<16xi32>
      %ge3A_56 = arith.cmpi sge, %sub3A_54, %ge3A_55 : vector<16xi32>
      %lt3A = arith.constant 12544 : i32
      %lt3A_57 = vector.broadcast %lt3A : i32 to vector<16xi32>
      %lt3A_58 = arith.cmpi slt, %sub3A_54, %lt3A_57 : vector<16xi32>
      %and3A = arith.andi %ge3A_56, %lt3A_58 : vector<16xi1>
      %jit3A = arith.constant 12544 : i32
      %broadcast_in_dim3A = vector.broadcast %jit3A : i32 to vector<16xi32>
      %select_n3A = arith.select %and3A, %sub3A_54, %broadcast_in_dim3A : vector<16xi1>, vector<16xi32>
      %swap3A = arith.constant 0 : index
      %swap3A_59 = tpu.vector_load %arg7[%swap3A] {strides = array<i32>} : memref<80xi32, #tpu.memory_space<vmem>>, vector<16xi32>,
      %swap3A_60 = vector.shape_cast %swap3A_59 : vector<16xi32> to vector<16xi32>
      %swap3A_61 = vector.shape_cast %select_n3A : vector<16xi32> to vector<16xi32>
      tpu.vector_store %arg7[%swap3A], %swap3A_61 {strides = array<i32>} : memref<80xi32, #tpu.memory_space<vmem>>, vector<16xi32>,
      %get3A_62 = arith.constant 16 : index
      %get3A_63 = tpu.vector_load %arg6[%get3A_62] {strides = array<i32>} : memref<80xi32, #tpu.memory_space<vmem>>, vector<16xi32>,
      %get3A_64 = vector.shape_cast %get3A_63 : vector<16xi32> to vector<16xi32>
      %sub3A_65 = vector.broadcast %mul3A_27 : i32 to vector<16xi32>
      %sub3A_66 = arith.subi %get3A_64, %sub3A_65 : vector<16xi32>
      %ge3A_67 = arith.constant 0 : i32
      %ge3A_68 = vector.broadcast %ge3A_67 : i32 to vector<16xi32>
      %ge3A_69 = arith.cmpi sge, %sub3A_66, %ge3A_68 : vector<16xi32>
      %lt3A_70 = arith.constant 12544 : i32
      %lt3A_71 = vector.broadcast %lt3A_70 : i32 to vector<16xi32>
      %lt3A_72 = arith.cmpi slt, %sub3A_66, %lt3A_71 : vector<16xi32>
      %and3A_73 = arith.andi %ge3A_69, %lt3A_72 : vector<16xi1>
      %jit3A_74 = arith.constant 12544 : i32
      %broadcast_in_dim3A_75 = vector.broadcast %jit3A_74 : i32 to vector<16xi32>
      %select_n3A_76 = arith.select %and3A_73, %sub3A_66, %broadcast_in_dim3A_75 : vector<16xi1>, vector<16xi32>
      %swap3A_77 = arith.constant 16 : index
      %swap3A_78 = tpu.vector_load %arg7[%swap3A_77] {strides = array<i32>} : memref<80xi32, #tpu.memory_space<vmem>>, vector<16xi32>,
      %swap3A_79 = vector.shape_cast %swap3A_78 : vector<16xi32> to vector<16xi32>
      %swap3A_80 = vector.shape_cast %select_n3A_76 : vector<16xi32> to vector<16xi32>
      tpu.vector_store %arg7[%swap3A_77], %swap3A_80 {strides = array<i32>} : memref<80xi32, #tpu.memory_space<vmem>>, vector<16xi32>,
      %get3A_81 = arith.constant 32 : index
      %get3A_82 = tpu.vector_load %arg6[%get3A_81] {strides = array<i32>} : memref<80xi32, #tpu.memory_space<vmem>>, vector<16xi32>,
      %get3A_83 = vector.shape_cast %get3A_82 : vector<16xi32> to vector<16xi32>
      %sub3A_84 = vector.broadcast %mul3A_27 : i32 to vector<16xi32>
      %sub3A_85 = arith.subi %get3A_83, %sub3A_84 : vector<16xi32>
      %ge3A_86 = arith.constant 0 : i32
      %ge3A_87 = vector.broadcast %ge3A_86 : i32 to vector<16xi32>
      %ge3A_88 = arith.cmpi sge, %sub3A_85, %ge3A_87 : vector<16xi32>
      %lt3A_89 = arith.constant 12544 : i32
      %lt3A_90 = vector.broadcast %lt3A_89 : i32 to vector<16xi32>
      %lt3A_91 = arith.cmpi slt, %sub3A_85, %lt3A_90 : vector<16xi32>
      %and3A_92 = arith.andi %ge3A_88, %lt3A_91 : vector<16xi1>
      %jit3A_93 = arith.constant 12544 : i32
      %broadcast_in_dim3A_94 = vector.broadcast %jit3A_93 : i32 to vector<16xi32>
      %select_n3A_95 = arith.select %and3A_92, %sub3A_85, %broadcast_in_dim3A_94 : vector<16xi1>, vector<16xi32>
      %swap3A_96 = arith.constant 32 : index
      %swap3A_97 = tpu.vector_load %arg7[%swap3A_96] {strides = array<i32>} : memref<80xi32, #tpu.memory_space<vmem>>, vector<16xi32>,
      %swap3A_98 = vector.shape_cast %swap3A_97 : vector<16xi32> to vector<16xi32>
      %swap3A_99 = vector.shape_cast %select_n3A_95 : vector<16xi32> to vector<16xi32>
      tpu.vector_store %arg7[%swap3A_96], %swap3A_99 {strides = array<i32>} : memref<80xi32, #tpu.memory_space<vmem>>, vector<16xi32>,
      %get3A_100 = arith.constant 48 : index
      %get3A_101 = tpu.vector_load %arg6[%get3A_100] {strides = array<i32>} : memref<80xi32, #tpu.memory_space<vmem>>, vector<16xi32>,
      %get3A_102 = vector.shape_cast %get3A_101 : vector<16xi32> to vector<16xi32>
      %sub3A_103 = vector.broadcast %mul3A_27 : i32 to vector<16xi32>
      %sub3A_104 = arith.subi %get3A_102, %sub3A_103 : vector<16xi32>
      %ge3A_105 = arith.constant 0 : i32
      %ge3A_106 = vector.broadcast %ge3A_105 : i32 to vector<16xi32>
      %ge3A_107 = arith.cmpi sge, %sub3A_104, %ge3A_106 : vector<16xi32>
      %lt3A_108 = arith.constant 12544 : i32
      %lt3A_109 = vector.broadcast %lt3A_108 : i32 to vector<16xi32>
      %lt3A_110 = arith.cmpi slt, %sub3A_104, %lt3A_109 : vector<16xi32>
      %and3A_111 = arith.andi %ge3A_107, %lt3A_110 : vector<16xi1>
      %jit3A_112 = arith.constant 12544 : i32
      %broadcast_in_dim3A_113 = vector.broadcast %jit3A_112 : i32 to vector<16xi32>
      %select_n3A_114 = arith.select %and3A_111, %sub3A_104, %broadcast_in_dim3A_113 : vector<16xi1>, vector<16xi32>
      %swap3A_115 = arith.constant 48 : index
      %swap3A_116 = tpu.vector_load %arg7[%swap3A_115] {strides = array<i32>} : memref<80xi32, #tpu.memory_space<vmem>>, vector<16xi32>,
      %swap3A_117 = vector.shape_cast %swap3A_116 : vector<16xi32> to vector<16xi32>
      %swap3A_118 = vector.shape_cast %select_n3A_114 : vector<16xi32> to vector<16xi32>
      tpu.vector_store %arg7[%swap3A_115], %swap3A_118 {strides = array<i32>} : memref<80xi32, #tpu.memory_space<vmem>>, vector<16xi32>,
      %get3A_119 = arith.constant 64 : index
      %get3A_120 = tpu.vector_load %arg6[%get3A_119] {strides = array<i32>} : memref<80xi32, #tpu.memory_space<vmem>>, vector<16xi32>,
      %get3A_121 = vector.shape_cast %get3A_120 : vector<16xi32> to vector<16xi32>
      %sub3A_122 = vector.broadcast %mul3A_27 : i32 to vector<16xi32>
      %sub3A_123 = arith.subi %get3A_121, %sub3A_122 : vector<16xi32>
      %ge3A_124 = arith.constant 0 : i32
      %ge3A_125 = vector.broadcast %ge3A_124 : i32 to vector<16xi32>
      %ge3A_126 = arith.cmpi sge, %sub3A_123, %ge3A_125 : vector<16xi32>
      %lt3A_127 = arith.constant 12544 : i32
      %lt3A_128 = vector.broadcast %lt3A_127 : i32 to vector<16xi32>
      %lt3A_129 = arith.cmpi slt, %sub3A_123, %lt3A_128 : vector<16xi32>
      %and3A_130 = arith.andi %ge3A_126, %lt3A_129 : vector<16xi1>
      %jit3A_131 = arith.constant 12544 : i32
      %broadcast_in_dim3A_132 = vector.broadcast %jit3A_131 : i32 to vector<16xi32>
      %select_n3A_133 = arith.select %and3A_130, %sub3A_123, %broadcast_in_dim3A_132 : vector<16xi1>, vector<16xi32>
      %swap3A_134 = arith.constant 64 : index
      %swap3A_135 = tpu.vector_load %arg7[%swap3A_134] {strides = array<i32>} : memref<80xi32, #tpu.memory_space<vmem>>, vector<16xi32>,
      %swap3A_136 = vector.shape_cast %swap3A_135 : vector<16xi32> to vector<16xi32>
      %swap3A_137 = vector.shape_cast %select_n3A_133 : vector<16xi32> to vector<16xi32>
      tpu.vector_store %arg7[%swap3A_134], %swap3A_137 {strides = array<i32>} : memref<80xi32, #tpu.memory_space<vmem>>, vector<16xi32>,
      "tpu.region"() ({
        %run_scoped3A = tpu.sem_alloc : memref<!tpu.dma_semaphore, #tpu.memory_space<semaphore_mem>>
        %dma_start3A = arith.constant 0 : i32
        %dma_start3A_138 = arith.constant 0 : i32
        %dma_start3A_139 = tpu.memref_slice %arg9[%dma_start3A, %dma_start3A_138] : memref<12672x128xf32, #tpu.memory_space<vmem_shared>> -> memref<12672x128xf32, #tpu.memory_space<vmem_shared>>
        tpu.enqueue_indirect_dma source(%arg8 : memref<80x128xf32, #tpu.memory_space<vmem>>) target(%dma_start3A_139 : memref<12672x128xf32, #tpu.memory_space<vmem_shared>>) offsets(%arg7 : memref<80xi32, #tpu.memory_space<vmem>>) semaphore(%run_scoped3A : memref<!tpu.dma_semaphore, #tpu.memory_space<semaphore_mem>>) {add = true}
        %dma_wait3A = arith.constant 0 : i32
        %dma_wait3A_140 = arith.constant 0 : i32
        %dma_wait3A_141 = tpu.memref_slice %arg9[%dma_wait3A, %dma_wait3A_140] : memref<12672x128xf32, #tpu.memory_space<vmem_shared>> -> memref<12672x128xf32, #tpu.memory_space<vmem_shared>>
        tpu.wait_indirect_dma semaphore(%run_scoped3A : memref<!tpu.dma_semaphore, #tpu.memory_space<semaphore_mem>>) src(%arg8 : memref<80x128xf32, #tpu.memory_space<vmem>>) dst(%dma_wait3A_141 : memref<12672x128xf32, #tpu.memory_space<vmem_shared>>)
        tpu.yield
      }) : () -> ()
    }
    %scan3A_37 = arith.constant 625 : i32
    %barrier3A_38 = arith.constant 0 : index
    tpu.barrier barrier_id(%barrier3A_38)
    %mul3A_39 = arith.constant 784 : i32
    %mul3A_40 = arith.muli %arg1, %mul3A_39 : i32
    %multiple_of3A_41 = tpu.assume_multiple %mul3A_40, 8 : i32
    %mul3A_42 = arith.constant 784 : i32
    %mul3A_43 = arith.muli %arg1, %mul3A_42 : i32
    %add3A_44 = arith.addi %mul3A_27, %mul3A_43 : i32
    %multiple_of3A_45 = tpu.assume_multiple %add3A_44, 8 : i32
    "tpu.region"() ({
      %run_scoped3A = tpu.sem_alloc : memref<!tpu.dma_semaphore, #tpu.memory_space<semaphore_mem>>
      %dma_start3A = arith.constant 0 : i32
      %dma_start3A_47 = tpu.memref_slice %arg5[%multiple_of3A_45, %dma_start3A] : memref<50176x128xf32, #tpu.memory_space<hbm>> -> memref<784x128xf32, #tpu.memory_space<hbm>>
      %dma_start3A_48 = arith.constant 0 : i32
      %dma_start3A_49 = tpu.memref_slice %arg9[%multiple_of3A_41, %dma_start3A_48] : memref<12672x128xf32, #tpu.memory_space<vmem_shared>> -> memref<784x128xf32, #tpu.memory_space<vmem_shared>>
      tpu.enqueue_dma source(%dma_start3A_49 : memref<784x128xf32, #tpu.memory_space<vmem_shared>>) target(%dma_start3A_47 : memref<784x128xf32, #tpu.memory_space<hbm>>) target_semaphore(%run_scoped3A : memref<!tpu.dma_semaphore, #tpu.memory_space<semaphore_mem>>)
      %dma_wait3A = arith.constant 0 : i32
      %dma_wait3A_50 = tpu.memref_slice %arg5[%multiple_of3A_45, %dma_wait3A] : memref<50176x128xf32, #tpu.memory_space<hbm>> -> memref<784x128xf32, #tpu.memory_space<hbm>>
      %dma_wait3A_51 = arith.constant 0 : i32
      %dma_wait3A_52 = tpu.memref_slice %arg9[%multiple_of3A_41, %dma_wait3A_51] : memref<12672x128xf32, #tpu.memory_space<vmem_shared>> -> memref<784x128xf32, #tpu.memory_space<vmem_shared>>
      tpu.wait_dma2 semaphore(%run_scoped3A : memref<!tpu.dma_semaphore, #tpu.memory_space<semaphore_mem>>) src(%dma_wait3A_52 : memref<784x128xf32, #tpu.memory_space<vmem_shared>>) dst(%dma_wait3A_50 : memref<784x128xf32, #tpu.memory_space<hbm>>)
      tpu.yield
    }) : () -> ()
    %barrier3A_46 = arith.constant 0 : index
    tpu.barrier barrier_id(%barrier3A_46)
    return
  }
}

#map = affine_map<(d0, d1) -> (0, 0)>
#map1 = affine_map<(d0, d1) -> (0)>
module attributes {stable_mosaic.version = 14 : i64} {
  func.func @k(%arg0: i32, %arg1: i32, %arg2: memref<50000x128xf32, #tpu.memory_space<hbm>>, %arg3: memref<800000xi32, #tpu.memory_space<hbm>>, %arg4: memref<800000x128xf32, #tpu.memory_space<hbm>>, %arg5: memref<40xi32, #tpu.memory_space<vmem>>, %arg6: memref<40x128xf32, #tpu.memory_space<vmem>>, %arg7: memref<!tpu.dma_semaphore, #tpu.memory_space<semaphore_mem>>) attributes {dimension_semantics = [#tpu.dimension_semantics<core_parallel>, #tpu.dimension_semantics<subcore_parallel>], iteration_bounds = array<i64: 2, 16>, scalar_prefetch = 0 : i64, scratch_operands = 3 : i64, tpu.core_type = #tpu.core_type<sc_vector_subcore>, window_params = [{transform_indices = #map}, {transform_indices = #map1}, {transform_indices = #map}]} {
    %mul3A = arith.constant 2 : i32
    %mul3A_0 = arith.muli %arg1, %mul3A : i32
    %add3A = arith.addi %mul3A_0, %arg0 : i32
    %mul3A_1 = arith.constant 25000 : i32
    %mul3A_2 = arith.muli %add3A, %mul3A_1 : i32
    %scan3A = arith.constant 0 : i32
    %scan3A_3 = arith.constant 0 : i32
    %scan3A_4 = arith.constant 625 : i32
    %scan3A_5 = arith.addi %scan3A_3, %scan3A_4 : i32
    %scan3A_6 = arith.constant 1 : i32
    scf.for %scan3A_8 = %scan3A_3 to %scan3A_5 step %scan3A_6  : i32 {
      %mul3A_9 = arith.constant 40 : i32
      %mul3A_10 = arith.muli %scan3A_8, %mul3A_9 : i32
      %add3A_11 = arith.addi %mul3A_2, %mul3A_10 : i32
      %multiple_of3A = tpu.assume_multiple %add3A_11, 8 : i32
      "tpu.region"() ({
        %run_scoped3A = tpu.sem_alloc : memref<!tpu.dma_semaphore, #tpu.memory_space<semaphore_mem>>
        %dma_start3A_16 = tpu.memref_slice %arg3[%multiple_of3A] : memref<800000xi32, #tpu.memory_space<hbm>> -> memref<40xi32, #tpu.memory_space<hbm>>
        %dma_start3A_17 = tpu.memref_slice %arg3[%multiple_of3A] : memref<800000xi32, #tpu.memory_space<hbm>> -> memref<40xi32, #tpu.memory_space<hbm>>
        tpu.enqueue_dma source(%dma_start3A_17 : memref<40xi32, #tpu.memory_space<hbm>>) target(%arg5 : memref<40xi32, #tpu.memory_space<vmem>>) target_semaphore(%run_scoped3A : memref<!tpu.dma_semaphore, #tpu.memory_space<semaphore_mem>>)
        %dma_wait3A_18 = tpu.memref_slice %arg3[%multiple_of3A] : memref<800000xi32, #tpu.memory_space<hbm>> -> memref<40xi32, #tpu.memory_space<hbm>>
        %dma_wait3A_19 = tpu.memref_slice %arg3[%multiple_of3A] : memref<800000xi32, #tpu.memory_space<hbm>> -> memref<40xi32, #tpu.memory_space<hbm>>
        tpu.wait_dma2 semaphore(%run_scoped3A : memref<!tpu.dma_semaphore, #tpu.memory_space<semaphore_mem>>) src(%dma_wait3A_19 : memref<40xi32, #tpu.memory_space<hbm>>) dst(%arg5 : memref<40xi32, #tpu.memory_space<vmem>>)
        tpu.yield
      }) : () -> ()
      %dma_start3A = arith.constant 0 : i32
      %dma_start3A_12 = arith.constant 0 : i32
      %dma_start3A_13 = tpu.memref_slice %arg2[%dma_start3A, %dma_start3A_12] : memref<50000x128xf32, #tpu.memory_space<hbm>> -> memref<50000x128xf32, #tpu.memory_space<hbm>>
      tpu.enqueue_indirect_dma source(%dma_start3A_13 : memref<50000x128xf32, #tpu.memory_space<hbm>>) target(%arg6 : memref<40x128xf32, #tpu.memory_space<vmem>>) offsets(%arg5 : memref<40xi32, #tpu.memory_space<vmem>>) semaphore(%arg7 : memref<!tpu.dma_semaphore, #tpu.memory_space<semaphore_mem>>)
      %dma_wait3A = arith.constant 0 : i32
      %dma_wait3A_14 = arith.constant 0 : i32
      %dma_wait3A_15 = tpu.memref_slice %arg2[%dma_wait3A, %dma_wait3A_14] : memref<50000x128xf32, #tpu.memory_space<hbm>> -> memref<50000x128xf32, #tpu.memory_space<hbm>>
      tpu.wait_indirect_dma semaphore(%arg7 : memref<!tpu.dma_semaphore, #tpu.memory_space<semaphore_mem>>) src(%dma_wait3A_15 : memref<50000x128xf32, #tpu.memory_space<hbm>>) dst(%arg6 : memref<40x128xf32, #tpu.memory_space<vmem>>)
      "tpu.region"() ({
        %run_scoped3A = tpu.sem_alloc : memref<!tpu.dma_semaphore, #tpu.memory_space<semaphore_mem>>
        %dma_start3A_16 = arith.constant 0 : i32
        %dma_start3A_17 = tpu.memref_slice %arg4[%multiple_of3A, %dma_start3A_16] : memref<800000x128xf32, #tpu.memory_space<hbm>> -> memref<40x128xf32, #tpu.memory_space<hbm>>
        %dma_start3A_18 = arith.constant 0 : i32
        %dma_start3A_19 = tpu.memref_slice %arg4[%multiple_of3A, %dma_start3A_18] : memref<800000x128xf32, #tpu.memory_space<hbm>> -> memref<40x128xf32, #tpu.memory_space<hbm>>
        tpu.enqueue_dma source(%arg6 : memref<40x128xf32, #tpu.memory_space<vmem>>) target(%dma_start3A_19 : memref<40x128xf32, #tpu.memory_space<hbm>>) target_semaphore(%run_scoped3A : memref<!tpu.dma_semaphore, #tpu.memory_space<semaphore_mem>>)
        %dma_wait3A_20 = arith.constant 0 : i32
        %dma_wait3A_21 = tpu.memref_slice %arg4[%multiple_of3A, %dma_wait3A_20] : memref<800000x128xf32, #tpu.memory_space<hbm>> -> memref<40x128xf32, #tpu.memory_space<hbm>>
        %dma_wait3A_22 = arith.constant 0 : i32
        %dma_wait3A_23 = tpu.memref_slice %arg4[%multiple_of3A, %dma_wait3A_22] : memref<800000x128xf32, #tpu.memory_space<hbm>> -> memref<40x128xf32, #tpu.memory_space<hbm>>
        tpu.wait_dma2 semaphore(%run_scoped3A : memref<!tpu.dma_semaphore, #tpu.memory_space<semaphore_mem>>) src(%arg6 : memref<40x128xf32, #tpu.memory_space<vmem>>) dst(%dma_wait3A_23 : memref<40x128xf32, #tpu.memory_space<hbm>>)
        tpu.yield
      }) : () -> ()
    }
    %scan3A_7 = arith.constant 625 : i32
    return
  }
}

#map = affine_map<(d0, d1) -> (0, 0)>
#map1 = affine_map<(d0, d1) -> (0)>
module attributes {stable_mosaic.version = 14 : i64} {
  func.func @k(%arg0: i32, %arg1: i32, %arg2: memref<800000x128xf32, #tpu.memory_space<hbm>>, %arg3: memref<800000xi32, #tpu.memory_space<hbm>>, %arg4: memref<12672x128xf32, #tpu.memory_space<hbm>>, %arg5: memref<50176x128xf32, #tpu.memory_space<hbm>>, %arg6: memref<80xi32, #tpu.memory_space<vmem>>, %arg7: memref<80xi32, #tpu.memory_space<vmem>>, %arg8: memref<80x128xf32, #tpu.memory_space<vmem>>, %arg9: memref<12672x128xf32, #tpu.memory_space<vmem_shared>>) attributes {dimension_semantics = [#tpu.dimension_semantics<core_parallel>, #tpu.dimension_semantics<subcore_parallel>], iteration_bounds = array<i64: 2, 16>, scalar_prefetch = 0 : i64, scratch_operands = 4 : i64, tpu.core_type = #tpu.core_type<sc_vector_subcore>, window_params = [{transform_indices = #map}, {transform_indices = #map1}, {transform_indices = #map}, {transform_indices = #map}]} {
    %mul3A = arith.constant 50000 : i32
    %mul3A_0 = arith.muli %arg1, %mul3A : i32
    %mul3A_1 = arith.constant 2 : i32
    %mul3A_2 = arith.muli %mul3A_1, %arg0 : i32
    %add3A = arith.constant 0 : i32
    %add3A_3 = arith.addi %mul3A_2, %add3A : i32
    %mul3A_4 = arith.constant 12544 : i32
    %mul3A_5 = arith.muli %add3A_3, %mul3A_4 : i32
    %mul3A_6 = arith.constant 792 : i32
    %mul3A_7 = arith.muli %arg1, %mul3A_6 : i32
    %multiple_of3A = tpu.assume_multiple %mul3A_7, 8 : i32
    "tpu.region"() ({
      %run_scoped3A = tpu.sem_alloc : memref<!tpu.dma_semaphore, #tpu.memory_space<semaphore_mem>>
      %dma_start3A = arith.constant 0 : i32
      %dma_start3A_47 = tpu.memref_slice %arg9[%multiple_of3A, %dma_start3A] : memref<12672x128xf32, #tpu.memory_space<vmem_shared>> -> memref<792x128xf32, #tpu.memory_space<vmem_shared>>
      %dma_start3A_48 = arith.constant 0 : i32
      %dma_start3A_49 = tpu.memref_slice %arg4[%multiple_of3A, %dma_start3A_48] : memref<12672x128xf32, #tpu.memory_space<hbm>> -> memref<792x128xf32, #tpu.memory_space<hbm>>
      tpu.enqueue_dma source(%dma_start3A_49 : memref<792x128xf32, #tpu.memory_space<hbm>>) target(%dma_start3A_47 : memref<792x128xf32, #tpu.memory_space<vmem_shared>>) target_semaphore(%run_scoped3A : memref<!tpu.dma_semaphore, #tpu.memory_space<semaphore_mem>>)
      %dma_wait3A = arith.constant 0 : i32
      %dma_wait3A_50 = tpu.memref_slice %arg9[%multiple_of3A, %dma_wait3A] : memref<12672x128xf32, #tpu.memory_space<vmem_shared>> -> memref<792x128xf32, #tpu.memory_space<vmem_shared>>
      %dma_wait3A_51 = arith.constant 0 : i32
      %dma_wait3A_52 = tpu.memref_slice %arg4[%multiple_of3A, %dma_wait3A_51] : memref<12672x128xf32, #tpu.memory_space<hbm>> -> memref<792x128xf32, #tpu.memory_space<hbm>>
      tpu.wait_dma2 semaphore(%run_scoped3A : memref<!tpu.dma_semaphore, #tpu.memory_space<semaphore_mem>>) src(%dma_wait3A_52 : memref<792x128xf32, #tpu.memory_space<hbm>>) dst(%dma_wait3A_50 : memref<792x128xf32, #tpu.memory_space<vmem_shared>>)
      tpu.yield
    }) : () -> ()
    %barrier3A = arith.constant 0 : index
    tpu.barrier barrier_id(%barrier3A)
    %scan3A = arith.constant 0 : i32
    %scan3A_8 = arith.constant 0 : i32
    %scan3A_9 = arith.constant 625 : i32
    %scan3A_10 = arith.addi %scan3A_8, %scan3A_9 : i32
    %scan3A_11 = arith.constant 1 : i32
    scf.for %scan3A_47 = %scan3A_8 to %scan3A_10 step %scan3A_11  : i32 {
      %mul3A_48 = arith.constant 80 : i32
      %mul3A_49 = arith.muli %scan3A_47, %mul3A_48 : i32
      %add3A_50 = arith.addi %mul3A_0, %mul3A_49 : i32
      %multiple_of3A_51 = tpu.assume_multiple %add3A_50, 8 : i32
      "tpu.region"() ({
        %run_scoped3A = tpu.sem_alloc : memref<!tpu.dma_semaphore, #tpu.memory_space<semaphore_mem>>
        %dma_start3A = tpu.memref_slice %arg3[%multiple_of3A_51] : memref<800000xi32, #tpu.memory_space<hbm>> -> memref<80xi32, #tpu.memory_space<hbm>>
        %dma_start3A_138 = tpu.memref_slice %arg3[%multiple_of3A_51] : memref<800000xi32, #tpu.memory_space<hbm>> -> memref<80xi32, #tpu.memory_space<hbm>>
        tpu.enqueue_dma source(%dma_start3A_138 : memref<80xi32, #tpu.memory_space<hbm>>) target(%arg6 : memref<80xi32, #tpu.memory_space<vmem>>) target_semaphore(%run_scoped3A : memref<!tpu.dma_semaphore, #tpu.memory_space<semaphore_mem>>)
        %dma_wait3A = tpu.memref_slice %arg3[%multiple_of3A_51] : memref<800000xi32, #tpu.memory_space<hbm>> -> memref<80xi32, #tpu.memory_space<hbm>>
        %dma_wait3A_139 = tpu.memref_slice %arg3[%multiple_of3A_51] : memref<800000xi32, #tpu.memory_space<hbm>> -> memref<80xi32, #tpu.memory_space<hbm>>
        tpu.wait_dma2 semaphore(%run_scoped3A : memref<!tpu.dma_semaphore, #tpu.memory_space<semaphore_mem>>) src(%dma_wait3A_139 : memref<80xi32, #tpu.memory_space<hbm>>) dst(%arg6 : memref<80xi32, #tpu.memory_space<vmem>>)
        tpu.yield
      }) : () -> ()
      "tpu.region"() ({
        %run_scoped3A = tpu.sem_alloc : memref<!tpu.dma_semaphore, #tpu.memory_space<semaphore_mem>>
        %dma_start3A = arith.constant 0 : i32
        %dma_start3A_138 = tpu.memref_slice %arg2[%multiple_of3A_51, %dma_start3A] : memref<800000x128xf32, #tpu.memory_space<hbm>> -> memref<80x128xf32, #tpu.memory_space<hbm>>
        %dma_start3A_139 = arith.constant 0 : i32
        %dma_start3A_140 = tpu.memref_slice %arg2[%multiple_of3A_51, %dma_start3A_139] : memref<800000x128xf32, #tpu.memory_space<hbm>> -> memref<80x128xf32, #tpu.memory_space<hbm>>
        tpu.enqueue_dma source(%dma_start3A_140 : memref<80x128xf32, #tpu.memory_space<hbm>>) target(%arg8 : memref<80x128xf32, #tpu.memory_space<vmem>>) target_semaphore(%run_scoped3A : memref<!tpu.dma_semaphore, #tpu.memory_space<semaphore_mem>>)
        %dma_wait3A = arith.constant 0 : i32
        %dma_wait3A_141 = tpu.memref_slice %arg2[%multiple_of3A_51, %dma_wait3A] : memref<800000x128xf32, #tpu.memory_space<hbm>> -> memref<80x128xf32, #tpu.memory_space<hbm>>
        %dma_wait3A_142 = arith.constant 0 : i32
        %dma_wait3A_143 = tpu.memref_slice %arg2[%multiple_of3A_51, %dma_wait3A_142] : memref<800000x128xf32, #tpu.memory_space<hbm>> -> memref<80x128xf32, #tpu.memory_space<hbm>>
        tpu.wait_dma2 semaphore(%run_scoped3A : memref<!tpu.dma_semaphore, #tpu.memory_space<semaphore_mem>>) src(%dma_wait3A_143 : memref<80x128xf32, #tpu.memory_space<hbm>>) dst(%arg8 : memref<80x128xf32, #tpu.memory_space<vmem>>)
        tpu.yield
      }) : () -> ()
      %get3A = arith.constant 0 : index
      %get3A_52 = tpu.vector_load %arg6[%get3A] {strides = array<i32>} : memref<80xi32, #tpu.memory_space<vmem>>, vector<16xi32>,
      %get3A_53 = vector.shape_cast %get3A_52 : vector<16xi32> to vector<16xi32>
      %sub3A = vector.broadcast %mul3A_5 : i32 to vector<16xi32>
      %sub3A_54 = arith.subi %get3A_53, %sub3A : vector<16xi32>
      %ge3A = arith.constant 0 : i32
      %ge3A_55 = vector.broadcast %ge3A : i32 to vector<16xi32>
      %ge3A_56 = arith.cmpi sge, %sub3A_54, %ge3A_55 : vector<16xi32>
      %lt3A = arith.constant 12544 : i32
      %lt3A_57 = vector.broadcast %lt3A : i32 to vector<16xi32>
      %lt3A_58 = arith.cmpi slt, %sub3A_54, %lt3A_57 : vector<16xi32>
      %and3A = arith.andi %ge3A_56, %lt3A_58 : vector<16xi1>
      %jit3A = arith.constant 12544 : i32
      %broadcast_in_dim3A = vector.broadcast %jit3A : i32 to vector<16xi32>
      %select_n3A = arith.select %and3A, %sub3A_54, %broadcast_in_dim3A : vector<16xi1>, vector<16xi32>
      %swap3A = arith.constant 0 : index
      %swap3A_59 = tpu.vector_load %arg7[%swap3A] {strides = array<i32>} : memref<80xi32, #tpu.memory_space<vmem>>, vector<16xi32>,
      %swap3A_60 = vector.shape_cast %swap3A_59 : vector<16xi32> to vector<16xi32>
      %swap3A_61 = vector.shape_cast %select_n3A : vector<16xi32> to vector<16xi32>
      tpu.vector_store %arg7[%swap3A], %swap3A_61 {strides = array<i32>} : memref<80xi32, #tpu.memory_space<vmem>>, vector<16xi32>,
      %get3A_62 = arith.constant 16 : index
      %get3A_63 = tpu.vector_load %arg6[%get3A_62] {strides = array<i32>} : memref<80xi32, #tpu.memory_space<vmem>>, vector<16xi32>,
      %get3A_64 = vector.shape_cast %get3A_63 : vector<16xi32> to vector<16xi32>
      %sub3A_65 = vector.broadcast %mul3A_5 : i32 to vector<16xi32>
      %sub3A_66 = arith.subi %get3A_64, %sub3A_65 : vector<16xi32>
      %ge3A_67 = arith.constant 0 : i32
      %ge3A_68 = vector.broadcast %ge3A_67 : i32 to vector<16xi32>
      %ge3A_69 = arith.cmpi sge, %sub3A_66, %ge3A_68 : vector<16xi32>
      %lt3A_70 = arith.constant 12544 : i32
      %lt3A_71 = vector.broadcast %lt3A_70 : i32 to vector<16xi32>
      %lt3A_72 = arith.cmpi slt, %sub3A_66, %lt3A_71 : vector<16xi32>
      %and3A_73 = arith.andi %ge3A_69, %lt3A_72 : vector<16xi1>
      %jit3A_74 = arith.constant 12544 : i32
      %broadcast_in_dim3A_75 = vector.broadcast %jit3A_74 : i32 to vector<16xi32>
      %select_n3A_76 = arith.select %and3A_73, %sub3A_66, %broadcast_in_dim3A_75 : vector<16xi1>, vector<16xi32>
      %swap3A_77 = arith.constant 16 : index
      %swap3A_78 = tpu.vector_load %arg7[%swap3A_77] {strides = array<i32>} : memref<80xi32, #tpu.memory_space<vmem>>, vector<16xi32>,
      %swap3A_79 = vector.shape_cast %swap3A_78 : vector<16xi32> to vector<16xi32>
      %swap3A_80 = vector.shape_cast %select_n3A_76 : vector<16xi32> to vector<16xi32>
      tpu.vector_store %arg7[%swap3A_77], %swap3A_80 {strides = array<i32>} : memref<80xi32, #tpu.memory_space<vmem>>, vector<16xi32>,
      %get3A_81 = arith.constant 32 : index
      %get3A_82 = tpu.vector_load %arg6[%get3A_81] {strides = array<i32>} : memref<80xi32, #tpu.memory_space<vmem>>, vector<16xi32>,
      %get3A_83 = vector.shape_cast %get3A_82 : vector<16xi32> to vector<16xi32>
      %sub3A_84 = vector.broadcast %mul3A_5 : i32 to vector<16xi32>
      %sub3A_85 = arith.subi %get3A_83, %sub3A_84 : vector<16xi32>
      %ge3A_86 = arith.constant 0 : i32
      %ge3A_87 = vector.broadcast %ge3A_86 : i32 to vector<16xi32>
      %ge3A_88 = arith.cmpi sge, %sub3A_85, %ge3A_87 : vector<16xi32>
      %lt3A_89 = arith.constant 12544 : i32
      %lt3A_90 = vector.broadcast %lt3A_89 : i32 to vector<16xi32>
      %lt3A_91 = arith.cmpi slt, %sub3A_85, %lt3A_90 : vector<16xi32>
      %and3A_92 = arith.andi %ge3A_88, %lt3A_91 : vector<16xi1>
      %jit3A_93 = arith.constant 12544 : i32
      %broadcast_in_dim3A_94 = vector.broadcast %jit3A_93 : i32 to vector<16xi32>
      %select_n3A_95 = arith.select %and3A_92, %sub3A_85, %broadcast_in_dim3A_94 : vector<16xi1>, vector<16xi32>
      %swap3A_96 = arith.constant 32 : index
      %swap3A_97 = tpu.vector_load %arg7[%swap3A_96] {strides = array<i32>} : memref<80xi32, #tpu.memory_space<vmem>>, vector<16xi32>,
      %swap3A_98 = vector.shape_cast %swap3A_97 : vector<16xi32> to vector<16xi32>
      %swap3A_99 = vector.shape_cast %select_n3A_95 : vector<16xi32> to vector<16xi32>
      tpu.vector_store %arg7[%swap3A_96], %swap3A_99 {strides = array<i32>} : memref<80xi32, #tpu.memory_space<vmem>>, vector<16xi32>,
      %get3A_100 = arith.constant 48 : index
      %get3A_101 = tpu.vector_load %arg6[%get3A_100] {strides = array<i32>} : memref<80xi32, #tpu.memory_space<vmem>>, vector<16xi32>,
      %get3A_102 = vector.shape_cast %get3A_101 : vector<16xi32> to vector<16xi32>
      %sub3A_103 = vector.broadcast %mul3A_5 : i32 to vector<16xi32>
      %sub3A_104 = arith.subi %get3A_102, %sub3A_103 : vector<16xi32>
      %ge3A_105 = arith.constant 0 : i32
      %ge3A_106 = vector.broadcast %ge3A_105 : i32 to vector<16xi32>
      %ge3A_107 = arith.cmpi sge, %sub3A_104, %ge3A_106 : vector<16xi32>
      %lt3A_108 = arith.constant 12544 : i32
      %lt3A_109 = vector.broadcast %lt3A_108 : i32 to vector<16xi32>
      %lt3A_110 = arith.cmpi slt, %sub3A_104, %lt3A_109 : vector<16xi32>
      %and3A_111 = arith.andi %ge3A_107, %lt3A_110 : vector<16xi1>
      %jit3A_112 = arith.constant 12544 : i32
      %broadcast_in_dim3A_113 = vector.broadcast %jit3A_112 : i32 to vector<16xi32>
      %select_n3A_114 = arith.select %and3A_111, %sub3A_104, %broadcast_in_dim3A_113 : vector<16xi1>, vector<16xi32>
      %swap3A_115 = arith.constant 48 : index
      %swap3A_116 = tpu.vector_load %arg7[%swap3A_115] {strides = array<i32>} : memref<80xi32, #tpu.memory_space<vmem>>, vector<16xi32>,
      %swap3A_117 = vector.shape_cast %swap3A_116 : vector<16xi32> to vector<16xi32>
      %swap3A_118 = vector.shape_cast %select_n3A_114 : vector<16xi32> to vector<16xi32>
      tpu.vector_store %arg7[%swap3A_115], %swap3A_118 {strides = array<i32>} : memref<80xi32, #tpu.memory_space<vmem>>, vector<16xi32>,
      %get3A_119 = arith.constant 64 : index
      %get3A_120 = tpu.vector_load %arg6[%get3A_119] {strides = array<i32>} : memref<80xi32, #tpu.memory_space<vmem>>, vector<16xi32>,
      %get3A_121 = vector.shape_cast %get3A_120 : vector<16xi32> to vector<16xi32>
      %sub3A_122 = vector.broadcast %mul3A_5 : i32 to vector<16xi32>
      %sub3A_123 = arith.subi %get3A_121, %sub3A_122 : vector<16xi32>
      %ge3A_124 = arith.constant 0 : i32
      %ge3A_125 = vector.broadcast %ge3A_124 : i32 to vector<16xi32>
      %ge3A_126 = arith.cmpi sge, %sub3A_123, %ge3A_125 : vector<16xi32>
      %lt3A_127 = arith.constant 12544 : i32
      %lt3A_128 = vector.broadcast %lt3A_127 : i32 to vector<16xi32>
      %lt3A_129 = arith.cmpi slt, %sub3A_123, %lt3A_128 : vector<16xi32>
      %and3A_130 = arith.andi %ge3A_126, %lt3A_129 : vector<16xi1>
      %jit3A_131 = arith.constant 12544 : i32
      %broadcast_in_dim3A_132 = vector.broadcast %jit3A_131 : i32 to vector<16xi32>
      %select_n3A_133 = arith.select %and3A_130, %sub3A_123, %broadcast_in_dim3A_132 : vector<16xi1>, vector<16xi32>
      %swap3A_134 = arith.constant 64 : index
      %swap3A_135 = tpu.vector_load %arg7[%swap3A_134] {strides = array<i32>} : memref<80xi32, #tpu.memory_space<vmem>>, vector<16xi32>,
      %swap3A_136 = vector.shape_cast %swap3A_135 : vector<16xi32> to vector<16xi32>
      %swap3A_137 = vector.shape_cast %select_n3A_133 : vector<16xi32> to vector<16xi32>
      tpu.vector_store %arg7[%swap3A_134], %swap3A_137 {strides = array<i32>} : memref<80xi32, #tpu.memory_space<vmem>>, vector<16xi32>,
      "tpu.region"() ({
        %run_scoped3A = tpu.sem_alloc : memref<!tpu.dma_semaphore, #tpu.memory_space<semaphore_mem>>
        %dma_start3A = arith.constant 0 : i32
        %dma_start3A_138 = arith.constant 0 : i32
        %dma_start3A_139 = tpu.memref_slice %arg9[%dma_start3A, %dma_start3A_138] : memref<12672x128xf32, #tpu.memory_space<vmem_shared>> -> memref<12672x128xf32, #tpu.memory_space<vmem_shared>>
        tpu.enqueue_indirect_dma source(%arg8 : memref<80x128xf32, #tpu.memory_space<vmem>>) target(%dma_start3A_139 : memref<12672x128xf32, #tpu.memory_space<vmem_shared>>) offsets(%arg7 : memref<80xi32, #tpu.memory_space<vmem>>) semaphore(%run_scoped3A : memref<!tpu.dma_semaphore, #tpu.memory_space<semaphore_mem>>) {add = true}
        %dma_wait3A = arith.constant 0 : i32
        %dma_wait3A_140 = arith.constant 0 : i32
        %dma_wait3A_141 = tpu.memref_slice %arg9[%dma_wait3A, %dma_wait3A_140] : memref<12672x128xf32, #tpu.memory_space<vmem_shared>> -> memref<12672x128xf32, #tpu.memory_space<vmem_shared>>
        tpu.wait_indirect_dma semaphore(%run_scoped3A : memref<!tpu.dma_semaphore, #tpu.memory_space<semaphore_mem>>) src(%arg8 : memref<80x128xf32, #tpu.memory_space<vmem>>) dst(%dma_wait3A_141 : memref<12672x128xf32, #tpu.memory_space<vmem_shared>>)
        tpu.yield
      }) : () -> ()
    }
    %scan3A_12 = arith.constant 625 : i32
    %barrier3A_13 = arith.constant 0 : index
    tpu.barrier barrier_id(%barrier3A_13)
    %mul3A_14 = arith.constant 784 : i32
    %mul3A_15 = arith.muli %arg1, %mul3A_14 : i32
    %multiple_of3A_16 = tpu.assume_multiple %mul3A_15, 8 : i32
    %mul3A_17 = arith.constant 784 : i32
    %mul3A_18 = arith.muli %arg1, %mul3A_17 : i32
    %add3A_19 = arith.addi %mul3A_5, %mul3A_18 : i32
    %multiple_of3A_20 = tpu.assume_multiple %add3A_19, 8 : i32
    "tpu.region"() ({
      %run_scoped3A = tpu.sem_alloc : memref<!tpu.dma_semaphore, #tpu.memory_space<semaphore_mem>>
      %dma_start3A = arith.constant 0 : i32
      %dma_start3A_47 = tpu.memref_slice %arg5[%multiple_of3A_20, %dma_start3A] : memref<50176x128xf32, #tpu.memory_space<hbm>> -> memref<784x128xf32, #tpu.memory_space<hbm>>
      %dma_start3A_48 = arith.constant 0 : i32
      %dma_start3A_49 = tpu.memref_slice %arg9[%multiple_of3A_16, %dma_start3A_48] : memref<12672x128xf32, #tpu.memory_space<vmem_shared>> -> memref<784x128xf32, #tpu.memory_space<vmem_shared>>
      tpu.enqueue_dma source(%dma_start3A_49 : memref<784x128xf32, #tpu.memory_space<vmem_shared>>) target(%dma_start3A_47 : memref<784x128xf32, #tpu.memory_space<hbm>>) target_semaphore(%run_scoped3A : memref<!tpu.dma_semaphore, #tpu.memory_space<semaphore_mem>>)
      %dma_wait3A = arith.constant 0 : i32
      %dma_wait3A_50 = tpu.memref_slice %arg5[%multiple_of3A_20, %dma_wait3A] : memref<50176x128xf32, #tpu.memory_space<hbm>> -> memref<784x128xf32, #tpu.memory_space<hbm>>
      %dma_wait3A_51 = arith.constant 0 : i32
      %dma_wait3A_52 = tpu.memref_slice %arg9[%multiple_of3A_16, %dma_wait3A_51] : memref<12672x128xf32, #tpu.memory_space<vmem_shared>> -> memref<784x128xf32, #tpu.memory_space<vmem_shared>>
      tpu.wait_dma2 semaphore(%run_scoped3A : memref<!tpu.dma_semaphore, #tpu.memory_space<semaphore_mem>>) src(%dma_wait3A_52 : memref<784x128xf32, #tpu.memory_space<vmem_shared>>) dst(%dma_wait3A_50 : memref<784x128xf32, #tpu.memory_space<hbm>>)
      tpu.yield
    }) : () -> ()
    %barrier3A_21 = arith.constant 0 : index
    tpu.barrier barrier_id(%barrier3A_21)
    %mul3A_22 = arith.constant 2 : i32
    %mul3A_23 = arith.muli %mul3A_22, %arg0 : i32
    %add3A_24 = arith.constant 1 : i32
    %add3A_25 = arith.addi %mul3A_23, %add3A_24 : i32
    %mul3A_26 = arith.constant 12544 : i32
    %mul3A_27 = arith.muli %add3A_25, %mul3A_26 : i32
    %mul3A_28 = arith.constant 792 : i32
    %mul3A_29 = arith.muli %arg1, %mul3A_28 : i32
    %multiple_of3A_30 = tpu.assume_multiple %mul3A_29, 8 : i32
    "tpu.region"() ({
      %run_scoped3A = tpu.sem_alloc : memref<!tpu.dma_semaphore, #tpu.memory_space<semaphore_mem>>
      %dma_start3A = arith.constant 0 : i32
      %dma_start3A_47 = tpu.memref_slice %arg9[%multiple_of3A_30, %dma_start3A] : memref<12672x128xf32, #tpu.memory_space<vmem_shared>> -> memref<792x128xf32, #tpu.memory_space<vmem_shared>>
      %dma_start3A_48 = arith.constant 0 : i32
      %dma_start3A_49 = tpu.memref_slice %arg4[%multiple_of3A_30, %dma_start3A_48] : memref<12672x128xf32, #tpu.memory_space<hbm>> -> memref<792x128xf32, #tpu.memory_space<hbm>>
      tpu.enqueue_dma source(%dma_start3A_49 : memref<792x128xf32, #tpu.memory_space<hbm>>) target(%dma_start3A_47 : memref<792x128xf32, #tpu.memory_space<vmem_shared>>) target_semaphore(%run_scoped3A : memref<!tpu.dma_semaphore, #tpu.memory_space<semaphore_mem>>)
      %dma_wait3A = arith.constant 0 : i32
      %dma_wait3A_50 = tpu.memref_slice %arg9[%multiple_of3A_30, %dma_wait3A] : memref<12672x128xf32, #tpu.memory_space<vmem_shared>> -> memref<792x128xf32, #tpu.memory_space<vmem_shared>>
      %dma_wait3A_51 = arith.constant 0 : i32
      %dma_wait3A_52 = tpu.memref_slice %arg4[%multiple_of3A_30, %dma_wait3A_51] : memref<12672x128xf32, #tpu.memory_space<hbm>> -> memref<792x128xf32, #tpu.memory_space<hbm>>
      tpu.wait_dma2 semaphore(%run_scoped3A : memref<!tpu.dma_semaphore, #tpu.memory_space<semaphore_mem>>) src(%dma_wait3A_52 : memref<792x128xf32, #tpu.memory_space<hbm>>) dst(%dma_wait3A_50 : memref<792x128xf32, #tpu.memory_space<vmem_shared>>)
      tpu.yield
    }) : () -> ()
    %barrier3A_31 = arith.constant 0 : index
    tpu.barrier barrier_id(%barrier3A_31)
    %scan3A_32 = arith.constant 0 : i32
    %scan3A_33 = arith.constant 0 : i32
    %scan3A_34 = arith.constant 625 : i32
    %scan3A_35 = arith.addi %scan3A_33, %scan3A_34 : i32
    %scan3A_36 = arith.constant 1 : i32
    scf.for %scan3A_47 = %scan3A_33 to %scan3A_35 step %scan3A_36  : i32 {
      %mul3A_48 = arith.constant 80 : i32
      %mul3A_49 = arith.muli %scan3A_47, %mul3A_48 : i32
      %add3A_50 = arith.addi %mul3A_0, %mul3A_49 : i32
      %multiple_of3A_51 = tpu.assume_multiple %add3A_50, 8 : i32
      "tpu.region"() ({
        %run_scoped3A = tpu.sem_alloc : memref<!tpu.dma_semaphore, #tpu.memory_space<semaphore_mem>>
        %dma_start3A = tpu.memref_slice %arg3[%multiple_of3A_51] : memref<800000xi32, #tpu.memory_space<hbm>> -> memref<80xi32, #tpu.memory_space<hbm>>
        %dma_start3A_138 = tpu.memref_slice %arg3[%multiple_of3A_51] : memref<800000xi32, #tpu.memory_space<hbm>> -> memref<80xi32, #tpu.memory_space<hbm>>
        tpu.enqueue_dma source(%dma_start3A_138 : memref<80xi32, #tpu.memory_space<hbm>>) target(%arg6 : memref<80xi32, #tpu.memory_space<vmem>>) target_semaphore(%run_scoped3A : memref<!tpu.dma_semaphore, #tpu.memory_space<semaphore_mem>>)
        %dma_wait3A = tpu.memref_slice %arg3[%multiple_of3A_51] : memref<800000xi32, #tpu.memory_space<hbm>> -> memref<80xi32, #tpu.memory_space<hbm>>
        %dma_wait3A_139 = tpu.memref_slice %arg3[%multiple_of3A_51] : memref<800000xi32, #tpu.memory_space<hbm>> -> memref<80xi32, #tpu.memory_space<hbm>>
        tpu.wait_dma2 semaphore(%run_scoped3A : memref<!tpu.dma_semaphore, #tpu.memory_space<semaphore_mem>>) src(%dma_wait3A_139 : memref<80xi32, #tpu.memory_space<hbm>>) dst(%arg6 : memref<80xi32, #tpu.memory_space<vmem>>)
        tpu.yield
      }) : () -> ()
      "tpu.region"() ({
        %run_scoped3A = tpu.sem_alloc : memref<!tpu.dma_semaphore, #tpu.memory_space<semaphore_mem>>
        %dma_start3A = arith.constant 0 : i32
        %dma_start3A_138 = tpu.memref_slice %arg2[%multiple_of3A_51, %dma_start3A] : memref<800000x128xf32, #tpu.memory_space<hbm>> -> memref<80x128xf32, #tpu.memory_space<hbm>>
        %dma_start3A_139 = arith.constant 0 : i32
        %dma_start3A_140 = tpu.memref_slice %arg2[%multiple_of3A_51, %dma_start3A_139] : memref<800000x128xf32, #tpu.memory_space<hbm>> -> memref<80x128xf32, #tpu.memory_space<hbm>>
        tpu.enqueue_dma source(%dma_start3A_140 : memref<80x128xf32, #tpu.memory_space<hbm>>) target(%arg8 : memref<80x128xf32, #tpu.memory_space<vmem>>) target_semaphore(%run_scoped3A : memref<!tpu.dma_semaphore, #tpu.memory_space<semaphore_mem>>)
        %dma_wait3A = arith.constant 0 : i32
        %dma_wait3A_141 = tpu.memref_slice %arg2[%multiple_of3A_51, %dma_wait3A] : memref<800000x128xf32, #tpu.memory_space<hbm>> -> memref<80x128xf32, #tpu.memory_space<hbm>>
        %dma_wait3A_142 = arith.constant 0 : i32
        %dma_wait3A_143 = tpu.memref_slice %arg2[%multiple_of3A_51, %dma_wait3A_142] : memref<800000x128xf32, #tpu.memory_space<hbm>> -> memref<80x128xf32, #tpu.memory_space<hbm>>
        tpu.wait_dma2 semaphore(%run_scoped3A : memref<!tpu.dma_semaphore, #tpu.memory_space<semaphore_mem>>) src(%dma_wait3A_143 : memref<80x128xf32, #tpu.memory_space<hbm>>) dst(%arg8 : memref<80x128xf32, #tpu.memory_space<vmem>>)
        tpu.yield
      }) : () -> ()
      %get3A = arith.constant 0 : index
      %get3A_52 = tpu.vector_load %arg6[%get3A] {strides = array<i32>} : memref<80xi32, #tpu.memory_space<vmem>>, vector<16xi32>,
      %get3A_53 = vector.shape_cast %get3A_52 : vector<16xi32> to vector<16xi32>
      %sub3A = vector.broadcast %mul3A_27 : i32 to vector<16xi32>
      %sub3A_54 = arith.subi %get3A_53, %sub3A : vector<16xi32>
      %ge3A = arith.constant 0 : i32
      %ge3A_55 = vector.broadcast %ge3A : i32 to vector<16xi32>
      %ge3A_56 = arith.cmpi sge, %sub3A_54, %ge3A_55 : vector<16xi32>
      %lt3A = arith.constant 12544 : i32
      %lt3A_57 = vector.broadcast %lt3A : i32 to vector<16xi32>
      %lt3A_58 = arith.cmpi slt, %sub3A_54, %lt3A_57 : vector<16xi32>
      %and3A = arith.andi %ge3A_56, %lt3A_58 : vector<16xi1>
      %jit3A = arith.constant 12544 : i32
      %broadcast_in_dim3A = vector.broadcast %jit3A : i32 to vector<16xi32>
      %select_n3A = arith.select %and3A, %sub3A_54, %broadcast_in_dim3A : vector<16xi1>, vector<16xi32>
      %swap3A = arith.constant 0 : index
      %swap3A_59 = tpu.vector_load %arg7[%swap3A] {strides = array<i32>} : memref<80xi32, #tpu.memory_space<vmem>>, vector<16xi32>,
      %swap3A_60 = vector.shape_cast %swap3A_59 : vector<16xi32> to vector<16xi32>
      %swap3A_61 = vector.shape_cast %select_n3A : vector<16xi32> to vector<16xi32>
      tpu.vector_store %arg7[%swap3A], %swap3A_61 {strides = array<i32>} : memref<80xi32, #tpu.memory_space<vmem>>, vector<16xi32>,
      %get3A_62 = arith.constant 16 : index
      %get3A_63 = tpu.vector_load %arg6[%get3A_62] {strides = array<i32>} : memref<80xi32, #tpu.memory_space<vmem>>, vector<16xi32>,
      %get3A_64 = vector.shape_cast %get3A_63 : vector<16xi32> to vector<16xi32>
      %sub3A_65 = vector.broadcast %mul3A_27 : i32 to vector<16xi32>
      %sub3A_66 = arith.subi %get3A_64, %sub3A_65 : vector<16xi32>
      %ge3A_67 = arith.constant 0 : i32
      %ge3A_68 = vector.broadcast %ge3A_67 : i32 to vector<16xi32>
      %ge3A_69 = arith.cmpi sge, %sub3A_66, %ge3A_68 : vector<16xi32>
      %lt3A_70 = arith.constant 12544 : i32
      %lt3A_71 = vector.broadcast %lt3A_70 : i32 to vector<16xi32>
      %lt3A_72 = arith.cmpi slt, %sub3A_66, %lt3A_71 : vector<16xi32>
      %and3A_73 = arith.andi %ge3A_69, %lt3A_72 : vector<16xi1>
      %jit3A_74 = arith.constant 12544 : i32
      %broadcast_in_dim3A_75 = vector.broadcast %jit3A_74 : i32 to vector<16xi32>
      %select_n3A_76 = arith.select %and3A_73, %sub3A_66, %broadcast_in_dim3A_75 : vector<16xi1>, vector<16xi32>
      %swap3A_77 = arith.constant 16 : index
      %swap3A_78 = tpu.vector_load %arg7[%swap3A_77] {strides = array<i32>} : memref<80xi32, #tpu.memory_space<vmem>>, vector<16xi32>,
      %swap3A_79 = vector.shape_cast %swap3A_78 : vector<16xi32> to vector<16xi32>
      %swap3A_80 = vector.shape_cast %select_n3A_76 : vector<16xi32> to vector<16xi32>
      tpu.vector_store %arg7[%swap3A_77], %swap3A_80 {strides = array<i32>} : memref<80xi32, #tpu.memory_space<vmem>>, vector<16xi32>,
      %get3A_81 = arith.constant 32 : index
      %get3A_82 = tpu.vector_load %arg6[%get3A_81] {strides = array<i32>} : memref<80xi32, #tpu.memory_space<vmem>>, vector<16xi32>,
      %get3A_83 = vector.shape_cast %get3A_82 : vector<16xi32> to vector<16xi32>
      %sub3A_84 = vector.broadcast %mul3A_27 : i32 to vector<16xi32>
      %sub3A_85 = arith.subi %get3A_83, %sub3A_84 : vector<16xi32>
      %ge3A_86 = arith.constant 0 : i32
      %ge3A_87 = vector.broadcast %ge3A_86 : i32 to vector<16xi32>
      %ge3A_88 = arith.cmpi sge, %sub3A_85, %ge3A_87 : vector<16xi32>
      %lt3A_89 = arith.constant 12544 : i32
      %lt3A_90 = vector.broadcast %lt3A_89 : i32 to vector<16xi32>
      %lt3A_91 = arith.cmpi slt, %sub3A_85, %lt3A_90 : vector<16xi32>
      %and3A_92 = arith.andi %ge3A_88, %lt3A_91 : vector<16xi1>
      %jit3A_93 = arith.constant 12544 : i32
      %broadcast_in_dim3A_94 = vector.broadcast %jit3A_93 : i32 to vector<16xi32>
      %select_n3A_95 = arith.select %and3A_92, %sub3A_85, %broadcast_in_dim3A_94 : vector<16xi1>, vector<16xi32>
      %swap3A_96 = arith.constant 32 : index
      %swap3A_97 = tpu.vector_load %arg7[%swap3A_96] {strides = array<i32>} : memref<80xi32, #tpu.memory_space<vmem>>, vector<16xi32>,
      %swap3A_98 = vector.shape_cast %swap3A_97 : vector<16xi32> to vector<16xi32>
      %swap3A_99 = vector.shape_cast %select_n3A_95 : vector<16xi32> to vector<16xi32>
      tpu.vector_store %arg7[%swap3A_96], %swap3A_99 {strides = array<i32>} : memref<80xi32, #tpu.memory_space<vmem>>, vector<16xi32>,
      %get3A_100 = arith.constant 48 : index
      %get3A_101 = tpu.vector_load %arg6[%get3A_100] {strides = array<i32>} : memref<80xi32, #tpu.memory_space<vmem>>, vector<16xi32>,
      %get3A_102 = vector.shape_cast %get3A_101 : vector<16xi32> to vector<16xi32>
      %sub3A_103 = vector.broadcast %mul3A_27 : i32 to vector<16xi32>
      %sub3A_104 = arith.subi %get3A_102, %sub3A_103 : vector<16xi32>
      %ge3A_105 = arith.constant 0 : i32
      %ge3A_106 = vector.broadcast %ge3A_105 : i32 to vector<16xi32>
      %ge3A_107 = arith.cmpi sge, %sub3A_104, %ge3A_106 : vector<16xi32>
      %lt3A_108 = arith.constant 12544 : i32
      %lt3A_109 = vector.broadcast %lt3A_108 : i32 to vector<16xi32>
      %lt3A_110 = arith.cmpi slt, %sub3A_104, %lt3A_109 : vector<16xi32>
      %and3A_111 = arith.andi %ge3A_107, %lt3A_110 : vector<16xi1>
      %jit3A_112 = arith.constant 12544 : i32
      %broadcast_in_dim3A_113 = vector.broadcast %jit3A_112 : i32 to vector<16xi32>
      %select_n3A_114 = arith.select %and3A_111, %sub3A_104, %broadcast_in_dim3A_113 : vector<16xi1>, vector<16xi32>
      %swap3A_115 = arith.constant 48 : index
      %swap3A_116 = tpu.vector_load %arg7[%swap3A_115] {strides = array<i32>} : memref<80xi32, #tpu.memory_space<vmem>>, vector<16xi32>,
      %swap3A_117 = vector.shape_cast %swap3A_116 : vector<16xi32> to vector<16xi32>
      %swap3A_118 = vector.shape_cast %select_n3A_114 : vector<16xi32> to vector<16xi32>
      tpu.vector_store %arg7[%swap3A_115], %swap3A_118 {strides = array<i32>} : memref<80xi32, #tpu.memory_space<vmem>>, vector<16xi32>,
      %get3A_119 = arith.constant 64 : index
      %get3A_120 = tpu.vector_load %arg6[%get3A_119] {strides = array<i32>} : memref<80xi32, #tpu.memory_space<vmem>>, vector<16xi32>,
      %get3A_121 = vector.shape_cast %get3A_120 : vector<16xi32> to vector<16xi32>
      %sub3A_122 = vector.broadcast %mul3A_27 : i32 to vector<16xi32>
      %sub3A_123 = arith.subi %get3A_121, %sub3A_122 : vector<16xi32>
      %ge3A_124 = arith.constant 0 : i32
      %ge3A_125 = vector.broadcast %ge3A_124 : i32 to vector<16xi32>
      %ge3A_126 = arith.cmpi sge, %sub3A_123, %ge3A_125 : vector<16xi32>
      %lt3A_127 = arith.constant 12544 : i32
      %lt3A_128 = vector.broadcast %lt3A_127 : i32 to vector<16xi32>
      %lt3A_129 = arith.cmpi slt, %sub3A_123, %lt3A_128 : vector<16xi32>
      %and3A_130 = arith.andi %ge3A_126, %lt3A_129 : vector<16xi1>
      %jit3A_131 = arith.constant 12544 : i32
      %broadcast_in_dim3A_132 = vector.broadcast %jit3A_131 : i32 to vector<16xi32>
      %select_n3A_133 = arith.select %and3A_130, %sub3A_123, %broadcast_in_dim3A_132 : vector<16xi1>, vector<16xi32>
      %swap3A_134 = arith.constant 64 : index
      %swap3A_135 = tpu.vector_load %arg7[%swap3A_134] {strides = array<i32>} : memref<80xi32, #tpu.memory_space<vmem>>, vector<16xi32>,
      %swap3A_136 = vector.shape_cast %swap3A_135 : vector<16xi32> to vector<16xi32>
      %swap3A_137 = vector.shape_cast %select_n3A_133 : vector<16xi32> to vector<16xi32>
      tpu.vector_store %arg7[%swap3A_134], %swap3A_137 {strides = array<i32>} : memref<80xi32, #tpu.memory_space<vmem>>, vector<16xi32>,
      "tpu.region"() ({
        %run_scoped3A = tpu.sem_alloc : memref<!tpu.dma_semaphore, #tpu.memory_space<semaphore_mem>>
        %dma_start3A = arith.constant 0 : i32
        %dma_start3A_138 = arith.constant 0 : i32
        %dma_start3A_139 = tpu.memref_slice %arg9[%dma_start3A, %dma_start3A_138] : memref<12672x128xf32, #tpu.memory_space<vmem_shared>> -> memref<12672x128xf32, #tpu.memory_space<vmem_shared>>
        tpu.enqueue_indirect_dma source(%arg8 : memref<80x128xf32, #tpu.memory_space<vmem>>) target(%dma_start3A_139 : memref<12672x128xf32, #tpu.memory_space<vmem_shared>>) offsets(%arg7 : memref<80xi32, #tpu.memory_space<vmem>>) semaphore(%run_scoped3A : memref<!tpu.dma_semaphore, #tpu.memory_space<semaphore_mem>>) {add = true}
        %dma_wait3A = arith.constant 0 : i32
        %dma_wait3A_140 = arith.constant 0 : i32
        %dma_wait3A_141 = tpu.memref_slice %arg9[%dma_wait3A, %dma_wait3A_140] : memref<12672x128xf32, #tpu.memory_space<vmem_shared>> -> memref<12672x128xf32, #tpu.memory_space<vmem_shared>>
        tpu.wait_indirect_dma semaphore(%run_scoped3A : memref<!tpu.dma_semaphore, #tpu.memory_space<semaphore_mem>>) src(%arg8 : memref<80x128xf32, #tpu.memory_space<vmem>>) dst(%dma_wait3A_141 : memref<12672x128xf32, #tpu.memory_space<vmem_shared>>)
        tpu.yield
      }) : () -> ()
    }
    %scan3A_37 = arith.constant 625 : i32
    %barrier3A_38 = arith.constant 0 : index
    tpu.barrier barrier_id(%barrier3A_38)
    %mul3A_39 = arith.constant 784 : i32
    %mul3A_40 = arith.muli %arg1, %mul3A_39 : i32
    %multiple_of3A_41 = tpu.assume_multiple %mul3A_40, 8 : i32
    %mul3A_42 = arith.constant 784 : i32
    %mul3A_43 = arith.muli %arg1, %mul3A_42 : i32
    %add3A_44 = arith.addi %mul3A_27, %mul3A_43 : i32
    %multiple_of3A_45 = tpu.assume_multiple %add3A_44, 8 : i32
    "tpu.region"() ({
      %run_scoped3A = tpu.sem_alloc : memref<!tpu.dma_semaphore, #tpu.memory_space<semaphore_mem>>
      %dma_start3A = arith.constant 0 : i32
      %dma_start3A_47 = tpu.memref_slice %arg5[%multiple_of3A_45, %dma_start3A] : memref<50176x128xf32, #tpu.memory_space<hbm>> -> memref<784x128xf32, #tpu.memory_space<hbm>>
      %dma_start3A_48 = arith.constant 0 : i32
      %dma_start3A_49 = tpu.memref_slice %arg9[%multiple_of3A_41, %dma_start3A_48] : memref<12672x128xf32, #tpu.memory_space<vmem_shared>> -> memref<784x128xf32, #tpu.memory_space<vmem_shared>>
      tpu.enqueue_dma source(%dma_start3A_49 : memref<784x128xf32, #tpu.memory_space<vmem_shared>>) target(%dma_start3A_47 : memref<784x128xf32, #tpu.memory_space<hbm>>) target_semaphore(%run_scoped3A : memref<!tpu.dma_semaphore, #tpu.memory_space<semaphore_mem>>)
      %dma_wait3A = arith.constant 0 : i32
      %dma_wait3A_50 = tpu.memref_slice %arg5[%multiple_of3A_45, %dma_wait3A] : memref<50176x128xf32, #tpu.memory_space<hbm>> -> memref<784x128xf32, #tpu.memory_space<hbm>>
      %dma_wait3A_51 = arith.constant 0 : i32
      %dma_wait3A_52 = tpu.memref_slice %arg9[%multiple_of3A_41, %dma_wait3A_51] : memref<12672x128xf32, #tpu.memory_space<vmem_shared>> -> memref<784x128xf32, #tpu.memory_space<vmem_shared>>
      tpu.wait_dma2 semaphore(%run_scoped3A : memref<!tpu.dma_semaphore, #tpu.memory_space<semaphore_mem>>) src(%dma_wait3A_52 : memref<784x128xf32, #tpu.memory_space<vmem_shared>>) dst(%dma_wait3A_50 : memref<784x128xf32, #tpu.memory_space<hbm>>)
      tpu.yield
    }) : () -> ()
    %barrier3A_46 = arith.constant 0 : index
    tpu.barrier barrier_id(%barrier3A_46)
    return
  }
}

#map = affine_map<(d0, d1) -> (0, 0)>
#map1 = affine_map<(d0, d1) -> (0)>
module attributes {stable_mosaic.version = 14 : i64} {
  func.func @k(%arg0: i32, %arg1: i32, %arg2: memref<50000x128xf32, #tpu.memory_space<hbm>>, %arg3: memref<800000xi32, #tpu.memory_space<hbm>>, %arg4: memref<800000x128xf32, #tpu.memory_space<hbm>>, %arg5: memref<40xi32, #tpu.memory_space<vmem>>, %arg6: memref<40x128xf32, #tpu.memory_space<vmem>>, %arg7: memref<!tpu.dma_semaphore, #tpu.memory_space<semaphore_mem>>) attributes {dimension_semantics = [#tpu.dimension_semantics<core_parallel>, #tpu.dimension_semantics<subcore_parallel>], iteration_bounds = array<i64: 2, 16>, scalar_prefetch = 0 : i64, scratch_operands = 3 : i64, tpu.core_type = #tpu.core_type<sc_vector_subcore>, window_params = [{transform_indices = #map}, {transform_indices = #map1}, {transform_indices = #map}]} {
    %mul3A = arith.constant 2 : i32
    %mul3A_0 = arith.muli %arg1, %mul3A : i32
    %add3A = arith.addi %mul3A_0, %arg0 : i32
    %mul3A_1 = arith.constant 25000 : i32
    %mul3A_2 = arith.muli %add3A, %mul3A_1 : i32
    %scan3A = arith.constant 0 : i32
    %scan3A_3 = arith.constant 0 : i32
    %scan3A_4 = arith.constant 625 : i32
    %scan3A_5 = arith.addi %scan3A_3, %scan3A_4 : i32
    %scan3A_6 = arith.constant 1 : i32
    scf.for %scan3A_8 = %scan3A_3 to %scan3A_5 step %scan3A_6  : i32 {
      %mul3A_9 = arith.constant 40 : i32
      %mul3A_10 = arith.muli %scan3A_8, %mul3A_9 : i32
      %add3A_11 = arith.addi %mul3A_2, %mul3A_10 : i32
      %multiple_of3A = tpu.assume_multiple %add3A_11, 8 : i32
      "tpu.region"() ({
        %run_scoped3A = tpu.sem_alloc : memref<!tpu.dma_semaphore, #tpu.memory_space<semaphore_mem>>
        %dma_start3A_16 = tpu.memref_slice %arg3[%multiple_of3A] : memref<800000xi32, #tpu.memory_space<hbm>> -> memref<40xi32, #tpu.memory_space<hbm>>
        %dma_start3A_17 = tpu.memref_slice %arg3[%multiple_of3A] : memref<800000xi32, #tpu.memory_space<hbm>> -> memref<40xi32, #tpu.memory_space<hbm>>
        tpu.enqueue_dma source(%dma_start3A_17 : memref<40xi32, #tpu.memory_space<hbm>>) target(%arg5 : memref<40xi32, #tpu.memory_space<vmem>>) target_semaphore(%run_scoped3A : memref<!tpu.dma_semaphore, #tpu.memory_space<semaphore_mem>>)
        %dma_wait3A_18 = tpu.memref_slice %arg3[%multiple_of3A] : memref<800000xi32, #tpu.memory_space<hbm>> -> memref<40xi32, #tpu.memory_space<hbm>>
        %dma_wait3A_19 = tpu.memref_slice %arg3[%multiple_of3A] : memref<800000xi32, #tpu.memory_space<hbm>> -> memref<40xi32, #tpu.memory_space<hbm>>
        tpu.wait_dma2 semaphore(%run_scoped3A : memref<!tpu.dma_semaphore, #tpu.memory_space<semaphore_mem>>) src(%dma_wait3A_19 : memref<40xi32, #tpu.memory_space<hbm>>) dst(%arg5 : memref<40xi32, #tpu.memory_space<vmem>>)
        tpu.yield
      }) : () -> ()
      %dma_start3A = arith.constant 0 : i32
      %dma_start3A_12 = arith.constant 0 : i32
      %dma_start3A_13 = tpu.memref_slice %arg2[%dma_start3A, %dma_start3A_12] : memref<50000x128xf32, #tpu.memory_space<hbm>> -> memref<50000x128xf32, #tpu.memory_space<hbm>>
      tpu.enqueue_indirect_dma source(%dma_start3A_13 : memref<50000x128xf32, #tpu.memory_space<hbm>>) target(%arg6 : memref<40x128xf32, #tpu.memory_space<vmem>>) offsets(%arg5 : memref<40xi32, #tpu.memory_space<vmem>>) semaphore(%arg7 : memref<!tpu.dma_semaphore, #tpu.memory_space<semaphore_mem>>)
      %dma_wait3A = arith.constant 0 : i32
      %dma_wait3A_14 = arith.constant 0 : i32
      %dma_wait3A_15 = tpu.memref_slice %arg2[%dma_wait3A, %dma_wait3A_14] : memref<50000x128xf32, #tpu.memory_space<hbm>> -> memref<50000x128xf32, #tpu.memory_space<hbm>>
      tpu.wait_indirect_dma semaphore(%arg7 : memref<!tpu.dma_semaphore, #tpu.memory_space<semaphore_mem>>) src(%dma_wait3A_15 : memref<50000x128xf32, #tpu.memory_space<hbm>>) dst(%arg6 : memref<40x128xf32, #tpu.memory_space<vmem>>)
      "tpu.region"() ({
        %run_scoped3A = tpu.sem_alloc : memref<!tpu.dma_semaphore, #tpu.memory_space<semaphore_mem>>
        %dma_start3A_16 = arith.constant 0 : i32
        %dma_start3A_17 = tpu.memref_slice %arg4[%multiple_of3A, %dma_start3A_16] : memref<800000x128xf32, #tpu.memory_space<hbm>> -> memref<40x128xf32, #tpu.memory_space<hbm>>
        %dma_start3A_18 = arith.constant 0 : i32
        %dma_start3A_19 = tpu.memref_slice %arg4[%multiple_of3A, %dma_start3A_18] : memref<800000x128xf32, #tpu.memory_space<hbm>> -> memref<40x128xf32, #tpu.memory_space<hbm>>
        tpu.enqueue_dma source(%arg6 : memref<40x128xf32, #tpu.memory_space<vmem>>) target(%dma_start3A_19 : memref<40x128xf32, #tpu.memory_space<hbm>>) target_semaphore(%run_scoped3A : memref<!tpu.dma_semaphore, #tpu.memory_space<semaphore_mem>>)
        %dma_wait3A_20 = arith.constant 0 : i32
        %dma_wait3A_21 = tpu.memref_slice %arg4[%multiple_of3A, %dma_wait3A_20] : memref<800000x128xf32, #tpu.memory_space<hbm>> -> memref<40x128xf32, #tpu.memory_space<hbm>>
        %dma_wait3A_22 = arith.constant 0 : i32
        %dma_wait3A_23 = tpu.memref_slice %arg4[%multiple_of3A, %dma_wait3A_22] : memref<800000x128xf32, #tpu.memory_space<hbm>> -> memref<40x128xf32, #tpu.memory_space<hbm>>
        tpu.wait_dma2 semaphore(%run_scoped3A : memref<!tpu.dma_semaphore, #tpu.memory_space<semaphore_mem>>) src(%arg6 : memref<40x128xf32, #tpu.memory_space<vmem>>) dst(%dma_wait3A_23 : memref<40x128xf32, #tpu.memory_space<hbm>>)
        tpu.yield
      }) : () -> ()
    }
    %scan3A_7 = arith.constant 625 : i32
    return
  }
}

#map = affine_map<(d0, d1) -> (0, 0)>
#map1 = affine_map<(d0, d1) -> (0)>
module attributes {stable_mosaic.version = 14 : i64} {
  func.func @k(%arg0: i32, %arg1: i32, %arg2: memref<800000x128xf32, #tpu.memory_space<hbm>>, %arg3: memref<800000xi32, #tpu.memory_space<hbm>>, %arg4: memref<12672x128xf32, #tpu.memory_space<hbm>>, %arg5: memref<50176x128xf32, #tpu.memory_space<hbm>>, %arg6: memref<80xi32, #tpu.memory_space<vmem>>, %arg7: memref<80xi32, #tpu.memory_space<vmem>>, %arg8: memref<80x128xf32, #tpu.memory_space<vmem>>, %arg9: memref<12672x128xf32, #tpu.memory_space<vmem_shared>>) attributes {dimension_semantics = [#tpu.dimension_semantics<core_parallel>, #tpu.dimension_semantics<subcore_parallel>], iteration_bounds = array<i64: 2, 16>, scalar_prefetch = 0 : i64, scratch_operands = 4 : i64, tpu.core_type = #tpu.core_type<sc_vector_subcore>, window_params = [{transform_indices = #map}, {transform_indices = #map1}, {transform_indices = #map}, {transform_indices = #map}]} {
    %mul3A = arith.constant 50000 : i32
    %mul3A_0 = arith.muli %arg1, %mul3A : i32
    %mul3A_1 = arith.constant 2 : i32
    %mul3A_2 = arith.muli %mul3A_1, %arg0 : i32
    %add3A = arith.constant 0 : i32
    %add3A_3 = arith.addi %mul3A_2, %add3A : i32
    %mul3A_4 = arith.constant 12544 : i32
    %mul3A_5 = arith.muli %add3A_3, %mul3A_4 : i32
    %mul3A_6 = arith.constant 792 : i32
    %mul3A_7 = arith.muli %arg1, %mul3A_6 : i32
    %multiple_of3A = tpu.assume_multiple %mul3A_7, 8 : i32
    "tpu.region"() ({
      %run_scoped3A = tpu.sem_alloc : memref<!tpu.dma_semaphore, #tpu.memory_space<semaphore_mem>>
      %dma_start3A = arith.constant 0 : i32
      %dma_start3A_47 = tpu.memref_slice %arg9[%multiple_of3A, %dma_start3A] : memref<12672x128xf32, #tpu.memory_space<vmem_shared>> -> memref<792x128xf32, #tpu.memory_space<vmem_shared>>
      %dma_start3A_48 = arith.constant 0 : i32
      %dma_start3A_49 = tpu.memref_slice %arg4[%multiple_of3A, %dma_start3A_48] : memref<12672x128xf32, #tpu.memory_space<hbm>> -> memref<792x128xf32, #tpu.memory_space<hbm>>
      tpu.enqueue_dma source(%dma_start3A_49 : memref<792x128xf32, #tpu.memory_space<hbm>>) target(%dma_start3A_47 : memref<792x128xf32, #tpu.memory_space<vmem_shared>>) target_semaphore(%run_scoped3A : memref<!tpu.dma_semaphore, #tpu.memory_space<semaphore_mem>>)
      %dma_wait3A = arith.constant 0 : i32
      %dma_wait3A_50 = tpu.memref_slice %arg9[%multiple_of3A, %dma_wait3A] : memref<12672x128xf32, #tpu.memory_space<vmem_shared>> -> memref<792x128xf32, #tpu.memory_space<vmem_shared>>
      %dma_wait3A_51 = arith.constant 0 : i32
      %dma_wait3A_52 = tpu.memref_slice %arg4[%multiple_of3A, %dma_wait3A_51] : memref<12672x128xf32, #tpu.memory_space<hbm>> -> memref<792x128xf32, #tpu.memory_space<hbm>>
      tpu.wait_dma2 semaphore(%run_scoped3A : memref<!tpu.dma_semaphore, #tpu.memory_space<semaphore_mem>>) src(%dma_wait3A_52 : memref<792x128xf32, #tpu.memory_space<hbm>>) dst(%dma_wait3A_50 : memref<792x128xf32, #tpu.memory_space<vmem_shared>>)
      tpu.yield
    }) : () -> ()
    %barrier3A = arith.constant 0 : index
    tpu.barrier barrier_id(%barrier3A)
    %scan3A = arith.constant 0 : i32
    %scan3A_8 = arith.constant 0 : i32
    %scan3A_9 = arith.constant 625 : i32
    %scan3A_10 = arith.addi %scan3A_8, %scan3A_9 : i32
    %scan3A_11 = arith.constant 1 : i32
    scf.for %scan3A_47 = %scan3A_8 to %scan3A_10 step %scan3A_11  : i32 {
      %mul3A_48 = arith.constant 80 : i32
      %mul3A_49 = arith.muli %scan3A_47, %mul3A_48 : i32
      %add3A_50 = arith.addi %mul3A_0, %mul3A_49 : i32
      %multiple_of3A_51 = tpu.assume_multiple %add3A_50, 8 : i32
      "tpu.region"() ({
        %run_scoped3A = tpu.sem_alloc : memref<!tpu.dma_semaphore, #tpu.memory_space<semaphore_mem>>
        %dma_start3A = tpu.memref_slice %arg3[%multiple_of3A_51] : memref<800000xi32, #tpu.memory_space<hbm>> -> memref<80xi32, #tpu.memory_space<hbm>>
        %dma_start3A_138 = tpu.memref_slice %arg3[%multiple_of3A_51] : memref<800000xi32, #tpu.memory_space<hbm>> -> memref<80xi32, #tpu.memory_space<hbm>>
        tpu.enqueue_dma source(%dma_start3A_138 : memref<80xi32, #tpu.memory_space<hbm>>) target(%arg6 : memref<80xi32, #tpu.memory_space<vmem>>) target_semaphore(%run_scoped3A : memref<!tpu.dma_semaphore, #tpu.memory_space<semaphore_mem>>)
        %dma_wait3A = tpu.memref_slice %arg3[%multiple_of3A_51] : memref<800000xi32, #tpu.memory_space<hbm>> -> memref<80xi32, #tpu.memory_space<hbm>>
        %dma_wait3A_139 = tpu.memref_slice %arg3[%multiple_of3A_51] : memref<800000xi32, #tpu.memory_space<hbm>> -> memref<80xi32, #tpu.memory_space<hbm>>
        tpu.wait_dma2 semaphore(%run_scoped3A : memref<!tpu.dma_semaphore, #tpu.memory_space<semaphore_mem>>) src(%dma_wait3A_139 : memref<80xi32, #tpu.memory_space<hbm>>) dst(%arg6 : memref<80xi32, #tpu.memory_space<vmem>>)
        tpu.yield
      }) : () -> ()
      "tpu.region"() ({
        %run_scoped3A = tpu.sem_alloc : memref<!tpu.dma_semaphore, #tpu.memory_space<semaphore_mem>>
        %dma_start3A = arith.constant 0 : i32
        %dma_start3A_138 = tpu.memref_slice %arg2[%multiple_of3A_51, %dma_start3A] : memref<800000x128xf32, #tpu.memory_space<hbm>> -> memref<80x128xf32, #tpu.memory_space<hbm>>
        %dma_start3A_139 = arith.constant 0 : i32
        %dma_start3A_140 = tpu.memref_slice %arg2[%multiple_of3A_51, %dma_start3A_139] : memref<800000x128xf32, #tpu.memory_space<hbm>> -> memref<80x128xf32, #tpu.memory_space<hbm>>
        tpu.enqueue_dma source(%dma_start3A_140 : memref<80x128xf32, #tpu.memory_space<hbm>>) target(%arg8 : memref<80x128xf32, #tpu.memory_space<vmem>>) target_semaphore(%run_scoped3A : memref<!tpu.dma_semaphore, #tpu.memory_space<semaphore_mem>>)
        %dma_wait3A = arith.constant 0 : i32
        %dma_wait3A_141 = tpu.memref_slice %arg2[%multiple_of3A_51, %dma_wait3A] : memref<800000x128xf32, #tpu.memory_space<hbm>> -> memref<80x128xf32, #tpu.memory_space<hbm>>
        %dma_wait3A_142 = arith.constant 0 : i32
        %dma_wait3A_143 = tpu.memref_slice %arg2[%multiple_of3A_51, %dma_wait3A_142] : memref<800000x128xf32, #tpu.memory_space<hbm>> -> memref<80x128xf32, #tpu.memory_space<hbm>>
        tpu.wait_dma2 semaphore(%run_scoped3A : memref<!tpu.dma_semaphore, #tpu.memory_space<semaphore_mem>>) src(%dma_wait3A_143 : memref<80x128xf32, #tpu.memory_space<hbm>>) dst(%arg8 : memref<80x128xf32, #tpu.memory_space<vmem>>)
        tpu.yield
      }) : () -> ()
      %get3A = arith.constant 0 : index
      %get3A_52 = tpu.vector_load %arg6[%get3A] {strides = array<i32>} : memref<80xi32, #tpu.memory_space<vmem>>, vector<16xi32>,
      %get3A_53 = vector.shape_cast %get3A_52 : vector<16xi32> to vector<16xi32>
      %sub3A = vector.broadcast %mul3A_5 : i32 to vector<16xi32>
      %sub3A_54 = arith.subi %get3A_53, %sub3A : vector<16xi32>
      %ge3A = arith.constant 0 : i32
      %ge3A_55 = vector.broadcast %ge3A : i32 to vector<16xi32>
      %ge3A_56 = arith.cmpi sge, %sub3A_54, %ge3A_55 : vector<16xi32>
      %lt3A = arith.constant 12544 : i32
      %lt3A_57 = vector.broadcast %lt3A : i32 to vector<16xi32>
      %lt3A_58 = arith.cmpi slt, %sub3A_54, %lt3A_57 : vector<16xi32>
      %and3A = arith.andi %ge3A_56, %lt3A_58 : vector<16xi1>
      %jit3A = arith.constant 12544 : i32
      %broadcast_in_dim3A = vector.broadcast %jit3A : i32 to vector<16xi32>
      %select_n3A = arith.select %and3A, %sub3A_54, %broadcast_in_dim3A : vector<16xi1>, vector<16xi32>
      %swap3A = arith.constant 0 : index
      %swap3A_59 = tpu.vector_load %arg7[%swap3A] {strides = array<i32>} : memref<80xi32, #tpu.memory_space<vmem>>, vector<16xi32>,
      %swap3A_60 = vector.shape_cast %swap3A_59 : vector<16xi32> to vector<16xi32>
      %swap3A_61 = vector.shape_cast %select_n3A : vector<16xi32> to vector<16xi32>
      tpu.vector_store %arg7[%swap3A], %swap3A_61 {strides = array<i32>} : memref<80xi32, #tpu.memory_space<vmem>>, vector<16xi32>,
      %get3A_62 = arith.constant 16 : index
      %get3A_63 = tpu.vector_load %arg6[%get3A_62] {strides = array<i32>} : memref<80xi32, #tpu.memory_space<vmem>>, vector<16xi32>,
      %get3A_64 = vector.shape_cast %get3A_63 : vector<16xi32> to vector<16xi32>
      %sub3A_65 = vector.broadcast %mul3A_5 : i32 to vector<16xi32>
      %sub3A_66 = arith.subi %get3A_64, %sub3A_65 : vector<16xi32>
      %ge3A_67 = arith.constant 0 : i32
      %ge3A_68 = vector.broadcast %ge3A_67 : i32 to vector<16xi32>
      %ge3A_69 = arith.cmpi sge, %sub3A_66, %ge3A_68 : vector<16xi32>
      %lt3A_70 = arith.constant 12544 : i32
      %lt3A_71 = vector.broadcast %lt3A_70 : i32 to vector<16xi32>
      %lt3A_72 = arith.cmpi slt, %sub3A_66, %lt3A_71 : vector<16xi32>
      %and3A_73 = arith.andi %ge3A_69, %lt3A_72 : vector<16xi1>
      %jit3A_74 = arith.constant 12544 : i32
      %broadcast_in_dim3A_75 = vector.broadcast %jit3A_74 : i32 to vector<16xi32>
      %select_n3A_76 = arith.select %and3A_73, %sub3A_66, %broadcast_in_dim3A_75 : vector<16xi1>, vector<16xi32>
      %swap3A_77 = arith.constant 16 : index
      %swap3A_78 = tpu.vector_load %arg7[%swap3A_77] {strides = array<i32>} : memref<80xi32, #tpu.memory_space<vmem>>, vector<16xi32>,
      %swap3A_79 = vector.shape_cast %swap3A_78 : vector<16xi32> to vector<16xi32>
      %swap3A_80 = vector.shape_cast %select_n3A_76 : vector<16xi32> to vector<16xi32>
      tpu.vector_store %arg7[%swap3A_77], %swap3A_80 {strides = array<i32>} : memref<80xi32, #tpu.memory_space<vmem>>, vector<16xi32>,
      %get3A_81 = arith.constant 32 : index
      %get3A_82 = tpu.vector_load %arg6[%get3A_81] {strides = array<i32>} : memref<80xi32, #tpu.memory_space<vmem>>, vector<16xi32>,
      %get3A_83 = vector.shape_cast %get3A_82 : vector<16xi32> to vector<16xi32>
      %sub3A_84 = vector.broadcast %mul3A_5 : i32 to vector<16xi32>
      %sub3A_85 = arith.subi %get3A_83, %sub3A_84 : vector<16xi32>
      %ge3A_86 = arith.constant 0 : i32
      %ge3A_87 = vector.broadcast %ge3A_86 : i32 to vector<16xi32>
      %ge3A_88 = arith.cmpi sge, %sub3A_85, %ge3A_87 : vector<16xi32>
      %lt3A_89 = arith.constant 12544 : i32
      %lt3A_90 = vector.broadcast %lt3A_89 : i32 to vector<16xi32>
      %lt3A_91 = arith.cmpi slt, %sub3A_85, %lt3A_90 : vector<16xi32>
      %and3A_92 = arith.andi %ge3A_88, %lt3A_91 : vector<16xi1>
      %jit3A_93 = arith.constant 12544 : i32
      %broadcast_in_dim3A_94 = vector.broadcast %jit3A_93 : i32 to vector<16xi32>
      %select_n3A_95 = arith.select %and3A_92, %sub3A_85, %broadcast_in_dim3A_94 : vector<16xi1>, vector<16xi32>
      %swap3A_96 = arith.constant 32 : index
      %swap3A_97 = tpu.vector_load %arg7[%swap3A_96] {strides = array<i32>} : memref<80xi32, #tpu.memory_space<vmem>>, vector<16xi32>,
      %swap3A_98 = vector.shape_cast %swap3A_97 : vector<16xi32> to vector<16xi32>
      %swap3A_99 = vector.shape_cast %select_n3A_95 : vector<16xi32> to vector<16xi32>
      tpu.vector_store %arg7[%swap3A_96], %swap3A_99 {strides = array<i32>} : memref<80xi32, #tpu.memory_space<vmem>>, vector<16xi32>,
      %get3A_100 = arith.constant 48 : index
      %get3A_101 = tpu.vector_load %arg6[%get3A_100] {strides = array<i32>} : memref<80xi32, #tpu.memory_space<vmem>>, vector<16xi32>,
      %get3A_102 = vector.shape_cast %get3A_101 : vector<16xi32> to vector<16xi32>
      %sub3A_103 = vector.broadcast %mul3A_5 : i32 to vector<16xi32>
      %sub3A_104 = arith.subi %get3A_102, %sub3A_103 : vector<16xi32>
      %ge3A_105 = arith.constant 0 : i32
      %ge3A_106 = vector.broadcast %ge3A_105 : i32 to vector<16xi32>
      %ge3A_107 = arith.cmpi sge, %sub3A_104, %ge3A_106 : vector<16xi32>
      %lt3A_108 = arith.constant 12544 : i32
      %lt3A_109 = vector.broadcast %lt3A_108 : i32 to vector<16xi32>
      %lt3A_110 = arith.cmpi slt, %sub3A_104, %lt3A_109 : vector<16xi32>
      %and3A_111 = arith.andi %ge3A_107, %lt3A_110 : vector<16xi1>
      %jit3A_112 = arith.constant 12544 : i32
      %broadcast_in_dim3A_113 = vector.broadcast %jit3A_112 : i32 to vector<16xi32>
      %select_n3A_114 = arith.select %and3A_111, %sub3A_104, %broadcast_in_dim3A_113 : vector<16xi1>, vector<16xi32>
      %swap3A_115 = arith.constant 48 : index
      %swap3A_116 = tpu.vector_load %arg7[%swap3A_115] {strides = array<i32>} : memref<80xi32, #tpu.memory_space<vmem>>, vector<16xi32>,
      %swap3A_117 = vector.shape_cast %swap3A_116 : vector<16xi32> to vector<16xi32>
      %swap3A_118 = vector.shape_cast %select_n3A_114 : vector<16xi32> to vector<16xi32>
      tpu.vector_store %arg7[%swap3A_115], %swap3A_118 {strides = array<i32>} : memref<80xi32, #tpu.memory_space<vmem>>, vector<16xi32>,
      %get3A_119 = arith.constant 64 : index
      %get3A_120 = tpu.vector_load %arg6[%get3A_119] {strides = array<i32>} : memref<80xi32, #tpu.memory_space<vmem>>, vector<16xi32>,
      %get3A_121 = vector.shape_cast %get3A_120 : vector<16xi32> to vector<16xi32>
      %sub3A_122 = vector.broadcast %mul3A_5 : i32 to vector<16xi32>
      %sub3A_123 = arith.subi %get3A_121, %sub3A_122 : vector<16xi32>
      %ge3A_124 = arith.constant 0 : i32
      %ge3A_125 = vector.broadcast %ge3A_124 : i32 to vector<16xi32>
      %ge3A_126 = arith.cmpi sge, %sub3A_123, %ge3A_125 : vector<16xi32>
      %lt3A_127 = arith.constant 12544 : i32
      %lt3A_128 = vector.broadcast %lt3A_127 : i32 to vector<16xi32>
      %lt3A_129 = arith.cmpi slt, %sub3A_123, %lt3A_128 : vector<16xi32>
      %and3A_130 = arith.andi %ge3A_126, %lt3A_129 : vector<16xi1>
      %jit3A_131 = arith.constant 12544 : i32
      %broadcast_in_dim3A_132 = vector.broadcast %jit3A_131 : i32 to vector<16xi32>
      %select_n3A_133 = arith.select %and3A_130, %sub3A_123, %broadcast_in_dim3A_132 : vector<16xi1>, vector<16xi32>
      %swap3A_134 = arith.constant 64 : index
      %swap3A_135 = tpu.vector_load %arg7[%swap3A_134] {strides = array<i32>} : memref<80xi32, #tpu.memory_space<vmem>>, vector<16xi32>,
      %swap3A_136 = vector.shape_cast %swap3A_135 : vector<16xi32> to vector<16xi32>
      %swap3A_137 = vector.shape_cast %select_n3A_133 : vector<16xi32> to vector<16xi32>
      tpu.vector_store %arg7[%swap3A_134], %swap3A_137 {strides = array<i32>} : memref<80xi32, #tpu.memory_space<vmem>>, vector<16xi32>,
      "tpu.region"() ({
        %run_scoped3A = tpu.sem_alloc : memref<!tpu.dma_semaphore, #tpu.memory_space<semaphore_mem>>
        %dma_start3A = arith.constant 0 : i32
        %dma_start3A_138 = arith.constant 0 : i32
        %dma_start3A_139 = tpu.memref_slice %arg9[%dma_start3A, %dma_start3A_138] : memref<12672x128xf32, #tpu.memory_space<vmem_shared>> -> memref<12672x128xf32, #tpu.memory_space<vmem_shared>>
        tpu.enqueue_indirect_dma source(%arg8 : memref<80x128xf32, #tpu.memory_space<vmem>>) target(%dma_start3A_139 : memref<12672x128xf32, #tpu.memory_space<vmem_shared>>) offsets(%arg7 : memref<80xi32, #tpu.memory_space<vmem>>) semaphore(%run_scoped3A : memref<!tpu.dma_semaphore, #tpu.memory_space<semaphore_mem>>) {add = true}
        %dma_wait3A = arith.constant 0 : i32
        %dma_wait3A_140 = arith.constant 0 : i32
        %dma_wait3A_141 = tpu.memref_slice %arg9[%dma_wait3A, %dma_wait3A_140] : memref<12672x128xf32, #tpu.memory_space<vmem_shared>> -> memref<12672x128xf32, #tpu.memory_space<vmem_shared>>
        tpu.wait_indirect_dma semaphore(%run_scoped3A : memref<!tpu.dma_semaphore, #tpu.memory_space<semaphore_mem>>) src(%arg8 : memref<80x128xf32, #tpu.memory_space<vmem>>) dst(%dma_wait3A_141 : memref<12672x128xf32, #tpu.memory_space<vmem_shared>>)
        tpu.yield
      }) : () -> ()
    }
    %scan3A_12 = arith.constant 625 : i32
    %barrier3A_13 = arith.constant 0 : index
    tpu.barrier barrier_id(%barrier3A_13)
    %mul3A_14 = arith.constant 784 : i32
    %mul3A_15 = arith.muli %arg1, %mul3A_14 : i32
    %multiple_of3A_16 = tpu.assume_multiple %mul3A_15, 8 : i32
    %mul3A_17 = arith.constant 784 : i32
    %mul3A_18 = arith.muli %arg1, %mul3A_17 : i32
    %add3A_19 = arith.addi %mul3A_5, %mul3A_18 : i32
    %multiple_of3A_20 = tpu.assume_multiple %add3A_19, 8 : i32
    "tpu.region"() ({
      %run_scoped3A = tpu.sem_alloc : memref<!tpu.dma_semaphore, #tpu.memory_space<semaphore_mem>>
      %dma_start3A = arith.constant 0 : i32
      %dma_start3A_47 = tpu.memref_slice %arg5[%multiple_of3A_20, %dma_start3A] : memref<50176x128xf32, #tpu.memory_space<hbm>> -> memref<784x128xf32, #tpu.memory_space<hbm>>
      %dma_start3A_48 = arith.constant 0 : i32
      %dma_start3A_49 = tpu.memref_slice %arg9[%multiple_of3A_16, %dma_start3A_48] : memref<12672x128xf32, #tpu.memory_space<vmem_shared>> -> memref<784x128xf32, #tpu.memory_space<vmem_shared>>
      tpu.enqueue_dma source(%dma_start3A_49 : memref<784x128xf32, #tpu.memory_space<vmem_shared>>) target(%dma_start3A_47 : memref<784x128xf32, #tpu.memory_space<hbm>>) target_semaphore(%run_scoped3A : memref<!tpu.dma_semaphore, #tpu.memory_space<semaphore_mem>>)
      %dma_wait3A = arith.constant 0 : i32
      %dma_wait3A_50 = tpu.memref_slice %arg5[%multiple_of3A_20, %dma_wait3A] : memref<50176x128xf32, #tpu.memory_space<hbm>> -> memref<784x128xf32, #tpu.memory_space<hbm>>
      %dma_wait3A_51 = arith.constant 0 : i32
      %dma_wait3A_52 = tpu.memref_slice %arg9[%multiple_of3A_16, %dma_wait3A_51] : memref<12672x128xf32, #tpu.memory_space<vmem_shared>> -> memref<784x128xf32, #tpu.memory_space<vmem_shared>>
      tpu.wait_dma2 semaphore(%run_scoped3A : memref<!tpu.dma_semaphore, #tpu.memory_space<semaphore_mem>>) src(%dma_wait3A_52 : memref<784x128xf32, #tpu.memory_space<vmem_shared>>) dst(%dma_wait3A_50 : memref<784x128xf32, #tpu.memory_space<hbm>>)
      tpu.yield
    }) : () -> ()
    %barrier3A_21 = arith.constant 0 : index
    tpu.barrier barrier_id(%barrier3A_21)
    %mul3A_22 = arith.constant 2 : i32
    %mul3A_23 = arith.muli %mul3A_22, %arg0 : i32
    %add3A_24 = arith.constant 1 : i32
    %add3A_25 = arith.addi %mul3A_23, %add3A_24 : i32
    %mul3A_26 = arith.constant 12544 : i32
    %mul3A_27 = arith.muli %add3A_25, %mul3A_26 : i32
    %mul3A_28 = arith.constant 792 : i32
    %mul3A_29 = arith.muli %arg1, %mul3A_28 : i32
    %multiple_of3A_30 = tpu.assume_multiple %mul3A_29, 8 : i32
    "tpu.region"() ({
      %run_scoped3A = tpu.sem_alloc : memref<!tpu.dma_semaphore, #tpu.memory_space<semaphore_mem>>
      %dma_start3A = arith.constant 0 : i32
      %dma_start3A_47 = tpu.memref_slice %arg9[%multiple_of3A_30, %dma_start3A] : memref<12672x128xf32, #tpu.memory_space<vmem_shared>> -> memref<792x128xf32, #tpu.memory_space<vmem_shared>>
      %dma_start3A_48 = arith.constant 0 : i32
      %dma_start3A_49 = tpu.memref_slice %arg4[%multiple_of3A_30, %dma_start3A_48] : memref<12672x128xf32, #tpu.memory_space<hbm>> -> memref<792x128xf32, #tpu.memory_space<hbm>>
      tpu.enqueue_dma source(%dma_start3A_49 : memref<792x128xf32, #tpu.memory_space<hbm>>) target(%dma_start3A_47 : memref<792x128xf32, #tpu.memory_space<vmem_shared>>) target_semaphore(%run_scoped3A : memref<!tpu.dma_semaphore, #tpu.memory_space<semaphore_mem>>)
      %dma_wait3A = arith.constant 0 : i32
      %dma_wait3A_50 = tpu.memref_slice %arg9[%multiple_of3A_30, %dma_wait3A] : memref<12672x128xf32, #tpu.memory_space<vmem_shared>> -> memref<792x128xf32, #tpu.memory_space<vmem_shared>>
      %dma_wait3A_51 = arith.constant 0 : i32
      %dma_wait3A_52 = tpu.memref_slice %arg4[%multiple_of3A_30, %dma_wait3A_51] : memref<12672x128xf32, #tpu.memory_space<hbm>> -> memref<792x128xf32, #tpu.memory_space<hbm>>
      tpu.wait_dma2 semaphore(%run_scoped3A : memref<!tpu.dma_semaphore, #tpu.memory_space<semaphore_mem>>) src(%dma_wait3A_52 : memref<792x128xf32, #tpu.memory_space<hbm>>) dst(%dma_wait3A_50 : memref<792x128xf32, #tpu.memory_space<vmem_shared>>)
      tpu.yield
    }) : () -> ()
    %barrier3A_31 = arith.constant 0 : index
    tpu.barrier barrier_id(%barrier3A_31)
    %scan3A_32 = arith.constant 0 : i32
    %scan3A_33 = arith.constant 0 : i32
    %scan3A_34 = arith.constant 625 : i32
    %scan3A_35 = arith.addi %scan3A_33, %scan3A_34 : i32
    %scan3A_36 = arith.constant 1 : i32
    scf.for %scan3A_47 = %scan3A_33 to %scan3A_35 step %scan3A_36  : i32 {
      %mul3A_48 = arith.constant 80 : i32
      %mul3A_49 = arith.muli %scan3A_47, %mul3A_48 : i32
      %add3A_50 = arith.addi %mul3A_0, %mul3A_49 : i32
      %multiple_of3A_51 = tpu.assume_multiple %add3A_50, 8 : i32
      "tpu.region"() ({
        %run_scoped3A = tpu.sem_alloc : memref<!tpu.dma_semaphore, #tpu.memory_space<semaphore_mem>>
        %dma_start3A = tpu.memref_slice %arg3[%multiple_of3A_51] : memref<800000xi32, #tpu.memory_space<hbm>> -> memref<80xi32, #tpu.memory_space<hbm>>
        %dma_start3A_138 = tpu.memref_slice %arg3[%multiple_of3A_51] : memref<800000xi32, #tpu.memory_space<hbm>> -> memref<80xi32, #tpu.memory_space<hbm>>
        tpu.enqueue_dma source(%dma_start3A_138 : memref<80xi32, #tpu.memory_space<hbm>>) target(%arg6 : memref<80xi32, #tpu.memory_space<vmem>>) target_semaphore(%run_scoped3A : memref<!tpu.dma_semaphore, #tpu.memory_space<semaphore_mem>>)
        %dma_wait3A = tpu.memref_slice %arg3[%multiple_of3A_51] : memref<800000xi32, #tpu.memory_space<hbm>> -> memref<80xi32, #tpu.memory_space<hbm>>
        %dma_wait3A_139 = tpu.memref_slice %arg3[%multiple_of3A_51] : memref<800000xi32, #tpu.memory_space<hbm>> -> memref<80xi32, #tpu.memory_space<hbm>>
        tpu.wait_dma2 semaphore(%run_scoped3A : memref<!tpu.dma_semaphore, #tpu.memory_space<semaphore_mem>>) src(%dma_wait3A_139 : memref<80xi32, #tpu.memory_space<hbm>>) dst(%arg6 : memref<80xi32, #tpu.memory_space<vmem>>)
        tpu.yield
      }) : () -> ()
      "tpu.region"() ({
        %run_scoped3A = tpu.sem_alloc : memref<!tpu.dma_semaphore, #tpu.memory_space<semaphore_mem>>
        %dma_start3A = arith.constant 0 : i32
        %dma_start3A_138 = tpu.memref_slice %arg2[%multiple_of3A_51, %dma_start3A] : memref<800000x128xf32, #tpu.memory_space<hbm>> -> memref<80x128xf32, #tpu.memory_space<hbm>>
        %dma_start3A_139 = arith.constant 0 : i32
        %dma_start3A_140 = tpu.memref_slice %arg2[%multiple_of3A_51, %dma_start3A_139] : memref<800000x128xf32, #tpu.memory_space<hbm>> -> memref<80x128xf32, #tpu.memory_space<hbm>>
        tpu.enqueue_dma source(%dma_start3A_140 : memref<80x128xf32, #tpu.memory_space<hbm>>) target(%arg8 : memref<80x128xf32, #tpu.memory_space<vmem>>) target_semaphore(%run_scoped3A : memref<!tpu.dma_semaphore, #tpu.memory_space<semaphore_mem>>)
        %dma_wait3A = arith.constant 0 : i32
        %dma_wait3A_141 = tpu.memref_slice %arg2[%multiple_of3A_51, %dma_wait3A] : memref<800000x128xf32, #tpu.memory_space<hbm>> -> memref<80x128xf32, #tpu.memory_space<hbm>>
        %dma_wait3A_142 = arith.constant 0 : i32
        %dma_wait3A_143 = tpu.memref_slice %arg2[%multiple_of3A_51, %dma_wait3A_142] : memref<800000x128xf32, #tpu.memory_space<hbm>> -> memref<80x128xf32, #tpu.memory_space<hbm>>
        tpu.wait_dma2 semaphore(%run_scoped3A : memref<!tpu.dma_semaphore, #tpu.memory_space<semaphore_mem>>) src(%dma_wait3A_143 : memref<80x128xf32, #tpu.memory_space<hbm>>) dst(%arg8 : memref<80x128xf32, #tpu.memory_space<vmem>>)
        tpu.yield
      }) : () -> ()
      %get3A = arith.constant 0 : index
      %get3A_52 = tpu.vector_load %arg6[%get3A] {strides = array<i32>} : memref<80xi32, #tpu.memory_space<vmem>>, vector<16xi32>,
      %get3A_53 = vector.shape_cast %get3A_52 : vector<16xi32> to vector<16xi32>
      %sub3A = vector.broadcast %mul3A_27 : i32 to vector<16xi32>
      %sub3A_54 = arith.subi %get3A_53, %sub3A : vector<16xi32>
      %ge3A = arith.constant 0 : i32
      %ge3A_55 = vector.broadcast %ge3A : i32 to vector<16xi32>
      %ge3A_56 = arith.cmpi sge, %sub3A_54, %ge3A_55 : vector<16xi32>
      %lt3A = arith.constant 12544 : i32
      %lt3A_57 = vector.broadcast %lt3A : i32 to vector<16xi32>
      %lt3A_58 = arith.cmpi slt, %sub3A_54, %lt3A_57 : vector<16xi32>
      %and3A = arith.andi %ge3A_56, %lt3A_58 : vector<16xi1>
      %jit3A = arith.constant 12544 : i32
      %broadcast_in_dim3A = vector.broadcast %jit3A : i32 to vector<16xi32>
      %select_n3A = arith.select %and3A, %sub3A_54, %broadcast_in_dim3A : vector<16xi1>, vector<16xi32>
      %swap3A = arith.constant 0 : index
      %swap3A_59 = tpu.vector_load %arg7[%swap3A] {strides = array<i32>} : memref<80xi32, #tpu.memory_space<vmem>>, vector<16xi32>,
      %swap3A_60 = vector.shape_cast %swap3A_59 : vector<16xi32> to vector<16xi32>
      %swap3A_61 = vector.shape_cast %select_n3A : vector<16xi32> to vector<16xi32>
      tpu.vector_store %arg7[%swap3A], %swap3A_61 {strides = array<i32>} : memref<80xi32, #tpu.memory_space<vmem>>, vector<16xi32>,
      %get3A_62 = arith.constant 16 : index
      %get3A_63 = tpu.vector_load %arg6[%get3A_62] {strides = array<i32>} : memref<80xi32, #tpu.memory_space<vmem>>, vector<16xi32>,
      %get3A_64 = vector.shape_cast %get3A_63 : vector<16xi32> to vector<16xi32>
      %sub3A_65 = vector.broadcast %mul3A_27 : i32 to vector<16xi32>
      %sub3A_66 = arith.subi %get3A_64, %sub3A_65 : vector<16xi32>
      %ge3A_67 = arith.constant 0 : i32
      %ge3A_68 = vector.broadcast %ge3A_67 : i32 to vector<16xi32>
      %ge3A_69 = arith.cmpi sge, %sub3A_66, %ge3A_68 : vector<16xi32>
      %lt3A_70 = arith.constant 12544 : i32
      %lt3A_71 = vector.broadcast %lt3A_70 : i32 to vector<16xi32>
      %lt3A_72 = arith.cmpi slt, %sub3A_66, %lt3A_71 : vector<16xi32>
      %and3A_73 = arith.andi %ge3A_69, %lt3A_72 : vector<16xi1>
      %jit3A_74 = arith.constant 12544 : i32
      %broadcast_in_dim3A_75 = vector.broadcast %jit3A_74 : i32 to vector<16xi32>
      %select_n3A_76 = arith.select %and3A_73, %sub3A_66, %broadcast_in_dim3A_75 : vector<16xi1>, vector<16xi32>
      %swap3A_77 = arith.constant 16 : index
      %swap3A_78 = tpu.vector_load %arg7[%swap3A_77] {strides = array<i32>} : memref<80xi32, #tpu.memory_space<vmem>>, vector<16xi32>,
      %swap3A_79 = vector.shape_cast %swap3A_78 : vector<16xi32> to vector<16xi32>
      %swap3A_80 = vector.shape_cast %select_n3A_76 : vector<16xi32> to vector<16xi32>
      tpu.vector_store %arg7[%swap3A_77], %swap3A_80 {strides = array<i32>} : memref<80xi32, #tpu.memory_space<vmem>>, vector<16xi32>,
      %get3A_81 = arith.constant 32 : index
      %get3A_82 = tpu.vector_load %arg6[%get3A_81] {strides = array<i32>} : memref<80xi32, #tpu.memory_space<vmem>>, vector<16xi32>,
      %get3A_83 = vector.shape_cast %get3A_82 : vector<16xi32> to vector<16xi32>
      %sub3A_84 = vector.broadcast %mul3A_27 : i32 to vector<16xi32>
      %sub3A_85 = arith.subi %get3A_83, %sub3A_84 : vector<16xi32>
      %ge3A_86 = arith.constant 0 : i32
      %ge3A_87 = vector.broadcast %ge3A_86 : i32 to vector<16xi32>
      %ge3A_88 = arith.cmpi sge, %sub3A_85, %ge3A_87 : vector<16xi32>
      %lt3A_89 = arith.constant 12544 : i32
      %lt3A_90 = vector.broadcast %lt3A_89 : i32 to vector<16xi32>
      %lt3A_91 = arith.cmpi slt, %sub3A_85, %lt3A_90 : vector<16xi32>
      %and3A_92 = arith.andi %ge3A_88, %lt3A_91 : vector<16xi1>
      %jit3A_93 = arith.constant 12544 : i32
      %broadcast_in_dim3A_94 = vector.broadcast %jit3A_93 : i32 to vector<16xi32>
      %select_n3A_95 = arith.select %and3A_92, %sub3A_85, %broadcast_in_dim3A_94 : vector<16xi1>, vector<16xi32>
      %swap3A_96 = arith.constant 32 : index
      %swap3A_97 = tpu.vector_load %arg7[%swap3A_96] {strides = array<i32>} : memref<80xi32, #tpu.memory_space<vmem>>, vector<16xi32>,
      %swap3A_98 = vector.shape_cast %swap3A_97 : vector<16xi32> to vector<16xi32>
      %swap3A_99 = vector.shape_cast %select_n3A_95 : vector<16xi32> to vector<16xi32>
      tpu.vector_store %arg7[%swap3A_96], %swap3A_99 {strides = array<i32>} : memref<80xi32, #tpu.memory_space<vmem>>, vector<16xi32>,
      %get3A_100 = arith.constant 48 : index
      %get3A_101 = tpu.vector_load %arg6[%get3A_100] {strides = array<i32>} : memref<80xi32, #tpu.memory_space<vmem>>, vector<16xi32>,
      %get3A_102 = vector.shape_cast %get3A_101 : vector<16xi32> to vector<16xi32>
      %sub3A_103 = vector.broadcast %mul3A_27 : i32 to vector<16xi32>
      %sub3A_104 = arith.subi %get3A_102, %sub3A_103 : vector<16xi32>
      %ge3A_105 = arith.constant 0 : i32
      %ge3A_106 = vector.broadcast %ge3A_105 : i32 to vector<16xi32>
      %ge3A_107 = arith.cmpi sge, %sub3A_104, %ge3A_106 : vector<16xi32>
      %lt3A_108 = arith.constant 12544 : i32
      %lt3A_109 = vector.broadcast %lt3A_108 : i32 to vector<16xi32>
      %lt3A_110 = arith.cmpi slt, %sub3A_104, %lt3A_109 : vector<16xi32>
      %and3A_111 = arith.andi %ge3A_107, %lt3A_110 : vector<16xi1>
      %jit3A_112 = arith.constant 12544 : i32
      %broadcast_in_dim3A_113 = vector.broadcast %jit3A_112 : i32 to vector<16xi32>
      %select_n3A_114 = arith.select %and3A_111, %sub3A_104, %broadcast_in_dim3A_113 : vector<16xi1>, vector<16xi32>
      %swap3A_115 = arith.constant 48 : index
      %swap3A_116 = tpu.vector_load %arg7[%swap3A_115] {strides = array<i32>} : memref<80xi32, #tpu.memory_space<vmem>>, vector<16xi32>,
      %swap3A_117 = vector.shape_cast %swap3A_116 : vector<16xi32> to vector<16xi32>
      %swap3A_118 = vector.shape_cast %select_n3A_114 : vector<16xi32> to vector<16xi32>
      tpu.vector_store %arg7[%swap3A_115], %swap3A_118 {strides = array<i32>} : memref<80xi32, #tpu.memory_space<vmem>>, vector<16xi32>,
      %get3A_119 = arith.constant 64 : index
      %get3A_120 = tpu.vector_load %arg6[%get3A_119] {strides = array<i32>} : memref<80xi32, #tpu.memory_space<vmem>>, vector<16xi32>,
      %get3A_121 = vector.shape_cast %get3A_120 : vector<16xi32> to vector<16xi32>
      %sub3A_122 = vector.broadcast %mul3A_27 : i32 to vector<16xi32>
      %sub3A_123 = arith.subi %get3A_121, %sub3A_122 : vector<16xi32>
      %ge3A_124 = arith.constant 0 : i32
      %ge3A_125 = vector.broadcast %ge3A_124 : i32 to vector<16xi32>
      %ge3A_126 = arith.cmpi sge, %sub3A_123, %ge3A_125 : vector<16xi32>
      %lt3A_127 = arith.constant 12544 : i32
      %lt3A_128 = vector.broadcast %lt3A_127 : i32 to vector<16xi32>
      %lt3A_129 = arith.cmpi slt, %sub3A_123, %lt3A_128 : vector<16xi32>
      %and3A_130 = arith.andi %ge3A_126, %lt3A_129 : vector<16xi1>
      %jit3A_131 = arith.constant 12544 : i32
      %broadcast_in_dim3A_132 = vector.broadcast %jit3A_131 : i32 to vector<16xi32>
      %select_n3A_133 = arith.select %and3A_130, %sub3A_123, %broadcast_in_dim3A_132 : vector<16xi1>, vector<16xi32>
      %swap3A_134 = arith.constant 64 : index
      %swap3A_135 = tpu.vector_load %arg7[%swap3A_134] {strides = array<i32>} : memref<80xi32, #tpu.memory_space<vmem>>, vector<16xi32>,
      %swap3A_136 = vector.shape_cast %swap3A_135 : vector<16xi32> to vector<16xi32>
      %swap3A_137 = vector.shape_cast %select_n3A_133 : vector<16xi32> to vector<16xi32>
      tpu.vector_store %arg7[%swap3A_134], %swap3A_137 {strides = array<i32>} : memref<80xi32, #tpu.memory_space<vmem>>, vector<16xi32>,
      "tpu.region"() ({
        %run_scoped3A = tpu.sem_alloc : memref<!tpu.dma_semaphore, #tpu.memory_space<semaphore_mem>>
        %dma_start3A = arith.constant 0 : i32
        %dma_start3A_138 = arith.constant 0 : i32
        %dma_start3A_139 = tpu.memref_slice %arg9[%dma_start3A, %dma_start3A_138] : memref<12672x128xf32, #tpu.memory_space<vmem_shared>> -> memref<12672x128xf32, #tpu.memory_space<vmem_shared>>
        tpu.enqueue_indirect_dma source(%arg8 : memref<80x128xf32, #tpu.memory_space<vmem>>) target(%dma_start3A_139 : memref<12672x128xf32, #tpu.memory_space<vmem_shared>>) offsets(%arg7 : memref<80xi32, #tpu.memory_space<vmem>>) semaphore(%run_scoped3A : memref<!tpu.dma_semaphore, #tpu.memory_space<semaphore_mem>>) {add = true}
        %dma_wait3A = arith.constant 0 : i32
        %dma_wait3A_140 = arith.constant 0 : i32
        %dma_wait3A_141 = tpu.memref_slice %arg9[%dma_wait3A, %dma_wait3A_140] : memref<12672x128xf32, #tpu.memory_space<vmem_shared>> -> memref<12672x128xf32, #tpu.memory_space<vmem_shared>>
        tpu.wait_indirect_dma semaphore(%run_scoped3A : memref<!tpu.dma_semaphore, #tpu.memory_space<semaphore_mem>>) src(%arg8 : memref<80x128xf32, #tpu.memory_space<vmem>>) dst(%dma_wait3A_141 : memref<12672x128xf32, #tpu.memory_space<vmem_shared>>)
        tpu.yield
      }) : () -> ()
    }
    %scan3A_37 = arith.constant 625 : i32
    %barrier3A_38 = arith.constant 0 : index
    tpu.barrier barrier_id(%barrier3A_38)
    %mul3A_39 = arith.constant 784 : i32
    %mul3A_40 = arith.muli %arg1, %mul3A_39 : i32
    %multiple_of3A_41 = tpu.assume_multiple %mul3A_40, 8 : i32
    %mul3A_42 = arith.constant 784 : i32
    %mul3A_43 = arith.muli %arg1, %mul3A_42 : i32
    %add3A_44 = arith.addi %mul3A_27, %mul3A_43 : i32
    %multiple_of3A_45 = tpu.assume_multiple %add3A_44, 8 : i32
    "tpu.region"() ({
      %run_scoped3A = tpu.sem_alloc : memref<!tpu.dma_semaphore, #tpu.memory_space<semaphore_mem>>
      %dma_start3A = arith.constant 0 : i32
      %dma_start3A_47 = tpu.memref_slice %arg5[%multiple_of3A_45, %dma_start3A] : memref<50176x128xf32, #tpu.memory_space<hbm>> -> memref<784x128xf32, #tpu.memory_space<hbm>>
      %dma_start3A_48 = arith.constant 0 : i32
      %dma_start3A_49 = tpu.memref_slice %arg9[%multiple_of3A_41, %dma_start3A_48] : memref<12672x128xf32, #tpu.memory_space<vmem_shared>> -> memref<784x128xf32, #tpu.memory_space<vmem_shared>>
      tpu.enqueue_dma source(%dma_start3A_49 : memref<784x128xf32, #tpu.memory_space<vmem_shared>>) target(%dma_start3A_47 : memref<784x128xf32, #tpu.memory_space<hbm>>) target_semaphore(%run_scoped3A : memref<!tpu.dma_semaphore, #tpu.memory_space<semaphore_mem>>)
      %dma_wait3A = arith.constant 0 : i32
      %dma_wait3A_50 = tpu.memref_slice %arg5[%multiple_of3A_45, %dma_wait3A] : memref<50176x128xf32, #tpu.memory_space<hbm>> -> memref<784x128xf32, #tpu.memory_space<hbm>>
      %dma_wait3A_51 = arith.constant 0 : i32
      %dma_wait3A_52 = tpu.memref_slice %arg9[%multiple_of3A_41, %dma_wait3A_51] : memref<12672x128xf32, #tpu.memory_space<vmem_shared>> -> memref<784x128xf32, #tpu.memory_space<vmem_shared>>
      tpu.wait_dma2 semaphore(%run_scoped3A : memref<!tpu.dma_semaphore, #tpu.memory_space<semaphore_mem>>) src(%dma_wait3A_52 : memref<784x128xf32, #tpu.memory_space<vmem_shared>>) dst(%dma_wait3A_50 : memref<784x128xf32, #tpu.memory_space<hbm>>)
      tpu.yield
    }) : () -> ()
    %barrier3A_46 = arith.constant 0 : index
    tpu.barrier barrier_id(%barrier3A_46)
    return
  }
}

#map = affine_map<(d0, d1) -> (0, 0)>
#map1 = affine_map<(d0, d1) -> (0)>
module attributes {stable_mosaic.version = 14 : i64} {
  func.func @k(%arg0: i32, %arg1: i32, %arg2: memref<50001x128xf32, #tpu.memory_space<hbm>>, %arg3: memref<51200xi32, #tpu.memory_space<hbm>>, %arg4: memref<51200x128xf32, #tpu.memory_space<hbm>>, %arg5: memref<40xi32, #tpu.memory_space<vmem>>, %arg6: memref<40x128xf32, #tpu.memory_space<vmem>>, %arg7: memref<!tpu.dma_semaphore, #tpu.memory_space<semaphore_mem>>) attributes {dimension_semantics = [#tpu.dimension_semantics<core_parallel>, #tpu.dimension_semantics<subcore_parallel>], iteration_bounds = array<i64: 2, 16>, scalar_prefetch = 0 : i64, scratch_operands = 3 : i64, tpu.core_type = #tpu.core_type<sc_vector_subcore>, window_params = [{transform_indices = #map}, {transform_indices = #map1}, {transform_indices = #map}]} {
    %mul3A = arith.constant 2 : i32
    %mul3A_0 = arith.muli %arg1, %mul3A : i32
    %add3A = arith.addi %mul3A_0, %arg0 : i32
    %mul3A_1 = arith.constant 1600 : i32
    %mul3A_2 = arith.muli %add3A, %mul3A_1 : i32
    %scan3A = arith.constant 0 : i32
    %scan3A_3 = arith.constant 0 : i32
    %scan3A_4 = arith.constant 40 : i32
    %scan3A_5 = arith.addi %scan3A_3, %scan3A_4 : i32
    %scan3A_6 = arith.constant 1 : i32
    scf.for %scan3A_8 = %scan3A_3 to %scan3A_5 step %scan3A_6  : i32 {
      %mul3A_9 = arith.constant 40 : i32
      %mul3A_10 = arith.muli %scan3A_8, %mul3A_9 : i32
      %add3A_11 = arith.addi %mul3A_2, %mul3A_10 : i32
      %multiple_of3A = tpu.assume_multiple %add3A_11, 8 : i32
      "tpu.region"() ({
        %run_scoped3A = tpu.sem_alloc : memref<!tpu.dma_semaphore, #tpu.memory_space<semaphore_mem>>
        %dma_start3A_16 = tpu.memref_slice %arg3[%multiple_of3A] : memref<51200xi32, #tpu.memory_space<hbm>> -> memref<40xi32, #tpu.memory_space<hbm>>
        %dma_start3A_17 = tpu.memref_slice %arg3[%multiple_of3A] : memref<51200xi32, #tpu.memory_space<hbm>> -> memref<40xi32, #tpu.memory_space<hbm>>
        tpu.enqueue_dma source(%dma_start3A_17 : memref<40xi32, #tpu.memory_space<hbm>>) target(%arg5 : memref<40xi32, #tpu.memory_space<vmem>>) target_semaphore(%run_scoped3A : memref<!tpu.dma_semaphore, #tpu.memory_space<semaphore_mem>>)
        %dma_wait3A_18 = tpu.memref_slice %arg3[%multiple_of3A] : memref<51200xi32, #tpu.memory_space<hbm>> -> memref<40xi32, #tpu.memory_space<hbm>>
        %dma_wait3A_19 = tpu.memref_slice %arg3[%multiple_of3A] : memref<51200xi32, #tpu.memory_space<hbm>> -> memref<40xi32, #tpu.memory_space<hbm>>
        tpu.wait_dma2 semaphore(%run_scoped3A : memref<!tpu.dma_semaphore, #tpu.memory_space<semaphore_mem>>) src(%dma_wait3A_19 : memref<40xi32, #tpu.memory_space<hbm>>) dst(%arg5 : memref<40xi32, #tpu.memory_space<vmem>>)
        tpu.yield
      }) : () -> ()
      %dma_start3A = arith.constant 0 : i32
      %dma_start3A_12 = arith.constant 0 : i32
      %dma_start3A_13 = tpu.memref_slice %arg2[%dma_start3A, %dma_start3A_12] : memref<50001x128xf32, #tpu.memory_space<hbm>> -> memref<50001x128xf32, #tpu.memory_space<hbm>>
      tpu.enqueue_indirect_dma source(%dma_start3A_13 : memref<50001x128xf32, #tpu.memory_space<hbm>>) target(%arg6 : memref<40x128xf32, #tpu.memory_space<vmem>>) offsets(%arg5 : memref<40xi32, #tpu.memory_space<vmem>>) semaphore(%arg7 : memref<!tpu.dma_semaphore, #tpu.memory_space<semaphore_mem>>)
      %dma_wait3A = arith.constant 0 : i32
      %dma_wait3A_14 = arith.constant 0 : i32
      %dma_wait3A_15 = tpu.memref_slice %arg2[%dma_wait3A, %dma_wait3A_14] : memref<50001x128xf32, #tpu.memory_space<hbm>> -> memref<50001x128xf32, #tpu.memory_space<hbm>>
      tpu.wait_indirect_dma semaphore(%arg7 : memref<!tpu.dma_semaphore, #tpu.memory_space<semaphore_mem>>) src(%dma_wait3A_15 : memref<50001x128xf32, #tpu.memory_space<hbm>>) dst(%arg6 : memref<40x128xf32, #tpu.memory_space<vmem>>)
      "tpu.region"() ({
        %run_scoped3A = tpu.sem_alloc : memref<!tpu.dma_semaphore, #tpu.memory_space<semaphore_mem>>
        %dma_start3A_16 = arith.constant 0 : i32
        %dma_start3A_17 = tpu.memref_slice %arg4[%multiple_of3A, %dma_start3A_16] : memref<51200x128xf32, #tpu.memory_space<hbm>> -> memref<40x128xf32, #tpu.memory_space<hbm>>
        %dma_start3A_18 = arith.constant 0 : i32
        %dma_start3A_19 = tpu.memref_slice %arg4[%multiple_of3A, %dma_start3A_18] : memref<51200x128xf32, #tpu.memory_space<hbm>> -> memref<40x128xf32, #tpu.memory_space<hbm>>
        tpu.enqueue_dma source(%arg6 : memref<40x128xf32, #tpu.memory_space<vmem>>) target(%dma_start3A_19 : memref<40x128xf32, #tpu.memory_space<hbm>>) target_semaphore(%run_scoped3A : memref<!tpu.dma_semaphore, #tpu.memory_space<semaphore_mem>>)
        %dma_wait3A_20 = arith.constant 0 : i32
        %dma_wait3A_21 = tpu.memref_slice %arg4[%multiple_of3A, %dma_wait3A_20] : memref<51200x128xf32, #tpu.memory_space<hbm>> -> memref<40x128xf32, #tpu.memory_space<hbm>>
        %dma_wait3A_22 = arith.constant 0 : i32
        %dma_wait3A_23 = tpu.memref_slice %arg4[%multiple_of3A, %dma_wait3A_22] : memref<51200x128xf32, #tpu.memory_space<hbm>> -> memref<40x128xf32, #tpu.memory_space<hbm>>
        tpu.wait_dma2 semaphore(%run_scoped3A : memref<!tpu.dma_semaphore, #tpu.memory_space<semaphore_mem>>) src(%arg6 : memref<40x128xf32, #tpu.memory_space<vmem>>) dst(%dma_wait3A_23 : memref<40x128xf32, #tpu.memory_space<hbm>>)
        tpu.yield
      }) : () -> ()
    }
    %scan3A_7 = arith.constant 40 : i32
    return
  }
}

#map = affine_map<(d0, d1) -> (0, 0)>
#map1 = affine_map<(d0, d1) -> (0)>
module attributes {stable_mosaic.version = 14 : i64} {
  func.func @k(%arg0: i32, %arg1: i32, %arg2: memref<50001x128xf32, #tpu.memory_space<hbm>>, %arg3: memref<51200xi32, #tpu.memory_space<hbm>>, %arg4: memref<51200x128xf32, #tpu.memory_space<hbm>>, %arg5: memref<40xi32, #tpu.memory_space<vmem>>, %arg6: memref<40x128xf32, #tpu.memory_space<vmem>>, %arg7: memref<!tpu.dma_semaphore, #tpu.memory_space<semaphore_mem>>) attributes {dimension_semantics = [#tpu.dimension_semantics<core_parallel>, #tpu.dimension_semantics<subcore_parallel>], iteration_bounds = array<i64: 2, 16>, scalar_prefetch = 0 : i64, scratch_operands = 3 : i64, tpu.core_type = #tpu.core_type<sc_vector_subcore>, window_params = [{transform_indices = #map}, {transform_indices = #map1}, {transform_indices = #map}]} {
    %mul3A = arith.constant 2 : i32
    %mul3A_0 = arith.muli %arg1, %mul3A : i32
    %add3A = arith.addi %mul3A_0, %arg0 : i32
    %mul3A_1 = arith.constant 1600 : i32
    %mul3A_2 = arith.muli %add3A, %mul3A_1 : i32
    %scan3A = arith.constant 0 : i32
    %scan3A_3 = arith.constant 0 : i32
    %scan3A_4 = arith.constant 40 : i32
    %scan3A_5 = arith.addi %scan3A_3, %scan3A_4 : i32
    %scan3A_6 = arith.constant 1 : i32
    scf.for %scan3A_8 = %scan3A_3 to %scan3A_5 step %scan3A_6  : i32 {
      %mul3A_9 = arith.constant 40 : i32
      %mul3A_10 = arith.muli %scan3A_8, %mul3A_9 : i32
      %add3A_11 = arith.addi %mul3A_2, %mul3A_10 : i32
      %multiple_of3A = tpu.assume_multiple %add3A_11, 8 : i32
      "tpu.region"() ({
        %run_scoped3A = tpu.sem_alloc : memref<!tpu.dma_semaphore, #tpu.memory_space<semaphore_mem>>
        %dma_start3A_16 = tpu.memref_slice %arg3[%multiple_of3A] : memref<51200xi32, #tpu.memory_space<hbm>> -> memref<40xi32, #tpu.memory_space<hbm>>
        %dma_start3A_17 = tpu.memref_slice %arg3[%multiple_of3A] : memref<51200xi32, #tpu.memory_space<hbm>> -> memref<40xi32, #tpu.memory_space<hbm>>
        tpu.enqueue_dma source(%dma_start3A_17 : memref<40xi32, #tpu.memory_space<hbm>>) target(%arg5 : memref<40xi32, #tpu.memory_space<vmem>>) target_semaphore(%run_scoped3A : memref<!tpu.dma_semaphore, #tpu.memory_space<semaphore_mem>>)
        %dma_wait3A_18 = tpu.memref_slice %arg3[%multiple_of3A] : memref<51200xi32, #tpu.memory_space<hbm>> -> memref<40xi32, #tpu.memory_space<hbm>>
        %dma_wait3A_19 = tpu.memref_slice %arg3[%multiple_of3A] : memref<51200xi32, #tpu.memory_space<hbm>> -> memref<40xi32, #tpu.memory_space<hbm>>
        tpu.wait_dma2 semaphore(%run_scoped3A : memref<!tpu.dma_semaphore, #tpu.memory_space<semaphore_mem>>) src(%dma_wait3A_19 : memref<40xi32, #tpu.memory_space<hbm>>) dst(%arg5 : memref<40xi32, #tpu.memory_space<vmem>>)
        tpu.yield
      }) : () -> ()
      %dma_start3A = arith.constant 0 : i32
      %dma_start3A_12 = arith.constant 0 : i32
      %dma_start3A_13 = tpu.memref_slice %arg2[%dma_start3A, %dma_start3A_12] : memref<50001x128xf32, #tpu.memory_space<hbm>> -> memref<50001x128xf32, #tpu.memory_space<hbm>>
      tpu.enqueue_indirect_dma source(%dma_start3A_13 : memref<50001x128xf32, #tpu.memory_space<hbm>>) target(%arg6 : memref<40x128xf32, #tpu.memory_space<vmem>>) offsets(%arg5 : memref<40xi32, #tpu.memory_space<vmem>>) semaphore(%arg7 : memref<!tpu.dma_semaphore, #tpu.memory_space<semaphore_mem>>)
      %dma_wait3A = arith.constant 0 : i32
      %dma_wait3A_14 = arith.constant 0 : i32
      %dma_wait3A_15 = tpu.memref_slice %arg2[%dma_wait3A, %dma_wait3A_14] : memref<50001x128xf32, #tpu.memory_space<hbm>> -> memref<50001x128xf32, #tpu.memory_space<hbm>>
      tpu.wait_indirect_dma semaphore(%arg7 : memref<!tpu.dma_semaphore, #tpu.memory_space<semaphore_mem>>) src(%dma_wait3A_15 : memref<50001x128xf32, #tpu.memory_space<hbm>>) dst(%arg6 : memref<40x128xf32, #tpu.memory_space<vmem>>)
      "tpu.region"() ({
        %run_scoped3A = tpu.sem_alloc : memref<!tpu.dma_semaphore, #tpu.memory_space<semaphore_mem>>
        %dma_start3A_16 = arith.constant 0 : i32
        %dma_start3A_17 = tpu.memref_slice %arg4[%multiple_of3A, %dma_start3A_16] : memref<51200x128xf32, #tpu.memory_space<hbm>> -> memref<40x128xf32, #tpu.memory_space<hbm>>
        %dma_start3A_18 = arith.constant 0 : i32
        %dma_start3A_19 = tpu.memref_slice %arg4[%multiple_of3A, %dma_start3A_18] : memref<51200x128xf32, #tpu.memory_space<hbm>> -> memref<40x128xf32, #tpu.memory_space<hbm>>
        tpu.enqueue_dma source(%arg6 : memref<40x128xf32, #tpu.memory_space<vmem>>) target(%dma_start3A_19 : memref<40x128xf32, #tpu.memory_space<hbm>>) target_semaphore(%run_scoped3A : memref<!tpu.dma_semaphore, #tpu.memory_space<semaphore_mem>>)
        %dma_wait3A_20 = arith.constant 0 : i32
        %dma_wait3A_21 = tpu.memref_slice %arg4[%multiple_of3A, %dma_wait3A_20] : memref<51200x128xf32, #tpu.memory_space<hbm>> -> memref<40x128xf32, #tpu.memory_space<hbm>>
        %dma_wait3A_22 = arith.constant 0 : i32
        %dma_wait3A_23 = tpu.memref_slice %arg4[%multiple_of3A, %dma_wait3A_22] : memref<51200x128xf32, #tpu.memory_space<hbm>> -> memref<40x128xf32, #tpu.memory_space<hbm>>
        tpu.wait_dma2 semaphore(%run_scoped3A : memref<!tpu.dma_semaphore, #tpu.memory_space<semaphore_mem>>) src(%arg6 : memref<40x128xf32, #tpu.memory_space<vmem>>) dst(%dma_wait3A_23 : memref<40x128xf32, #tpu.memory_space<hbm>>)
        tpu.yield
      }) : () -> ()
    }
    %scan3A_7 = arith.constant 40 : i32
    return
  }
}

module attributes {stable_mosaic.version = 14 : i64} {
  func.func @body(%arg0: i32, %arg1: memref<1000x1xf32, #tpu.memory_space<vmem>>, %arg2: memref<1000x128xf32, #tpu.memory_space<vmem>>, %arg3: memref<1000x128xf32, #tpu.memory_space<vmem>>) attributes {dimension_semantics = [#tpu.dimension_semantics<arbitrary>], iteration_bounds = array<i64: 800>, scalar_prefetch = 0 : i64, scratch_operands = 0 : i64, tpu.core_type = #tpu.core_type<tc>, window_params = [{transform_indices = @transform_0, window_bounds = array<i64: 1000, 1>}, {transform_indices = @transform_1, window_bounds = array<i64: 1000, 128>}, {transform_indices = @transform_2, window_bounds = array<i64: 1000, 128>}]} {
    %get3A = arith.constant 0 : index
    %get3A_0 = arith.constant 0 : index
    %get3A_1 = vector.load %arg2[%get3A, %get3A_0] : memref<1000x128xf32, #tpu.memory_space<vmem>>, vector<1000x128xf32>
    %get3A_2 = arith.constant 0 : index
    %get3A_3 = arith.constant 0 : index
    %get3A_4 = vector.load %arg1[%get3A_2, %get3A_3] : memref<1000x1xf32, #tpu.memory_space<vmem>>, vector<1000x1xf32>
    %mul3A = vector.broadcast %get3A_4 : vector<1000x1xf32> to vector<1000x128xf32>
    %mul3A_5 = arith.mulf %get3A_1, %mul3A : vector<1000x128xf32>
    %swap3A = arith.constant 0 : index
    %swap3A_6 = arith.constant 0 : index
    %swap3A_7 = vector.load %arg3[%swap3A, %swap3A_6] : memref<1000x128xf32, #tpu.memory_space<vmem>>, vector<1000x128xf32>
    tpu.vector_store %arg3[%swap3A, %swap3A_6], %mul3A_5 {strides = array<i32>} : memref<1000x128xf32, #tpu.memory_space<vmem>>, vector<1000x128xf32>,
    return
  }
  func.func @transform_0(%arg0: i32) -> (i32, i32) {
    %c0_i32 = arith.constant 0 : i32
    %c0_i32_0 = arith.constant 0 : i32
    return %arg0, %c0_i32 : i32, i32
  }
  func.func @transform_1(%arg0: i32) -> (i32, i32) {
    %c0_i32 = arith.constant 0 : i32
    %c0_i32_0 = arith.constant 0 : i32
    return %arg0, %c0_i32 : i32, i32
  }
  func.func @transform_2(%arg0: i32) -> (i32, i32) {
    %c0_i32 = arith.constant 0 : i32
    %c0_i32_0 = arith.constant 0 : i32
    return %arg0, %c0_i32 : i32, i32
  }
}

module attributes {stable_mosaic.version = 14 : i64} {
  func.func @body(%arg0: i32, %arg1: memref<128x50x100xf32, #tpu.memory_space<vmem>>, %arg2: memref<128x50x100xf32, #tpu.memory_space<vmem>>, %arg3: memref<6400x1xf32, #tpu.memory_space<vmem>>, %arg4: memref<128x1xf32, #tpu.memory_space<vmem>>, %arg5: memref<50x100xf32, #tpu.memory_space<vmem>>, %arg6: memref<100x100xf32, #tpu.memory_space<vmem>>, %arg7: memref<100x100xf32, #tpu.memory_space<vmem>>, %arg8: memref<1x100xf32, #tpu.memory_space<vmem>>, %arg9: memref<100x100xf32, #tpu.memory_space<vmem>>, %arg10: memref<1x100xf32, #tpu.memory_space<vmem>>, %arg11: memref<100x100xf32, #tpu.memory_space<vmem>>, %arg12: memref<1x100xf32, #tpu.memory_space<vmem>>, %arg13: memref<128x100xf32, #tpu.memory_space<vmem>>, %arg14: memref<128x100xf32, #tpu.memory_space<vmem>>) attributes {dimension_semantics = [#tpu.dimension_semantics<arbitrary>], iteration_bounds = array<i64: 8>, scalar_prefetch = 0 : i64, scratch_operands = 0 : i64, tpu.core_type = #tpu.core_type<tc>, window_params = [{transform_indices = @transform_0, window_bounds = array<i64: 128, 50, 100>}, {transform_indices = @transform_1, window_bounds = array<i64: 128, 50, 100>}, {transform_indices = @transform_2, window_bounds = array<i64: 6400, 1>}, {transform_indices = @transform_3, window_bounds = array<i64: 128, 1>}, {pipeline_mode = #tpu.pipeline_mode<synchronous>, transform_indices = @transform_4, window_bounds = array<i64: 50, 100>}, {pipeline_mode = #tpu.pipeline_mode<synchronous>, transform_indices = @transform_5, window_bounds = array<i64: 100, 100>}, {pipeline_mode = #tpu.pipeline_mode<synchronous>, transform_indices = @transform_6, window_bounds = array<i64: 100, 100>}, {pipeline_mode = #tpu.pipeline_mode<synchronous>, transform_indices = @transform_7, window_bounds = array<i64: 1, 100>}, {pipeline_mode = #tpu.pipeline_mode<synchronous>, transform_indices = @transform_8, window_bounds = array<i64: 100, 100>}, {pipeline_mode = #tpu.pipeline_mode<synchronous>, transform_indices = @transform_9, window_bounds = array<i64: 1, 100>}, {pipeline_mode = #tpu.pipeline_mode<synchronous>, transform_indices = @transform_10, window_bounds = array<i64: 100, 100>}, {pipeline_mode = #tpu.pipeline_mode<synchronous>, transform_indices = @transform_11, window_bounds = array<i64: 1, 100>}, {transform_indices = @transform_12, window_bounds = array<i64: 128, 100>}, {transform_indices = @transform_13, window_bounds = array<i64: 128, 100>}]} {
    %get3A = arith.constant 0 : index
    %get3A_0 = arith.constant 0 : index
    %get3A_1 = arith.constant 0 : index
    %get3A_2 = vector.load %arg1[%get3A, %get3A_0, %get3A_1] : memref<128x50x100xf32, #tpu.memory_space<vmem>>, vector<128x50x100xf32>
    %get3A_3 = arith.constant 0 : index
    %get3A_4 = arith.constant 0 : index
    %get3A_5 = vector.load %arg4[%get3A_3, %get3A_4] : memref<128x1xf32, #tpu.memory_space<vmem>>, vector<128x1xf32>
    %reduce_sum3A = arith.constant dense<0.000000e+00> : vector<128x100xf32>
    %reduce_sum3A_6 = vector.multi_reduction <add>, %get3A_2, %reduce_sum3A [1] : vector<128x50x100xf32> to vector<128x100xf32>
    %div3A = vector.broadcast %get3A_5 : vector<128x1xf32> to vector<128x100xf32>
    %div3A_7 = arith.divf %reduce_sum3A_6, %div3A : vector<128x100xf32>
    %reshape3A = vector.shape_cast %get3A_2 : vector<128x50x100xf32> to vector<6400x100xf32>
    %get3A_8 = arith.constant 0 : index
    %get3A_9 = arith.constant 0 : index
    %get3A_10 = vector.load %arg5[%get3A_8, %get3A_9] : memref<50x100xf32, #tpu.memory_space<vmem>>, vector<50x100xf32>
    %get3A_11 = arith.constant 0 : index
    %get3A_12 = arith.constant 0 : index
    %get3A_13 = vector.load %arg6[%get3A_11, %get3A_12] : memref<100x100xf32, #tpu.memory_space<vmem>>, vector<100x100xf32>
    %dot_general3A = arith.constant dense<0.000000e+00> : vector<50x100xf32>
    %dot_general3A_14 = tpu.matmul %get3A_10, %get3A_13, %dot_general3A {dimension_numbers = #tpu.dot_dimension_numbers<[1], [0], [0], [1], [0, 0, 1, 1], [], []>, transpose_lhs_hint = false} : vector<50x100xf32>, vector<100x100xf32>, vector<50x100xf32> -> vector<50x100xf32>
    %get3A_15 = arith.constant 0 : index
    %get3A_16 = arith.constant 0 : index
    %get3A_17 = vector.load %arg7[%get3A_15, %get3A_16] : memref<100x100xf32, #tpu.memory_space<vmem>>, vector<100x100xf32>
    %dot_general3A_18 = arith.constant dense<0.000000e+00> : vector<6400x100xf32>
    %dot_general3A_19 = tpu.matmul %reshape3A, %get3A_17, %dot_general3A_18 {dimension_numbers = #tpu.dot_dimension_numbers<[1], [0], [0], [1], [0, 0, 1, 1], [], []>, transpose_lhs_hint = false} : vector<6400x100xf32>, vector<100x100xf32>, vector<6400x100xf32> -> vector<6400x100xf32>
    %reshape3A_20 = vector.shape_cast %dot_general3A_19 : vector<6400x100xf32> to vector<128x50x100xf32>
    %broadcast_in_dim3A = vector.shape_cast %dot_general3A_14 : vector<50x100xf32> to vector<1x50x100xf32>
    %add3A = vector.broadcast %broadcast_in_dim3A : vector<1x50x100xf32> to vector<128x50x100xf32>
    %add3A_21 = arith.addf %reshape3A_20, %add3A : vector<128x50x100xf32>
    %get3A_22 = arith.constant 0 : index
    %get3A_23 = arith.constant 0 : index
    %get3A_24 = vector.load %arg8[%get3A_22, %get3A_23] : memref<1x100xf32, #tpu.memory_space<vmem>>, vector<1x100xf32>
    %broadcast_in_dim3A_25 = vector.shape_cast %get3A_24 : vector<1x100xf32> to vector<1x1x100xf32>
    %add3A_26 = vector.broadcast %broadcast_in_dim3A_25 : vector<1x1x100xf32> to vector<128x50x100xf32>
    %add3A_27 = arith.addf %add3A_21, %add3A_26 : vector<128x50x100xf32>
    %tanh3A = math.tanh %add3A_27 : vector<128x50x100xf32>
    %reshape3A_28 = vector.shape_cast %tanh3A : vector<128x50x100xf32> to vector<6400x100xf32>
    %broadcast_in_dim3A_29 = vector.shape_cast %div3A_7 : vector<128x100xf32> to vector<128x1x100xf32>
    %broadcast_in_dim3A_30 = vector.shape_cast %broadcast_in_dim3A_29 : vector<128x1x100xf32> to vector<128x1x100xf32>
    %broadcast_in_dim3A_31 = vector.broadcast %broadcast_in_dim3A_30 : vector<128x1x100xf32> to vector<128x50x100xf32>
    %reshape3A_32 = vector.shape_cast %broadcast_in_dim3A_31 : vector<128x50x100xf32> to vector<6400x100xf32>
    %get3A_33 = arith.constant 0 : index
    %get3A_34 = arith.constant 0 : index
    %get3A_35 = vector.load %arg9[%get3A_33, %get3A_34] : memref<100x100xf32, #tpu.memory_space<vmem>>, vector<100x100xf32>
    %dot_general3A_36 = arith.constant dense<0.000000e+00> : vector<6400x100xf32>
    %dot_general3A_37 = tpu.matmul %reshape3A_28, %get3A_35, %dot_general3A_36 {dimension_numbers = #tpu.dot_dimension_numbers<[1], [0], [0], [1], [0, 0, 1, 1], [], []>, transpose_lhs_hint = false} : vector<6400x100xf32>, vector<100x100xf32>, vector<6400x100xf32> -> vector<6400x100xf32>
    %get3A_38 = arith.constant 0 : index
    %get3A_39 = arith.constant 0 : index
    %get3A_40 = vector.load %arg10[%get3A_38, %get3A_39] : memref<1x100xf32, #tpu.memory_space<vmem>>, vector<1x100xf32>
    %add3A_41 = vector.broadcast %get3A_40 : vector<1x100xf32> to vector<6400x100xf32>
    %add3A_42 = arith.addf %dot_general3A_37, %add3A_41 : vector<6400x100xf32>
    %get3A_43 = arith.constant 0 : index
    %get3A_44 = arith.constant 0 : index
    %get3A_45 = vector.load %arg11[%get3A_43, %get3A_44] : memref<100x100xf32, #tpu.memory_space<vmem>>, vector<100x100xf32>
    %dot_general3A_46 = arith.constant dense<0.000000e+00> : vector<6400x100xf32>
    %dot_general3A_47 = tpu.matmul %reshape3A_32, %get3A_45, %dot_general3A_46 {dimension_numbers = #tpu.dot_dimension_numbers<[1], [0], [0], [1], [0, 0, 1, 1], [], []>, transpose_lhs_hint = false} : vector<6400x100xf32>, vector<100x100xf32>, vector<6400x100xf32> -> vector<6400x100xf32>
    %add3A_48 = arith.addf %add3A_42, %dot_general3A_47 : vector<6400x100xf32>
    %logistic3A = arith.negf %add3A_48 : vector<6400x100xf32>
    %logistic3A_49 = math.exp %logistic3A : vector<6400x100xf32>
    %logistic3A_50 = arith.constant 1.000000e+00 : f32
    %logistic3A_51 = vector.broadcast %logistic3A_50 : f32 to vector<6400x100xf32>
    %logistic3A_52 = arith.addf %logistic3A_51, %logistic3A_49 : vector<6400x100xf32>
    %logistic3A_53 = arith.divf %logistic3A_51, %logistic3A_52 : vector<6400x100xf32>
    %get3A_54 = arith.constant 0 : index
    %get3A_55 = arith.constant 0 : index
    %get3A_56 = vector.load %arg12[%get3A_54, %get3A_55] : memref<1x100xf32, #tpu.memory_space<vmem>>, vector<1x100xf32>
    %mul3A = vector.broadcast %get3A_56 : vector<1x100xf32> to vector<6400x100xf32>
    %mul3A_57 = arith.mulf %logistic3A_53, %mul3A : vector<6400x100xf32>
    %reduce_sum3A_58 = arith.constant dense<0.000000e+00> : vector<6400xf32>
    %reduce_sum3A_59 = vector.multi_reduction <add>, %mul3A_57, %reduce_sum3A_58 [1] : vector<6400x100xf32> to vector<6400xf32>
    %broadcast_in_dim3A_60 = vector.shape_cast %reduce_sum3A_59 : vector<6400xf32> to vector<6400x1xf32>
    %get3A_61 = arith.constant 0 : index
    %get3A_62 = arith.constant 0 : index
    %get3A_63 = vector.load %arg3[%get3A_61, %get3A_62] : memref<6400x1xf32, #tpu.memory_space<vmem>>, vector<6400x1xf32>
    %mul3A_64 = arith.mulf %broadcast_in_dim3A_60, %get3A_63 : vector<6400x1xf32>
    %mul3A_65 = vector.broadcast %mul3A_64 : vector<6400x1xf32> to vector<6400x100xf32>
    %mul3A_66 = arith.mulf %mul3A_65, %reshape3A : vector<6400x100xf32>
    %reshape3A_67 = vector.shape_cast %mul3A_66 : vector<6400x100xf32> to vector<128x50x100xf32>
    %reduce_sum3A_68 = arith.constant dense<0.000000e+00> : vector<128x100xf32>
    %reduce_sum3A_69 = vector.multi_reduction <add>, %reshape3A_67, %reduce_sum3A_68 [1] : vector<128x50x100xf32> to vector<128x100xf32>
    %swap3A = arith.constant 0 : index
    %swap3A_70 = arith.constant 0 : index
    %swap3A_71 = vector.load %arg13[%swap3A, %swap3A_70] : memref<128x100xf32, #tpu.memory_space<vmem>>, vector<128x100xf32>
    tpu.vector_store %arg13[%swap3A, %swap3A_70], %reduce_sum3A_69 {strides = array<i32>} : memref<128x100xf32, #tpu.memory_space<vmem>>, vector<128x100xf32>,
    %get3A_72 = arith.constant 0 : index
    %get3A_73 = arith.constant 0 : index
    %get3A_74 = arith.constant 0 : index
    %get3A_75 = vector.load %arg2[%get3A_72, %get3A_73, %get3A_74] : memref<128x50x100xf32, #tpu.memory_space<vmem>>, vector<128x50x100xf32>
    %reduce_sum3A_76 = arith.constant dense<0.000000e+00> : vector<128x100xf32>
    %reduce_sum3A_77 = vector.multi_reduction <add>, %get3A_75, %reduce_sum3A_76 [1] : vector<128x50x100xf32> to vector<128x100xf32>
    %div3A_78 = vector.broadcast %get3A_5 : vector<128x1xf32> to vector<128x100xf32>
    %div3A_79 = arith.divf %reduce_sum3A_77, %div3A_78 : vector<128x100xf32>
    %swap3A_80 = arith.constant 0 : index
    %swap3A_81 = arith.constant 0 : index
    %swap3A_82 = vector.load %arg14[%swap3A_80, %swap3A_81] : memref<128x100xf32, #tpu.memory_space<vmem>>, vector<128x100xf32>
    tpu.vector_store %arg14[%swap3A_80, %swap3A_81], %div3A_79 {strides = array<i32>} : memref<128x100xf32, #tpu.memory_space<vmem>>, vector<128x100xf32>,
    return
  }
  func.func @transform_0(%arg0: i32) -> (i32, i32, i32) {
    %c0_i32 = arith.constant 0 : i32
    %c0_i32_0 = arith.constant 0 : i32
    %c0_i32_1 = arith.constant 0 : i32
    return %arg0, %c0_i32, %c0_i32_0 : i32, i32, i32
  }
  func.func @transform_1(%arg0: i32) -> (i32, i32, i32) {
    %c0_i32 = arith.constant 0 : i32
    %c0_i32_0 = arith.constant 0 : i32
    %c0_i32_1 = arith.constant 0 : i32
    return %arg0, %c0_i32, %c0_i32_0 : i32, i32, i32
  }
  func.func @transform_2(%arg0: i32) -> (i32, i32) {
    %c0_i32 = arith.constant 0 : i32
    %c0_i32_0 = arith.constant 0 : i32
    return %arg0, %c0_i32 : i32, i32
  }
  func.func @transform_3(%arg0: i32) -> (i32, i32) {
    %c0_i32 = arith.constant 0 : i32
    %c0_i32_0 = arith.constant 0 : i32
    return %arg0, %c0_i32 : i32, i32
  }
  func.func @transform_4(%arg0: i32) -> (i32, i32) {
    %c0_i32 = arith.constant 0 : i32
    %c0_i32_0 = arith.constant 0 : i32
    %c0_i32_1 = arith.constant 0 : i32
    return %c0_i32, %c0_i32_0 : i32, i32
  }
  func.func @transform_5(%arg0: i32) -> (i32, i32) {
    %c0_i32 = arith.constant 0 : i32
    %c0_i32_0 = arith.constant 0 : i32
    %c0_i32_1 = arith.constant 0 : i32
    return %c0_i32, %c0_i32_0 : i32, i32
  }
  func.func @transform_6(%arg0: i32) -> (i32, i32) {
    %c0_i32 = arith.constant 0 : i32
    %c0_i32_0 = arith.constant 0 : i32
    %c0_i32_1 = arith.constant 0 : i32
    return %c0_i32, %c0_i32_0 : i32, i32
  }
  func.func @transform_7(%arg0: i32) -> (i32, i32) {
    %c0_i32 = arith.constant 0 : i32
    %c0_i32_0 = arith.constant 0 : i32
    %c0_i32_1 = arith.constant 0 : i32
    return %c0_i32, %c0_i32_0 : i32, i32
  }
  func.func @transform_8(%arg0: i32) -> (i32, i32) {
    %c0_i32 = arith.constant 0 : i32
    %c0_i32_0 = arith.constant 0 : i32
    %c0_i32_1 = arith.constant 0 : i32
    return %c0_i32, %c0_i32_0 : i32, i32
  }
  func.func @transform_9(%arg0: i32) -> (i32, i32) {
    %c0_i32 = arith.constant 0 : i32
    %c0_i32_0 = arith.constant 0 : i32
    %c0_i32_1 = arith.constant 0 : i32
    return %c0_i32, %c0_i32_0 : i32, i32
  }
  func.func @transform_10(%arg0: i32) -> (i32, i32) {
    %c0_i32 = arith.constant 0 : i32
    %c0_i32_0 = arith.constant 0 : i32
    %c0_i32_1 = arith.constant 0 : i32
    return %c0_i32, %c0_i32_0 : i32, i32
  }
  func.func @transform_11(%arg0: i32) -> (i32, i32) {
    %c0_i32 = arith.constant 0 : i32
    %c0_i32_0 = arith.constant 0 : i32
    %c0_i32_1 = arith.constant 0 : i32
    return %c0_i32, %c0_i32_0 : i32, i32
  }
  func.func @transform_12(%arg0: i32) -> (i32, i32) {
    %c0_i32 = arith.constant 0 : i32
    %c0_i32_0 = arith.constant 0 : i32
    return %arg0, %c0_i32 : i32, i32
  }
  func.func @transform_13(%arg0: i32) -> (i32, i32) {
    %c0_i32 = arith.constant 0 : i32
    %c0_i32_0 = arith.constant 0 : i32
    return %arg0, %c0_i32 : i32, i32
  }
}

module attributes {stable_mosaic.version = 14 : i64} {
  func.func @body(%arg0: memref<1024x1024xf32, #tpu.memory_space<vmem>>, %arg1: memref<1024x1024xf32, #tpu.memory_space<vmem>>, %arg2: memref<1024x100xf32, #tpu.memory_space<vmem>>, %arg3: memref<1024x100xf32, #tpu.memory_space<vmem>>, %arg4: memref<1024x100xf32, #tpu.memory_space<vmem>>, %arg5: memref<1x1xf32, #tpu.memory_space<vmem>>) attributes {dimension_semantics = [], scalar_prefetch = 0 : i64, scratch_operands = 0 : i64, tpu.core_type = #tpu.core_type<tc>} {
    %get3A = arith.constant 0 : index
    %get3A_0 = arith.constant 0 : index
    %get3A_1 = vector.load %arg0[%get3A, %get3A_0] : memref<1024x1024xf32, #tpu.memory_space<vmem>>, vector<1024x1024xf32>
    %get3A_2 = arith.constant 0 : index
    %get3A_3 = arith.constant 0 : index
    %get3A_4 = vector.load %arg1[%get3A_2, %get3A_3] : memref<1024x1024xf32, #tpu.memory_space<vmem>>, vector<1024x1024xf32>
    %dot_general3A = arith.constant dense<0.000000e+00> : vector<1024x1024xf32>
    %dot_general3A_5 = tpu.matmul %get3A_1, %get3A_4, %dot_general3A {dimension_numbers = #tpu.dot_dimension_numbers<[1], [0], [0], [1], [0, 0, 1, 1], [], []>, transpose_lhs_hint = false} : vector<1024x1024xf32>, vector<1024x1024xf32>, vector<1024x1024xf32> -> vector<1024x1024xf32>
    %get3A_6 = arith.constant 0 : index
    %get3A_7 = arith.constant 0 : index
    %get3A_8 = vector.load %arg2[%get3A_6, %get3A_7] : memref<1024x100xf32, #tpu.memory_space<vmem>>, vector<1024x100xf32>
    %dot_general3A_9 = arith.constant dense<0.000000e+00> : vector<1024x100xf32>
    %dot_general3A_10 = tpu.matmul %dot_general3A_5, %get3A_8, %dot_general3A_9 {dimension_numbers = #tpu.dot_dimension_numbers<[1], [0], [0], [1], [0, 0, 1, 1], [], []>, transpose_lhs_hint = false} : vector<1024x1024xf32>, vector<1024x100xf32>, vector<1024x100xf32> -> vector<1024x100xf32>
    %add3A = arith.addf %get3A_8, %dot_general3A_10 : vector<1024x100xf32>
    %dot_general3A_11 = arith.constant dense<0.000000e+00> : vector<1024x100xf32>
    %dot_general3A_12 = tpu.matmul %dot_general3A_5, %dot_general3A_10, %dot_general3A_11 {dimension_numbers = #tpu.dot_dimension_numbers<[1], [0], [0], [1], [0, 0, 1, 1], [], []>, transpose_lhs_hint = false} : vector<1024x1024xf32>, vector<1024x100xf32>, vector<1024x100xf32> -> vector<1024x100xf32>
    %add3A_13 = arith.addf %add3A, %dot_general3A_12 : vector<1024x100xf32>
    %dot_general3A_14 = arith.constant dense<0.000000e+00> : vector<1024x100xf32>
    %dot_general3A_15 = tpu.matmul %dot_general3A_5, %dot_general3A_12, %dot_general3A_14 {dimension_numbers = #tpu.dot_dimension_numbers<[1], [0], [0], [1], [0, 0, 1, 1], [], []>, transpose_lhs_hint = false} : vector<1024x1024xf32>, vector<1024x100xf32>, vector<1024x100xf32> -> vector<1024x100xf32>
    %add3A_16 = arith.addf %add3A_13, %dot_general3A_15 : vector<1024x100xf32>
    %div3A = arith.constant 4.000000e+00 : f32
    %div3A_17 = vector.broadcast %div3A : f32 to vector<1024x100xf32>
    %div3A_18 = arith.divf %add3A_16, %div3A_17 : vector<1024x100xf32>
    %get3A_19 = arith.constant 0 : index
    %get3A_20 = arith.constant 0 : index
    %get3A_21 = vector.load %arg3[%get3A_19, %get3A_20] : memref<1024x100xf32, #tpu.memory_space<vmem>>, vector<1024x100xf32>
    %mul3A = arith.mulf %get3A_21, %div3A_18 : vector<1024x100xf32>
    %reduce_sum3A = arith.constant dense<0.000000e+00> : vector<1024xf32>
    %reduce_sum3A_22 = vector.multi_reduction <add>, %mul3A, %reduce_sum3A [1] : vector<1024x100xf32> to vector<1024xf32>
    %get3A_23 = arith.constant 0 : index
    %get3A_24 = arith.constant 0 : index
    %get3A_25 = vector.load %arg4[%get3A_23, %get3A_24] : memref<1024x100xf32, #tpu.memory_space<vmem>>, vector<1024x100xf32>
    %mul3A_26 = arith.mulf %div3A_18, %get3A_25 : vector<1024x100xf32>
    %reduce_sum3A_27 = arith.constant dense<0.000000e+00> : vector<1024xf32>
    %reduce_sum3A_28 = vector.multi_reduction <add>, %mul3A_26, %reduce_sum3A_27 [1] : vector<1024x100xf32> to vector<1024xf32>
    %logistic3A = arith.negf %reduce_sum3A_22 : vector<1024xf32>
    %logistic3A_29 = math.exp %logistic3A : vector<1024xf32>
    %logistic3A_30 = arith.constant 1.000000e+00 : f32
    %logistic3A_31 = vector.broadcast %logistic3A_30 : f32 to vector<1024xf32>
    %logistic3A_32 = arith.addf %logistic3A_31, %logistic3A_29 : vector<1024xf32>
    %logistic3A_33 = arith.divf %logistic3A_31, %logistic3A_32 : vector<1024xf32>
    %add3A_34 = arith.constant 9.99999993E-9 : f32
    %add3A_35 = vector.broadcast %add3A_34 : f32 to vector<1024xf32>
    %add3A_36 = arith.addf %add3A_35, %logistic3A_33 : vector<1024xf32>
    %log3A = math.log %add3A_36 : vector<1024xf32>
    %neg3A = arith.constant 0.000000e+00 : f32
    %neg3A_37 = vector.broadcast %neg3A : f32 to vector<1024xf32>
    %neg3A_38 = arith.subf %neg3A_37, %log3A : vector<1024xf32>
    %logistic3A_39 = arith.negf %reduce_sum3A_28 : vector<1024xf32>
    %logistic3A_40 = math.exp %logistic3A_39 : vector<1024xf32>
    %logistic3A_41 = arith.constant 1.000000e+00 : f32
    %logistic3A_42 = vector.broadcast %logistic3A_41 : f32 to vector<1024xf32>
    %logistic3A_43 = arith.addf %logistic3A_42, %logistic3A_40 : vector<1024xf32>
    %logistic3A_44 = arith.divf %logistic3A_42, %logistic3A_43 : vector<1024xf32>
    %sub3A = arith.constant 1.000000e+00 : f32
    %sub3A_45 = vector.broadcast %sub3A : f32 to vector<1024xf32>
    %sub3A_46 = arith.subf %sub3A_45, %logistic3A_44 : vector<1024xf32>
    %add3A_47 = arith.constant 9.99999993E-9 : f32
    %add3A_48 = vector.broadcast %add3A_47 : f32 to vector<1024xf32>
    %add3A_49 = arith.addf %add3A_48, %sub3A_46 : vector<1024xf32>
    %log3A_50 = math.log %add3A_49 : vector<1024xf32>
    %sub3A_51 = arith.subf %neg3A_38, %log3A_50 : vector<1024xf32>
    %reduce_sum3A_52 = vector.shape_cast %sub3A_51 : vector<1024xf32> to vector<1x1024xf32>
    %reduce_sum3A_53 = arith.constant dense<0.000000e+00> : vector<1xf32>
    %reduce_sum3A_54 = vector.multi_reduction <add>, %reduce_sum3A_52, %reduce_sum3A_53 [1] : vector<1x1024xf32> to vector<1xf32>
    %reduce_sum3A_55 = vector.shape_cast %reduce_sum3A_54 : vector<1xf32> to vector<1x1xf32>
    %reduce_sum3A_56 = vector.extract %reduce_sum3A_55[0, 0] : f32 from vector<1x1xf32>
    %reshape3A = vector.broadcast %reduce_sum3A_56 : f32 to vector<1x1xf32>
    %swap3A = arith.constant 0 : index
    %swap3A_57 = arith.constant 0 : index
    %swap3A_58 = vector.load %arg5[%swap3A, %swap3A_57] : memref<1x1xf32, #tpu.memory_space<vmem>>, vector<1x1xf32>
    tpu.vector_store %arg5[%swap3A, %swap3A_57], %reshape3A {strides = array<i32>} : memref<1x1xf32, #tpu.memory_space<vmem>>, vector<1x1xf32>,
    return
  }
}

</mosaic_0001>

<sc_bundles>
// kernel: kernel.17.cloned.1.call-start
scs
__scs_entry_jumppad:
0x0: {  	(pc) =	sbr.rel $0x88, $3  }
0x1: {  	(tag) =	ssettag $0x0;
	lr =	simm.s32 $0x1  }
0x2: {  	[smem:$0x3F91] =	sst lr;
	_ =	strace $0xD0000000  }
0x3: {  	_ = 	snop  }
0x4: {  	_ = 	snop  }
0x5: {  	_ = 	snop  }
0x6: {  	_ = 	snop  }
0x7: {  	_ = 	snop  }
__scs_overlays_trampoline_lowered:
0x8: {  	[smem:$0x3FA0] =	sst s0  }
0x9: {  	[smem:$0x3FA1] =	sst s1  }
0xa: {  	[smem:$0x3FA2] =	sst s2  }
0xb: {  	[smem:$0x3FA3] =	sst s3  }
0xc: {  	[smem:$0x3FA4] =	sst s4  }
0xd: {  	[smem:$0x3FA5] =	sst s5  }
0xe: {  	[smem:$0x3FA6] =	sst s6  }
0xf: {  	[smem:$0x3FA7] =	sst s7  }
0x10: {  	[smem:$0x3FA8] =	sst s8  }
0x11: {  	[smem:$0x3FA9] =	sst s9;
	s0 =	simm.s32 @!p0 $0x0  }
0x12: {  	s1 =	sld [smem:$0x3F8F];
	s0 =	simm.s32 @p0 $0x1  }
0x13: {  	[smem:$0x3FAA] =	sst s0;
	s0 =	simm.s32 @!p1 $0x0  }
0x14: {  	s2 =	sld [smem:$0x3F8E];
	s0 =	simm.s32 @p1 $0x1  }
0x15: {  	[smem:$0x3FAB] =	sst s0;
	s0 =	simm.s32 @!p2 $0x0  }
0x16: {  	s3 =	sld [smem:$0x3FDB];
	s0 =	simm.s32 @p2 $0x1  }
0x17: {  	s4 =	simm.s32 $0x1BF5;
	[smem:$0x3FAD] =	sst s0  }
0x18: {  	s0 =	sld [smem:$0x3F90];
	_ =	swait.ge [sflag:s4], $0x0  }
0x19: {  	s7 =	sld [smem:$0x3F91]  }
0x1a: {  	s8 =	sadd.s32 $0xFFFFE003, lr  }
0x1b: {  	s9 =	sadd.s32 $0xFFFFFEF7, lr;
	s5 =	simm.s32 $0xFFFFFFFF;
	p2 =	slt.u32 s8, $0xFFFFF086  }
0x1c: {  	p1 =	slt.u32 s9, $0xF7A;
	s5 =	simm.s32 @!p2 $0x0  }
0x1d: {  	s5 =	simm.s32 @p1 $0x1;
	p0 =	seq.s32 s7, s2  }
0x1e: {  	s7 =	smul.u32 @!p0 $0xF7A, s2;
	p2 =	seq.s32 @!p0 s5, $0x0  }
0x1f: {  	s9 =	smul.u32 $0xF7A, s1;
	s8 =	simm.s32 @!p0 $0x1BF5;
	p2 =	por !p2, p0  }
0x20: {  	[sflag:s8] =	ssyncset.s32 @!p0 $0xFFFFF086;
	s6 =	sadd.s32 @!p0 s3, s7;
	s7 =	simm.s32 @!p0 $0x108  }
0x21: {  	s3 =	sadd.s32 s3, s9;
	s6 =	sadd.s32 @!p0 $0x88, s6;
	s7 =	simm.s32 @p2 $0x1082  }
0x22: {  	[simem:s7], [sflag:s8] =	dma.local @!p0 [hbm:s6], $0xF7A  }
0x23: {  	s9 =	sor.u32 $0xD0000000, s2;
	s6 =	simm.s32 $0x108;
	_ =	swait.ge @!p0 [sflag:s8], $0x0  }
0x24: {  	s3 =	sadd.s32 $0x88, s3;
	s6 =	simm.s32 @!p1 $0x1082;
	[sflag:s4] =	ssyncset.s32 $0xFFFFF086  }
0x25: {  	[simem:s6], [sflag:s4] =	dma.local [hbm:s3], $0xF7A  }
0x26: {  	[smem:$0x3F91] =	sst s1;
	(tag) =	ssettag s2;
	_ =	strace s9  }
0x27: {  	s1 =	sld [smem:$0x3FA1]  }
0x28: {  	s2 =	sld [smem:$0x3FA2]  }
0x29: {  	s4 =	sld [smem:$0x3FA4]  }
0x2a: {  	p0 =	seq.s32 s5, $0x0;
	s5 =	sld [smem:$0x3FA5]  }
0x2b: {  	s6 =	sld [smem:$0x3FA6]  }
0x2c: {  	s7 =	sld [smem:$0x3FA7]  }
0x2d: {  	s3 =	simm.s32 $0x108;
	s8 =	sld [smem:$0x3FA8]  }
0x2e: {  	s3 =	simm.s32 @!p0 $0x1082;
	s9 =	sld [smem:$0x3FA9]  }
0x2f: {  	lr =	sadd.s32 s0, s3;
	s0 =	sld [smem:$0x3FA0]  }
0x30: {  	s3 =	sld [smem:$0x3FA3]  }
0x31: {  	[smem:$0x3FAC] =	sst s10  }
0x32: {  	s10 =	sld [smem:$0x3FAA];
	_ =	sdelay $0x3  }
0x33: {  	p0 =	seq.s32 s10, $0x1;
	s10 =	sld [smem:$0x3FAC];
	_ =	sdelay $0x3  }
0x34: {  	[smem:$0x3FAC] =	sst s10  }
0x35: {  	s10 =	sld [smem:$0x3FAB];
	_ =	sdelay $0x3  }
0x36: {  	p1 =	seq.s32 s10, $0x1;
	s10 =	sld [smem:$0x3FAC];
	_ =	sdelay $0x3  }
0x37: {  	[smem:$0x3FAC] =	sst s10  }
0x38: {  	s10 =	sld [smem:$0x3FAD]  }
0x39: {  	_ = 	snop;
	(pc) =	sbr.ind lr, $3  }
0x3a: {  	_ = 	snop  }
0x3b: {  	_ = 	snop  }
0x3c: {  	p2 =	seq.s32 s10, $0x1;
	s10 =	sld [smem:$0x3FAC]  }
0x3d: {  	_ =	shalt  }
0x3e: {  	_ =	shalt  }
0x3f: {  	_ =	shalt  }
0x40: {  	_ =	shalt  }
0x41: {  	_ =	shalt  }
0x42: {  	_ =	shalt  }
0x43: {  	_ =	shalt  }
0x44: {  	_ =	shalt  }
0x45: {  	_ =	shalt  }
0x46: {  	_ =	shalt  }
0x47: {  	_ =	shalt  }
0x48: {  	_ =	shalt  }
0x49: {  	_ =	shalt  }
0x4a: {  	_ =	shalt  }
0x4b: {  	_ =	shalt  }
0x4c: {  	_ =	shalt  }
0x4d: {  	_ =	shalt  }
0x4e: {  	_ =	shalt  }
0x4f: {  	_ =	shalt  }
0x50: {  	_ =	shalt  }
0x51: {  	_ =	shalt  }
0x52: {  	_ =	shalt  }
0x53: {  	_ =	shalt  }
0x54: {  	_ =	shalt  }
0x55: {  	_ =	shalt  }
0x56: {  	_ =	shalt  }
0x57: {  	_ =	shalt  }
0x58: {  	_ =	shalt  }
0x59: {  	_ =	shalt  }
0x5a: {  	_ =	shalt  }
0x5b: {  	_ =	shalt  }
0x5c: {  	_ =	shalt  }
0x5d: {  	_ =	shalt  }
0x5e: {  	_ =	shalt  }
0x5f: {  	_ =	shalt  }
0x60: {  	_ =	shalt  }
0x61: {  	_ =	shalt  }
0x62: {  	_ =	shalt  }
0x63: {  	_ =	shalt  }
0x64: {  	_ =	shalt  }
0x65: {  	_ =	shalt  }
0x66: {  	_ =	shalt  }
0x67: {  	_ =	shalt  }
0x68: {  	_ =	shalt  }
0x69: {  	_ =	shalt  }
0x6a: {  	_ =	shalt  }
0x6b: {  	_ =	shalt  }
0x6c: {  	_ =	shalt  }
0x6d: {  	_ =	shalt  }
0x6e: {  	_ =	shalt  }
0x6f: {  	_ =	shalt  }
0x70: {  	_ =	shalt  }
0x71: {  	_ =	shalt  }
0x72: {  	_ =	shalt  }
0x73: {  	_ =	shalt  }
0x74: {  	_ =	shalt  }
0x75: {  	_ =	shalt  }
0x76: {  	_ =	shalt  }
0x77: {  	_ =	shalt  }
0x78: {  	_ =	shalt  }
0x79: {  	_ =	shalt  }
0x7a: {  	_ =	shalt  }
0x7b: {  	_ =	shalt  }
0x7c: {  	_ =	shalt  }
0x7d: {  	_ =	shalt  }
0x7e: {  	_ =	shalt  }
0x7f: {  	_ =	shalt  }
0x80: {  	_ =	shalt  }
0x81: {  	_ =	shalt  }
0x82: {  	_ =	shalt  }
0x83: {  	_ =	shalt  }
0x84: {  	_ =	shalt  }
0x85: {  	_ =	shalt  }
0x86: {  	_ =	shalt  }
0x87: {  	_ =	shalt  }
.Lfunc_end0:
.L_simem_size_0:
called_computation_lowered:
.L_overlay_start_0:
0x88: {  	s2 =	sld [smem:$0x3FD9]  }
0x89: {  	s3 =	sld [smem:$0x3FFE];
	_ =	sdelay $0x1  }
0x8a: {  	s1 =	srdreg.scid  }
0x8b: {  	s0 =	sand.u32 $0x1, s1  }
0x8c: {  	s16 =	sshll.u32 s0, $0xA;
	s2 =	sadd.s32 s3, s2  }
0x8d: {  	s2 =	sadd.s32 s2, s16  }
0x8e: {  	[smem:$0x3FB8] =	sst s2  }
0x8f: {  	_ = 	snop  }
0x90: {  	(tm) =	ssettm $0x1  }
0x91: {  	s17 =	sld [smem:$0x3FFB];
	_ =	sdelay $0x3  }
0x92: {  	_ =	strace s17  }
0x93: {  	s2 =	sld [smem:$0x3FFC];
	_ =	sdelay $0x3  }
0x94: {  	_ =	strace s2  }
0x95: {  	s2 =	sld [smem:$0x3FFD];
	_ =	sdelay $0x3  }
0x96: {  	_ =	strace s2  }
0x97: {  	_ =	strace $0x8FFFFFFF  }
0x98: {  	s18 =	sld [smem:$0x3FDB];
	_ =	sdelay $0x1  }
0x99: {  	s19 =	simm.s32 $_scs_section_size  }
0x9a: {  	s4 =	simm.s32 $_size__tile_overlayer_lowered;
	s5 =	simm.s32 $_tile_overlayer_lowered  }
0x9b: {  	s22 =	simm.s32 $0x1BFF;
	s21 =	sshll.u32 s5, $0x1;
	s2 =	sadd.s32 s19, s18  }
0x9c: {  	s6 =	simm.s32 $0x0;
	s20 =	sshll.u32 s4, $0x1;
	s4 =	sadd.s32 s21, s2  }
0x9d: {  	[timem:s6], [sflag:s22] =	dma.local [hbm:s4], s20  }
0x9e: {  	_ =	swait.ge [sflag:s22], s20  }
0x9f: {  	s3 =	ssub.s32 $0x0, s20;
	[sflag:s22] =	ssyncset.done $0x0  }
0xa0: {  	[sflag:s22] =	ssyncadd.s32 s3;
	_ =	sdelay $0x1  }
0xa1: {  	s23 =	simm.s32 $0x1B8B  }
0xa2: {  	_ =	swait.ge [sflag:s23], $0x1  }
0xa3: {  	[sflag:s23] =	ssyncset.done $0x0  }
0xa4: {  	s25 =	simm.s32 $0x1B8E;
	s24 =	sld [smem:$0x3FFE];
	[sflag:s23] =	ssyncadd.s32 $0xFFFFFFFF  }
0xa5: {  	s26 =	simm.s32 $execute0_lowered;
	[smem:$0x3FD2] =	sst s25  }
0xa6: {  	s4 =	sshll.u32 s26, $0x1;
	_ =	strace $0x80000046;
	[dreg:$0x1] =	wrdreg $0xFFFFFFFF  }
0xa7: {  	s28 =	simm.s32 $_size_execute0_lowered;
	s2 =	sadd.s32 s2, s4;
	[dreg:$0x0] =	wrdreg $0x0  }
0xa8: {  	s4 =	sshll.u32 s28, $0x1;
	[dreg:$0x2] =	wrdreg s2  }
0xa9: {  	[dreg:$0x3] =	wrdreg s4  }
0xaa: {  	[dreg:$0x4] =	wrdreg $0xC0  }
0xab: {  	_ =	task [dreg:s6], $0x5FFFF  }
0xac: {  	[dreg:$0x1] =	wrdreg $0xFFFFFFFF  }
0xad: {  	[dreg:$0x0] =	wrdreg $0x60  }
0xae: {  	[dreg:$0x2] =	wrdreg s24  }
0xaf: {  	[dreg:$0x3] =	wrdreg $0x9  }
0xb0: {  	_ =	task.clear_ibuf [dreg:s6], $0x4FFFF;
	_ =	strace $0x90000046  }
0xb1: {  	s29 =	simm.s32 $0x9;
	_ =	strace $0x80000048  }
0xb2: {  	_ =	swait.ge [sflag:s29], $0x1  }
0xb3: {  	[sflag:s29] =	ssyncadd.s32 $0xFFFFFFFF  }
0xb4: {  	_ =	strace $0x90000048  }
0xb5: {  	_ =	sfence  }
0xb6: {  	s30 =	sld [smem:$0x0];
	_ =	sdelay $0x2  }
0xb7: {  	s31 =	sshll.u32 s1, $0xD;
	s1 =	sshrl.u32 s1, $0x2  }
0xb8: {  	s3 =	sand.u32 $0x4000, s31;
	s1 =	sadd.s32 s1, s30  }
0xb9: {  	s0 =	sor.u32 s3, s0;
	s1 =	sshll.u32 s1, $0x11  }
0xba: {  	s0 =	sor.u32 s1, s0  }
0xbb: {  	s0 =	sadd.s32 $0x8F2B, s0  }
0xbc: {  	[sflag:s0] =	ssyncadd.remote.s32 $0x1  }
0xbd: {  	_ =	sfence.sel $0xFFFF  }
0xbe: {  	[dreg:$0x0] =	wrdreg $0xFFFFFFFF;
	(pc) =	sbr.abs _section_cstart, $3  }
0xbf: {  	[dreg:$0x1] =	wrdreg $0xFFFFFFFF  }
0xc0: {  	_ =	task.clear_ibuf [dreg:s6], $0x2FFFF;
	_ =	strace $0x9FFFFFFF  }
0xc1: {  	(tm) =	ssettm $0x7FFFFFFF  }
tec
execute0_lowered:
.L_overlay_start_1:
0x0: {  	(tag) =	ssettag $0x1  }
0x1: {  	s4 =	rddreg [dreg:$0x0]  }
0x2: {  	s0 =	rddreg [dreg:$0x1]  }
0x3: {  	s3 =	srdreg.scid;
	s1 =	stileid.u32;
	s2 =	simm.s32 $0x0  }
0x4: {  	s10 =	simm.s32 $0x1;
	s11 =	simm.s32 $0x0;
	s6 =	smul.u32 $0xC350, s1  }
0x5: {  	s5 =	sand.u32 $0x1, s3;
	[smem:$0x7FF] =	sst s2;
	s8 =	smul.u32 $0xC3500, s1  }
0x6: {  	s3 =	sadd.s32 $0xF6C00, s4;
	s7 =	smul.u32 $0x61A8, s5;
	s9 =	ssub.s32 $0x2, s5  }
0x7: {  	_ =	strace $0x80000047;
	s5 =	smul.u32 $0x61A80, s5;
	s31 =	sshrl.u32 s9, $0x1  }
0x8: {  	s30 =	sadd.s32 s8, s4;
	s6 =	sadd.s32 s7, s6;
	s8 =	ssub.s32 s9, s31  }
0x9: {  	s5 =	sadd.s32 s5, s30;
	s7 =	simm.s32 $0x2;
	s6 =	sshrl.u32 s6, $0x3  }
0xa: {  	s9 =	simm.s32 $0x80;
	s5 =	sadd.s32 $0x1BA200, s5;
	s6 =	sadd.s32 s6, s4  }
0xb: {  	s4 =	smax.u32 s8, $0x1;
	s8 =	simm.s32 $0x28;
	s6 =	sadd.s32 $0x2600, s6  }
.LBB2_1:
0xc: {  	s12 =	sadd.s32 $0x0, s6  }
0xd: {  	[tilespmem:s2], [sflag:$0x2] =	stream.linear.gather [hbm4b:s12+s2], $0x28, $0x38;
	[tilespmem:$0x1480] =	vst v63  }
0xe: {  	_ =	swait.ge [sflag:s7], $0x28  }
0xf: {  	[sflag:s7] =	ssyncset.done $0x0  }
0x10: {  	[sflag:s7] =	ssyncadd.s32 $0xFFFFFFD8  }
0x11: {  	[tilespmem:s9], [sflag:$0x1] =	stream.indirect.gather [hbm4b:s3+s8], $0x80, s2, s8, $0xb8;
	[tilespmem:$0x1480] =	vst v63  }
0x12: {  	_ =	swait.ge [sflag:s10], $0x1400  }
0x13: {  	[sflag:s10] =	ssyncset.done $0x0  }
0x14: {  	[sflag:s10] =	ssyncadd.s32 $0xFFFFEC00  }
0x15: {  	[hbm4b:s5+s2] =	stream.linear.scatter [tilespmem:s9], [sflag:$0x2], $0x1400, $0x38;
	[tilespmem:$0x1480] =	vst v63  }
0x16: {  	s13 =	simm.s32 $0x5;
	_ =	swait.ge [sflag:s7], $0x1400  }
0x17: {  	s14 =	simm.s32 $0xA;
	s12 =	sadd.s32 $0x280, s5;
	[sflag:s7] =	ssyncset.done $0x0  }
.LBB2_2:
0x18: {  	s15 =	sadd.s32 s13, s6  }
0x19: {  	[sflag:s7] =	ssyncadd.s32 $0xFFFFEC00;
	s13 =	smov.u32 s14;
	s16 =	sadd.s32 $0x5, s14  }
0x1a: {  	[tilespmem:s2], [sflag:$0x2] =	stream.linear.gather [hbm4b:s15+s2], $0x28, $0x38;
	[tilespmem:$0x1480] =	vst v63  }
0x1b: {  	p0 =	sne.s32 s14, $0xC30;
	_ =	swait.ge [sflag:s7], $0x28  }
0x1c: {  	[sflag:s7] =	ssyncset.done $0x0  }
0x1d: {  	[sflag:s7] =	ssyncadd.s32 $0xFFFFFFD8  }
0x1e: {  	[tilespmem:s9], [sflag:$0x1] =	stream.indirect.gather [hbm4b:s3+s8], $0x80, s2, s8, $0xb8;
	[tilespmem:$0x1480] =	vst v63  }
0x1f: {  	_ =	swait.ge [sflag:s10], $0x1400  }
.Ltmp0:
0x20: {  	[sflag:s10] =	ssyncset.done $0x0;
	(pc) =	sbr.rel @p0 .LBB2_2-.Ltmp0, $4  }
0x21: {  	[sflag:s10] =	ssyncadd.s32 $0xFFFFEC00  }
0x22: {  	[hbm4b:s12+s2] =	stream.linear.scatter [tilespmem:s9], [sflag:$0x2], $0x1400, $0x38;
	[tilespmem:$0x1480] =	vst v63  }
0x23: {  	_ =	swait.ge [sflag:s7], $0x1400  }
0x24: {  	s14 =	smov.u32 s16;
	s12 =	sadd.s32 $0x280, s12;
	[sflag:s7] =	ssyncset.done $0x0  }
0x25: {  	s13 =	sadd.s32 s13, s6;
	[sflag:s7] =	ssyncadd.s32 $0xFFFFEC00  }
0x26: {  	[tilespmem:s2], [sflag:$0x2] =	stream.linear.gather [hbm4b:s13+s2], $0x28, $0x38;
	[tilespmem:$0x1480] =	vst v63  }
0x27: {  	_ =	swait.ge [sflag:s7], $0x28  }
0x28: {  	[sflag:s7] =	ssyncset.done $0x0  }
0x29: {  	[sflag:s7] =	ssyncadd.s32 $0xFFFFFFD8  }
0x2a: {  	[tilespmem:s9], [sflag:$0x1] =	stream.indirect.gather [hbm4b:s3+s8], $0x80, s2, s8, $0xb8;
	[tilespmem:$0x1480] =	vst v63  }
0x2b: {  	s11 =	sadd.s32 $0x1, s11;
	_ =	swait.ge [sflag:s10], $0x1400  }
0x2c: {  	p0 =	sne.s32 s11, s4;
	[sflag:s10] =	ssyncset.done $0x0  }
.Ltmp1:
0x2d: {  	[sflag:s10] =	ssyncadd.s32 $0xFFFFEC00;
	(pc) =	sbr.rel @p0 .LBB2_1-.Ltmp1, $4  }
0x2e: {  	[hbm4b:s12+s2] =	stream.linear.scatter [tilespmem:s9], [sflag:$0x2], $0x1400, $0x38;
	[tilespmem:$0x1480] =	vst v63  }
0x2f: {  	_ =	swait.ge [sflag:s7], $0x1400  }
0x30: {  	[sflag:s7] =	ssyncset.done $0x0  }
0x31: {  	[sflag:s7] =	ssyncadd.s32 $0xFFFFEC00  }
0x32: {  	_ =	sfence.sel $0x180000  }
0x33: {  	[bflag:$0x0] =	sbarrier.arrive $0xFFFF  }
0x34: {  	p0 =	sne.s32 s1, $0x0;
	_ =	strace $0x90000047  }
0x35: {  	s0 =	sadd.s32 @!p0 $0x100000, s0;
	[bflag:$0x2] =	sbarrier.arrive $0xFFFF  }
0x36: {  	[sflag:s0] =	ssyncadd.tile.s32 @!p0 $0x1;
	_ =	shalt  }
.Lfunc_end2:
_tile_overlayer_lowered:
.L_overlay_start_2:
0x37: {  	(tag) =	ssettag $0x2  }
0x38: {  	s0 =	rddreg [dreg:$0x0];
	s2 =	stileid.u32  }
0x39: {  	s1 =	rddreg [dreg:$0x1];
	p0 =	sne.s32 s2, $0x0  }
0x3a: {  	s3 =	rddreg [dreg:$0x2];
	[bflag:$0x3] =	sbarrier.arrive $0xFFFF;
	s2 =	simm.s32 @!p0 $0x1C02  }
0x3b: {  	[timem:s3], [sflag:s2] =	dma.local @!p0 [hbm:s0], s1  }
0x3c: {  	s0 =	simm.s32 @!p0 $0x2  }
0x3d: {  	_ =	swait.ge @!p0 [sflag:s0], s1  }
0x3e: {  	s1 =	ssub.s32 @!p0 $0x0, s1;
	[sflag:s0] =	ssyncset.done @!p0 $0x0  }
0x3f: {  	[sflag:s0] =	ssyncadd.s32 @!p0 s1  }
0x40: {  	[bflag:$0x3] =	sbarrier.arrive $0xFFFF  }
0x41: {  	_ =	shalt  }

// kernel: kernel.20.cloned.1.call-start
scs
__scs_entry_jumppad:
0x0: {  	(pc) =	sbr.rel $0x88, $3  }
0x1: {  	(tag) =	ssettag $0x0;
	lr =	simm.s32 $0x1  }
0x2: {  	[smem:$0x3F91] =	sst lr;
	_ =	strace $0xD0000000  }
0x3: {  	_ = 	snop  }
0x4: {  	_ = 	snop  }
0x5: {  	_ = 	snop  }
0x6: {  	_ = 	snop  }
0x7: {  	_ = 	snop  }
__scs_overlays_trampoline_lowered:
0x8: {  	[smem:$0x3FA0] =	sst s0  }
0x9: {  	[smem:$0x3FA1] =	sst s1  }
0xa: {  	[smem:$0x3FA2] =	sst s2  }
0xb: {  	[smem:$0x3FA3] =	sst s3  }
0xc: {  	[smem:$0x3FA4] =	sst s4  }
0xd: {  	[smem:$0x3FA5] =	sst s5  }
0xe: {  	[smem:$0x3FA6] =	sst s6  }
0xf: {  	[smem:$0x3FA7] =	sst s7  }
0x10: {  	[smem:$0x3FA8] =	sst s8  }
0x11: {  	[smem:$0x3FA9] =	sst s9;
	s0 =	simm.s32 @!p0 $0x0  }
0x12: {  	s1 =	sld [smem:$0x3F8F];
	s0 =	simm.s32 @p0 $0x1  }
0x13: {  	[smem:$0x3FAA] =	sst s0;
	s0 =	simm.s32 @!p1 $0x0  }
0x14: {  	s2 =	sld [smem:$0x3F8E];
	s0 =	simm.s32 @p1 $0x1  }
0x15: {  	[smem:$0x3FAB] =	sst s0;
	s0 =	simm.s32 @!p2 $0x0  }
0x16: {  	s3 =	sld [smem:$0x3FDB];
	s0 =	simm.s32 @p2 $0x1  }
0x17: {  	s4 =	simm.s32 $0x1BF5;
	[smem:$0x3FAD] =	sst s0  }
0x18: {  	s0 =	sld [smem:$0x3F90];
	_ =	swait.ge [sflag:s4], $0x0  }
0x19: {  	s7 =	sld [smem:$0x3F91]  }
0x1a: {  	s8 =	sadd.s32 $0xFFFFE003, lr  }
0x1b: {  	s9 =	sadd.s32 $0xFFFFFEF7, lr;
	s5 =	simm.s32 $0xFFFFFFFF;
	p2 =	slt.u32 s8, $0xFFFFF086  }
0x1c: {  	p1 =	slt.u32 s9, $0xF7A;
	s5 =	simm.s32 @!p2 $0x0  }
0x1d: {  	s5 =	simm.s32 @p1 $0x1;
	p0 =	seq.s32 s7, s2  }
0x1e: {  	s7 =	smul.u32 @!p0 $0xF7A, s2;
	p2 =	seq.s32 @!p0 s5, $0x0  }
0x1f: {  	s9 =	smul.u32 $0xF7A, s1;
	s8 =	simm.s32 @!p0 $0x1BF5;
	p2 =	por !p2, p0  }
0x20: {  	[sflag:s8] =	ssyncset.s32 @!p0 $0xFFFFF086;
	s6 =	sadd.s32 @!p0 s3, s7;
	s7 =	simm.s32 @!p0 $0x108  }
0x21: {  	s3 =	sadd.s32 s3, s9;
	s6 =	sadd.s32 @!p0 $0x88, s6;
	s7 =	simm.s32 @p2 $0x1082  }
0x22: {  	[simem:s7], [sflag:s8] =	dma.local @!p0 [hbm:s6], $0xF7A  }
0x23: {  	s9 =	sor.u32 $0xD0000000, s2;
	s6 =	simm.s32 $0x108;
	_ =	swait.ge @!p0 [sflag:s8], $0x0  }
0x24: {  	s3 =	sadd.s32 $0x88, s3;
	s6 =	simm.s32 @!p1 $0x1082;
	[sflag:s4] =	ssyncset.s32 $0xFFFFF086  }
0x25: {  	[simem:s6], [sflag:s4] =	dma.local [hbm:s3], $0xF7A  }
0x26: {  	[smem:$0x3F91] =	sst s1;
	(tag) =	ssettag s2;
	_ =	strace s9  }
0x27: {  	s1 =	sld [smem:$0x3FA1]  }
0x28: {  	s2 =	sld [smem:$0x3FA2]  }
0x29: {  	s4 =	sld [smem:$0x3FA4]  }
0x2a: {  	p0 =	seq.s32 s5, $0x0;
	s5 =	sld [smem:$0x3FA5]  }
0x2b: {  	s6 =	sld [smem:$0x3FA6]  }
0x2c: {  	s7 =	sld [smem:$0x3FA7]  }
0x2d: {  	s3 =	simm.s32 $0x108;
	s8 =	sld [smem:$0x3FA8]  }
0x2e: {  	s3 =	simm.s32 @!p0 $0x1082;
	s9 =	sld [smem:$0x3FA9]  }
0x2f: {  	lr =	sadd.s32 s0, s3;
	s0 =	sld [smem:$0x3FA0]  }
0x30: {  	s3 =	sld [smem:$0x3FA3]  }
0x31: {  	[smem:$0x3FAC] =	sst s10  }
0x32: {  	s10 =	sld [smem:$0x3FAA];
	_ =	sdelay $0x3  }
0x33: {  	p0 =	seq.s32 s10, $0x1;
	s10 =	sld [smem:$0x3FAC];
	_ =	sdelay $0x3  }
0x34: {  	[smem:$0x3FAC] =	sst s10  }
0x35: {  	s10 =	sld [smem:$0x3FAB];
	_ =	sdelay $0x3  }
0x36: {  	p1 =	seq.s32 s10, $0x1;
	s10 =	sld [smem:$0x3FAC];
	_ =	sdelay $0x3  }
0x37: {  	[smem:$0x3FAC] =	sst s10  }
0x38: {  	s10 =	sld [smem:$0x3FAD]  }
0x39: {  	_ = 	snop;
	(pc) =	sbr.ind lr, $3  }
0x3a: {  	_ = 	snop  }
0x3b: {  	_ = 	snop  }
0x3c: {  	p2 =	seq.s32 s10, $0x1;
	s10 =	sld [smem:$0x3FAC]  }
0x3d: {  	_ =	shalt  }
0x3e: {  	_ =	shalt  }
0x3f: {  	_ =	shalt  }
0x40: {  	_ =	shalt  }
0x41: {  	_ =	shalt  }
0x42: {  	_ =	shalt  }
0x43: {  	_ =	shalt  }
0x44: {  	_ =	shalt  }
0x45: {  	_ =	shalt  }
0x46: {  	_ =	shalt  }
0x47: {  	_ =	shalt  }
0x48: {  	_ =	shalt  }
0x49: {  	_ =	shalt  }
0x4a: {  	_ =	shalt  }
0x4b: {  	_ =	shalt  }
0x4c: {  	_ =	shalt  }
0x4d: {  	_ =	shalt  }
0x4e: {  	_ =	shalt  }
0x4f: {  	_ =	shalt  }
0x50: {  	_ =	shalt  }
0x51: {  	_ =	shalt  }
0x52: {  	_ =	shalt  }
0x53: {  	_ =	shalt  }
0x54: {  	_ =	shalt  }
0x55: {  	_ =	shalt  }
0x56: {  	_ =	shalt  }
0x57: {  	_ =	shalt  }
0x58: {  	_ =	shalt  }
0x59: {  	_ =	shalt  }
0x5a: {  	_ =	shalt  }
0x5b: {  	_ =	shalt  }
0x5c: {  	_ =	shalt  }
0x5d: {  	_ =	shalt  }
0x5e: {  	_ =	shalt  }
0x5f: {  	_ =	shalt  }
0x60: {  	_ =	shalt  }
0x61: {  	_ =	shalt  }
0x62: {  	_ =	shalt  }
0x63: {  	_ =	shalt  }
0x64: {  	_ =	shalt  }
0x65: {  	_ =	shalt  }
0x66: {  	_ =	shalt  }
0x67: {  	_ =	shalt  }
0x68: {  	_ =	shalt  }
0x69: {  	_ =	shalt  }
0x6a: {  	_ =	shalt  }
0x6b: {  	_ =	shalt  }
0x6c: {  	_ =	shalt  }
0x6d: {  	_ =	shalt  }
0x6e: {  	_ =	shalt  }
0x6f: {  	_ =	shalt  }
0x70: {  	_ =	shalt  }
0x71: {  	_ =	shalt  }
0x72: {  	_ =	shalt  }
0x73: {  	_ =	shalt  }
0x74: {  	_ =	shalt  }
0x75: {  	_ =	shalt  }
0x76: {  	_ =	shalt  }
0x77: {  	_ =	shalt  }
0x78: {  	_ =	shalt  }
0x79: {  	_ =	shalt  }
0x7a: {  	_ =	shalt  }
0x7b: {  	_ =	shalt  }
0x7c: {  	_ =	shalt  }
0x7d: {  	_ =	shalt  }
0x7e: {  	_ =	shalt  }
0x7f: {  	_ =	shalt  }
0x80: {  	_ =	shalt  }
0x81: {  	_ =	shalt  }
0x82: {  	_ =	shalt  }
0x83: {  	_ =	shalt  }
0x84: {  	_ =	shalt  }
0x85: {  	_ =	shalt  }
0x86: {  	_ =	shalt  }
0x87: {  	_ =	shalt  }
.Lfunc_end0:
.L_simem_size_0:
called_computation.1_lowered:
.L_overlay_start_0:
0x88: {  	s2 =	sld [smem:$0x3FD9]  }
0x89: {  	s3 =	sld [smem:$0x3FFE];
	_ =	sdelay $0x1  }
0x8a: {  	s1 =	srdreg.scid  }
0x8b: {  	s0 =	sand.u32 $0x1, s1  }
0x8c: {  	s14 =	sshll.u32 s0, $0xA;
	s2 =	sadd.s32 s3, s2  }
0x8d: {  	s2 =	sadd.s32 s2, s14  }
0x8e: {  	[smem:$0x3FB8] =	sst s2  }
0x8f: {  	_ = 	snop  }
0x90: {  	s2 =	sld [smem:$0x3FD0];
	_ =	sdelay $0x2  }
0x91: {  	s15 =	simm.s32 $0xB;
	s4 =	simm.s32 $0x10  }
0x92: {  	[smem:s4], [sflag:s15] =	dma.local [hbm:s2], $0x1  }
0x93: {  	_ =	swait.eq [sflag:s15], $0x1  }
0x94: {  	[sflag:s15] =	ssyncset.done $0x0  }
0x95: {  	[sflag:s15] =	ssyncadd.s32 $0xFFFFFFFF  }
0x96: {  	s16 =	sld [smem:$0x10];
	(tm) =	ssettm $0x1  }
0x97: {  	s17 =	sld [smem:$0x3FFB];
	_ =	sdelay $0x3  }
0x98: {  	_ =	strace s17  }
0x99: {  	s3 =	sld [smem:$0x3FFC];
	_ =	sdelay $0x3  }
0x9a: {  	_ =	strace s3  }
0x9b: {  	s3 =	sld [smem:$0x3FFD];
	_ =	sdelay $0x3  }
0x9c: {  	_ =	strace s3  }
0x9d: {  	_ =	strace $0x8FFFFFFF  }
0x9e: {  	s18 =	sld [smem:$0x3FDB];
	_ =	sdelay $0x1  }
0x9f: {  	s19 =	simm.s32 $_scs_section_size  }
0xa0: {  	s5 =	simm.s32 $_size__tile_overlayer_lowered;
	s6 =	simm.s32 $_tile_overlayer_lowered  }
0xa1: {  	s22 =	simm.s32 $0x1BFF;
	s21 =	sshll.u32 s6, $0x1;
	s3 =	sadd.s32 s19, s18  }
0xa2: {  	s7 =	simm.s32 $0x0;
	s20 =	sshll.u32 s5, $0x1;
	s5 =	sadd.s32 s21, s3  }
0xa3: {  	[timem:s7], [sflag:s22] =	dma.local [hbm:s5], s20  }
0xa4: {  	_ =	swait.ge [sflag:s22], s20  }
0xa5: {  	s4 =	ssub.s32 $0x0, s20;
	[sflag:s22] =	ssyncset.done $0x0  }
0xa6: {  	[sflag:s22] =	ssyncadd.s32 s4;
	_ =	sdelay $0x1  }
0xa7: {  	s23 =	simm.s32 $0x1B8B  }
0xa8: {  	_ =	swait.ge [sflag:s23], $0x1  }
0xa9: {  	[sflag:s23] =	ssyncset.done $0x0  }
0xaa: {  	s25 =	simm.s32 $0x1B8E;
	s24 =	sld [smem:$0x3FFE];
	[sflag:s23] =	ssyncadd.s32 $0xFFFFFFFF  }
0xab: {  	s26 =	simm.s32 $execute0_lowered;
	[smem:$0x3FD2] =	sst s25  }
0xac: {  	s5 =	sshll.u32 s26, $0x1;
	_ =	strace $0x80000049;
	[dreg:$0x1] =	wrdreg $0xFFFFFFFF  }
0xad: {  	s28 =	simm.s32 $_size_execute0_lowered;
	s3 =	sadd.s32 s3, s5;
	[dreg:$0x0] =	wrdreg $0x0  }
0xae: {  	s5 =	sshll.u32 s28, $0x1;
	[dreg:$0x2] =	wrdreg s3  }
0xaf: {  	[dreg:$0x3] =	wrdreg s5  }
0xb0: {  	[dreg:$0x4] =	wrdreg $0xC0  }
0xb1: {  	_ =	task [dreg:s7], $0x5FFFF  }
0xb2: {  	[dreg:$0x1] =	wrdreg $0xFFFFFFFF  }
0xb3: {  	[dreg:$0x0] =	wrdreg $0x60  }
0xb4: {  	[dreg:$0x2] =	wrdreg s24  }
0xb5: {  	[dreg:$0x3] =	wrdreg s16  }
0xb6: {  	[dreg:$0x4] =	wrdreg $0x29000  }
0xb7: {  	[dreg:$0x5] =	wrdreg $0x9  }
0xb8: {  	_ =	task.clear_ibuf [dreg:s7], $0x6FFFF;
	_ =	strace $0x90000049  }
0xb9: {  	s29 =	simm.s32 $0x9;
	_ =	strace $0x8000004B  }
0xba: {  	_ =	swait.ge [sflag:s29], $0x1  }
0xbb: {  	[sflag:s29] =	ssyncadd.s32 $0xFFFFFFFF  }
0xbc: {  	_ =	strace $0x9000004B  }
0xbd: {  	_ =	sfence  }
0xbe: {  	s30 =	sld [smem:$0x0];
	_ =	sdelay $0x2  }
0xbf: {  	s31 =	sshll.u32 s1, $0xD;
	s1 =	sshrl.u32 s1, $0x2  }
0xc0: {  	s3 =	sand.u32 $0x4000, s31;
	s1 =	sadd.s32 s1, s30  }
0xc1: {  	s0 =	sor.u32 s3, s0;
	s1 =	sshll.u32 s1, $0x11  }
0xc2: {  	s0 =	sor.u32 s1, s0  }
0xc3: {  	s0 =	sadd.s32 $0x8F2B, s0  }
0xc4: {  	[sflag:s0] =	ssyncadd.remote.s32 $0x1  }
0xc5: {  	_ =	sfence.sel $0xFFFF  }
0xc6: {  	[dreg:$0x0] =	wrdreg $0xFFFFFFFF;
	(pc) =	sbr.abs _section_cstart, $3  }
0xc7: {  	[dreg:$0x1] =	wrdreg $0xFFFFFFFF  }
0xc8: {  	_ =	task.clear_ibuf [dreg:s7], $0x2FFFF;
	_ =	strace $0x9FFFFFFF  }
0xc9: {  	(tm) =	ssettm $0x7FFFFFFF  }
tec
execute0_lowered:
.L_overlay_start_1:
0x0: {  	(tag) =	ssettag $0x1  }
0x1: {  	s4 =	rddreg [dreg:$0x0];
	s1 =	stileid.u32  }
0x2: {  	s5 =	rddreg [dreg:$0x1];
	s6 =	smul.u32 $0xC3500, s1  }
0x3: {  	s2 =	rddreg [dreg:$0x2];
	s8 =	smul.u32 $0x186A, s1  }
0x4: {  	s0 =	rddreg [dreg:$0x3];
	s21 =	smul.u32 $0x63000, s1  }
0x5: {  	s3 =	simm.s32 $0x0;
	s7 =	srdreg.scid;
	s11 =	smul.u32 $0x3180, s1  }
0x6: {  	[smem:$0x7FF] =	sst s3;
	s7 =	sand.u32 $0x1, s7;
	s25 =	smul.u32 $0x310, s1  }
0x7: {  	s22 =	sadd.s32 $0x1BA200, s4;
	s26 =	sshll.u32 s1, $0x6;
	s14 =	smul.u32 $0x62000, s1  }
0x8: {  	_ =	strace $0x8000004A;
	s15 =	smul.u32 $0x6200, s7;
	s20 =	ssub.s32 $0x2, s7  }
0x9: {  	s9 =	sadd.s32 s6, s4;
	s10 =	sadd.s32 s8, s4;
	s23 =	sshrl.u32 s20, $0x1  }
0xa: {  	s24 =	sshrl.u32 s21, $0x2;
	s4 =	sadd.s32 s5, s11;
	s5 =	sor.u32 $0x1C01, s26  }
0xb: {  	s28 =	sshrl.u32 s14, $0x2;
	s14 =	simm.s32 $0x50;
	s12 =	ssub.s32 s20, s23  }
0xc: {  	s13 =	sadd.s32 s24, s2;
	s16 =	sadd.s32 $0x3100, s15;
	s29 =	sadd.s32 s25, s15  }
0xd: {  	s17 =	sadd.s32 s28, s2;
	s9 =	sadd.s32 $0x1A24200, s9;
	s10 =	sadd.s32 $0x1AE00, s10  }
0xe: {  	v0 =	vmov s15;
	s15 =	simm.s32 $0x80;
	s6 =	sadd.s32 s25, s16;
	s30 =	sshll.u32 s29, $0x4  }
0xf: {  	s8 =	smax.u32 s12, $0x1;
	s11 =	sshrl.u32 s13, $0x3;
	s12 =	simm.s32 $0x1  }
0x10: {  	s13 =	simm.s32 $0x100;
	v1 =	vmov s16;
	s16 =	sshrl.u32 s17, $0x3;
	s31 =	sshll.u32 s6, $0x4  }
0x11: {  	s17 =	simm.s32 $0x0;
	s6 =	sadd.s32 s22, s30;
	s7 =	sadd.s32 s22, s31  }
.LBB2_1:
0x12: {  	[spmem:s11], [sflag:s5] =	dma.local [hbm:s4], $0x3180  }
0x13: {  	_ =	swait.ge [sflag:s12], $0x3180  }
0x14: {  	[sflag:s12] =	ssyncset.done $0x0  }
0x15: {  	[sflag:s12] =	ssyncadd.s32 $0xFFFFCE80  }
0x16: {  	s18 =	sadd.s32 $0x0, s10;
	[bflag:$0x0] =	sbarrier.arrive $0xFFFF  }
0x17: {  	[tilespmem:s3], [sflag:$0x1] =	stream.linear.gather [hbm4b:s18+s3], $0x50, $0x38;
	[tilespmem:$0x1B500] =	vst v63  }
0x18: {  	_ =	swait.ge [sflag:s12], $0x50  }
0x19: {  	[sflag:s12] =	ssyncset.done $0x0  }
0x1a: {  	[sflag:s12] =	ssyncadd.s32 $0xFFFFFFB0  }
0x1b: {  	[tilespmem:s13], [sflag:$0x1] =	stream.linear.gather [hbm4b:s9+s3], $0x2800, $0x38;
	[tilespmem:$0x1B500] =	vst v63  }
0x1c: {  	_ =	swait.ge [sflag:s12], $0x2800  }
0x1d: {  	[sflag:s12] =	ssyncset.done $0x0  }
0x1e: {  	[sflag:s12] =	ssyncadd.s32 $0xFFFFD800  }
0x1f: {  	v2 =	vld [tilespmem:$0x40]  }
0x20: {  	v3 =	vld [tilespmem:$0x30]  }
0x21: {  	v4 =	vld [tilespmem:$0x20]  }
0x22: {  	v5 =	vld [tilespmem:$0x10]  }
0x23: {  	v6 =	vld [tilespmem:$0x0]  }
0x24: {  	v2 =	vsub.s32 v2, v0  }
0x25: {  	v3 =	vsub.s32 v3, v0;
	v2 =	vmin.u32 v2, $0x3100  }
0x26: {  	v4 =	vsub.s32 v4, v0;
	v3 =	vmin.u32 v3, $0x3100;
	[tilespmem:$0xC0] =	vst v2  }
0x27: {  	v4 =	vmin.u32 v4, $0x3100;
	v2 =	vsub.s32 v5, v0;
	[tilespmem:$0xB0] =	vst v3  }
0x28: {  	v3 =	vsub.s32 v6, v0;
	[tilespmem:$0xA0] =	vst v4;
	v5 =	vmin.u32 v2, $0x3100  }
0x29: {  	s19 =	smov.u32 s9;
	s18 =	simm.s32 $0xA;
	v2 =	vmin.u32 v3, $0x3100;
	[tilespmem:$0x90] =	vst v5  }
.LBB2_2:
0x2a: {  	p0 =	sne.s32 s18, $0x1860  }
0x2b: {  	[tilespmem:$0x80] =	vst v2;
	s19 =	sadd.s32 $0x500, s19;
	s20 =	smov.u32 s18;
	s18 =	sadd.s32 $0xA, s18  }
0x2c: {  	[spmem:s2] =	stream.indirect.scatter.add.f32 [tilespmem:s13], [sflag:$0x1], $0x80, s15, s14, $0xb8;
	[tilespmem:$0x1B500] =	vst v63  }
0x2d: {  	_ =	swait.ge [sflag:s12], $0x2800  }
0x2e: {  	[sflag:s12] =	ssyncset.done $0x0  }
0x2f: {  	s20 =	sadd.s32 s20, s10;
	[sflag:s12] =	ssyncadd.s32 $0xFFFFD800  }
0x30: {  	[tilespmem:s3], [sflag:$0x1] =	stream.linear.gather [hbm4b:s20+s3], $0x50, $0x38;
	[tilespmem:$0x1B500] =	vst v63  }
0x31: {  	_ =	swait.ge [sflag:s12], $0x50  }
0x32: {  	[sflag:s12] =	ssyncset.done $0x0  }
0x33: {  	[sflag:s12] =	ssyncadd.s32 $0xFFFFFFB0  }
0x34: {  	[tilespmem:s13], [sflag:$0x1] =	stream.linear.gather [hbm4b:s19+s3], $0x2800, $0x38;
	[tilespmem:$0x1B500] =	vst v63  }
0x35: {  	_ =	swait.ge [sflag:s12], $0x2800  }
0x36: {  	[sflag:s12] =	ssyncset.done $0x0  }
0x37: {  	[sflag:s12] =	ssyncadd.s32 $0xFFFFD800  }
0x38: {  	v2 =	vld [tilespmem:$0x40]  }
0x39: {  	v3 =	vld [tilespmem:$0x30]  }
0x3a: {  	v4 =	vld [tilespmem:$0x20]  }
0x3b: {  	v5 =	vld [tilespmem:$0x10]  }
0x3c: {  	v6 =	vld [tilespmem:$0x0]  }
0x3d: {  	v2 =	vsub.s32 v2, v0  }
.Ltmp0:
0x3e: {  	v3 =	vsub.s32 v3, v0;
	v2 =	vmin.u32 v2, $0x3100;
	(pc) =	sbr.rel @p0 .LBB2_2-.Ltmp0, $4  }
0x3f: {  	v4 =	vsub.s32 v4, v0;
	v3 =	vmin.u32 v3, $0x3100;
	[tilespmem:$0xC0] =	vst v2  }
0x40: {  	v2 =	vsub.s32 v5, v0;
	v4 =	vmin.u32 v4, $0x3100;
	[tilespmem:$0xB0] =	vst v3  }
0x41: {  	v3 =	vsub.s32 v6, v0;
	v5 =	vmin.u32 v2, $0x3100;
	[tilespmem:$0xA0] =	vst v4  }
0x42: {  	v2 =	vmin.u32 v3, $0x3100;
	[tilespmem:$0x90] =	vst v5  }
0x43: {  	[tilespmem:$0x80] =	vst v2  }
0x44: {  	[spmem:s2] =	stream.indirect.scatter.add.f32 [tilespmem:s13], [sflag:$0x1], $0x80, s15, s14, $0xb8;
	[tilespmem:$0x1B500] =	vst v63  }
0x45: {  	_ =	swait.ge [sflag:s12], $0x2800  }
0x46: {  	[sflag:s12] =	ssyncset.done $0x0  }
0x47: {  	[sflag:s12] =	ssyncadd.s32 $0xFFFFD800  }
0x48: {  	[bflag:$0x0] =	sbarrier.arrive $0xFFFF  }
0x49: {  	[hbm:s6], [sflag:s5] =	dma.local [spmem:s16], $0x3100  }
0x4a: {  	_ =	swait.ge [sflag:s12], $0x3100  }
0x4b: {  	[sflag:s12] =	ssyncset.done $0x0  }
0x4c: {  	[sflag:s12] =	ssyncadd.s32 $0xFFFFCF00  }
0x4d: {  	[bflag:$0x0] =	sbarrier.arrive $0xFFFF  }
0x4e: {  	[spmem:s11], [sflag:s5] =	dma.local [hbm:s4], $0x3180  }
0x4f: {  	_ =	swait.ge [sflag:s12], $0x3180  }
0x50: {  	[sflag:s12] =	ssyncset.done $0x0  }
0x51: {  	[sflag:s12] =	ssyncadd.s32 $0xFFFFCE80  }
0x52: {  	s18 =	sadd.s32 $0x0, s10;
	[bflag:$0x0] =	sbarrier.arrive $0xFFFF  }
0x53: {  	[tilespmem:s3], [sflag:$0x1] =	stream.linear.gather [hbm4b:s18+s3], $0x50, $0x38;
	[tilespmem:$0x1B500] =	vst v63  }
0x54: {  	_ =	swait.ge [sflag:s12], $0x50  }
0x55: {  	[sflag:s12] =	ssyncset.done $0x0  }
0x56: {  	[sflag:s12] =	ssyncadd.s32 $0xFFFFFFB0  }
0x57: {  	[tilespmem:s13], [sflag:$0x1] =	stream.linear.gather [hbm4b:s9+s3], $0x2800, $0x38;
	[tilespmem:$0x1B500] =	vst v63  }
0x58: {  	_ =	swait.ge [sflag:s12], $0x2800  }
0x59: {  	[sflag:s12] =	ssyncset.done $0x0  }
0x5a: {  	[sflag:s12] =	ssyncadd.s32 $0xFFFFD800  }
0x5b: {  	v2 =	vld [tilespmem:$0x40]  }
0x5c: {  	v3 =	vld [tilespmem:$0x30]  }
0x5d: {  	v4 =	vld [tilespmem:$0x20]  }
0x5e: {  	v5 =	vld [tilespmem:$0x10]  }
0x5f: {  	v6 =	vld [tilespmem:$0x0]  }
0x60: {  	v2 =	vsub.s32 v2, v1  }
0x61: {  	v3 =	vsub.s32 v3, v1;
	v2 =	vmin.u32 v2, $0x3100  }
0x62: {  	v4 =	vsub.s32 v4, v1;
	v3 =	vmin.u32 v3, $0x3100;
	[tilespmem:$0xC0] =	vst v2  }
0x63: {  	v4 =	vmin.u32 v4, $0x3100;
	v2 =	vsub.s32 v5, v1;
	[tilespmem:$0xB0] =	vst v3  }
0x64: {  	v3 =	vsub.s32 v6, v1;
	[tilespmem:$0xA0] =	vst v4;
	v5 =	vmin.u32 v2, $0x3100  }
0x65: {  	s19 =	smov.u32 s9;
	s18 =	simm.s32 $0xA;
	v2 =	vmin.u32 v3, $0x3100;
	[tilespmem:$0x90] =	vst v5  }
.LBB2_4:
0x66: {  	p0 =	sne.s32 s18, $0x1860  }
0x67: {  	[tilespmem:$0x80] =	vst v2;
	s19 =	sadd.s32 $0x500, s19;
	s20 =	smov.u32 s18;
	s18 =	sadd.s32 $0xA, s18  }
0x68: {  	[spmem:s2] =	stream.indirect.scatter.add.f32 [tilespmem:s13], [sflag:$0x1], $0x80, s15, s14, $0xb8;
	[tilespmem:$0x1B500] =	vst v63  }
0x69: {  	_ =	swait.ge [sflag:s12], $0x2800  }
0x6a: {  	[sflag:s12] =	ssyncset.done $0x0  }
0x6b: {  	s20 =	sadd.s32 s20, s10;
	[sflag:s12] =	ssyncadd.s32 $0xFFFFD800  }
0x6c: {  	[tilespmem:s3], [sflag:$0x1] =	stream.linear.gather [hbm4b:s20+s3], $0x50, $0x38;
	[tilespmem:$0x1B500] =	vst v63  }
0x6d: {  	_ =	swait.ge [sflag:s12], $0x50  }
0x6e: {  	[sflag:s12] =	ssyncset.done $0x0  }
0x6f: {  	[sflag:s12] =	ssyncadd.s32 $0xFFFFFFB0  }
0x70: {  	[tilespmem:s13], [sflag:$0x1] =	stream.linear.gather [hbm4b:s19+s3], $0x2800, $0x38;
	[tilespmem:$0x1B500] =	vst v63  }
0x71: {  	_ =	swait.ge [sflag:s12], $0x2800  }
0x72: {  	[sflag:s12] =	ssyncset.done $0x0  }
0x73: {  	[sflag:s12] =	ssyncadd.s32 $0xFFFFD800  }
0x74: {  	v2 =	vld [tilespmem:$0x40]  }
0x75: {  	v3 =	vld [tilespmem:$0x30]  }
0x76: {  	v4 =	vld [tilespmem:$0x20]  }
0x77: {  	v5 =	vld [tilespmem:$0x10]  }
0x78: {  	v6 =	vld [tilespmem:$0x0]  }
0x79: {  	v2 =	vsub.s32 v2, v1  }
.Ltmp1:
0x7a: {  	v3 =	vsub.s32 v3, v1;
	v2 =	vmin.u32 v2, $0x3100;
	(pc) =	sbr.rel @p0 .LBB2_4-.Ltmp1, $4  }
0x7b: {  	v4 =	vsub.s32 v4, v1;
	v3 =	vmin.u32 v3, $0x3100;
	[tilespmem:$0xC0] =	vst v2  }
0x7c: {  	v2 =	vsub.s32 v5, v1;
	v4 =	vmin.u32 v4, $0x3100;
	[tilespmem:$0xB0] =	vst v3  }
0x7d: {  	v3 =	vsub.s32 v6, v1;
	v5 =	vmin.u32 v2, $0x3100;
	[tilespmem:$0xA0] =	vst v4  }
0x7e: {  	v2 =	vmin.u32 v3, $0x3100;
	[tilespmem:$0x90] =	vst v5  }
0x7f: {  	[tilespmem:$0x80] =	vst v2  }
0x80: {  	[spmem:s2] =	stream.indirect.scatter.add.f32 [tilespmem:s13], [sflag:$0x1], $0x80, s15, s14, $0xb8;
	[tilespmem:$0x1B500] =	vst v63  }
0x81: {  	_ =	swait.ge [sflag:s12], $0x2800  }
0x82: {  	[sflag:s12] =	ssyncset.done $0x0  }
0x83: {  	s17 =	sadd.s32 $0x1, s17;
	[sflag:s12] =	ssyncadd.s32 $0xFFFFD800  }
0x84: {  	p0 =	sne.s32 s17, s8;
	[bflag:$0x0] =	sbarrier.arrive $0xFFFF  }
0x85: {  	[hbm:s7], [sflag:s5] =	dma.local [spmem:s16], $0x3100  }
.Ltmp2:
0x86: {  	_ =	swait.ge [sflag:s12], $0x3100;
	(pc) =	sbr.rel @p0 .LBB2_1-.Ltmp2, $3  }
0x87: {  	[sflag:s12] =	ssyncset.done $0x0  }
0x88: {  	[sflag:s12] =	ssyncadd.s32 $0xFFFFCF00  }
0x89: {  	[bflag:$0x0] =	sbarrier.arrive $0xFFFF;
	_ =	sdelay $0x1  }
0x8a: {  	_ =	sfence.sel $0x180000  }
0x8b: {  	[bflag:$0x0] =	sbarrier.arrive $0xFFFF  }
0x8c: {  	p0 =	sne.s32 s1, $0x0;
	_ =	strace $0x9000004A  }
0x8d: {  	s0 =	sadd.s32 @!p0 $0x100000, s0;
	[bflag:$0x2] =	sbarrier.arrive $0xFFFF  }
0x8e: {  	[sflag:s0] =	ssyncadd.tile.s32 @!p0 $0x1;
	_ =	shalt  }
.Lfunc_end2:
_tile_overlayer_lowered:
.L_overlay_start_2:
0x8f: {  	(tag) =	ssettag $0x2  }
0x90: {  	s0 =	rddreg [dreg:$0x0];
	s2 =	stileid.u32  }
0x91: {  	s1 =	rddreg [dreg:$0x1];
	p0 =	sne.s32 s2, $0x0  }
0x92: {  	s3 =	rddreg [dreg:$0x2];
	[bflag:$0x3] =	sbarrier.arrive $0xFFFF;
	s2 =	simm.s32 @!p0 $0x1C01  }
0x93: {  	[timem:s3], [sflag:s2] =	dma.local @!p0 [hbm:s0], s1  }
0x94: {  	s0 =	simm.s32 @!p0 $0x1  }
0x95: {  	_ =	swait.ge @!p0 [sflag:s0], s1  }
0x96: {  	s1 =	ssub.s32 @!p0 $0x0, s1;
	[sflag:s0] =	ssyncset.done @!p0 $0x0  }
0x97: {  	[sflag:s0] =	ssyncadd.s32 @!p0 s1  }
0x98: {  	[bflag:$0x3] =	sbarrier.arrive $0xFFFF  }
0x99: {  	_ =	shalt  }

// kernel: kernel.23.cloned.1.call-start
scs
__scs_entry_jumppad:
0x0: {  	(pc) =	sbr.rel $0x88, $3  }
0x1: {  	(tag) =	ssettag $0x0;
	lr =	simm.s32 $0x1  }
0x2: {  	[smem:$0x3F91] =	sst lr;
	_ =	strace $0xD0000000  }
0x3: {  	_ = 	snop  }
0x4: {  	_ = 	snop  }
0x5: {  	_ = 	snop  }
0x6: {  	_ = 	snop  }
0x7: {  	_ = 	snop  }
__scs_overlays_trampoline_lowered:
0x8: {  	[smem:$0x3FA0] =	sst s0  }
0x9: {  	[smem:$0x3FA1] =	sst s1  }
0xa: {  	[smem:$0x3FA2] =	sst s2  }
0xb: {  	[smem:$0x3FA3] =	sst s3  }
0xc: {  	[smem:$0x3FA4] =	sst s4  }
0xd: {  	[smem:$0x3FA5] =	sst s5  }
0xe: {  	[smem:$0x3FA6] =	sst s6  }
0xf: {  	[smem:$0x3FA7] =	sst s7  }
0x10: {  	[smem:$0x3FA8] =	sst s8  }
0x11: {  	[smem:$0x3FA9] =	sst s9;
	s0 =	simm.s32 @!p0 $0x0  }
0x12: {  	s1 =	sld [smem:$0x3F8F];
	s0 =	simm.s32 @p0 $0x1  }
0x13: {  	[smem:$0x3FAA] =	sst s0;
	s0 =	simm.s32 @!p1 $0x0  }
0x14: {  	s2 =	sld [smem:$0x3F8E];
	s0 =	simm.s32 @p1 $0x1  }
0x15: {  	[smem:$0x3FAB] =	sst s0;
	s0 =	simm.s32 @!p2 $0x0  }
0x16: {  	s3 =	sld [smem:$0x3FDB];
	s0 =	simm.s32 @p2 $0x1  }
0x17: {  	s4 =	simm.s32 $0x1BF5;
	[smem:$0x3FAD] =	sst s0  }
0x18: {  	s0 =	sld [smem:$0x3F90];
	_ =	swait.ge [sflag:s4], $0x0  }
0x19: {  	s7 =	sld [smem:$0x3F91]  }
0x1a: {  	s8 =	sadd.s32 $0xFFFFE003, lr  }
0x1b: {  	s9 =	sadd.s32 $0xFFFFFEF7, lr;
	s5 =	simm.s32 $0xFFFFFFFF;
	p2 =	slt.u32 s8, $0xFFFFF086  }
0x1c: {  	p1 =	slt.u32 s9, $0xF7A;
	s5 =	simm.s32 @!p2 $0x0  }
0x1d: {  	s5 =	simm.s32 @p1 $0x1;
	p0 =	seq.s32 s7, s2  }
0x1e: {  	s7 =	smul.u32 @!p0 $0xF7A, s2;
	p2 =	seq.s32 @!p0 s5, $0x0  }
0x1f: {  	s9 =	smul.u32 $0xF7A, s1;
	s8 =	simm.s32 @!p0 $0x1BF5;
	p2 =	por !p2, p0  }
0x20: {  	[sflag:s8] =	ssyncset.s32 @!p0 $0xFFFFF086;
	s6 =	sadd.s32 @!p0 s3, s7;
	s7 =	simm.s32 @!p0 $0x108  }
0x21: {  	s3 =	sadd.s32 s3, s9;
	s6 =	sadd.s32 @!p0 $0x88, s6;
	s7 =	simm.s32 @p2 $0x1082  }
0x22: {  	[simem:s7], [sflag:s8] =	dma.local @!p0 [hbm:s6], $0xF7A  }
0x23: {  	s9 =	sor.u32 $0xD0000000, s2;
	s6 =	simm.s32 $0x108;
	_ =	swait.ge @!p0 [sflag:s8], $0x0  }
0x24: {  	s3 =	sadd.s32 $0x88, s3;
	s6 =	simm.s32 @!p1 $0x1082;
	[sflag:s4] =	ssyncset.s32 $0xFFFFF086  }
0x25: {  	[simem:s6], [sflag:s4] =	dma.local [hbm:s3], $0xF7A  }
0x26: {  	[smem:$0x3F91] =	sst s1;
	(tag) =	ssettag s2;
	_ =	strace s9  }
0x27: {  	s1 =	sld [smem:$0x3FA1]  }
0x28: {  	s2 =	sld [smem:$0x3FA2]  }
0x29: {  	s4 =	sld [smem:$0x3FA4]  }
0x2a: {  	p0 =	seq.s32 s5, $0x0;
	s5 =	sld [smem:$0x3FA5]  }
0x2b: {  	s6 =	sld [smem:$0x3FA6]  }
0x2c: {  	s7 =	sld [smem:$0x3FA7]  }
0x2d: {  	s3 =	simm.s32 $0x108;
	s8 =	sld [smem:$0x3FA8]  }
0x2e: {  	s3 =	simm.s32 @!p0 $0x1082;
	s9 =	sld [smem:$0x3FA9]  }
0x2f: {  	lr =	sadd.s32 s0, s3;
	s0 =	sld [smem:$0x3FA0]  }
0x30: {  	s3 =	sld [smem:$0x3FA3]  }
0x31: {  	[smem:$0x3FAC] =	sst s10  }
0x32: {  	s10 =	sld [smem:$0x3FAA];
	_ =	sdelay $0x3  }
0x33: {  	p0 =	seq.s32 s10, $0x1;
	s10 =	sld [smem:$0x3FAC];
	_ =	sdelay $0x3  }
0x34: {  	[smem:$0x3FAC] =	sst s10  }
0x35: {  	s10 =	sld [smem:$0x3FAB];
	_ =	sdelay $0x3  }
0x36: {  	p1 =	seq.s32 s10, $0x1;
	s10 =	sld [smem:$0x3FAC];
	_ =	sdelay $0x3  }
0x37: {  	[smem:$0x3FAC] =	sst s10  }
0x38: {  	s10 =	sld [smem:$0x3FAD]  }
0x39: {  	_ = 	snop;
	(pc) =	sbr.ind lr, $3  }
0x3a: {  	_ = 	snop  }
0x3b: {  	_ = 	snop  }
0x3c: {  	p2 =	seq.s32 s10, $0x1;
	s10 =	sld [smem:$0x3FAC]  }
0x3d: {  	_ =	shalt  }
0x3e: {  	_ =	shalt  }
0x3f: {  	_ =	shalt  }
0x40: {  	_ =	shalt  }
0x41: {  	_ =	shalt  }
0x42: {  	_ =	shalt  }
0x43: {  	_ =	shalt  }
0x44: {  	_ =	shalt  }
0x45: {  	_ =	shalt  }
0x46: {  	_ =	shalt  }
0x47: {  	_ =	shalt  }
0x48: {  	_ =	shalt  }
0x49: {  	_ =	shalt  }
0x4a: {  	_ =	shalt  }
0x4b: {  	_ =	shalt  }
0x4c: {  	_ =	shalt  }
0x4d: {  	_ =	shalt  }
0x4e: {  	_ =	shalt  }
0x4f: {  	_ =	shalt  }
0x50: {  	_ =	shalt  }
0x51: {  	_ =	shalt  }
0x52: {  	_ =	shalt  }
0x53: {  	_ =	shalt  }
0x54: {  	_ =	shalt  }
0x55: {  	_ =	shalt  }
0x56: {  	_ =	shalt  }
0x57: {  	_ =	shalt  }
0x58: {  	_ =	shalt  }
0x59: {  	_ =	shalt  }
0x5a: {  	_ =	shalt  }
0x5b: {  	_ =	shalt  }
0x5c: {  	_ =	shalt  }
0x5d: {  	_ =	shalt  }
0x5e: {  	_ =	shalt  }
0x5f: {  	_ =	shalt  }
0x60: {  	_ =	shalt  }
0x61: {  	_ =	shalt  }
0x62: {  	_ =	shalt  }
0x63: {  	_ =	shalt  }
0x64: {  	_ =	shalt  }
0x65: {  	_ =	shalt  }
0x66: {  	_ =	shalt  }
0x67: {  	_ =	shalt  }
0x68: {  	_ =	shalt  }
0x69: {  	_ =	shalt  }
0x6a: {  	_ =	shalt  }
0x6b: {  	_ =	shalt  }
0x6c: {  	_ =	shalt  }
0x6d: {  	_ =	shalt  }
0x6e: {  	_ =	shalt  }
0x6f: {  	_ =	shalt  }
0x70: {  	_ =	shalt  }
0x71: {  	_ =	shalt  }
0x72: {  	_ =	shalt  }
0x73: {  	_ =	shalt  }
0x74: {  	_ =	shalt  }
0x75: {  	_ =	shalt  }
0x76: {  	_ =	shalt  }
0x77: {  	_ =	shalt  }
0x78: {  	_ =	shalt  }
0x79: {  	_ =	shalt  }
0x7a: {  	_ =	shalt  }
0x7b: {  	_ =	shalt  }
0x7c: {  	_ =	shalt  }
0x7d: {  	_ =	shalt  }
0x7e: {  	_ =	shalt  }
0x7f: {  	_ =	shalt  }
0x80: {  	_ =	shalt  }
0x81: {  	_ =	shalt  }
0x82: {  	_ =	shalt  }
0x83: {  	_ =	shalt  }
0x84: {  	_ =	shalt  }
0x85: {  	_ =	shalt  }
0x86: {  	_ =	shalt  }
0x87: {  	_ =	shalt  }
.Lfunc_end0:
.L_simem_size_0:
called_computation.2_lowered:
.L_overlay_start_0:
0x88: {  	s2 =	sld [smem:$0x3FD9]  }
0x89: {  	s3 =	sld [smem:$0x3FFE];
	_ =	sdelay $0x1  }
0x8a: {  	s1 =	srdreg.scid  }
0x8b: {  	s0 =	sand.u32 $0x1, s1  }
0x8c: {  	s16 =	sshll.u32 s0, $0xA;
	s2 =	sadd.s32 s3, s2  }
0x8d: {  	s2 =	sadd.s32 s2, s16  }
0x8e: {  	[smem:$0x3FB8] =	sst s2  }
0x8f: {  	_ = 	snop  }
0x90: {  	(tm) =	ssettm $0x1  }
0x91: {  	s17 =	sld [smem:$0x3FFB];
	_ =	sdelay $0x3  }
0x92: {  	_ =	strace s17  }
0x93: {  	s2 =	sld [smem:$0x3FFC];
	_ =	sdelay $0x3  }
0x94: {  	_ =	strace s2  }
0x95: {  	s2 =	sld [smem:$0x3FFD];
	_ =	sdelay $0x3  }
0x96: {  	_ =	strace s2  }
0x97: {  	_ =	strace $0x8FFFFFFF  }
0x98: {  	s18 =	sld [smem:$0x3FDB];
	_ =	sdelay $0x1  }
0x99: {  	s19 =	simm.s32 $_scs_section_size  }
0x9a: {  	s4 =	simm.s32 $_size__tile_overlayer_lowered;
	s5 =	simm.s32 $_tile_overlayer_lowered  }
0x9b: {  	s22 =	simm.s32 $0x1BFF;
	s21 =	sshll.u32 s5, $0x1;
	s2 =	sadd.s32 s19, s18  }
0x9c: {  	s6 =	simm.s32 $0x0;
	s20 =	sshll.u32 s4, $0x1;
	s4 =	sadd.s32 s21, s2  }
0x9d: {  	[timem:s6], [sflag:s22] =	dma.local [hbm:s4], s20  }
0x9e: {  	_ =	swait.ge [sflag:s22], s20  }
0x9f: {  	s3 =	ssub.s32 $0x0, s20;
	[sflag:s22] =	ssyncset.done $0x0  }
0xa0: {  	[sflag:s22] =	ssyncadd.s32 s3;
	_ =	sdelay $0x1  }
0xa1: {  	s23 =	simm.s32 $0x1B8B  }
0xa2: {  	_ =	swait.ge [sflag:s23], $0x1  }
0xa3: {  	[sflag:s23] =	ssyncset.done $0x0  }
0xa4: {  	s25 =	simm.s32 $0x1B8E;
	s24 =	sld [smem:$0x3FFE];
	[sflag:s23] =	ssyncadd.s32 $0xFFFFFFFF  }
0xa5: {  	s26 =	simm.s32 $execute0_lowered;
	[smem:$0x3FD2] =	sst s25  }
0xa6: {  	s4 =	sshll.u32 s26, $0x1;
	_ =	strace $0x8000004C;
	[dreg:$0x1] =	wrdreg $0xFFFFFFFF  }
0xa7: {  	s28 =	simm.s32 $_size_execute0_lowered;
	s2 =	sadd.s32 s2, s4;
	[dreg:$0x0] =	wrdreg $0x0  }
0xa8: {  	s4 =	sshll.u32 s28, $0x1;
	[dreg:$0x2] =	wrdreg s2  }
0xa9: {  	[dreg:$0x3] =	wrdreg s4  }
0xaa: {  	[dreg:$0x4] =	wrdreg $0xC0  }
0xab: {  	_ =	task [dreg:s6], $0x5FFFF  }
0xac: {  	[dreg:$0x1] =	wrdreg $0xFFFFFFFF  }
0xad: {  	[dreg:$0x0] =	wrdreg $0x60  }
0xae: {  	[dreg:$0x2] =	wrdreg s24  }
0xaf: {  	[dreg:$0x3] =	wrdreg $0x9  }
0xb0: {  	_ =	task.clear_ibuf [dreg:s6], $0x4FFFF;
	_ =	strace $0x9000004C  }
0xb1: {  	s29 =	simm.s32 $0x9;
	_ =	strace $0x8000004E  }
0xb2: {  	_ =	swait.ge [sflag:s29], $0x1  }
0xb3: {  	[sflag:s29] =	ssyncadd.s32 $0xFFFFFFFF  }
0xb4: {  	_ =	strace $0x9000004E  }
0xb5: {  	_ =	sfence  }
0xb6: {  	s30 =	sld [smem:$0x0];
	_ =	sdelay $0x2  }
0xb7: {  	s31 =	sshll.u32 s1, $0xD;
	s1 =	sshrl.u32 s1, $0x2  }
0xb8: {  	s3 =	sand.u32 $0x4000, s31;
	s1 =	sadd.s32 s1, s30  }
0xb9: {  	s0 =	sor.u32 s3, s0;
	s1 =	sshll.u32 s1, $0x11  }
0xba: {  	s0 =	sor.u32 s1, s0  }
0xbb: {  	s0 =	sadd.s32 $0x8F2B, s0  }
0xbc: {  	[sflag:s0] =	ssyncadd.remote.s32 $0x1  }
0xbd: {  	_ =	sfence.sel $0xFFFF  }
0xbe: {  	[dreg:$0x0] =	wrdreg $0xFFFFFFFF;
	(pc) =	sbr.abs _section_cstart, $3  }
0xbf: {  	[dreg:$0x1] =	wrdreg $0xFFFFFFFF  }
0xc0: {  	_ =	task.clear_ibuf [dreg:s6], $0x2FFFF;
	_ =	strace $0x9FFFFFFF  }
0xc1: {  	(tm) =	ssettm $0x7FFFFFFF  }
tec
execute0_lowered:
.L_overlay_start_1:
0x0: {  	(tag) =	ssettag $0x1  }
0x1: {  	s4 =	rddreg [dreg:$0x0]  }
0x2: {  	s0 =	rddreg [dreg:$0x1]  }
0x3: {  	s3 =	srdreg.scid;
	s1 =	stileid.u32;
	s2 =	simm.s32 $0x0  }
0x4: {  	s10 =	simm.s32 $0x1;
	s11 =	simm.s32 $0x0;
	s6 =	smul.u32 $0xC350, s1  }
0x5: {  	s5 =	sand.u32 $0x1, s3;
	[smem:$0x7FF] =	sst s2;
	s8 =	smul.u32 $0xC3500, s1  }
0x6: {  	s3 =	sadd.s32 $0x27E200, s4;
	s7 =	smul.u32 $0x61A8, s5;
	s9 =	ssub.s32 $0x2, s5  }
0x7: {  	_ =	strace $0x8000004D;
	s5 =	smul.u32 $0x61A80, s5;
	s31 =	sshrl.u32 s9, $0x1  }
0x8: {  	s30 =	sadd.s32 s8, s4;
	s6 =	sadd.s32 s7, s6;
	s8 =	ssub.s32 s9, s31  }
0x9: {  	s5 =	sadd.s32 s5, s30;
	s7 =	simm.s32 $0x2;
	s6 =	sshrl.u32 s6, $0x3  }
0xa: {  	s9 =	simm.s32 $0x80;
	s5 =	sadd.s32 $0x1A24200, s5;
	s6 =	sadd.s32 s6, s4  }
0xb: {  	s4 =	smax.u32 s8, $0x1;
	s8 =	simm.s32 $0x28;
	s6 =	sadd.s32 $0x2600, s6  }
.LBB2_1:
0xc: {  	s12 =	sadd.s32 $0x0, s6  }
0xd: {  	[tilespmem:s2], [sflag:$0x2] =	stream.linear.gather [hbm4b:s12+s2], $0x28, $0x38;
	[tilespmem:$0x1480] =	vst v63  }
0xe: {  	_ =	swait.ge [sflag:s7], $0x28  }
0xf: {  	[sflag:s7] =	ssyncset.done $0x0  }
0x10: {  	[sflag:s7] =	ssyncadd.s32 $0xFFFFFFD8  }
0x11: {  	[tilespmem:s9], [sflag:$0x1] =	stream.indirect.gather [hbm4b:s3+s8], $0x80, s2, s8, $0xb8;
	[tilespmem:$0x1480] =	vst v63  }
0x12: {  	_ =	swait.ge [sflag:s10], $0x1400  }
0x13: {  	[sflag:s10] =	ssyncset.done $0x0  }
0x14: {  	[sflag:s10] =	ssyncadd.s32 $0xFFFFEC00  }
0x15: {  	[hbm4b:s5+s2] =	stream.linear.scatter [tilespmem:s9], [sflag:$0x2], $0x1400, $0x38;
	[tilespmem:$0x1480] =	vst v63  }
0x16: {  	s13 =	simm.s32 $0x5;
	_ =	swait.ge [sflag:s7], $0x1400  }
0x17: {  	s14 =	simm.s32 $0xA;
	s12 =	sadd.s32 $0x280, s5;
	[sflag:s7] =	ssyncset.done $0x0  }
.LBB2_2:
0x18: {  	s15 =	sadd.s32 s13, s6  }
0x19: {  	[sflag:s7] =	ssyncadd.s32 $0xFFFFEC00;
	s13 =	smov.u32 s14;
	s16 =	sadd.s32 $0x5, s14  }
0x1a: {  	[tilespmem:s2], [sflag:$0x2] =	stream.linear.gather [hbm4b:s15+s2], $0x28, $0x38;
	[tilespmem:$0x1480] =	vst v63  }
0x1b: {  	p0 =	sne.s32 s14, $0xC30;
	_ =	swait.ge [sflag:s7], $0x28  }
0x1c: {  	[sflag:s7] =	ssyncset.done $0x0  }
0x1d: {  	[sflag:s7] =	ssyncadd.s32 $0xFFFFFFD8  }
0x1e: {  	[tilespmem:s9], [sflag:$0x1] =	stream.indirect.gather [hbm4b:s3+s8], $0x80, s2, s8, $0xb8;
	[tilespmem:$0x1480] =	vst v63  }
0x1f: {  	_ =	swait.ge [sflag:s10], $0x1400  }
.Ltmp0:
0x20: {  	[sflag:s10] =	ssyncset.done $0x0;
	(pc) =	sbr.rel @p0 .LBB2_2-.Ltmp0, $4  }
0x21: {  	[sflag:s10] =	ssyncadd.s32 $0xFFFFEC00  }
0x22: {  	[hbm4b:s12+s2] =	stream.linear.scatter [tilespmem:s9], [sflag:$0x2], $0x1400, $0x38;
	[tilespmem:$0x1480] =	vst v63  }
0x23: {  	_ =	swait.ge [sflag:s7], $0x1400  }
0x24: {  	s14 =	smov.u32 s16;
	s12 =	sadd.s32 $0x280, s12;
	[sflag:s7] =	ssyncset.done $0x0  }
0x25: {  	s13 =	sadd.s32 s13, s6;
	[sflag:s7] =	ssyncadd.s32 $0xFFFFEC00  }
0x26: {  	[tilespmem:s2], [sflag:$0x2] =	stream.linear.gather [hbm4b:s13+s2], $0x28, $0x38;
	[tilespmem:$0x1480] =	vst v63  }
0x27: {  	_ =	swait.ge [sflag:s7], $0x28  }
0x28: {  	[sflag:s7] =	ssyncset.done $0x0  }
0x29: {  	[sflag:s7] =	ssyncadd.s32 $0xFFFFFFD8  }
0x2a: {  	[tilespmem:s9], [sflag:$0x1] =	stream.indirect.gather [hbm4b:s3+s8], $0x80, s2, s8, $0xb8;
	[tilespmem:$0x1480] =	vst v63  }
0x2b: {  	s11 =	sadd.s32 $0x1, s11;
	_ =	swait.ge [sflag:s10], $0x1400  }
0x2c: {  	p0 =	sne.s32 s11, s4;
	[sflag:s10] =	ssyncset.done $0x0  }
.Ltmp1:
0x2d: {  	[sflag:s10] =	ssyncadd.s32 $0xFFFFEC00;
	(pc) =	sbr.rel @p0 .LBB2_1-.Ltmp1, $4  }
0x2e: {  	[hbm4b:s12+s2] =	stream.linear.scatter [tilespmem:s9], [sflag:$0x2], $0x1400, $0x38;
	[tilespmem:$0x1480] =	vst v63  }
0x2f: {  	_ =	swait.ge [sflag:s7], $0x1400  }
0x30: {  	[sflag:s7] =	ssyncset.done $0x0  }
0x31: {  	[sflag:s7] =	ssyncadd.s32 $0xFFFFEC00  }
0x32: {  	_ =	sfence.sel $0x180000  }
0x33: {  	[bflag:$0x0] =	sbarrier.arrive $0xFFFF  }
0x34: {  	p0 =	sne.s32 s1, $0x0;
	_ =	strace $0x9000004D  }
0x35: {  	s0 =	sadd.s32 @!p0 $0x100000, s0;
	[bflag:$0x2] =	sbarrier.arrive $0xFFFF  }
0x36: {  	[sflag:s0] =	ssyncadd.tile.s32 @!p0 $0x1;
	_ =	shalt  }
.Lfunc_end2:
_tile_overlayer_lowered:
.L_overlay_start_2:
0x37: {  	(tag) =	ssettag $0x2  }
0x38: {  	s0 =	rddreg [dreg:$0x0];
	s2 =	stileid.u32  }
0x39: {  	s1 =	rddreg [dreg:$0x1];
	p0 =	sne.s32 s2, $0x0  }
0x3a: {  	s3 =	rddreg [dreg:$0x2];
	[bflag:$0x3] =	sbarrier.arrive $0xFFFF;
	s2 =	simm.s32 @!p0 $0x1C02  }
0x3b: {  	[timem:s3], [sflag:s2] =	dma.local @!p0 [hbm:s0], s1  }
0x3c: {  	s0 =	simm.s32 @!p0 $0x2  }
0x3d: {  	_ =	swait.ge @!p0 [sflag:s0], s1  }
0x3e: {  	s1 =	ssub.s32 @!p0 $0x0, s1;
	[sflag:s0] =	ssyncset.done @!p0 $0x0  }
0x3f: {  	[sflag:s0] =	ssyncadd.s32 @!p0 s1  }
0x40: {  	[bflag:$0x3] =	sbarrier.arrive $0xFFFF  }
0x41: {  	_ =	shalt  }

// kernel: kernel.26.cloned.1.call-start
scs
__scs_entry_jumppad:
0x0: {  	(pc) =	sbr.rel $0x88, $3  }
0x1: {  	(tag) =	ssettag $0x0;
	lr =	simm.s32 $0x1  }
0x2: {  	[smem:$0x3F91] =	sst lr;
	_ =	strace $0xD0000000  }
0x3: {  	_ = 	snop  }
0x4: {  	_ = 	snop  }
0x5: {  	_ = 	snop  }
0x6: {  	_ = 	snop  }
0x7: {  	_ = 	snop  }
__scs_overlays_trampoline_lowered:
0x8: {  	[smem:$0x3FA0] =	sst s0  }
0x9: {  	[smem:$0x3FA1] =	sst s1  }
0xa: {  	[smem:$0x3FA2] =	sst s2  }
0xb: {  	[smem:$0x3FA3] =	sst s3  }
0xc: {  	[smem:$0x3FA4] =	sst s4  }
0xd: {  	[smem:$0x3FA5] =	sst s5  }
0xe: {  	[smem:$0x3FA6] =	sst s6  }
0xf: {  	[smem:$0x3FA7] =	sst s7  }
0x10: {  	[smem:$0x3FA8] =	sst s8  }
0x11: {  	[smem:$0x3FA9] =	sst s9;
	s0 =	simm.s32 @!p0 $0x0  }
0x12: {  	s1 =	sld [smem:$0x3F8F];
	s0 =	simm.s32 @p0 $0x1  }
0x13: {  	[smem:$0x3FAA] =	sst s0;
	s0 =	simm.s32 @!p1 $0x0  }
0x14: {  	s2 =	sld [smem:$0x3F8E];
	s0 =	simm.s32 @p1 $0x1  }
0x15: {  	[smem:$0x3FAB] =	sst s0;
	s0 =	simm.s32 @!p2 $0x0  }
0x16: {  	s3 =	sld [smem:$0x3FDB];
	s0 =	simm.s32 @p2 $0x1  }
0x17: {  	s4 =	simm.s32 $0x1BF5;
	[smem:$0x3FAD] =	sst s0  }
0x18: {  	s0 =	sld [smem:$0x3F90];
	_ =	swait.ge [sflag:s4], $0x0  }
0x19: {  	s7 =	sld [smem:$0x3F91]  }
0x1a: {  	s8 =	sadd.s32 $0xFFFFE003, lr  }
0x1b: {  	s9 =	sadd.s32 $0xFFFFFEF7, lr;
	s5 =	simm.s32 $0xFFFFFFFF;
	p2 =	slt.u32 s8, $0xFFFFF086  }
0x1c: {  	p1 =	slt.u32 s9, $0xF7A;
	s5 =	simm.s32 @!p2 $0x0  }
0x1d: {  	s5 =	simm.s32 @p1 $0x1;
	p0 =	seq.s32 s7, s2  }
0x1e: {  	s7 =	smul.u32 @!p0 $0xF7A, s2;
	p2 =	seq.s32 @!p0 s5, $0x0  }
0x1f: {  	s9 =	smul.u32 $0xF7A, s1;
	s8 =	simm.s32 @!p0 $0x1BF5;
	p2 =	por !p2, p0  }
0x20: {  	[sflag:s8] =	ssyncset.s32 @!p0 $0xFFFFF086;
	s6 =	sadd.s32 @!p0 s3, s7;
	s7 =	simm.s32 @!p0 $0x108  }
0x21: {  	s3 =	sadd.s32 s3, s9;
	s6 =	sadd.s32 @!p0 $0x88, s6;
	s7 =	simm.s32 @p2 $0x1082  }
0x22: {  	[simem:s7], [sflag:s8] =	dma.local @!p0 [hbm:s6], $0xF7A  }
0x23: {  	s9 =	sor.u32 $0xD0000000, s2;
	s6 =	simm.s32 $0x108;
	_ =	swait.ge @!p0 [sflag:s8], $0x0  }
0x24: {  	s3 =	sadd.s32 $0x88, s3;
	s6 =	simm.s32 @!p1 $0x1082;
	[sflag:s4] =	ssyncset.s32 $0xFFFFF086  }
0x25: {  	[simem:s6], [sflag:s4] =	dma.local [hbm:s3], $0xF7A  }
0x26: {  	[smem:$0x3F91] =	sst s1;
	(tag) =	ssettag s2;
	_ =	strace s9  }
0x27: {  	s1 =	sld [smem:$0x3FA1]  }
0x28: {  	s2 =	sld [smem:$0x3FA2]  }
0x29: {  	s4 =	sld [smem:$0x3FA4]  }
0x2a: {  	p0 =	seq.s32 s5, $0x0;
	s5 =	sld [smem:$0x3FA5]  }
0x2b: {  	s6 =	sld [smem:$0x3FA6]  }
0x2c: {  	s7 =	sld [smem:$0x3FA7]  }
0x2d: {  	s3 =	simm.s32 $0x108;
	s8 =	sld [smem:$0x3FA8]  }
0x2e: {  	s3 =	simm.s32 @!p0 $0x1082;
	s9 =	sld [smem:$0x3FA9]  }
0x2f: {  	lr =	sadd.s32 s0, s3;
	s0 =	sld [smem:$0x3FA0]  }
0x30: {  	s3 =	sld [smem:$0x3FA3]  }
0x31: {  	[smem:$0x3FAC] =	sst s10  }
0x32: {  	s10 =	sld [smem:$0x3FAA];
	_ =	sdelay $0x3  }
0x33: {  	p0 =	seq.s32 s10, $0x1;
	s10 =	sld [smem:$0x3FAC];
	_ =	sdelay $0x3  }
0x34: {  	[smem:$0x3FAC] =	sst s10  }
0x35: {  	s10 =	sld [smem:$0x3FAB];
	_ =	sdelay $0x3  }
0x36: {  	p1 =	seq.s32 s10, $0x1;
	s10 =	sld [smem:$0x3FAC];
	_ =	sdelay $0x3  }
0x37: {  	[smem:$0x3FAC] =	sst s10  }
0x38: {  	s10 =	sld [smem:$0x3FAD]  }
0x39: {  	_ = 	snop;
	(pc) =	sbr.ind lr, $3  }
0x3a: {  	_ = 	snop  }
0x3b: {  	_ = 	snop  }
0x3c: {  	p2 =	seq.s32 s10, $0x1;
	s10 =	sld [smem:$0x3FAC]  }
0x3d: {  	_ =	shalt  }
0x3e: {  	_ =	shalt  }
0x3f: {  	_ =	shalt  }
0x40: {  	_ =	shalt  }
0x41: {  	_ =	shalt  }
0x42: {  	_ =	shalt  }
0x43: {  	_ =	shalt  }
0x44: {  	_ =	shalt  }
0x45: {  	_ =	shalt  }
0x46: {  	_ =	shalt  }
0x47: {  	_ =	shalt  }
0x48: {  	_ =	shalt  }
0x49: {  	_ =	shalt  }
0x4a: {  	_ =	shalt  }
0x4b: {  	_ =	shalt  }
0x4c: {  	_ =	shalt  }
0x4d: {  	_ =	shalt  }
0x4e: {  	_ =	shalt  }
0x4f: {  	_ =	shalt  }
0x50: {  	_ =	shalt  }
0x51: {  	_ =	shalt  }
0x52: {  	_ =	shalt  }
0x53: {  	_ =	shalt  }
0x54: {  	_ =	shalt  }
0x55: {  	_ =	shalt  }
0x56: {  	_ =	shalt  }
0x57: {  	_ =	shalt  }
0x58: {  	_ =	shalt  }
0x59: {  	_ =	shalt  }
0x5a: {  	_ =	shalt  }
0x5b: {  	_ =	shalt  }
0x5c: {  	_ =	shalt  }
0x5d: {  	_ =	shalt  }
0x5e: {  	_ =	shalt  }
0x5f: {  	_ =	shalt  }
0x60: {  	_ =	shalt  }
0x61: {  	_ =	shalt  }
0x62: {  	_ =	shalt  }
0x63: {  	_ =	shalt  }
0x64: {  	_ =	shalt  }
0x65: {  	_ =	shalt  }
0x66: {  	_ =	shalt  }
0x67: {  	_ =	shalt  }
0x68: {  	_ =	shalt  }
0x69: {  	_ =	shalt  }
0x6a: {  	_ =	shalt  }
0x6b: {  	_ =	shalt  }
0x6c: {  	_ =	shalt  }
0x6d: {  	_ =	shalt  }
0x6e: {  	_ =	shalt  }
0x6f: {  	_ =	shalt  }
0x70: {  	_ =	shalt  }
0x71: {  	_ =	shalt  }
0x72: {  	_ =	shalt  }
0x73: {  	_ =	shalt  }
0x74: {  	_ =	shalt  }
0x75: {  	_ =	shalt  }
0x76: {  	_ =	shalt  }
0x77: {  	_ =	shalt  }
0x78: {  	_ =	shalt  }
0x79: {  	_ =	shalt  }
0x7a: {  	_ =	shalt  }
0x7b: {  	_ =	shalt  }
0x7c: {  	_ =	shalt  }
0x7d: {  	_ =	shalt  }
0x7e: {  	_ =	shalt  }
0x7f: {  	_ =	shalt  }
0x80: {  	_ =	shalt  }
0x81: {  	_ =	shalt  }
0x82: {  	_ =	shalt  }
0x83: {  	_ =	shalt  }
0x84: {  	_ =	shalt  }
0x85: {  	_ =	shalt  }
0x86: {  	_ =	shalt  }
0x87: {  	_ =	shalt  }
.Lfunc_end0:
.L_simem_size_0:
called_computation.3_lowered:
.L_overlay_start_0:
0x88: {  	s2 =	sld [smem:$0x3FD9]  }
0x89: {  	s3 =	sld [smem:$0x3FFE];
	_ =	sdelay $0x1  }
0x8a: {  	s1 =	srdreg.scid  }
0x8b: {  	s0 =	sand.u32 $0x1, s1  }
0x8c: {  	s14 =	sshll.u32 s0, $0xA;
	s2 =	sadd.s32 s3, s2  }
0x8d: {  	s2 =	sadd.s32 s2, s14  }
0x8e: {  	[smem:$0x3FB8] =	sst s2  }
0x8f: {  	_ = 	snop  }
0x90: {  	s2 =	sld [smem:$0x3FD0];
	_ =	sdelay $0x2  }
0x91: {  	s15 =	simm.s32 $0xB;
	s4 =	simm.s32 $0x10  }
0x92: {  	[smem:s4], [sflag:s15] =	dma.local [hbm:s2], $0x1  }
0x93: {  	_ =	swait.eq [sflag:s15], $0x1  }
0x94: {  	[sflag:s15] =	ssyncset.done $0x0  }
0x95: {  	[sflag:s15] =	ssyncadd.s32 $0xFFFFFFFF  }
0x96: {  	s16 =	sld [smem:$0x10];
	(tm) =	ssettm $0x1  }
0x97: {  	s17 =	sld [smem:$0x3FFB];
	_ =	sdelay $0x3  }
0x98: {  	_ =	strace s17  }
0x99: {  	s3 =	sld [smem:$0x3FFC];
	_ =	sdelay $0x3  }
0x9a: {  	_ =	strace s3  }
0x9b: {  	s3 =	sld [smem:$0x3FFD];
	_ =	sdelay $0x3  }
0x9c: {  	_ =	strace s3  }
0x9d: {  	_ =	strace $0x8FFFFFFF  }
0x9e: {  	s18 =	sld [smem:$0x3FDB];
	_ =	sdelay $0x1  }
0x9f: {  	s19 =	simm.s32 $_scs_section_size  }
0xa0: {  	s5 =	simm.s32 $_size__tile_overlayer_lowered;
	s6 =	simm.s32 $_tile_overlayer_lowered  }
0xa1: {  	s22 =	simm.s32 $0x1BFF;
	s21 =	sshll.u32 s6, $0x1;
	s3 =	sadd.s32 s19, s18  }
0xa2: {  	s7 =	simm.s32 $0x0;
	s20 =	sshll.u32 s5, $0x1;
	s5 =	sadd.s32 s21, s3  }
0xa3: {  	[timem:s7], [sflag:s22] =	dma.local [hbm:s5], s20  }
0xa4: {  	_ =	swait.ge [sflag:s22], s20  }
0xa5: {  	s4 =	ssub.s32 $0x0, s20;
	[sflag:s22] =	ssyncset.done $0x0  }
0xa6: {  	[sflag:s22] =	ssyncadd.s32 s4;
	_ =	sdelay $0x1  }
0xa7: {  	s23 =	simm.s32 $0x1B8B  }
0xa8: {  	_ =	swait.ge [sflag:s23], $0x1  }
0xa9: {  	[sflag:s23] =	ssyncset.done $0x0  }
0xaa: {  	s25 =	simm.s32 $0x1B8E;
	s24 =	sld [smem:$0x3FFE];
	[sflag:s23] =	ssyncadd.s32 $0xFFFFFFFF  }
0xab: {  	s26 =	simm.s32 $execute0_lowered;
	[smem:$0x3FD2] =	sst s25  }
0xac: {  	s5 =	sshll.u32 s26, $0x1;
	_ =	strace $0x8000004F;
	[dreg:$0x1] =	wrdreg $0xFFFFFFFF  }
0xad: {  	s28 =	simm.s32 $_size_execute0_lowered;
	s3 =	sadd.s32 s3, s5;
	[dreg:$0x0] =	wrdreg $0x0  }
0xae: {  	s5 =	sshll.u32 s28, $0x1;
	[dreg:$0x2] =	wrdreg s3  }
0xaf: {  	[dreg:$0x3] =	wrdreg s5  }
0xb0: {  	[dreg:$0x4] =	wrdreg $0xC0  }
0xb1: {  	_ =	task [dreg:s7], $0x5FFFF  }
0xb2: {  	[dreg:$0x1] =	wrdreg $0xFFFFFFFF  }
0xb3: {  	[dreg:$0x0] =	wrdreg $0x60  }
0xb4: {  	[dreg:$0x2] =	wrdreg s24  }
0xb5: {  	[dreg:$0x3] =	wrdreg s16  }
0xb6: {  	[dreg:$0x4] =	wrdreg $0x29000  }
0xb7: {  	[dreg:$0x5] =	wrdreg $0x9  }
0xb8: {  	_ =	task.clear_ibuf [dreg:s7], $0x6FFFF;
	_ =	strace $0x9000004F  }
0xb9: {  	s29 =	simm.s32 $0x9;
	_ =	strace $0x80000051  }
0xba: {  	_ =	swait.ge [sflag:s29], $0x1  }
0xbb: {  	[sflag:s29] =	ssyncadd.s32 $0xFFFFFFFF  }
0xbc: {  	_ =	strace $0x90000051  }
0xbd: {  	_ =	sfence  }
0xbe: {  	s30 =	sld [smem:$0x0];
	_ =	sdelay $0x2  }
0xbf: {  	s31 =	sshll.u32 s1, $0xD;
	s1 =	sshrl.u32 s1, $0x2  }
0xc0: {  	s3 =	sand.u32 $0x4000, s31;
	s1 =	sadd.s32 s1, s30  }
0xc1: {  	s0 =	sor.u32 s3, s0;
	s1 =	sshll.u32 s1, $0x11  }
0xc2: {  	s0 =	sor.u32 s1, s0  }
0xc3: {  	s0 =	sadd.s32 $0x8F2B, s0  }
0xc4: {  	[sflag:s0] =	ssyncadd.remote.s32 $0x1  }
0xc5: {  	_ =	sfence.sel $0xFFFF  }
0xc6: {  	[dreg:$0x0] =	wrdreg $0xFFFFFFFF;
	(pc) =	sbr.abs _section_cstart, $3  }
0xc7: {  	[dreg:$0x1] =	wrdreg $0xFFFFFFFF  }
0xc8: {  	_ =	task.clear_ibuf [dreg:s7], $0x2FFFF;
	_ =	strace $0x9FFFFFFF  }
0xc9: {  	(tm) =	ssettm $0x7FFFFFFF  }
tec
execute0_lowered:
.L_overlay_start_1:
0x0: {  	(tag) =	ssettag $0x1  }
0x1: {  	s4 =	rddreg [dreg:$0x0];
	s1 =	stileid.u32  }
0x2: {  	s5 =	rddreg [dreg:$0x1];
	s6 =	smul.u32 $0xC3500, s1  }
0x3: {  	s2 =	rddreg [dreg:$0x2];
	s8 =	smul.u32 $0x186A, s1  }
0x4: {  	s0 =	rddreg [dreg:$0x3];
	s21 =	smul.u32 $0x63000, s1  }
0x5: {  	s3 =	simm.s32 $0x0;
	s7 =	srdreg.scid;
	s11 =	smul.u32 $0x3180, s1  }
0x6: {  	[smem:$0x7FF] =	sst s3;
	s7 =	sand.u32 $0x1, s7;
	s25 =	smul.u32 $0x310, s1  }
0x7: {  	s22 =	sadd.s32 $0x27E200, s4;
	s26 =	sshll.u32 s1, $0x6;
	s14 =	smul.u32 $0x62000, s1  }
0x8: {  	_ =	strace $0x80000050;
	s15 =	smul.u32 $0x6200, s7;
	s20 =	ssub.s32 $0x2, s7  }
0x9: {  	s9 =	sadd.s32 s6, s4;
	s10 =	sadd.s32 s8, s4;
	s23 =	sshrl.u32 s20, $0x1  }
0xa: {  	s24 =	sshrl.u32 s21, $0x2;
	s4 =	sadd.s32 s5, s11;
	s5 =	sor.u32 $0x1C01, s26  }
0xb: {  	s28 =	sshrl.u32 s14, $0x2;
	s14 =	simm.s32 $0x50;
	s12 =	ssub.s32 s20, s23  }
0xc: {  	s13 =	sadd.s32 s24, s2;
	s16 =	sadd.s32 $0x3100, s15;
	s29 =	sadd.s32 s25, s15  }
0xd: {  	s17 =	sadd.s32 s28, s2;
	s9 =	sadd.s32 $0x2659200, s9;
	s10 =	sadd.s32 $0x1AE00, s10  }
0xe: {  	v0 =	vmov s15;
	s15 =	simm.s32 $0x80;
	s6 =	sadd.s32 s25, s16;
	s30 =	sshll.u32 s29, $0x4  }
0xf: {  	s8 =	smax.u32 s12, $0x1;
	s11 =	sshrl.u32 s13, $0x3;
	s12 =	simm.s32 $0x1  }
0x10: {  	s13 =	simm.s32 $0x100;
	v1 =	vmov s16;
	s16 =	sshrl.u32 s17, $0x3;
	s31 =	sshll.u32 s6, $0x4  }
0x11: {  	s17 =	simm.s32 $0x0;
	s6 =	sadd.s32 s22, s30;
	s7 =	sadd.s32 s22, s31  }
.LBB2_1:
0x12: {  	[spmem:s11], [sflag:s5] =	dma.local [hbm:s4], $0x3180  }
0x13: {  	_ =	swait.ge [sflag:s12], $0x3180  }
0x14: {  	[sflag:s12] =	ssyncset.done $0x0  }
0x15: {  	[sflag:s12] =	ssyncadd.s32 $0xFFFFCE80  }
0x16: {  	s18 =	sadd.s32 $0x0, s10;
	[bflag:$0x0] =	sbarrier.arrive $0xFFFF  }
0x17: {  	[tilespmem:s3], [sflag:$0x1] =	stream.linear.gather [hbm4b:s18+s3], $0x50, $0x38;
	[tilespmem:$0x1B500] =	vst v63  }
0x18: {  	_ =	swait.ge [sflag:s12], $0x50  }
0x19: {  	[sflag:s12] =	ssyncset.done $0x0  }
0x1a: {  	[sflag:s12] =	ssyncadd.s32 $0xFFFFFFB0  }
0x1b: {  	[tilespmem:s13], [sflag:$0x1] =	stream.linear.gather [hbm4b:s9+s3], $0x2800, $0x38;
	[tilespmem:$0x1B500] =	vst v63  }
0x1c: {  	_ =	swait.ge [sflag:s12], $0x2800  }
0x1d: {  	[sflag:s12] =	ssyncset.done $0x0  }
0x1e: {  	[sflag:s12] =	ssyncadd.s32 $0xFFFFD800  }
0x1f: {  	v2 =	vld [tilespmem:$0x40]  }
0x20: {  	v3 =	vld [tilespmem:$0x30]  }
0x21: {  	v4 =	vld [tilespmem:$0x20]  }
0x22: {  	v5 =	vld [tilespmem:$0x10]  }
0x23: {  	v6 =	vld [tilespmem:$0x0]  }
0x24: {  	v2 =	vsub.s32 v2, v0  }
0x25: {  	v3 =	vsub.s32 v3, v0;
	v2 =	vmin.u32 v2, $0x3100  }
0x26: {  	v4 =	vsub.s32 v4, v0;
	v3 =	vmin.u32 v3, $0x3100;
	[tilespmem:$0xC0] =	vst v2  }
0x27: {  	v4 =	vmin.u32 v4, $0x3100;
	v2 =	vsub.s32 v5, v0;
	[tilespmem:$0xB0] =	vst v3  }
0x28: {  	v3 =	vsub.s32 v6, v0;
	[tilespmem:$0xA0] =	vst v4;
	v5 =	vmin.u32 v2, $0x3100  }
0x29: {  	s19 =	smov.u32 s9;
	s18 =	simm.s32 $0xA;
	v2 =	vmin.u32 v3, $0x3100;
	[tilespmem:$0x90] =	vst v5  }
.LBB2_2:
0x2a: {  	p0 =	sne.s32 s18, $0x1860  }
0x2b: {  	[tilespmem:$0x80] =	vst v2;
	s19 =	sadd.s32 $0x500, s19;
	s20 =	smov.u32 s18;
	s18 =	sadd.s32 $0xA, s18  }
0x2c: {  	[spmem:s2] =	stream.indirect.scatter.add.f32 [tilespmem:s13], [sflag:$0x1], $0x80, s15, s14, $0xb8;
	[tilespmem:$0x1B500] =	vst v63  }
0x2d: {  	_ =	swait.ge [sflag:s12], $0x2800  }
0x2e: {  	[sflag:s12] =	ssyncset.done $0x0  }
0x2f: {  	s20 =	sadd.s32 s20, s10;
	[sflag:s12] =	ssyncadd.s32 $0xFFFFD800  }
0x30: {  	[tilespmem:s3], [sflag:$0x1] =	stream.linear.gather [hbm4b:s20+s3], $0x50, $0x38;
	[tilespmem:$0x1B500] =	vst v63  }
0x31: {  	_ =	swait.ge [sflag:s12], $0x50  }
0x32: {  	[sflag:s12] =	ssyncset.done $0x0  }
0x33: {  	[sflag:s12] =	ssyncadd.s32 $0xFFFFFFB0  }
0x34: {  	[tilespmem:s13], [sflag:$0x1] =	stream.linear.gather [hbm4b:s19+s3], $0x2800, $0x38;
	[tilespmem:$0x1B500] =	vst v63  }
0x35: {  	_ =	swait.ge [sflag:s12], $0x2800  }
0x36: {  	[sflag:s12] =	ssyncset.done $0x0  }
0x37: {  	[sflag:s12] =	ssyncadd.s32 $0xFFFFD800  }
0x38: {  	v2 =	vld [tilespmem:$0x40]  }
0x39: {  	v3 =	vld [tilespmem:$0x30]  }
0x3a: {  	v4 =	vld [tilespmem:$0x20]  }
0x3b: {  	v5 =	vld [tilespmem:$0x10]  }
0x3c: {  	v6 =	vld [tilespmem:$0x0]  }
0x3d: {  	v2 =	vsub.s32 v2, v0  }
.Ltmp0:
0x3e: {  	v3 =	vsub.s32 v3, v0;
	v2 =	vmin.u32 v2, $0x3100;
	(pc) =	sbr.rel @p0 .LBB2_2-.Ltmp0, $4  }
0x3f: {  	v4 =	vsub.s32 v4, v0;
	v3 =	vmin.u32 v3, $0x3100;
	[tilespmem:$0xC0] =	vst v2  }
0x40: {  	v2 =	vsub.s32 v5, v0;
	v4 =	vmin.u32 v4, $0x3100;
	[tilespmem:$0xB0] =	vst v3  }
0x41: {  	v3 =	vsub.s32 v6, v0;
	v5 =	vmin.u32 v2, $0x3100;
	[tilespmem:$0xA0] =	vst v4  }
0x42: {  	v2 =	vmin.u32 v3, $0x3100;
	[tilespmem:$0x90] =	vst v5  }
0x43: {  	[tilespmem:$0x80] =	vst v2  }
0x44: {  	[spmem:s2] =	stream.indirect.scatter.add.f32 [tilespmem:s13], [sflag:$0x1], $0x80, s15, s14, $0xb8;
	[tilespmem:$0x1B500] =	vst v63  }
0x45: {  	_ =	swait.ge [sflag:s12], $0x2800  }
0x46: {  	[sflag:s12] =	ssyncset.done $0x0  }
0x47: {  	[sflag:s12] =	ssyncadd.s32 $0xFFFFD800  }
0x48: {  	[bflag:$0x0] =	sbarrier.arrive $0xFFFF  }
0x49: {  	[hbm:s6], [sflag:s5] =	dma.local [spmem:s16], $0x3100  }
0x4a: {  	_ =	swait.ge [sflag:s12], $0x3100  }
0x4b: {  	[sflag:s12] =	ssyncset.done $0x0  }
0x4c: {  	[sflag:s12] =	ssyncadd.s32 $0xFFFFCF00  }
0x4d: {  	[bflag:$0x0] =	sbarrier.arrive $0xFFFF  }
0x4e: {  	[spmem:s11], [sflag:s5] =	dma.local [hbm:s4], $0x3180  }
0x4f: {  	_ =	swait.ge [sflag:s12], $0x3180  }
0x50: {  	[sflag:s12] =	ssyncset.done $0x0  }
0x51: {  	[sflag:s12] =	ssyncadd.s32 $0xFFFFCE80  }
0x52: {  	s18 =	sadd.s32 $0x0, s10;
	[bflag:$0x0] =	sbarrier.arrive $0xFFFF  }
0x53: {  	[tilespmem:s3], [sflag:$0x1] =	stream.linear.gather [hbm4b:s18+s3], $0x50, $0x38;
	[tilespmem:$0x1B500] =	vst v63  }
0x54: {  	_ =	swait.ge [sflag:s12], $0x50  }
0x55: {  	[sflag:s12] =	ssyncset.done $0x0  }
0x56: {  	[sflag:s12] =	ssyncadd.s32 $0xFFFFFFB0  }
0x57: {  	[tilespmem:s13], [sflag:$0x1] =	stream.linear.gather [hbm4b:s9+s3], $0x2800, $0x38;
	[tilespmem:$0x1B500] =	vst v63  }
0x58: {  	_ =	swait.ge [sflag:s12], $0x2800  }
0x59: {  	[sflag:s12] =	ssyncset.done $0x0  }
0x5a: {  	[sflag:s12] =	ssyncadd.s32 $0xFFFFD800  }
0x5b: {  	v2 =	vld [tilespmem:$0x40]  }
0x5c: {  	v3 =	vld [tilespmem:$0x30]  }
0x5d: {  	v4 =	vld [tilespmem:$0x20]  }
0x5e: {  	v5 =	vld [tilespmem:$0x10]  }
0x5f: {  	v6 =	vld [tilespmem:$0x0]  }
0x60: {  	v2 =	vsub.s32 v2, v1  }
0x61: {  	v3 =	vsub.s32 v3, v1;
	v2 =	vmin.u32 v2, $0x3100  }
0x62: {  	v4 =	vsub.s32 v4, v1;
	v3 =	vmin.u32 v3, $0x3100;
	[tilespmem:$0xC0] =	vst v2  }
0x63: {  	v4 =	vmin.u32 v4, $0x3100;
	v2 =	vsub.s32 v5, v1;
	[tilespmem:$0xB0] =	vst v3  }
0x64: {  	v3 =	vsub.s32 v6, v1;
	[tilespmem:$0xA0] =	vst v4;
	v5 =	vmin.u32 v2, $0x3100  }
0x65: {  	s19 =	smov.u32 s9;
	s18 =	simm.s32 $0xA;
	v2 =	vmin.u32 v3, $0x3100;
	[tilespmem:$0x90] =	vst v5  }
.LBB2_4:
0x66: {  	p0 =	sne.s32 s18, $0x1860  }
0x67: {  	[tilespmem:$0x80] =	vst v2;
	s19 =	sadd.s32 $0x500, s19;
	s20 =	smov.u32 s18;
	s18 =	sadd.s32 $0xA, s18  }
0x68: {  	[spmem:s2] =	stream.indirect.scatter.add.f32 [tilespmem:s13], [sflag:$0x1], $0x80, s15, s14, $0xb8;
	[tilespmem:$0x1B500] =	vst v63  }
0x69: {  	_ =	swait.ge [sflag:s12], $0x2800  }
0x6a: {  	[sflag:s12] =	ssyncset.done $0x0  }
0x6b: {  	s20 =	sadd.s32 s20, s10;
	[sflag:s12] =	ssyncadd.s32 $0xFFFFD800  }
0x6c: {  	[tilespmem:s3], [sflag:$0x1] =	stream.linear.gather [hbm4b:s20+s3], $0x50, $0x38;
	[tilespmem:$0x1B500] =	vst v63  }
0x6d: {  	_ =	swait.ge [sflag:s12], $0x50  }
0x6e: {  	[sflag:s12] =	ssyncset.done $0x0  }
0x6f: {  	[sflag:s12] =	ssyncadd.s32 $0xFFFFFFB0  }
0x70: {  	[tilespmem:s13], [sflag:$0x1] =	stream.linear.gather [hbm4b:s19+s3], $0x2800, $0x38;
	[tilespmem:$0x1B500] =	vst v63  }
0x71: {  	_ =	swait.ge [sflag:s12], $0x2800  }
0x72: {  	[sflag:s12] =	ssyncset.done $0x0  }
0x73: {  	[sflag:s12] =	ssyncadd.s32 $0xFFFFD800  }
0x74: {  	v2 =	vld [tilespmem:$0x40]  }
0x75: {  	v3 =	vld [tilespmem:$0x30]  }
0x76: {  	v4 =	vld [tilespmem:$0x20]  }
0x77: {  	v5 =	vld [tilespmem:$0x10]  }
0x78: {  	v6 =	vld [tilespmem:$0x0]  }
0x79: {  	v2 =	vsub.s32 v2, v1  }
.Ltmp1:
0x7a: {  	v3 =	vsub.s32 v3, v1;
	v2 =	vmin.u32 v2, $0x3100;
	(pc) =	sbr.rel @p0 .LBB2_4-.Ltmp1, $4  }
0x7b: {  	v4 =	vsub.s32 v4, v1;
	v3 =	vmin.u32 v3, $0x3100;
	[tilespmem:$0xC0] =	vst v2  }
0x7c: {  	v2 =	vsub.s32 v5, v1;
	v4 =	vmin.u32 v4, $0x3100;
	[tilespmem:$0xB0] =	vst v3  }
0x7d: {  	v3 =	vsub.s32 v6, v1;
	v5 =	vmin.u32 v2, $0x3100;
	[tilespmem:$0xA0] =	vst v4  }
0x7e: {  	v2 =	vmin.u32 v3, $0x3100;
	[tilespmem:$0x90] =	vst v5  }
0x7f: {  	[tilespmem:$0x80] =	vst v2  }
0x80: {  	[spmem:s2] =	stream.indirect.scatter.add.f32 [tilespmem:s13], [sflag:$0x1], $0x80, s15, s14, $0xb8;
	[tilespmem:$0x1B500] =	vst v63  }
0x81: {  	_ =	swait.ge [sflag:s12], $0x2800  }
0x82: {  	[sflag:s12] =	ssyncset.done $0x0  }
0x83: {  	s17 =	sadd.s32 $0x1, s17;
	[sflag:s12] =	ssyncadd.s32 $0xFFFFD800  }
0x84: {  	p0 =	sne.s32 s17, s8;
	[bflag:$0x0] =	sbarrier.arrive $0xFFFF  }
0x85: {  	[hbm:s7], [sflag:s5] =	dma.local [spmem:s16], $0x3100  }
.Ltmp2:
0x86: {  	_ =	swait.ge [sflag:s12], $0x3100;
	(pc) =	sbr.rel @p0 .LBB2_1-.Ltmp2, $3  }
0x87: {  	[sflag:s12] =	ssyncset.done $0x0  }
0x88: {  	[sflag:s12] =	ssyncadd.s32 $0xFFFFCF00  }
0x89: {  	[bflag:$0x0] =	sbarrier.arrive $0xFFFF;
	_ =	sdelay $0x1  }
0x8a: {  	_ =	sfence.sel $0x180000  }
0x8b: {  	[bflag:$0x0] =	sbarrier.arrive $0xFFFF  }
0x8c: {  	p0 =	sne.s32 s1, $0x0;
	_ =	strace $0x90000050  }
0x8d: {  	s0 =	sadd.s32 @!p0 $0x100000, s0;
	[bflag:$0x2] =	sbarrier.arrive $0xFFFF  }
0x8e: {  	[sflag:s0] =	ssyncadd.tile.s32 @!p0 $0x1;
	_ =	shalt  }
.Lfunc_end2:
_tile_overlayer_lowered:
.L_overlay_start_2:
0x8f: {  	(tag) =	ssettag $0x2  }
0x90: {  	s0 =	rddreg [dreg:$0x0];
	s2 =	stileid.u32  }
0x91: {  	s1 =	rddreg [dreg:$0x1];
	p0 =	sne.s32 s2, $0x0  }
0x92: {  	s3 =	rddreg [dreg:$0x2];
	[bflag:$0x3] =	sbarrier.arrive $0xFFFF;
	s2 =	simm.s32 @!p0 $0x1C01  }
0x93: {  	[timem:s3], [sflag:s2] =	dma.local @!p0 [hbm:s0], s1  }
0x94: {  	s0 =	simm.s32 @!p0 $0x1  }
0x95: {  	_ =	swait.ge @!p0 [sflag:s0], s1  }
0x96: {  	s1 =	ssub.s32 @!p0 $0x0, s1;
	[sflag:s0] =	ssyncset.done @!p0 $0x0  }
0x97: {  	[sflag:s0] =	ssyncadd.s32 @!p0 s1  }
0x98: {  	[bflag:$0x3] =	sbarrier.arrive $0xFFFF  }
0x99: {  	_ =	shalt  }

// kernel: kernel.29.cloned.1.call-start
scs
__scs_entry_jumppad:
0x0: {  	(pc) =	sbr.rel $0x88, $3  }
0x1: {  	(tag) =	ssettag $0x0;
	lr =	simm.s32 $0x1  }
0x2: {  	[smem:$0x3F91] =	sst lr;
	_ =	strace $0xD0000000  }
0x3: {  	_ = 	snop  }
0x4: {  	_ = 	snop  }
0x5: {  	_ = 	snop  }
0x6: {  	_ = 	snop  }
0x7: {  	_ = 	snop  }
__scs_overlays_trampoline_lowered:
0x8: {  	[smem:$0x3FA0] =	sst s0  }
0x9: {  	[smem:$0x3FA1] =	sst s1  }
0xa: {  	[smem:$0x3FA2] =	sst s2  }
0xb: {  	[smem:$0x3FA3] =	sst s3  }
0xc: {  	[smem:$0x3FA4] =	sst s4  }
0xd: {  	[smem:$0x3FA5] =	sst s5  }
0xe: {  	[smem:$0x3FA6] =	sst s6  }
0xf: {  	[smem:$0x3FA7] =	sst s7  }
0x10: {  	[smem:$0x3FA8] =	sst s8  }
0x11: {  	[smem:$0x3FA9] =	sst s9;
	s0 =	simm.s32 @!p0 $0x0  }
0x12: {  	s1 =	sld [smem:$0x3F8F];
	s0 =	simm.s32 @p0 $0x1  }
0x13: {  	[smem:$0x3FAA] =	sst s0;
	s0 =	simm.s32 @!p1 $0x0  }
0x14: {  	s2 =	sld [smem:$0x3F8E];
	s0 =	simm.s32 @p1 $0x1  }
0x15: {  	[smem:$0x3FAB] =	sst s0;
	s0 =	simm.s32 @!p2 $0x0  }
0x16: {  	s3 =	sld [smem:$0x3FDB];
	s0 =	simm.s32 @p2 $0x1  }
0x17: {  	s4 =	simm.s32 $0x1BF5;
	[smem:$0x3FAD] =	sst s0  }
0x18: {  	s0 =	sld [smem:$0x3F90];
	_ =	swait.ge [sflag:s4], $0x0  }
0x19: {  	s7 =	sld [smem:$0x3F91]  }
0x1a: {  	s8 =	sadd.s32 $0xFFFFE003, lr  }
0x1b: {  	s9 =	sadd.s32 $0xFFFFFEF7, lr;
	s5 =	simm.s32 $0xFFFFFFFF;
	p2 =	slt.u32 s8, $0xFFFFF086  }
0x1c: {  	p1 =	slt.u32 s9, $0xF7A;
	s5 =	simm.s32 @!p2 $0x0  }
0x1d: {  	s5 =	simm.s32 @p1 $0x1;
	p0 =	seq.s32 s7, s2  }
0x1e: {  	s7 =	smul.u32 @!p0 $0xF7A, s2;
	p2 =	seq.s32 @!p0 s5, $0x0  }
0x1f: {  	s9 =	smul.u32 $0xF7A, s1;
	s8 =	simm.s32 @!p0 $0x1BF5;
	p2 =	por !p2, p0  }
0x20: {  	[sflag:s8] =	ssyncset.s32 @!p0 $0xFFFFF086;
	s6 =	sadd.s32 @!p0 s3, s7;
	s7 =	simm.s32 @!p0 $0x108  }
0x21: {  	s3 =	sadd.s32 s3, s9;
	s6 =	sadd.s32 @!p0 $0x88, s6;
	s7 =	simm.s32 @p2 $0x1082  }
0x22: {  	[simem:s7], [sflag:s8] =	dma.local @!p0 [hbm:s6], $0xF7A  }
0x23: {  	s9 =	sor.u32 $0xD0000000, s2;
	s6 =	simm.s32 $0x108;
	_ =	swait.ge @!p0 [sflag:s8], $0x0  }
0x24: {  	s3 =	sadd.s32 $0x88, s3;
	s6 =	simm.s32 @!p1 $0x1082;
	[sflag:s4] =	ssyncset.s32 $0xFFFFF086  }
0x25: {  	[simem:s6], [sflag:s4] =	dma.local [hbm:s3], $0xF7A  }
0x26: {  	[smem:$0x3F91] =	sst s1;
	(tag) =	ssettag s2;
	_ =	strace s9  }
0x27: {  	s1 =	sld [smem:$0x3FA1]  }
0x28: {  	s2 =	sld [smem:$0x3FA2]  }
0x29: {  	s4 =	sld [smem:$0x3FA4]  }
0x2a: {  	p0 =	seq.s32 s5, $0x0;
	s5 =	sld [smem:$0x3FA5]  }
0x2b: {  	s6 =	sld [smem:$0x3FA6]  }
0x2c: {  	s7 =	sld [smem:$0x3FA7]  }
0x2d: {  	s3 =	simm.s32 $0x108;
	s8 =	sld [smem:$0x3FA8]  }
0x2e: {  	s3 =	simm.s32 @!p0 $0x1082;
	s9 =	sld [smem:$0x3FA9]  }
0x2f: {  	lr =	sadd.s32 s0, s3;
	s0 =	sld [smem:$0x3FA0]  }
0x30: {  	s3 =	sld [smem:$0x3FA3]  }
0x31: {  	[smem:$0x3FAC] =	sst s10  }
0x32: {  	s10 =	sld [smem:$0x3FAA];
	_ =	sdelay $0x3  }
0x33: {  	p0 =	seq.s32 s10, $0x1;
	s10 =	sld [smem:$0x3FAC];
	_ =	sdelay $0x3  }
0x34: {  	[smem:$0x3FAC] =	sst s10  }
0x35: {  	s10 =	sld [smem:$0x3FAB];
	_ =	sdelay $0x3  }
0x36: {  	p1 =	seq.s32 s10, $0x1;
	s10 =	sld [smem:$0x3FAC];
	_ =	sdelay $0x3  }
0x37: {  	[smem:$0x3FAC] =	sst s10  }
0x38: {  	s10 =	sld [smem:$0x3FAD]  }
0x39: {  	_ = 	snop;
	(pc) =	sbr.ind lr, $3  }
0x3a: {  	_ = 	snop  }
0x3b: {  	_ = 	snop  }
0x3c: {  	p2 =	seq.s32 s10, $0x1;
	s10 =	sld [smem:$0x3FAC]  }
0x3d: {  	_ =	shalt  }
0x3e: {  	_ =	shalt  }
0x3f: {  	_ =	shalt  }
0x40: {  	_ =	shalt  }
0x41: {  	_ =	shalt  }
0x42: {  	_ =	shalt  }
0x43: {  	_ =	shalt  }
0x44: {  	_ =	shalt  }
0x45: {  	_ =	shalt  }
0x46: {  	_ =	shalt  }
0x47: {  	_ =	shalt  }
0x48: {  	_ =	shalt  }
0x49: {  	_ =	shalt  }
0x4a: {  	_ =	shalt  }
0x4b: {  	_ =	shalt  }
0x4c: {  	_ =	shalt  }
0x4d: {  	_ =	shalt  }
0x4e: {  	_ =	shalt  }
0x4f: {  	_ =	shalt  }
0x50: {  	_ =	shalt  }
0x51: {  	_ =	shalt  }
0x52: {  	_ =	shalt  }
0x53: {  	_ =	shalt  }
0x54: {  	_ =	shalt  }
0x55: {  	_ =	shalt  }
0x56: {  	_ =	shalt  }
0x57: {  	_ =	shalt  }
0x58: {  	_ =	shalt  }
0x59: {  	_ =	shalt  }
0x5a: {  	_ =	shalt  }
0x5b: {  	_ =	shalt  }
0x5c: {  	_ =	shalt  }
0x5d: {  	_ =	shalt  }
0x5e: {  	_ =	shalt  }
0x5f: {  	_ =	shalt  }
0x60: {  	_ =	shalt  }
0x61: {  	_ =	shalt  }
0x62: {  	_ =	shalt  }
0x63: {  	_ =	shalt  }
0x64: {  	_ =	shalt  }
0x65: {  	_ =	shalt  }
0x66: {  	_ =	shalt  }
0x67: {  	_ =	shalt  }
0x68: {  	_ =	shalt  }
0x69: {  	_ =	shalt  }
0x6a: {  	_ =	shalt  }
0x6b: {  	_ =	shalt  }
0x6c: {  	_ =	shalt  }
0x6d: {  	_ =	shalt  }
0x6e: {  	_ =	shalt  }
0x6f: {  	_ =	shalt  }
0x70: {  	_ =	shalt  }
0x71: {  	_ =	shalt  }
0x72: {  	_ =	shalt  }
0x73: {  	_ =	shalt  }
0x74: {  	_ =	shalt  }
0x75: {  	_ =	shalt  }
0x76: {  	_ =	shalt  }
0x77: {  	_ =	shalt  }
0x78: {  	_ =	shalt  }
0x79: {  	_ =	shalt  }
0x7a: {  	_ =	shalt  }
0x7b: {  	_ =	shalt  }
0x7c: {  	_ =	shalt  }
0x7d: {  	_ =	shalt  }
0x7e: {  	_ =	shalt  }
0x7f: {  	_ =	shalt  }
0x80: {  	_ =	shalt  }
0x81: {  	_ =	shalt  }
0x82: {  	_ =	shalt  }
0x83: {  	_ =	shalt  }
0x84: {  	_ =	shalt  }
0x85: {  	_ =	shalt  }
0x86: {  	_ =	shalt  }
0x87: {  	_ =	shalt  }
.Lfunc_end0:
.L_simem_size_0:
called_computation.4_lowered:
.L_overlay_start_0:
0x88: {  	s2 =	sld [smem:$0x3FD9]  }
0x89: {  	s3 =	sld [smem:$0x3FFE];
	_ =	sdelay $0x1  }
0x8a: {  	s1 =	srdreg.scid  }
0x8b: {  	s0 =	sand.u32 $0x1, s1  }
0x8c: {  	s16 =	sshll.u32 s0, $0xA;
	s2 =	sadd.s32 s3, s2  }
0x8d: {  	s2 =	sadd.s32 s2, s16  }
0x8e: {  	[smem:$0x3FB8] =	sst s2  }
0x8f: {  	_ = 	snop  }
0x90: {  	(tm) =	ssettm $0x1  }
0x91: {  	s17 =	sld [smem:$0x3FFB];
	_ =	sdelay $0x3  }
0x92: {  	_ =	strace s17  }
0x93: {  	s2 =	sld [smem:$0x3FFC];
	_ =	sdelay $0x3  }
0x94: {  	_ =	strace s2  }
0x95: {  	s2 =	sld [smem:$0x3FFD];
	_ =	sdelay $0x3  }
0x96: {  	_ =	strace s2  }
0x97: {  	_ =	strace $0x8FFFFFFF  }
0x98: {  	s18 =	sld [smem:$0x3FDB];
	_ =	sdelay $0x1  }
0x99: {  	s19 =	simm.s32 $_scs_section_size  }
0x9a: {  	s4 =	simm.s32 $_size__tile_overlayer_lowered;
	s5 =	simm.s32 $_tile_overlayer_lowered  }
0x9b: {  	s22 =	simm.s32 $0x1BFF;
	s21 =	sshll.u32 s5, $0x1;
	s2 =	sadd.s32 s19, s18  }
0x9c: {  	s6 =	simm.s32 $0x0;
	s20 =	sshll.u32 s4, $0x1;
	s4 =	sadd.s32 s21, s2  }
0x9d: {  	[timem:s6], [sflag:s22] =	dma.local [hbm:s4], s20  }
0x9e: {  	_ =	swait.ge [sflag:s22], s20  }
0x9f: {  	s3 =	ssub.s32 $0x0, s20;
	[sflag:s22] =	ssyncset.done $0x0  }
0xa0: {  	[sflag:s22] =	ssyncadd.s32 s3;
	_ =	sdelay $0x1  }
0xa1: {  	s23 =	simm.s32 $0x1B8B  }
0xa2: {  	_ =	swait.ge [sflag:s23], $0x1  }
0xa3: {  	[sflag:s23] =	ssyncset.done $0x0  }
0xa4: {  	s25 =	simm.s32 $0x1B8E;
	s24 =	sld [smem:$0x3FFE];
	[sflag:s23] =	ssyncadd.s32 $0xFFFFFFFF  }
0xa5: {  	s26 =	simm.s32 $execute0_lowered;
	[smem:$0x3FD2] =	sst s25  }
0xa6: {  	s4 =	sshll.u32 s26, $0x1;
	_ =	strace $0x80000052;
	[dreg:$0x1] =	wrdreg $0xFFFFFFFF  }
0xa7: {  	s28 =	simm.s32 $_size_execute0_lowered;
	s2 =	sadd.s32 s2, s4;
	[dreg:$0x0] =	wrdreg $0x0  }
0xa8: {  	s4 =	sshll.u32 s28, $0x1;
	[dreg:$0x2] =	wrdreg s2  }
0xa9: {  	[dreg:$0x3] =	wrdreg s4  }
0xaa: {  	[dreg:$0x4] =	wrdreg $0xC0  }
0xab: {  	_ =	task [dreg:s6], $0x5FFFF  }
0xac: {  	[dreg:$0x1] =	wrdreg $0xFFFFFFFF  }
0xad: {  	[dreg:$0x0] =	wrdreg $0x60  }
0xae: {  	[dreg:$0x2] =	wrdreg s24  }
0xaf: {  	[dreg:$0x3] =	wrdreg $0x9  }
0xb0: {  	_ =	task.clear_ibuf [dreg:s6], $0x4FFFF;
	_ =	strace $0x90000052  }
0xb1: {  	s29 =	simm.s32 $0x9;
	_ =	strace $0x80000054  }
0xb2: {  	_ =	swait.ge [sflag:s29], $0x1  }
0xb3: {  	[sflag:s29] =	ssyncadd.s32 $0xFFFFFFFF  }
0xb4: {  	_ =	strace $0x90000054  }
0xb5: {  	_ =	sfence  }
0xb6: {  	s30 =	sld [smem:$0x0];
	_ =	sdelay $0x2  }
0xb7: {  	s31 =	sshll.u32 s1, $0xD;
	s1 =	sshrl.u32 s1, $0x2  }
0xb8: {  	s3 =	sand.u32 $0x4000, s31;
	s1 =	sadd.s32 s1, s30  }
0xb9: {  	s0 =	sor.u32 s3, s0;
	s1 =	sshll.u32 s1, $0x11  }
0xba: {  	s0 =	sor.u32 s1, s0  }
0xbb: {  	s0 =	sadd.s32 $0x8F2B, s0  }
0xbc: {  	[sflag:s0] =	ssyncadd.remote.s32 $0x1  }
0xbd: {  	_ =	sfence.sel $0xFFFF  }
0xbe: {  	[dreg:$0x0] =	wrdreg $0xFFFFFFFF;
	(pc) =	sbr.abs _section_cstart, $3  }
0xbf: {  	[dreg:$0x1] =	wrdreg $0xFFFFFFFF  }
0xc0: {  	_ =	task.clear_ibuf [dreg:s6], $0x2FFFF;
	_ =	strace $0x9FFFFFFF  }
0xc1: {  	(tm) =	ssettm $0x7FFFFFFF  }
tec
execute0_lowered:
.L_overlay_start_1:
0x0: {  	(tag) =	ssettag $0x1  }
0x1: {  	s4 =	rddreg [dreg:$0x0]  }
0x2: {  	s0 =	rddreg [dreg:$0x1]  }
0x3: {  	s3 =	srdreg.scid;
	s1 =	stileid.u32;
	s2 =	simm.s32 $0x0  }
0x4: {  	s10 =	simm.s32 $0x1;
	s11 =	simm.s32 $0x0;
	s6 =	smul.u32 $0xC350, s1  }
0x5: {  	s5 =	sand.u32 $0x1, s3;
	[smem:$0x7FF] =	sst s2;
	s8 =	smul.u32 $0xC3500, s1  }
0x6: {  	s3 =	sadd.s32 $0x342200, s4;
	s7 =	smul.u32 $0x61A8, s5;
	s9 =	ssub.s32 $0x2, s5  }
0x7: {  	_ =	strace $0x80000053;
	s5 =	smul.u32 $0x61A80, s5;
	s31 =	sshrl.u32 s9, $0x1  }
0x8: {  	s30 =	sadd.s32 s8, s4;
	s6 =	sadd.s32 s7, s6;
	s8 =	ssub.s32 s9, s31  }
0x9: {  	s5 =	sadd.s32 s5, s30;
	s7 =	simm.s32 $0x2;
	s6 =	sshrl.u32 s6, $0x3  }
0xa: {  	s9 =	simm.s32 $0x80;
	s5 =	sadd.s32 $0x1A24200, s5;
	s6 =	sadd.s32 s6, s4  }
0xb: {  	s4 =	smax.u32 s8, $0x1;
	s8 =	simm.s32 $0x28;
	s6 =	sadd.s32 $0x2600, s6  }
.LBB2_1:
0xc: {  	s12 =	sadd.s32 $0x0, s6  }
0xd: {  	[tilespmem:s2], [sflag:$0x2] =	stream.linear.gather [hbm4b:s12+s2], $0x28, $0x38;
	[tilespmem:$0x1480] =	vst v63  }
0xe: {  	_ =	swait.ge [sflag:s7], $0x28  }
0xf: {  	[sflag:s7] =	ssyncset.done $0x0  }
0x10: {  	[sflag:s7] =	ssyncadd.s32 $0xFFFFFFD8  }
0x11: {  	[tilespmem:s9], [sflag:$0x1] =	stream.indirect.gather [hbm4b:s3+s8], $0x80, s2, s8, $0xb8;
	[tilespmem:$0x1480] =	vst v63  }
0x12: {  	_ =	swait.ge [sflag:s10], $0x1400  }
0x13: {  	[sflag:s10] =	ssyncset.done $0x0  }
0x14: {  	[sflag:s10] =	ssyncadd.s32 $0xFFFFEC00  }
0x15: {  	[hbm4b:s5+s2] =	stream.linear.scatter [tilespmem:s9], [sflag:$0x2], $0x1400, $0x38;
	[tilespmem:$0x1480] =	vst v63  }
0x16: {  	s13 =	simm.s32 $0x5;
	_ =	swait.ge [sflag:s7], $0x1400  }
0x17: {  	s14 =	simm.s32 $0xA;
	s12 =	sadd.s32 $0x280, s5;
	[sflag:s7] =	ssyncset.done $0x0  }
.LBB2_2:
0x18: {  	s15 =	sadd.s32 s13, s6  }
0x19: {  	[sflag:s7] =	ssyncadd.s32 $0xFFFFEC00;
	s13 =	smov.u32 s14;
	s16 =	sadd.s32 $0x5, s14  }
0x1a: {  	[tilespmem:s2], [sflag:$0x2] =	stream.linear.gather [hbm4b:s15+s2], $0x28, $0x38;
	[tilespmem:$0x1480] =	vst v63  }
0x1b: {  	p0 =	sne.s32 s14, $0xC30;
	_ =	swait.ge [sflag:s7], $0x28  }
0x1c: {  	[sflag:s7] =	ssyncset.done $0x0  }
0x1d: {  	[sflag:s7] =	ssyncadd.s32 $0xFFFFFFD8  }
0x1e: {  	[tilespmem:s9], [sflag:$0x1] =	stream.indirect.gather [hbm4b:s3+s8], $0x80, s2, s8, $0xb8;
	[tilespmem:$0x1480] =	vst v63  }
0x1f: {  	_ =	swait.ge [sflag:s10], $0x1400  }
.Ltmp0:
0x20: {  	[sflag:s10] =	ssyncset.done $0x0;
	(pc) =	sbr.rel @p0 .LBB2_2-.Ltmp0, $4  }
0x21: {  	[sflag:s10] =	ssyncadd.s32 $0xFFFFEC00  }
0x22: {  	[hbm4b:s12+s2] =	stream.linear.scatter [tilespmem:s9], [sflag:$0x2], $0x1400, $0x38;
	[tilespmem:$0x1480] =	vst v63  }
0x23: {  	_ =	swait.ge [sflag:s7], $0x1400  }
0x24: {  	s14 =	smov.u32 s16;
	s12 =	sadd.s32 $0x280, s12;
	[sflag:s7] =	ssyncset.done $0x0  }
0x25: {  	s13 =	sadd.s32 s13, s6;
	[sflag:s7] =	ssyncadd.s32 $0xFFFFEC00  }
0x26: {  	[tilespmem:s2], [sflag:$0x2] =	stream.linear.gather [hbm4b:s13+s2], $0x28, $0x38;
	[tilespmem:$0x1480] =	vst v63  }
0x27: {  	_ =	swait.ge [sflag:s7], $0x28  }
0x28: {  	[sflag:s7] =	ssyncset.done $0x0  }
0x29: {  	[sflag:s7] =	ssyncadd.s32 $0xFFFFFFD8  }
0x2a: {  	[tilespmem:s9], [sflag:$0x1] =	stream.indirect.gather [hbm4b:s3+s8], $0x80, s2, s8, $0xb8;
	[tilespmem:$0x1480] =	vst v63  }
0x2b: {  	s11 =	sadd.s32 $0x1, s11;
	_ =	swait.ge [sflag:s10], $0x1400  }
0x2c: {  	p0 =	sne.s32 s11, s4;
	[sflag:s10] =	ssyncset.done $0x0  }
.Ltmp1:
0x2d: {  	[sflag:s10] =	ssyncadd.s32 $0xFFFFEC00;
	(pc) =	sbr.rel @p0 .LBB2_1-.Ltmp1, $4  }
0x2e: {  	[hbm4b:s12+s2] =	stream.linear.scatter [tilespmem:s9], [sflag:$0x2], $0x1400, $0x38;
	[tilespmem:$0x1480] =	vst v63  }
0x2f: {  	_ =	swait.ge [sflag:s7], $0x1400  }
0x30: {  	[sflag:s7] =	ssyncset.done $0x0  }
0x31: {  	[sflag:s7] =	ssyncadd.s32 $0xFFFFEC00  }
0x32: {  	_ =	sfence.sel $0x180000  }
0x33: {  	[bflag:$0x0] =	sbarrier.arrive $0xFFFF  }
0x34: {  	p0 =	sne.s32 s1, $0x0;
	_ =	strace $0x90000053  }
0x35: {  	s0 =	sadd.s32 @!p0 $0x100000, s0;
	[bflag:$0x2] =	sbarrier.arrive $0xFFFF  }
0x36: {  	[sflag:s0] =	ssyncadd.tile.s32 @!p0 $0x1;
	_ =	shalt  }
.Lfunc_end2:
_tile_overlayer_lowered:
.L_overlay_start_2:
0x37: {  	(tag) =	ssettag $0x2  }
0x38: {  	s0 =	rddreg [dreg:$0x0];
	s2 =	stileid.u32  }
0x39: {  	s1 =	rddreg [dreg:$0x1];
	p0 =	sne.s32 s2, $0x0  }
0x3a: {  	s3 =	rddreg [dreg:$0x2];
	[bflag:$0x3] =	sbarrier.arrive $0xFFFF;
	s2 =	simm.s32 @!p0 $0x1C02  }
0x3b: {  	[timem:s3], [sflag:s2] =	dma.local @!p0 [hbm:s0], s1  }
0x3c: {  	s0 =	simm.s32 @!p0 $0x2  }
0x3d: {  	_ =	swait.ge @!p0 [sflag:s0], s1  }
0x3e: {  	s1 =	ssub.s32 @!p0 $0x0, s1;
	[sflag:s0] =	ssyncset.done @!p0 $0x0  }
0x3f: {  	[sflag:s0] =	ssyncadd.s32 @!p0 s1  }
0x40: {  	[bflag:$0x3] =	sbarrier.arrive $0xFFFF  }
0x41: {  	_ =	shalt  }

// kernel: kernel.32.cloned.1.call-start
scs
__scs_entry_jumppad:
0x0: {  	(pc) =	sbr.rel $0x88, $3  }
0x1: {  	(tag) =	ssettag $0x0;
	lr =	simm.s32 $0x1  }
0x2: {  	[smem:$0x3F91] =	sst lr;
	_ =	strace $0xD0000000  }
0x3: {  	_ = 	snop  }
0x4: {  	_ = 	snop  }
0x5: {  	_ = 	snop  }
0x6: {  	_ = 	snop  }
0x7: {  	_ = 	snop  }
__scs_overlays_trampoline_lowered:
0x8: {  	[smem:$0x3FA0] =	sst s0  }
0x9: {  	[smem:$0x3FA1] =	sst s1  }
0xa: {  	[smem:$0x3FA2] =	sst s2  }
0xb: {  	[smem:$0x3FA3] =	sst s3  }
0xc: {  	[smem:$0x3FA4] =	sst s4  }
0xd: {  	[smem:$0x3FA5] =	sst s5  }
0xe: {  	[smem:$0x3FA6] =	sst s6  }
0xf: {  	[smem:$0x3FA7] =	sst s7  }
0x10: {  	[smem:$0x3FA8] =	sst s8  }
0x11: {  	[smem:$0x3FA9] =	sst s9;
	s0 =	simm.s32 @!p0 $0x0  }
0x12: {  	s1 =	sld [smem:$0x3F8F];
	s0 =	simm.s32 @p0 $0x1  }
0x13: {  	[smem:$0x3FAA] =	sst s0;
	s0 =	simm.s32 @!p1 $0x0  }
0x14: {  	s2 =	sld [smem:$0x3F8E];
	s0 =	simm.s32 @p1 $0x1  }
0x15: {  	[smem:$0x3FAB] =	sst s0;
	s0 =	simm.s32 @!p2 $0x0  }
0x16: {  	s3 =	sld [smem:$0x3FDB];
	s0 =	simm.s32 @p2 $0x1  }
0x17: {  	s4 =	simm.s32 $0x1BF5;
	[smem:$0x3FAD] =	sst s0  }
0x18: {  	s0 =	sld [smem:$0x3F90];
	_ =	swait.ge [sflag:s4], $0x0  }
0x19: {  	s7 =	sld [smem:$0x3F91]  }
0x1a: {  	s8 =	sadd.s32 $0xFFFFE003, lr  }
0x1b: {  	s9 =	sadd.s32 $0xFFFFFEF7, lr;
	s5 =	simm.s32 $0xFFFFFFFF;
	p2 =	slt.u32 s8, $0xFFFFF086  }
0x1c: {  	p1 =	slt.u32 s9, $0xF7A;
	s5 =	simm.s32 @!p2 $0x0  }
0x1d: {  	s5 =	simm.s32 @p1 $0x1;
	p0 =	seq.s32 s7, s2  }
0x1e: {  	s7 =	smul.u32 @!p0 $0xF7A, s2;
	p2 =	seq.s32 @!p0 s5, $0x0  }
0x1f: {  	s9 =	smul.u32 $0xF7A, s1;
	s8 =	simm.s32 @!p0 $0x1BF5;
	p2 =	por !p2, p0  }
0x20: {  	[sflag:s8] =	ssyncset.s32 @!p0 $0xFFFFF086;
	s6 =	sadd.s32 @!p0 s3, s7;
	s7 =	simm.s32 @!p0 $0x108  }
0x21: {  	s3 =	sadd.s32 s3, s9;
	s6 =	sadd.s32 @!p0 $0x88, s6;
	s7 =	simm.s32 @p2 $0x1082  }
0x22: {  	[simem:s7], [sflag:s8] =	dma.local @!p0 [hbm:s6], $0xF7A  }
0x23: {  	s9 =	sor.u32 $0xD0000000, s2;
	s6 =	simm.s32 $0x108;
	_ =	swait.ge @!p0 [sflag:s8], $0x0  }
0x24: {  	s3 =	sadd.s32 $0x88, s3;
	s6 =	simm.s32 @!p1 $0x1082;
	[sflag:s4] =	ssyncset.s32 $0xFFFFF086  }
0x25: {  	[simem:s6], [sflag:s4] =	dma.local [hbm:s3], $0xF7A  }
0x26: {  	[smem:$0x3F91] =	sst s1;
	(tag) =	ssettag s2;
	_ =	strace s9  }
0x27: {  	s1 =	sld [smem:$0x3FA1]  }
0x28: {  	s2 =	sld [smem:$0x3FA2]  }
0x29: {  	s4 =	sld [smem:$0x3FA4]  }
0x2a: {  	p0 =	seq.s32 s5, $0x0;
	s5 =	sld [smem:$0x3FA5]  }
0x2b: {  	s6 =	sld [smem:$0x3FA6]  }
0x2c: {  	s7 =	sld [smem:$0x3FA7]  }
0x2d: {  	s3 =	simm.s32 $0x108;
	s8 =	sld [smem:$0x3FA8]  }
0x2e: {  	s3 =	simm.s32 @!p0 $0x1082;
	s9 =	sld [smem:$0x3FA9]  }
0x2f: {  	lr =	sadd.s32 s0, s3;
	s0 =	sld [smem:$0x3FA0]  }
0x30: {  	s3 =	sld [smem:$0x3FA3]  }
0x31: {  	[smem:$0x3FAC] =	sst s10  }
0x32: {  	s10 =	sld [smem:$0x3FAA];
	_ =	sdelay $0x3  }
0x33: {  	p0 =	seq.s32 s10, $0x1;
	s10 =	sld [smem:$0x3FAC];
	_ =	sdelay $0x3  }
0x34: {  	[smem:$0x3FAC] =	sst s10  }
0x35: {  	s10 =	sld [smem:$0x3FAB];
	_ =	sdelay $0x3  }
0x36: {  	p1 =	seq.s32 s10, $0x1;
	s10 =	sld [smem:$0x3FAC];
	_ =	sdelay $0x3  }
0x37: {  	[smem:$0x3FAC] =	sst s10  }
0x38: {  	s10 =	sld [smem:$0x3FAD]  }
0x39: {  	_ = 	snop;
	(pc) =	sbr.ind lr, $3  }
0x3a: {  	_ = 	snop  }
0x3b: {  	_ = 	snop  }
0x3c: {  	p2 =	seq.s32 s10, $0x1;
	s10 =	sld [smem:$0x3FAC]  }
0x3d: {  	_ =	shalt  }
0x3e: {  	_ =	shalt  }
0x3f: {  	_ =	shalt  }
0x40: {  	_ =	shalt  }
0x41: {  	_ =	shalt  }
0x42: {  	_ =	shalt  }
0x43: {  	_ =	shalt  }
0x44: {  	_ =	shalt  }
0x45: {  	_ =	shalt  }
0x46: {  	_ =	shalt  }
0x47: {  	_ =	shalt  }
0x48: {  	_ =	shalt  }
0x49: {  	_ =	shalt  }
0x4a: {  	_ =	shalt  }
0x4b: {  	_ =	shalt  }
0x4c: {  	_ =	shalt  }
0x4d: {  	_ =	shalt  }
0x4e: {  	_ =	shalt  }
0x4f: {  	_ =	shalt  }
0x50: {  	_ =	shalt  }
0x51: {  	_ =	shalt  }
0x52: {  	_ =	shalt  }
0x53: {  	_ =	shalt  }
0x54: {  	_ =	shalt  }
0x55: {  	_ =	shalt  }
0x56: {  	_ =	shalt  }
0x57: {  	_ =	shalt  }
0x58: {  	_ =	shalt  }
0x59: {  	_ =	shalt  }
0x5a: {  	_ =	shalt  }
0x5b: {  	_ =	shalt  }
0x5c: {  	_ =	shalt  }
0x5d: {  	_ =	shalt  }
0x5e: {  	_ =	shalt  }
0x5f: {  	_ =	shalt  }
0x60: {  	_ =	shalt  }
0x61: {  	_ =	shalt  }
0x62: {  	_ =	shalt  }
0x63: {  	_ =	shalt  }
0x64: {  	_ =	shalt  }
0x65: {  	_ =	shalt  }
0x66: {  	_ =	shalt  }
0x67: {  	_ =	shalt  }
0x68: {  	_ =	shalt  }
0x69: {  	_ =	shalt  }
0x6a: {  	_ =	shalt  }
0x6b: {  	_ =	shalt  }
0x6c: {  	_ =	shalt  }
0x6d: {  	_ =	shalt  }
0x6e: {  	_ =	shalt  }
0x6f: {  	_ =	shalt  }
0x70: {  	_ =	shalt  }
0x71: {  	_ =	shalt  }
0x72: {  	_ =	shalt  }
0x73: {  	_ =	shalt  }
0x74: {  	_ =	shalt  }
0x75: {  	_ =	shalt  }
0x76: {  	_ =	shalt  }
0x77: {  	_ =	shalt  }
0x78: {  	_ =	shalt  }
0x79: {  	_ =	shalt  }
0x7a: {  	_ =	shalt  }
0x7b: {  	_ =	shalt  }
0x7c: {  	_ =	shalt  }
0x7d: {  	_ =	shalt  }
0x7e: {  	_ =	shalt  }
0x7f: {  	_ =	shalt  }
0x80: {  	_ =	shalt  }
0x81: {  	_ =	shalt  }
0x82: {  	_ =	shalt  }
0x83: {  	_ =	shalt  }
0x84: {  	_ =	shalt  }
0x85: {  	_ =	shalt  }
0x86: {  	_ =	shalt  }
0x87: {  	_ =	shalt  }
.Lfunc_end0:
.L_simem_size_0:
called_computation.5_lowered:
.L_overlay_start_0:
0x88: {  	s2 =	sld [smem:$0x3FD9]  }
0x89: {  	s3 =	sld [smem:$0x3FFE];
	_ =	sdelay $0x1  }
0x8a: {  	s1 =	srdreg.scid  }
0x8b: {  	s0 =	sand.u32 $0x1, s1  }
0x8c: {  	s14 =	sshll.u32 s0, $0xA;
	s2 =	sadd.s32 s3, s2  }
0x8d: {  	s2 =	sadd.s32 s2, s14  }
0x8e: {  	[smem:$0x3FB8] =	sst s2  }
0x8f: {  	_ = 	snop  }
0x90: {  	s2 =	sld [smem:$0x3FD0];
	_ =	sdelay $0x2  }
0x91: {  	s15 =	simm.s32 $0xB;
	s4 =	simm.s32 $0x10  }
0x92: {  	[smem:s4], [sflag:s15] =	dma.local [hbm:s2], $0x1  }
0x93: {  	_ =	swait.eq [sflag:s15], $0x1  }
0x94: {  	[sflag:s15] =	ssyncset.done $0x0  }
0x95: {  	[sflag:s15] =	ssyncadd.s32 $0xFFFFFFFF  }
0x96: {  	s16 =	sld [smem:$0x10];
	(tm) =	ssettm $0x1  }
0x97: {  	s17 =	sld [smem:$0x3FFB];
	_ =	sdelay $0x3  }
0x98: {  	_ =	strace s17  }
0x99: {  	s3 =	sld [smem:$0x3FFC];
	_ =	sdelay $0x3  }
0x9a: {  	_ =	strace s3  }
0x9b: {  	s3 =	sld [smem:$0x3FFD];
	_ =	sdelay $0x3  }
0x9c: {  	_ =	strace s3  }
0x9d: {  	_ =	strace $0x8FFFFFFF  }
0x9e: {  	s18 =	sld [smem:$0x3FDB];
	_ =	sdelay $0x1  }
0x9f: {  	s19 =	simm.s32 $_scs_section_size  }
0xa0: {  	s5 =	simm.s32 $_size__tile_overlayer_lowered;
	s6 =	simm.s32 $_tile_overlayer_lowered  }
0xa1: {  	s22 =	simm.s32 $0x1BFF;
	s21 =	sshll.u32 s6, $0x1;
	s3 =	sadd.s32 s19, s18  }
0xa2: {  	s7 =	simm.s32 $0x0;
	s20 =	sshll.u32 s5, $0x1;
	s5 =	sadd.s32 s21, s3  }
0xa3: {  	[timem:s7], [sflag:s22] =	dma.local [hbm:s5], s20  }
0xa4: {  	_ =	swait.ge [sflag:s22], s20  }
0xa5: {  	s4 =	ssub.s32 $0x0, s20;
	[sflag:s22] =	ssyncset.done $0x0  }
0xa6: {  	[sflag:s22] =	ssyncadd.s32 s4;
	_ =	sdelay $0x1  }
0xa7: {  	s23 =	simm.s32 $0x1B8B  }
0xa8: {  	_ =	swait.ge [sflag:s23], $0x1  }
0xa9: {  	[sflag:s23] =	ssyncset.done $0x0  }
0xaa: {  	s25 =	simm.s32 $0x1B8E;
	s24 =	sld [smem:$0x3FFE];
	[sflag:s23] =	ssyncadd.s32 $0xFFFFFFFF  }
0xab: {  	s26 =	simm.s32 $execute0_lowered;
	[smem:$0x3FD2] =	sst s25  }
0xac: {  	s5 =	sshll.u32 s26, $0x1;
	_ =	strace $0x80000055;
	[dreg:$0x1] =	wrdreg $0xFFFFFFFF  }
0xad: {  	s28 =	simm.s32 $_size_execute0_lowered;
	s3 =	sadd.s32 s3, s5;
	[dreg:$0x0] =	wrdreg $0x0  }
0xae: {  	s5 =	sshll.u32 s28, $0x1;
	[dreg:$0x2] =	wrdreg s3  }
0xaf: {  	[dreg:$0x3] =	wrdreg s5  }
0xb0: {  	[dreg:$0x4] =	wrdreg $0xC0  }
0xb1: {  	_ =	task [dreg:s7], $0x5FFFF  }
0xb2: {  	[dreg:$0x1] =	wrdreg $0xFFFFFFFF  }
0xb3: {  	[dreg:$0x0] =	wrdreg $0x60  }
0xb4: {  	[dreg:$0x2] =	wrdreg s24  }
0xb5: {  	[dreg:$0x3] =	wrdreg s16  }
0xb6: {  	[dreg:$0x4] =	wrdreg $0x29000  }
0xb7: {  	[dreg:$0x5] =	wrdreg $0xA  }
0xb8: {  	_ =	task.clear_ibuf [dreg:s7], $0x6FFFF;
	_ =	strace $0x90000055  }
0xb9: {  	s29 =	simm.s32 $0xA;
	_ =	strace $0x80000057  }
0xba: {  	_ =	swait.ge [sflag:s29], $0x1  }
0xbb: {  	[sflag:s29] =	ssyncadd.s32 $0xFFFFFFFF  }
0xbc: {  	_ =	strace $0x90000057  }
0xbd: {  	_ =	sfence  }
0xbe: {  	s30 =	sld [smem:$0x0];
	_ =	sdelay $0x2  }
0xbf: {  	s31 =	sshll.u32 s1, $0xD;
	s1 =	sshrl.u32 s1, $0x2  }
0xc0: {  	s3 =	sand.u32 $0x4000, s31;
	s1 =	sadd.s32 s1, s30  }
0xc1: {  	s0 =	sor.u32 s3, s0;
	s1 =	sshll.u32 s1, $0x11  }
0xc2: {  	s0 =	sor.u32 s1, s0  }
0xc3: {  	s0 =	sadd.s32 $0x8F2B, s0  }
0xc4: {  	[sflag:s0] =	ssyncadd.remote.s32 $0x1  }
0xc5: {  	_ =	sfence.sel $0xFFFF  }
0xc6: {  	[dreg:$0x0] =	wrdreg $0xFFFFFFFF;
	(pc) =	sbr.abs _section_cstart, $3  }
0xc7: {  	[dreg:$0x1] =	wrdreg $0xFFFFFFFF  }
0xc8: {  	_ =	task.clear_ibuf [dreg:s7], $0x2FFFF;
	_ =	strace $0x9FFFFFFF  }
0xc9: {  	(tm) =	ssettm $0x7FFFFFFF  }
tec
execute0_lowered:
.L_overlay_start_1:
0x0: {  	(tag) =	ssettag $0x1  }
0x1: {  	s4 =	rddreg [dreg:$0x0];
	s1 =	stileid.u32  }
0x2: {  	s5 =	rddreg [dreg:$0x1];
	s6 =	smul.u32 $0xC3500, s1  }
0x3: {  	s2 =	rddreg [dreg:$0x2];
	s8 =	smul.u32 $0x186A, s1  }
0x4: {  	s0 =	rddreg [dreg:$0x3];
	s21 =	smul.u32 $0x63000, s1  }
0x5: {  	s3 =	simm.s32 $0x0;
	s7 =	srdreg.scid;
	s11 =	smul.u32 $0x3180, s1  }
0x6: {  	[smem:$0x7FF] =	sst s3;
	s7 =	sand.u32 $0x1, s7;
	s25 =	smul.u32 $0x310, s1  }
0x7: {  	s22 =	sadd.s32 $0x342200, s4;
	s26 =	sshll.u32 s1, $0x6;
	s14 =	smul.u32 $0x62000, s1  }
0x8: {  	_ =	strace $0x80000056;
	s15 =	smul.u32 $0x6200, s7;
	s20 =	ssub.s32 $0x2, s7  }
0x9: {  	s9 =	sadd.s32 s6, s4;
	s10 =	sadd.s32 s8, s4;
	s23 =	sshrl.u32 s20, $0x1  }
0xa: {  	s24 =	sshrl.u32 s21, $0x2;
	s4 =	sadd.s32 s5, s11;
	s5 =	sor.u32 $0x1C01, s26  }
0xb: {  	s28 =	sshrl.u32 s14, $0x2;
	s14 =	simm.s32 $0x50;
	s12 =	ssub.s32 s20, s23  }
0xc: {  	s13 =	sadd.s32 s24, s2;
	s16 =	sadd.s32 $0x3100, s15;
	s29 =	sadd.s32 s25, s15  }
0xd: {  	s17 =	sadd.s32 s28, s2;
	s9 =	sadd.s32 $0x2659200, s9;
	s10 =	sadd.s32 $0x1AE00, s10  }
0xe: {  	v0 =	vmov s15;
	s15 =	simm.s32 $0x80;
	s6 =	sadd.s32 s25, s16;
	s30 =	sshll.u32 s29, $0x4  }
0xf: {  	s8 =	smax.u32 s12, $0x1;
	s11 =	sshrl.u32 s13, $0x3;
	s12 =	simm.s32 $0x1  }
0x10: {  	s13 =	simm.s32 $0x100;
	v1 =	vmov s16;
	s16 =	sshrl.u32 s17, $0x3;
	s31 =	sshll.u32 s6, $0x4  }
0x11: {  	s17 =	simm.s32 $0x0;
	s6 =	sadd.s32 s22, s30;
	s7 =	sadd.s32 s22, s31  }
.LBB2_1:
0x12: {  	[spmem:s11], [sflag:s5] =	dma.local [hbm:s4], $0x3180  }
0x13: {  	_ =	swait.ge [sflag:s12], $0x3180  }
0x14: {  	[sflag:s12] =	ssyncset.done $0x0  }
0x15: {  	[sflag:s12] =	ssyncadd.s32 $0xFFFFCE80  }
0x16: {  	s18 =	sadd.s32 $0x0, s10;
	[bflag:$0x0] =	sbarrier.arrive $0xFFFF  }
0x17: {  	[tilespmem:s3], [sflag:$0x1] =	stream.linear.gather [hbm4b:s18+s3], $0x50, $0x38;
	[tilespmem:$0x1B500] =	vst v63  }
0x18: {  	_ =	swait.ge [sflag:s12], $0x50  }
0x19: {  	[sflag:s12] =	ssyncset.done $0x0  }
0x1a: {  	[sflag:s12] =	ssyncadd.s32 $0xFFFFFFB0  }
0x1b: {  	[tilespmem:s13], [sflag:$0x1] =	stream.linear.gather [hbm4b:s9+s3], $0x2800, $0x38;
	[tilespmem:$0x1B500] =	vst v63  }
0x1c: {  	_ =	swait.ge [sflag:s12], $0x2800  }
0x1d: {  	[sflag:s12] =	ssyncset.done $0x0  }
0x1e: {  	[sflag:s12] =	ssyncadd.s32 $0xFFFFD800  }
0x1f: {  	v2 =	vld [tilespmem:$0x40]  }
0x20: {  	v3 =	vld [tilespmem:$0x30]  }
0x21: {  	v4 =	vld [tilespmem:$0x20]  }
0x22: {  	v5 =	vld [tilespmem:$0x10]  }
0x23: {  	v6 =	vld [tilespmem:$0x0]  }
0x24: {  	v2 =	vsub.s32 v2, v0  }
0x25: {  	v3 =	vsub.s32 v3, v0;
	v2 =	vmin.u32 v2, $0x3100  }
0x26: {  	v4 =	vsub.s32 v4, v0;
	v3 =	vmin.u32 v3, $0x3100;
	[tilespmem:$0xC0] =	vst v2  }
0x27: {  	v4 =	vmin.u32 v4, $0x3100;
	v2 =	vsub.s32 v5, v0;
	[tilespmem:$0xB0] =	vst v3  }
0x28: {  	v3 =	vsub.s32 v6, v0;
	[tilespmem:$0xA0] =	vst v4;
	v5 =	vmin.u32 v2, $0x3100  }
0x29: {  	s19 =	smov.u32 s9;
	s18 =	simm.s32 $0xA;
	v2 =	vmin.u32 v3, $0x3100;
	[tilespmem:$0x90] =	vst v5  }
.LBB2_2:
0x2a: {  	p0 =	sne.s32 s18, $0x1860  }
0x2b: {  	[tilespmem:$0x80] =	vst v2;
	s19 =	sadd.s32 $0x500, s19;
	s20 =	smov.u32 s18;
	s18 =	sadd.s32 $0xA, s18  }
0x2c: {  	[spmem:s2] =	stream.indirect.scatter.add.f32 [tilespmem:s13], [sflag:$0x1], $0x80, s15, s14, $0xb8;
	[tilespmem:$0x1B500] =	vst v63  }
0x2d: {  	_ =	swait.ge [sflag:s12], $0x2800  }
0x2e: {  	[sflag:s12] =	ssyncset.done $0x0  }
0x2f: {  	s20 =	sadd.s32 s20, s10;
	[sflag:s12] =	ssyncadd.s32 $0xFFFFD800  }
0x30: {  	[tilespmem:s3], [sflag:$0x1] =	stream.linear.gather [hbm4b:s20+s3], $0x50, $0x38;
	[tilespmem:$0x1B500] =	vst v63  }
0x31: {  	_ =	swait.ge [sflag:s12], $0x50  }
0x32: {  	[sflag:s12] =	ssyncset.done $0x0  }
0x33: {  	[sflag:s12] =	ssyncadd.s32 $0xFFFFFFB0  }
0x34: {  	[tilespmem:s13], [sflag:$0x1] =	stream.linear.gather [hbm4b:s19+s3], $0x2800, $0x38;
	[tilespmem:$0x1B500] =	vst v63  }
0x35: {  	_ =	swait.ge [sflag:s12], $0x2800  }
0x36: {  	[sflag:s12] =	ssyncset.done $0x0  }
0x37: {  	[sflag:s12] =	ssyncadd.s32 $0xFFFFD800  }
0x38: {  	v2 =	vld [tilespmem:$0x40]  }
0x39: {  	v3 =	vld [tilespmem:$0x30]  }
0x3a: {  	v4 =	vld [tilespmem:$0x20]  }
0x3b: {  	v5 =	vld [tilespmem:$0x10]  }
0x3c: {  	v6 =	vld [tilespmem:$0x0]  }
0x3d: {  	v2 =	vsub.s32 v2, v0  }
.Ltmp0:
0x3e: {  	v3 =	vsub.s32 v3, v0;
	v2 =	vmin.u32 v2, $0x3100;
	(pc) =	sbr.rel @p0 .LBB2_2-.Ltmp0, $4  }
0x3f: {  	v4 =	vsub.s32 v4, v0;
	v3 =	vmin.u32 v3, $0x3100;
	[tilespmem:$0xC0] =	vst v2  }
0x40: {  	v2 =	vsub.s32 v5, v0;
	v4 =	vmin.u32 v4, $0x3100;
	[tilespmem:$0xB0] =	vst v3  }
0x41: {  	v3 =	vsub.s32 v6, v0;
	v5 =	vmin.u32 v2, $0x3100;
	[tilespmem:$0xA0] =	vst v4  }
0x42: {  	v2 =	vmin.u32 v3, $0x3100;
	[tilespmem:$0x90] =	vst v5  }
0x43: {  	[tilespmem:$0x80] =	vst v2  }
0x44: {  	[spmem:s2] =	stream.indirect.scatter.add.f32 [tilespmem:s13], [sflag:$0x1], $0x80, s15, s14, $0xb8;
	[tilespmem:$0x1B500] =	vst v63  }
0x45: {  	_ =	swait.ge [sflag:s12], $0x2800  }
0x46: {  	[sflag:s12] =	ssyncset.done $0x0  }
0x47: {  	[sflag:s12] =	ssyncadd.s32 $0xFFFFD800  }
0x48: {  	[bflag:$0x0] =	sbarrier.arrive $0xFFFF  }
0x49: {  	[hbm:s6], [sflag:s5] =	dma.local [spmem:s16], $0x3100  }
0x4a: {  	_ =	swait.ge [sflag:s12], $0x3100  }
0x4b: {  	[sflag:s12] =	ssyncset.done $0x0  }
0x4c: {  	[sflag:s12] =	ssyncadd.s32 $0xFFFFCF00  }
0x4d: {  	[bflag:$0x0] =	sbarrier.arrive $0xFFFF  }
0x4e: {  	[spmem:s11], [sflag:s5] =	dma.local [hbm:s4], $0x3180  }
0x4f: {  	_ =	swait.ge [sflag:s12], $0x3180  }
0x50: {  	[sflag:s12] =	ssyncset.done $0x0  }
0x51: {  	[sflag:s12] =	ssyncadd.s32 $0xFFFFCE80  }
0x52: {  	s18 =	sadd.s32 $0x0, s10;
	[bflag:$0x0] =	sbarrier.arrive $0xFFFF  }
0x53: {  	[tilespmem:s3], [sflag:$0x1] =	stream.linear.gather [hbm4b:s18+s3], $0x50, $0x38;
	[tilespmem:$0x1B500] =	vst v63  }
0x54: {  	_ =	swait.ge [sflag:s12], $0x50  }
0x55: {  	[sflag:s12] =	ssyncset.done $0x0  }
0x56: {  	[sflag:s12] =	ssyncadd.s32 $0xFFFFFFB0  }
0x57: {  	[tilespmem:s13], [sflag:$0x1] =	stream.linear.gather [hbm4b:s9+s3], $0x2800, $0x38;
	[tilespmem:$0x1B500] =	vst v63  }
0x58: {  	_ =	swait.ge [sflag:s12], $0x2800  }
0x59: {  	[sflag:s12] =	ssyncset.done $0x0  }
0x5a: {  	[sflag:s12] =	ssyncadd.s32 $0xFFFFD800  }
0x5b: {  	v2 =	vld [tilespmem:$0x40]  }
0x5c: {  	v3 =	vld [tilespmem:$0x30]  }
0x5d: {  	v4 =	vld [tilespmem:$0x20]  }
0x5e: {  	v5 =	vld [tilespmem:$0x10]  }
0x5f: {  	v6 =	vld [tilespmem:$0x0]  }
0x60: {  	v2 =	vsub.s32 v2, v1  }
0x61: {  	v3 =	vsub.s32 v3, v1;
	v2 =	vmin.u32 v2, $0x3100  }
0x62: {  	v4 =	vsub.s32 v4, v1;
	v3 =	vmin.u32 v3, $0x3100;
	[tilespmem:$0xC0] =	vst v2  }
0x63: {  	v4 =	vmin.u32 v4, $0x3100;
	v2 =	vsub.s32 v5, v1;
	[tilespmem:$0xB0] =	vst v3  }
0x64: {  	v3 =	vsub.s32 v6, v1;
	[tilespmem:$0xA0] =	vst v4;
	v5 =	vmin.u32 v2, $0x3100  }
0x65: {  	s19 =	smov.u32 s9;
	s18 =	simm.s32 $0xA;
	v2 =	vmin.u32 v3, $0x3100;
	[tilespmem:$0x90] =	vst v5  }
.LBB2_4:
0x66: {  	p0 =	sne.s32 s18, $0x1860  }
0x67: {  	[tilespmem:$0x80] =	vst v2;
	s19 =	sadd.s32 $0x500, s19;
	s20 =	smov.u32 s18;
	s18 =	sadd.s32 $0xA, s18  }
0x68: {  	[spmem:s2] =	stream.indirect.scatter.add.f32 [tilespmem:s13], [sflag:$0x1], $0x80, s15, s14, $0xb8;
	[tilespmem:$0x1B500] =	vst v63  }
0x69: {  	_ =	swait.ge [sflag:s12], $0x2800  }
0x6a: {  	[sflag:s12] =	ssyncset.done $0x0  }
0x6b: {  	s20 =	sadd.s32 s20, s10;
	[sflag:s12] =	ssyncadd.s32 $0xFFFFD800  }
0x6c: {  	[tilespmem:s3], [sflag:$0x1] =	stream.linear.gather [hbm4b:s20+s3], $0x50, $0x38;
	[tilespmem:$0x1B500] =	vst v63  }
0x6d: {  	_ =	swait.ge [sflag:s12], $0x50  }
0x6e: {  	[sflag:s12] =	ssyncset.done $0x0  }
0x6f: {  	[sflag:s12] =	ssyncadd.s32 $0xFFFFFFB0  }
0x70: {  	[tilespmem:s13], [sflag:$0x1] =	stream.linear.gather [hbm4b:s19+s3], $0x2800, $0x38;
	[tilespmem:$0x1B500] =	vst v63  }
0x71: {  	_ =	swait.ge [sflag:s12], $0x2800  }
0x72: {  	[sflag:s12] =	ssyncset.done $0x0  }
0x73: {  	[sflag:s12] =	ssyncadd.s32 $0xFFFFD800  }
0x74: {  	v2 =	vld [tilespmem:$0x40]  }
0x75: {  	v3 =	vld [tilespmem:$0x30]  }
0x76: {  	v4 =	vld [tilespmem:$0x20]  }
0x77: {  	v5 =	vld [tilespmem:$0x10]  }
0x78: {  	v6 =	vld [tilespmem:$0x0]  }
0x79: {  	v2 =	vsub.s32 v2, v1  }
.Ltmp1:
0x7a: {  	v3 =	vsub.s32 v3, v1;
	v2 =	vmin.u32 v2, $0x3100;
	(pc) =	sbr.rel @p0 .LBB2_4-.Ltmp1, $4  }
0x7b: {  	v4 =	vsub.s32 v4, v1;
	v3 =	vmin.u32 v3, $0x3100;
	[tilespmem:$0xC0] =	vst v2  }
0x7c: {  	v2 =	vsub.s32 v5, v1;
	v4 =	vmin.u32 v4, $0x3100;
	[tilespmem:$0xB0] =	vst v3  }
0x7d: {  	v3 =	vsub.s32 v6, v1;
	v5 =	vmin.u32 v2, $0x3100;
	[tilespmem:$0xA0] =	vst v4  }
0x7e: {  	v2 =	vmin.u32 v3, $0x3100;
	[tilespmem:$0x90] =	vst v5  }
0x7f: {  	[tilespmem:$0x80] =	vst v2  }
0x80: {  	[spmem:s2] =	stream.indirect.scatter.add.f32 [tilespmem:s13], [sflag:$0x1], $0x80, s15, s14, $0xb8;
	[tilespmem:$0x1B500] =	vst v63  }
0x81: {  	_ =	swait.ge [sflag:s12], $0x2800  }
0x82: {  	[sflag:s12] =	ssyncset.done $0x0  }
0x83: {  	s17 =	sadd.s32 $0x1, s17;
	[sflag:s12] =	ssyncadd.s32 $0xFFFFD800  }
0x84: {  	p0 =	sne.s32 s17, s8;
	[bflag:$0x0] =	sbarrier.arrive $0xFFFF  }
0x85: {  	[hbm:s7], [sflag:s5] =	dma.local [spmem:s16], $0x3100  }
.Ltmp2:
0x86: {  	_ =	swait.ge [sflag:s12], $0x3100;
	(pc) =	sbr.rel @p0 .LBB2_1-.Ltmp2, $3  }
0x87: {  	[sflag:s12] =	ssyncset.done $0x0  }
0x88: {  	[sflag:s12] =	ssyncadd.s32 $0xFFFFCF00  }
0x89: {  	[bflag:$0x0] =	sbarrier.arrive $0xFFFF;
	_ =	sdelay $0x1  }
0x8a: {  	_ =	sfence.sel $0x180000  }
0x8b: {  	[bflag:$0x0] =	sbarrier.arrive $0xFFFF  }
0x8c: {  	p0 =	sne.s32 s1, $0x0;
	_ =	strace $0x90000056  }
0x8d: {  	s0 =	sadd.s32 @!p0 $0x100000, s0;
	[bflag:$0x2] =	sbarrier.arrive $0xFFFF  }
0x8e: {  	[sflag:s0] =	ssyncadd.tile.s32 @!p0 $0x1;
	_ =	shalt  }
.Lfunc_end2:
_tile_overlayer_lowered:
.L_overlay_start_2:
0x8f: {  	(tag) =	ssettag $0x2  }
0x90: {  	s0 =	rddreg [dreg:$0x0];
	s2 =	stileid.u32  }
0x91: {  	s1 =	rddreg [dreg:$0x1];
	p0 =	sne.s32 s2, $0x0  }
0x92: {  	s3 =	rddreg [dreg:$0x2];
	[bflag:$0x3] =	sbarrier.arrive $0xFFFF;
	s2 =	simm.s32 @!p0 $0x1C01  }
0x93: {  	[timem:s3], [sflag:s2] =	dma.local @!p0 [hbm:s0], s1  }
0x94: {  	s0 =	simm.s32 @!p0 $0x1  }
0x95: {  	_ =	swait.ge @!p0 [sflag:s0], s1  }
0x96: {  	s1 =	ssub.s32 @!p0 $0x0, s1;
	[sflag:s0] =	ssyncset.done @!p0 $0x0  }
0x97: {  	[sflag:s0] =	ssyncadd.s32 @!p0 s1  }
0x98: {  	[bflag:$0x3] =	sbarrier.arrive $0xFFFF  }
0x99: {  	_ =	shalt  }

// kernel: kernel.35.cloned.1.call-start
scs
__scs_entry_jumppad:
0x0: {  	(pc) =	sbr.rel $0x88, $3  }
0x1: {  	(tag) =	ssettag $0x0;
	lr =	simm.s32 $0x1  }
0x2: {  	[smem:$0x3F91] =	sst lr;
	_ =	strace $0xD0000000  }
0x3: {  	_ = 	snop  }
0x4: {  	_ = 	snop  }
0x5: {  	_ = 	snop  }
0x6: {  	_ = 	snop  }
0x7: {  	_ = 	snop  }
__scs_overlays_trampoline_lowered:
0x8: {  	[smem:$0x3FA0] =	sst s0  }
0x9: {  	[smem:$0x3FA1] =	sst s1  }
0xa: {  	[smem:$0x3FA2] =	sst s2  }
0xb: {  	[smem:$0x3FA3] =	sst s3  }
0xc: {  	[smem:$0x3FA4] =	sst s4  }
0xd: {  	[smem:$0x3FA5] =	sst s5  }
0xe: {  	[smem:$0x3FA6] =	sst s6  }
0xf: {  	[smem:$0x3FA7] =	sst s7  }
0x10: {  	[smem:$0x3FA8] =	sst s8  }
0x11: {  	[smem:$0x3FA9] =	sst s9;
	s0 =	simm.s32 @!p0 $0x0  }
0x12: {  	s1 =	sld [smem:$0x3F8F];
	s0 =	simm.s32 @p0 $0x1  }
0x13: {  	[smem:$0x3FAA] =	sst s0;
	s0 =	simm.s32 @!p1 $0x0  }
0x14: {  	s2 =	sld [smem:$0x3F8E];
	s0 =	simm.s32 @p1 $0x1  }
0x15: {  	[smem:$0x3FAB] =	sst s0;
	s0 =	simm.s32 @!p2 $0x0  }
0x16: {  	s3 =	sld [smem:$0x3FDB];
	s0 =	simm.s32 @p2 $0x1  }
0x17: {  	s4 =	simm.s32 $0x1BF5;
	[smem:$0x3FAD] =	sst s0  }
0x18: {  	s0 =	sld [smem:$0x3F90];
	_ =	swait.ge [sflag:s4], $0x0  }
0x19: {  	s7 =	sld [smem:$0x3F91]  }
0x1a: {  	s8 =	sadd.s32 $0xFFFFE003, lr  }
0x1b: {  	s9 =	sadd.s32 $0xFFFFFEF7, lr;
	s5 =	simm.s32 $0xFFFFFFFF;
	p2 =	slt.u32 s8, $0xFFFFF086  }
0x1c: {  	p1 =	slt.u32 s9, $0xF7A;
	s5 =	simm.s32 @!p2 $0x0  }
0x1d: {  	s5 =	simm.s32 @p1 $0x1;
	p0 =	seq.s32 s7, s2  }
0x1e: {  	s7 =	smul.u32 @!p0 $0xF7A, s2;
	p2 =	seq.s32 @!p0 s5, $0x0  }
0x1f: {  	s9 =	smul.u32 $0xF7A, s1;
	s8 =	simm.s32 @!p0 $0x1BF5;
	p2 =	por !p2, p0  }
0x20: {  	[sflag:s8] =	ssyncset.s32 @!p0 $0xFFFFF086;
	s6 =	sadd.s32 @!p0 s3, s7;
	s7 =	simm.s32 @!p0 $0x108  }
0x21: {  	s3 =	sadd.s32 s3, s9;
	s6 =	sadd.s32 @!p0 $0x88, s6;
	s7 =	simm.s32 @p2 $0x1082  }
0x22: {  	[simem:s7], [sflag:s8] =	dma.local @!p0 [hbm:s6], $0xF7A  }
0x23: {  	s9 =	sor.u32 $0xD0000000, s2;
	s6 =	simm.s32 $0x108;
	_ =	swait.ge @!p0 [sflag:s8], $0x0  }
0x24: {  	s3 =	sadd.s32 $0x88, s3;
	s6 =	simm.s32 @!p1 $0x1082;
	[sflag:s4] =	ssyncset.s32 $0xFFFFF086  }
0x25: {  	[simem:s6], [sflag:s4] =	dma.local [hbm:s3], $0xF7A  }
0x26: {  	[smem:$0x3F91] =	sst s1;
	(tag) =	ssettag s2;
	_ =	strace s9  }
0x27: {  	s1 =	sld [smem:$0x3FA1]  }
0x28: {  	s2 =	sld [smem:$0x3FA2]  }
0x29: {  	s4 =	sld [smem:$0x3FA4]  }
0x2a: {  	p0 =	seq.s32 s5, $0x0;
	s5 =	sld [smem:$0x3FA5]  }
0x2b: {  	s6 =	sld [smem:$0x3FA6]  }
0x2c: {  	s7 =	sld [smem:$0x3FA7]  }
0x2d: {  	s3 =	simm.s32 $0x108;
	s8 =	sld [smem:$0x3FA8]  }
0x2e: {  	s3 =	simm.s32 @!p0 $0x1082;
	s9 =	sld [smem:$0x3FA9]  }
0x2f: {  	lr =	sadd.s32 s0, s3;
	s0 =	sld [smem:$0x3FA0]  }
0x30: {  	s3 =	sld [smem:$0x3FA3]  }
0x31: {  	[smem:$0x3FAC] =	sst s10  }
0x32: {  	s10 =	sld [smem:$0x3FAA];
	_ =	sdelay $0x3  }
0x33: {  	p0 =	seq.s32 s10, $0x1;
	s10 =	sld [smem:$0x3FAC];
	_ =	sdelay $0x3  }
0x34: {  	[smem:$0x3FAC] =	sst s10  }
0x35: {  	s10 =	sld [smem:$0x3FAB];
	_ =	sdelay $0x3  }
0x36: {  	p1 =	seq.s32 s10, $0x1;
	s10 =	sld [smem:$0x3FAC];
	_ =	sdelay $0x3  }
0x37: {  	[smem:$0x3FAC] =	sst s10  }
0x38: {  	s10 =	sld [smem:$0x3FAD]  }
0x39: {  	_ = 	snop;
	(pc) =	sbr.ind lr, $3  }
0x3a: {  	_ = 	snop  }
0x3b: {  	_ = 	snop  }
0x3c: {  	p2 =	seq.s32 s10, $0x1;
	s10 =	sld [smem:$0x3FAC]  }
0x3d: {  	_ =	shalt  }
0x3e: {  	_ =	shalt  }
0x3f: {  	_ =	shalt  }
0x40: {  	_ =	shalt  }
0x41: {  	_ =	shalt  }
0x42: {  	_ =	shalt  }
0x43: {  	_ =	shalt  }
0x44: {  	_ =	shalt  }
0x45: {  	_ =	shalt  }
0x46: {  	_ =	shalt  }
0x47: {  	_ =	shalt  }
0x48: {  	_ =	shalt  }
0x49: {  	_ =	shalt  }
0x4a: {  	_ =	shalt  }
0x4b: {  	_ =	shalt  }
0x4c: {  	_ =	shalt  }
0x4d: {  	_ =	shalt  }
0x4e: {  	_ =	shalt  }
0x4f: {  	_ =	shalt  }
0x50: {  	_ =	shalt  }
0x51: {  	_ =	shalt  }
0x52: {  	_ =	shalt  }
0x53: {  	_ =	shalt  }
0x54: {  	_ =	shalt  }
0x55: {  	_ =	shalt  }
0x56: {  	_ =	shalt  }
0x57: {  	_ =	shalt  }
0x58: {  	_ =	shalt  }
0x59: {  	_ =	shalt  }
0x5a: {  	_ =	shalt  }
0x5b: {  	_ =	shalt  }
0x5c: {  	_ =	shalt  }
0x5d: {  	_ =	shalt  }
0x5e: {  	_ =	shalt  }
0x5f: {  	_ =	shalt  }
0x60: {  	_ =	shalt  }
0x61: {  	_ =	shalt  }
0x62: {  	_ =	shalt  }
0x63: {  	_ =	shalt  }
0x64: {  	_ =	shalt  }
0x65: {  	_ =	shalt  }
0x66: {  	_ =	shalt  }
0x67: {  	_ =	shalt  }
0x68: {  	_ =	shalt  }
0x69: {  	_ =	shalt  }
0x6a: {  	_ =	shalt  }
0x6b: {  	_ =	shalt  }
0x6c: {  	_ =	shalt  }
0x6d: {  	_ =	shalt  }
0x6e: {  	_ =	shalt  }
0x6f: {  	_ =	shalt  }
0x70: {  	_ =	shalt  }
0x71: {  	_ =	shalt  }
0x72: {  	_ =	shalt  }
0x73: {  	_ =	shalt  }
0x74: {  	_ =	shalt  }
0x75: {  	_ =	shalt  }
0x76: {  	_ =	shalt  }
0x77: {  	_ =	shalt  }
0x78: {  	_ =	shalt  }
0x79: {  	_ =	shalt  }
0x7a: {  	_ =	shalt  }
0x7b: {  	_ =	shalt  }
0x7c: {  	_ =	shalt  }
0x7d: {  	_ =	shalt  }
0x7e: {  	_ =	shalt  }
0x7f: {  	_ =	shalt  }
0x80: {  	_ =	shalt  }
0x81: {  	_ =	shalt  }
0x82: {  	_ =	shalt  }
0x83: {  	_ =	shalt  }
0x84: {  	_ =	shalt  }
0x85: {  	_ =	shalt  }
0x86: {  	_ =	shalt  }
0x87: {  	_ =	shalt  }
.Lfunc_end0:
.L_simem_size_0:
called_computation.6_lowered:
.L_overlay_start_0:
0x88: {  	s2 =	sld [smem:$0x3FD9]  }
0x89: {  	s3 =	sld [smem:$0x3FFE];
	_ =	sdelay $0x1  }
0x8a: {  	s1 =	srdreg.scid  }
0x8b: {  	s0 =	sand.u32 $0x1, s1  }
0x8c: {  	s15 =	sshll.u32 s0, $0xA;
	s2 =	sadd.s32 s3, s2  }
0x8d: {  	s2 =	sadd.s32 s2, s15  }
0x8e: {  	[smem:$0x3FB8] =	sst s2  }
0x8f: {  	_ = 	snop  }
0x90: {  	s2 =	sld [smem:$0x3FD0];
	_ =	sdelay $0x2  }
0x91: {  	s16 =	simm.s32 $0xB;
	s4 =	simm.s32 $0x10  }
0x92: {  	[smem:s4], [sflag:s16] =	dma.local [hbm:s2], $0x1  }
0x93: {  	_ =	swait.eq [sflag:s16], $0x1  }
0x94: {  	[sflag:s16] =	ssyncset.done $0x0  }
0x95: {  	[sflag:s16] =	ssyncadd.s32 $0xFFFFFFFF  }
0x96: {  	s17 =	sld [smem:$0x11];
	(tm) =	ssettm $0x1  }
0x97: {  	s18 =	sld [smem:$0x3FFB];
	_ =	sdelay $0x3  }
0x98: {  	_ =	strace s18  }
0x99: {  	s2 =	sld [smem:$0x3FFC];
	_ =	sdelay $0x3  }
0x9a: {  	_ =	strace s2  }
0x9b: {  	s2 =	sld [smem:$0x3FFD];
	_ =	sdelay $0x3  }
0x9c: {  	_ =	strace s2  }
0x9d: {  	_ =	strace $0x8FFFFFFF  }
0x9e: {  	s19 =	sld [smem:$0x3FDB];
	_ =	sdelay $0x1  }
0x9f: {  	s20 =	simm.s32 $_scs_section_size  }
0xa0: {  	s5 =	simm.s32 $_size__tile_overlayer_lowered;
	s6 =	simm.s32 $_tile_overlayer_lowered  }
0xa1: {  	s7 =	simm.s32 $0x1BFF;
	s21 =	sshll.u32 s6, $0x1;
	s4 =	sadd.s32 s20, s19  }
0xa2: {  	s22 =	simm.s32 $0x0;
	s5 =	sshll.u32 s5, $0x1;
	s6 =	sadd.s32 s21, s4  }
0xa3: {  	[timem:s22], [sflag:s7] =	dma.local [hbm:s6], s5  }
0xa4: {  	_ =	swait.ge [sflag:s7], s5  }
0xa5: {  	s5 =	ssub.s32 $0x0, s5;
	[sflag:s7] =	ssyncset.done $0x0  }
0xa6: {  	[sflag:s7] =	ssyncadd.s32 s5;
	_ =	sdelay $0x1  }
0xa7: {  	s23 =	simm.s32 $0x1B8B  }
0xa8: {  	_ =	swait.ge [sflag:s23], $0x1  }
0xa9: {  	[sflag:s23] =	ssyncset.done $0x0  }
0xaa: {  	[sflag:s23] =	ssyncadd.s32 $0xFFFFFFFF  }
0xab: {  	s5 =	sld [smem:$0x0]  }
0xac: {  	s6 =	sand.u32 $0xFFFFFFFE, s1  }
0xad: {  	p0 =	sne.s32 s1, s6  }
0xae: {  	s6 =	sshll.u32 @p0 s6, $0xE  }
0xaf: {  	s6 =	sadd.s32 @p0 $0x11B8D, s6;
	s7 =	sshll.u32 @p0 s5, $0x11  }
0xb0: {  	s6 =	sor.u32 @p0 s7, s6  }
0xb1: {  	[sflag:s6] =	ssyncadd.remote.s32 @p0 $0x1;
	_ =	sdelay $0x1  }
0xb2: {  	s6 =	simm.s32 @p0 $0x1B8D  }
0xb3: {  	_ =	swait.eq @p0 [sflag:s6], $0x1  }
0xb4: {  	[sflag:s6] =	ssyncadd.s32 @p0 $0xFFFFFFFF  }
0xb5: {  	s7 =	sshll.u32 @!p0 s1, $0xE  }
0xb6: {  	s7 =	sor.u32 @!p0 $0x4000, s7;
	s6 =	simm.s32 @!p0 $0x1B8D  }
0xb7: {  	s5 =	sshll.u32 @!p0 s5, $0x11;
	s7 =	sadd.s32 @!p0 $0x11B8D, s7;
	_ =	swait.eq @!p0 [sflag:s6], $0x1  }
0xb8: {  	s5 =	sor.u32 @!p0 s5, s7;
	[sflag:s6] =	ssyncadd.s32 @!p0 $0xFFFFFFFF  }
0xb9: {  	s25 =	simm.s32 $0x1B8E;
	s24 =	sld [smem:$0x3FFE];
	[sflag:s5] =	ssyncadd.remote.s32 @!p0 $0x1  }
0xba: {  	s26 =	simm.s32 $execute0_lowered;
	[smem:$0x3FD2] =	sst s25  }
0xbb: {  	s6 =	sshll.u32 s26, $0x1;
	_ =	strace $0x8000005B;
	[dreg:$0x1] =	wrdreg $0xFFFFFFFF  }
0xbc: {  	s28 =	simm.s32 $_size_execute0_lowered;
	s4 =	sadd.s32 s4, s6;
	[dreg:$0x0] =	wrdreg $0x0  }
0xbd: {  	s6 =	sshll.u32 s28, $0x1;
	[dreg:$0x2] =	wrdreg s4  }
0xbe: {  	[dreg:$0x3] =	wrdreg s6  }
0xbf: {  	[dreg:$0x4] =	wrdreg $0xC0  }
0xc0: {  	_ =	task [dreg:s22], $0x5FFFF  }
0xc1: {  	[dreg:$0x1] =	wrdreg $0xFFFFFFFF  }
0xc2: {  	[dreg:$0x0] =	wrdreg $0x60  }
0xc3: {  	[dreg:$0x2] =	wrdreg s24  }
0xc4: {  	[dreg:$0x3] =	wrdreg s17  }
0xc5: {  	[dreg:$0x4] =	wrdreg $0xA  }
0xc6: {  	_ =	task.clear_ibuf [dreg:s22], $0x5FFFF;
	_ =	strace $0x9000005B  }
0xc7: {  	s29 =	simm.s32 $0xA;
	_ =	strace $0x8000005D  }
0xc8: {  	_ =	swait.ge [sflag:s29], $0x1  }
0xc9: {  	[sflag:s29] =	ssyncadd.s32 $0xFFFFFFFF  }
0xca: {  	_ =	strace $0x9000005D  }
0xcb: {  	_ =	sfence  }
0xcc: {  	s30 =	sld [smem:$0x0];
	_ =	sdelay $0x2  }
0xcd: {  	s31 =	sshll.u32 s1, $0xD;
	s1 =	sshrl.u32 s1, $0x2  }
0xce: {  	s4 =	sand.u32 $0x4000, s31;
	s1 =	sadd.s32 s1, s30  }
0xcf: {  	s0 =	sor.u32 s4, s0;
	s1 =	sshll.u32 s1, $0x11  }
0xd0: {  	s0 =	sor.u32 s1, s0  }
0xd1: {  	s0 =	sadd.s32 $0x8F2B, s0  }
0xd2: {  	[sflag:s0] =	ssyncadd.remote.s32 $0x1  }
0xd3: {  	_ =	sfence.sel $0xFFFF  }
0xd4: {  	[dreg:$0x0] =	wrdreg $0xFFFFFFFF;
	(pc) =	sbr.abs _section_cstart, $3  }
0xd5: {  	[dreg:$0x1] =	wrdreg $0xFFFFFFFF  }
0xd6: {  	_ =	task.clear_ibuf [dreg:s22], $0x2FFFF;
	_ =	strace $0x9FFFFFFF  }
0xd7: {  	(tm) =	ssettm $0x7FFFFFFF  }
tec
execute0_lowered:
.L_overlay_start_1:
0x0: {  	(tag) =	ssettag $0x1  }
0x1: {  	s4 =	rddreg [dreg:$0x0]  }
0x2: {  	s0 =	stileid.u32;
	s1 =	srdreg.scid  }
0x3: {  	s6 =	rddreg [dreg:$0x1];
	s5 =	smul.u32 $0xC800, s0  }
0x4: {  	s2 =	simm.s32 $0x0;
	s3 =	sand.u32 $0x1, s1;
	s8 =	smul.u32 $0xC80, s0  }
0x5: {  	s11 =	simm.s32 $0x0;
	s1 =	rddreg [dreg:$0x2];
	s7 =	smul.u32 $0x6400, s3  }
0x6: {  	[smem:$0x7FF] =	sst s2;
	s9 =	ssub.s32 $0x2, s3;
	s10 =	smul.u32 $0x640, s3  }
0x7: {  	s3 =	sadd.s32 $0x4000, s4;
	s4 =	sadd.s32 s5, s4;
	s30 =	sshrl.u32 s9, $0x1  }
0x8: {  	_ =	strace $0x8000005C;
	s5 =	ssub.s32 s9, s30;
	s7 =	sadd.s32 s7, s4  }
0x9: {  	s8 =	sadd.s32 s10, s8;
	s9 =	simm.s32 $0x80;
	s10 =	simm.s32 $0x1  }
0xa: {  	s4 =	smax.u32 s5, $0x1;
	s5 =	sadd.s32 $0xC7600, s7;
	s31 =	sshrl.u32 s8, $0x3  }
0xb: {  	s7 =	simm.s32 $0x2;
	s8 =	simm.s32 $0x28;
	s6 =	sadd.s32 s31, s6  }
.LBB2_1:
0xc: {  	s12 =	sadd.s32 $0x0, s6  }
0xd: {  	[tilespmem:s2], [sflag:$0x2] =	stream.linear.gather [hbm4b:s12+s2], $0x28, $0x38;
	[tilespmem:$0x1480] =	vst v63  }
0xe: {  	_ =	swait.ge [sflag:s7], $0x28  }
0xf: {  	[sflag:s7] =	ssyncset.done $0x0  }
0x10: {  	[sflag:s7] =	ssyncadd.s32 $0xFFFFFFD8  }
0x11: {  	[tilespmem:s9], [sflag:$0x1] =	stream.indirect.gather [hbm4b:s3+s8], $0x80, s2, s8, $0xb8;
	[tilespmem:$0x1480] =	vst v63  }
0x12: {  	_ =	swait.ge [sflag:s10], $0x1400  }
0x13: {  	[sflag:s10] =	ssyncset.done $0x0  }
0x14: {  	[sflag:s10] =	ssyncadd.s32 $0xFFFFEC00  }
0x15: {  	[hbm4b:s5+s2] =	stream.linear.scatter [tilespmem:s9], [sflag:$0x2], $0x1400, $0x38;
	[tilespmem:$0x1480] =	vst v63  }
0x16: {  	s13 =	simm.s32 $0x5;
	_ =	swait.ge [sflag:s7], $0x1400  }
0x17: {  	s14 =	simm.s32 $0xA;
	s12 =	sadd.s32 $0x280, s5;
	[sflag:s7] =	ssyncset.done $0x0  }
.LBB2_2:
0x18: {  	s15 =	sadd.s32 s13, s6  }
0x19: {  	[sflag:s7] =	ssyncadd.s32 $0xFFFFEC00;
	s13 =	smov.u32 s14;
	s16 =	sadd.s32 $0x5, s14  }
0x1a: {  	[tilespmem:s2], [sflag:$0x2] =	stream.linear.gather [hbm4b:s15+s2], $0x28, $0x38;
	[tilespmem:$0x1480] =	vst v63  }
0x1b: {  	p0 =	sne.s32 s14, $0xC3;
	_ =	swait.ge [sflag:s7], $0x28  }
0x1c: {  	[sflag:s7] =	ssyncset.done $0x0  }
0x1d: {  	[sflag:s7] =	ssyncadd.s32 $0xFFFFFFD8  }
0x1e: {  	[tilespmem:s9], [sflag:$0x1] =	stream.indirect.gather [hbm4b:s3+s8], $0x80, s2, s8, $0xb8;
	[tilespmem:$0x1480] =	vst v63  }
0x1f: {  	_ =	swait.ge [sflag:s10], $0x1400  }
.Ltmp0:
0x20: {  	[sflag:s10] =	ssyncset.done $0x0;
	(pc) =	sbr.rel @p0 .LBB2_2-.Ltmp0, $4  }
0x21: {  	[sflag:s10] =	ssyncadd.s32 $0xFFFFEC00  }
0x22: {  	[hbm4b:s12+s2] =	stream.linear.scatter [tilespmem:s9], [sflag:$0x2], $0x1400, $0x38;
	[tilespmem:$0x1480] =	vst v63  }
0x23: {  	_ =	swait.ge [sflag:s7], $0x1400  }
0x24: {  	s14 =	smov.u32 s16;
	s12 =	sadd.s32 $0x280, s12;
	[sflag:s7] =	ssyncset.done $0x0  }
0x25: {  	s13 =	sadd.s32 s13, s6;
	[sflag:s7] =	ssyncadd.s32 $0xFFFFEC00  }
0x26: {  	[tilespmem:s2], [sflag:$0x2] =	stream.linear.gather [hbm4b:s13+s2], $0x28, $0x38;
	[tilespmem:$0x1480] =	vst v63  }
0x27: {  	_ =	swait.ge [sflag:s7], $0x28  }
0x28: {  	[sflag:s7] =	ssyncset.done $0x0  }
0x29: {  	[sflag:s7] =	ssyncadd.s32 $0xFFFFFFD8  }
0x2a: {  	[tilespmem:s9], [sflag:$0x1] =	stream.indirect.gather [hbm4b:s3+s8], $0x80, s2, s8, $0xb8;
	[tilespmem:$0x1480] =	vst v63  }
0x2b: {  	s11 =	sadd.s32 $0x1, s11;
	_ =	swait.ge [sflag:s10], $0x1400  }
0x2c: {  	p0 =	sne.s32 s11, s4;
	[sflag:s10] =	ssyncset.done $0x0  }
.Ltmp1:
0x2d: {  	[sflag:s10] =	ssyncadd.s32 $0xFFFFEC00;
	(pc) =	sbr.rel @p0 .LBB2_1-.Ltmp1, $4  }
0x2e: {  	[hbm4b:s12+s2] =	stream.linear.scatter [tilespmem:s9], [sflag:$0x2], $0x1400, $0x38;
	[tilespmem:$0x1480] =	vst v63  }
0x2f: {  	_ =	swait.ge [sflag:s7], $0x1400  }
0x30: {  	[sflag:s7] =	ssyncset.done $0x0  }
0x31: {  	[sflag:s7] =	ssyncadd.s32 $0xFFFFEC00  }
0x32: {  	_ =	sfence.sel $0x180000  }
0x33: {  	[bflag:$0x0] =	sbarrier.arrive $0xFFFF  }
0x34: {  	p0 =	sne.s32 s0, $0x0;
	_ =	strace $0x9000005C  }
0x35: {  	s0 =	sadd.s32 @!p0 $0x100000, s1;
	[bflag:$0x2] =	sbarrier.arrive $0xFFFF  }
0x36: {  	[sflag:s0] =	ssyncadd.tile.s32 @!p0 $0x1;
	_ =	shalt  }
.Lfunc_end2:
_tile_overlayer_lowered:
.L_overlay_start_2:
0x37: {  	(tag) =	ssettag $0x2  }
0x38: {  	s0 =	rddreg [dreg:$0x0];
	s2 =	stileid.u32  }
0x39: {  	s1 =	rddreg [dreg:$0x1];
	p0 =	sne.s32 s2, $0x0  }
0x3a: {  	s3 =	rddreg [dreg:$0x2];
	[bflag:$0x3] =	sbarrier.arrive $0xFFFF;
	s2 =	simm.s32 @!p0 $0x1C02  }
0x3b: {  	[timem:s3], [sflag:s2] =	dma.local @!p0 [hbm:s0], s1  }
0x3c: {  	s0 =	simm.s32 @!p0 $0x2  }
0x3d: {  	_ =	swait.ge @!p0 [sflag:s0], s1  }
0x3e: {  	s1 =	ssub.s32 @!p0 $0x0, s1;
	[sflag:s0] =	ssyncset.done @!p0 $0x0  }
0x3f: {  	[sflag:s0] =	ssyncadd.s32 @!p0 s1  }
0x40: {  	[bflag:$0x3] =	sbarrier.arrive $0xFFFF  }
0x41: {  	_ =	shalt  }

// kernel: kernel.38.cloned.1.call-start
scs
__scs_entry_jumppad:
0x0: {  	(pc) =	sbr.rel $0x88, $3  }
0x1: {  	(tag) =	ssettag $0x0;
	lr =	simm.s32 $0x1  }
0x2: {  	[smem:$0x3F91] =	sst lr;
	_ =	strace $0xD0000000  }
0x3: {  	_ = 	snop  }
0x4: {  	_ = 	snop  }
0x5: {  	_ = 	snop  }
0x6: {  	_ = 	snop  }
0x7: {  	_ = 	snop  }
__scs_overlays_trampoline_lowered:
0x8: {  	[smem:$0x3FA0] =	sst s0  }
0x9: {  	[smem:$0x3FA1] =	sst s1  }
0xa: {  	[smem:$0x3FA2] =	sst s2  }
0xb: {  	[smem:$0x3FA3] =	sst s3  }
0xc: {  	[smem:$0x3FA4] =	sst s4  }
0xd: {  	[smem:$0x3FA5] =	sst s5  }
0xe: {  	[smem:$0x3FA6] =	sst s6  }
0xf: {  	[smem:$0x3FA7] =	sst s7  }
0x10: {  	[smem:$0x3FA8] =	sst s8  }
0x11: {  	[smem:$0x3FA9] =	sst s9;
	s0 =	simm.s32 @!p0 $0x0  }
0x12: {  	s1 =	sld [smem:$0x3F8F];
	s0 =	simm.s32 @p0 $0x1  }
0x13: {  	[smem:$0x3FAA] =	sst s0;
	s0 =	simm.s32 @!p1 $0x0  }
0x14: {  	s2 =	sld [smem:$0x3F8E];
	s0 =	simm.s32 @p1 $0x1  }
0x15: {  	[smem:$0x3FAB] =	sst s0;
	s0 =	simm.s32 @!p2 $0x0  }
0x16: {  	s3 =	sld [smem:$0x3FDB];
	s0 =	simm.s32 @p2 $0x1  }
0x17: {  	s4 =	simm.s32 $0x1BF5;
	[smem:$0x3FAD] =	sst s0  }
0x18: {  	s0 =	sld [smem:$0x3F90];
	_ =	swait.ge [sflag:s4], $0x0  }
0x19: {  	s7 =	sld [smem:$0x3F91]  }
0x1a: {  	s8 =	sadd.s32 $0xFFFFE003, lr  }
0x1b: {  	s9 =	sadd.s32 $0xFFFFFEF7, lr;
	s5 =	simm.s32 $0xFFFFFFFF;
	p2 =	slt.u32 s8, $0xFFFFF086  }
0x1c: {  	p1 =	slt.u32 s9, $0xF7A;
	s5 =	simm.s32 @!p2 $0x0  }
0x1d: {  	s5 =	simm.s32 @p1 $0x1;
	p0 =	seq.s32 s7, s2  }
0x1e: {  	s7 =	smul.u32 @!p0 $0xF7A, s2;
	p2 =	seq.s32 @!p0 s5, $0x0  }
0x1f: {  	s9 =	smul.u32 $0xF7A, s1;
	s8 =	simm.s32 @!p0 $0x1BF5;
	p2 =	por !p2, p0  }
0x20: {  	[sflag:s8] =	ssyncset.s32 @!p0 $0xFFFFF086;
	s6 =	sadd.s32 @!p0 s3, s7;
	s7 =	simm.s32 @!p0 $0x108  }
0x21: {  	s3 =	sadd.s32 s3, s9;
	s6 =	sadd.s32 @!p0 $0x88, s6;
	s7 =	simm.s32 @p2 $0x1082  }
0x22: {  	[simem:s7], [sflag:s8] =	dma.local @!p0 [hbm:s6], $0xF7A  }
0x23: {  	s9 =	sor.u32 $0xD0000000, s2;
	s6 =	simm.s32 $0x108;
	_ =	swait.ge @!p0 [sflag:s8], $0x0  }
0x24: {  	s3 =	sadd.s32 $0x88, s3;
	s6 =	simm.s32 @!p1 $0x1082;
	[sflag:s4] =	ssyncset.s32 $0xFFFFF086  }
0x25: {  	[simem:s6], [sflag:s4] =	dma.local [hbm:s3], $0xF7A  }
0x26: {  	[smem:$0x3F91] =	sst s1;
	(tag) =	ssettag s2;
	_ =	strace s9  }
0x27: {  	s1 =	sld [smem:$0x3FA1]  }
0x28: {  	s2 =	sld [smem:$0x3FA2]  }
0x29: {  	s4 =	sld [smem:$0x3FA4]  }
0x2a: {  	p0 =	seq.s32 s5, $0x0;
	s5 =	sld [smem:$0x3FA5]  }
0x2b: {  	s6 =	sld [smem:$0x3FA6]  }
0x2c: {  	s7 =	sld [smem:$0x3FA7]  }
0x2d: {  	s3 =	simm.s32 $0x108;
	s8 =	sld [smem:$0x3FA8]  }
0x2e: {  	s3 =	simm.s32 @!p0 $0x1082;
	s9 =	sld [smem:$0x3FA9]  }
0x2f: {  	lr =	sadd.s32 s0, s3;
	s0 =	sld [smem:$0x3FA0]  }
0x30: {  	s3 =	sld [smem:$0x3FA3]  }
0x31: {  	[smem:$0x3FAC] =	sst s10  }
0x32: {  	s10 =	sld [smem:$0x3FAA];
	_ =	sdelay $0x3  }
0x33: {  	p0 =	seq.s32 s10, $0x1;
	s10 =	sld [smem:$0x3FAC];
	_ =	sdelay $0x3  }
0x34: {  	[smem:$0x3FAC] =	sst s10  }
0x35: {  	s10 =	sld [smem:$0x3FAB];
	_ =	sdelay $0x3  }
0x36: {  	p1 =	seq.s32 s10, $0x1;
	s10 =	sld [smem:$0x3FAC];
	_ =	sdelay $0x3  }
0x37: {  	[smem:$0x3FAC] =	sst s10  }
0x38: {  	s10 =	sld [smem:$0x3FAD]  }
0x39: {  	_ = 	snop;
	(pc) =	sbr.ind lr, $3  }
0x3a: {  	_ = 	snop  }
0x3b: {  	_ = 	snop  }
0x3c: {  	p2 =	seq.s32 s10, $0x1;
	s10 =	sld [smem:$0x3FAC]  }
0x3d: {  	_ =	shalt  }
0x3e: {  	_ =	shalt  }
0x3f: {  	_ =	shalt  }
0x40: {  	_ =	shalt  }
0x41: {  	_ =	shalt  }
0x42: {  	_ =	shalt  }
0x43: {  	_ =	shalt  }
0x44: {  	_ =	shalt  }
0x45: {  	_ =	shalt  }
0x46: {  	_ =	shalt  }
0x47: {  	_ =	shalt  }
0x48: {  	_ =	shalt  }
0x49: {  	_ =	shalt  }
0x4a: {  	_ =	shalt  }
0x4b: {  	_ =	shalt  }
0x4c: {  	_ =	shalt  }
0x4d: {  	_ =	shalt  }
0x4e: {  	_ =	shalt  }
0x4f: {  	_ =	shalt  }
0x50: {  	_ =	shalt  }
0x51: {  	_ =	shalt  }
0x52: {  	_ =	shalt  }
0x53: {  	_ =	shalt  }
0x54: {  	_ =	shalt  }
0x55: {  	_ =	shalt  }
0x56: {  	_ =	shalt  }
0x57: {  	_ =	shalt  }
0x58: {  	_ =	shalt  }
0x59: {  	_ =	shalt  }
0x5a: {  	_ =	shalt  }
0x5b: {  	_ =	shalt  }
0x5c: {  	_ =	shalt  }
0x5d: {  	_ =	shalt  }
0x5e: {  	_ =	shalt  }
0x5f: {  	_ =	shalt  }
0x60: {  	_ =	shalt  }
0x61: {  	_ =	shalt  }
0x62: {  	_ =	shalt  }
0x63: {  	_ =	shalt  }
0x64: {  	_ =	shalt  }
0x65: {  	_ =	shalt  }
0x66: {  	_ =	shalt  }
0x67: {  	_ =	shalt  }
0x68: {  	_ =	shalt  }
0x69: {  	_ =	shalt  }
0x6a: {  	_ =	shalt  }
0x6b: {  	_ =	shalt  }
0x6c: {  	_ =	shalt  }
0x6d: {  	_ =	shalt  }
0x6e: {  	_ =	shalt  }
0x6f: {  	_ =	shalt  }
0x70: {  	_ =	shalt  }
0x71: {  	_ =	shalt  }
0x72: {  	_ =	shalt  }
0x73: {  	_ =	shalt  }
0x74: {  	_ =	shalt  }
0x75: {  	_ =	shalt  }
0x76: {  	_ =	shalt  }
0x77: {  	_ =	shalt  }
0x78: {  	_ =	shalt  }
0x79: {  	_ =	shalt  }
0x7a: {  	_ =	shalt  }
0x7b: {  	_ =	shalt  }
0x7c: {  	_ =	shalt  }
0x7d: {  	_ =	shalt  }
0x7e: {  	_ =	shalt  }
0x7f: {  	_ =	shalt  }
0x80: {  	_ =	shalt  }
0x81: {  	_ =	shalt  }
0x82: {  	_ =	shalt  }
0x83: {  	_ =	shalt  }
0x84: {  	_ =	shalt  }
0x85: {  	_ =	shalt  }
0x86: {  	_ =	shalt  }
0x87: {  	_ =	shalt  }
.Lfunc_end0:
.L_simem_size_0:
called_computation.7_lowered:
.L_overlay_start_0:
0x88: {  	s2 =	sld [smem:$0x3FD9]  }
0x89: {  	s3 =	sld [smem:$0x3FFE];
	_ =	sdelay $0x1  }
0x8a: {  	s1 =	srdreg.scid  }
0x8b: {  	s0 =	sand.u32 $0x1, s1  }
0x8c: {  	s17 =	sshll.u32 s0, $0xA;
	s2 =	sadd.s32 s3, s2  }
0x8d: {  	s2 =	sadd.s32 s2, s17  }
0x8e: {  	[smem:$0x3FB8] =	sst s2  }
0x8f: {  	_ = 	snop  }
0x90: {  	(tm) =	ssettm $0x1  }
0x91: {  	s18 =	sld [smem:$0x3FFB];
	_ =	sdelay $0x3  }
0x92: {  	_ =	strace s18  }
0x93: {  	s2 =	sld [smem:$0x3FFC];
	_ =	sdelay $0x3  }
0x94: {  	_ =	strace s2  }
0x95: {  	s2 =	sld [smem:$0x3FFD];
	_ =	sdelay $0x3  }
0x96: {  	_ =	strace s2  }
0x97: {  	_ =	strace $0x8FFFFFFF  }
0x98: {  	s19 =	sld [smem:$0x3FDB];
	_ =	sdelay $0x1  }
0x99: {  	s20 =	simm.s32 $_scs_section_size  }
0x9a: {  	s4 =	simm.s32 $_size__tile_overlayer_lowered;
	s5 =	simm.s32 $_tile_overlayer_lowered  }
0x9b: {  	s6 =	simm.s32 $0x1BFF;
	s21 =	sshll.u32 s5, $0x1;
	s3 =	sadd.s32 s20, s19  }
0x9c: {  	s22 =	simm.s32 $0x0;
	s4 =	sshll.u32 s4, $0x1;
	s5 =	sadd.s32 s21, s3  }
0x9d: {  	[timem:s22], [sflag:s6] =	dma.local [hbm:s5], s4  }
0x9e: {  	_ =	swait.ge [sflag:s6], s4  }
0x9f: {  	s4 =	ssub.s32 $0x0, s4;
	[sflag:s6] =	ssyncset.done $0x0  }
0xa0: {  	[sflag:s6] =	ssyncadd.s32 s4;
	_ =	sdelay $0x1  }
0xa1: {  	s23 =	simm.s32 $0x1B8B  }
0xa2: {  	_ =	swait.ge [sflag:s23], $0x1  }
0xa3: {  	[sflag:s23] =	ssyncset.done $0x0  }
0xa4: {  	[sflag:s23] =	ssyncadd.s32 $0xFFFFFFFF  }
0xa5: {  	s4 =	sld [smem:$0x0]  }
0xa6: {  	s5 =	sand.u32 $0xFFFFFFFE, s1  }
0xa7: {  	p0 =	sne.s32 s1, s5  }
0xa8: {  	s5 =	sshll.u32 @p0 s5, $0xE  }
0xa9: {  	s5 =	sadd.s32 @p0 $0x11B8D, s5;
	s6 =	sshll.u32 @p0 s4, $0x11  }
0xaa: {  	s5 =	sor.u32 @p0 s6, s5  }
0xab: {  	[sflag:s5] =	ssyncadd.remote.s32 @p0 $0x1;
	_ =	sdelay $0x1  }
0xac: {  	s5 =	simm.s32 @p0 $0x1B8D  }
0xad: {  	_ =	swait.eq @p0 [sflag:s5], $0x1  }
0xae: {  	[sflag:s5] =	ssyncadd.s32 @p0 $0xFFFFFFFF  }
0xaf: {  	s6 =	sshll.u32 @!p0 s1, $0xE  }
0xb0: {  	s6 =	sor.u32 @!p0 $0x4000, s6;
	s5 =	simm.s32 @!p0 $0x1B8D  }
0xb1: {  	s4 =	sshll.u32 @!p0 s4, $0x11;
	s6 =	sadd.s32 @!p0 $0x11B8D, s6;
	_ =	swait.eq @!p0 [sflag:s5], $0x1  }
0xb2: {  	s4 =	sor.u32 @!p0 s4, s6;
	[sflag:s5] =	ssyncadd.s32 @!p0 $0xFFFFFFFF  }
0xb3: {  	s25 =	simm.s32 $0x1B8E;
	s24 =	sld [smem:$0x3FFE];
	[sflag:s4] =	ssyncadd.remote.s32 @!p0 $0x1  }
0xb4: {  	s26 =	simm.s32 $execute0_lowered;
	[smem:$0x3FD2] =	sst s25  }
0xb5: {  	s5 =	sshll.u32 s26, $0x1;
	_ =	strace $0x80000058;
	[dreg:$0x1] =	wrdreg $0xFFFFFFFF  }
0xb6: {  	s28 =	simm.s32 $_size_execute0_lowered;
	s3 =	sadd.s32 s3, s5;
	[dreg:$0x0] =	wrdreg $0x0  }
0xb7: {  	s5 =	sshll.u32 s28, $0x1;
	[dreg:$0x2] =	wrdreg s3  }
0xb8: {  	[dreg:$0x3] =	wrdreg s5  }
0xb9: {  	[dreg:$0x4] =	wrdreg $0xC0  }
0xba: {  	_ =	task [dreg:s22], $0x5FFFF  }
0xbb: {  	[dreg:$0x1] =	wrdreg $0xFFFFFFFF  }
0xbc: {  	[dreg:$0x0] =	wrdreg $0x60  }
0xbd: {  	[dreg:$0x2] =	wrdreg s24  }
0xbe: {  	[dreg:$0x3] =	wrdreg $0x9  }
0xbf: {  	_ =	task.clear_ibuf [dreg:s22], $0x4FFFF;
	_ =	strace $0x90000058  }
0xc0: {  	s29 =	simm.s32 $0x9;
	_ =	strace $0x8000005A  }
0xc1: {  	_ =	swait.ge [sflag:s29], $0x1  }
0xc2: {  	[sflag:s29] =	ssyncadd.s32 $0xFFFFFFFF  }
0xc3: {  	_ =	strace $0x9000005A  }
0xc4: {  	_ =	sfence  }
0xc5: {  	s30 =	sld [smem:$0x0];
	_ =	sdelay $0x2  }
0xc6: {  	s31 =	sshll.u32 s1, $0xD;
	s1 =	sshrl.u32 s1, $0x2  }
0xc7: {  	s4 =	sand.u32 $0x4000, s31;
	s1 =	sadd.s32 s1, s30  }
0xc8: {  	s0 =	sor.u32 s4, s0;
	s1 =	sshll.u32 s1, $0x11  }
0xc9: {  	s0 =	sor.u32 s1, s0  }
0xca: {  	s0 =	sadd.s32 $0x8F2B, s0  }
0xcb: {  	[sflag:s0] =	ssyncadd.remote.s32 $0x1  }
0xcc: {  	_ =	sfence.sel $0xFFFF  }
0xcd: {  	[dreg:$0x0] =	wrdreg $0xFFFFFFFF;
	(pc) =	sbr.abs _section_cstart, $3  }
0xce: {  	[dreg:$0x1] =	wrdreg $0xFFFFFFFF  }
0xcf: {  	_ =	task.clear_ibuf [dreg:s22], $0x2FFFF;
	_ =	strace $0x9FFFFFFF  }
0xd0: {  	(tm) =	ssettm $0x7FFFFFFF  }
0xd1: {  	_ =	shalt  }
tec
execute0_lowered:
.L_overlay_start_1:
0x0: {  	(tag) =	ssettag $0x1  }
0x1: {  	s4 =	rddreg [dreg:$0x0]  }
0x2: {  	s0 =	rddreg [dreg:$0x1]  }
0x3: {  	s3 =	srdreg.scid;
	s1 =	stileid.u32;
	s2 =	simm.s32 $0x0  }
0x4: {  	s10 =	simm.s32 $0x1;
	s11 =	simm.s32 $0x0;
	s6 =	smul.u32 $0xC80, s1  }
0x5: {  	s5 =	sand.u32 $0x1, s3;
	[smem:$0x7FF] =	sst s2;
	s8 =	smul.u32 $0xC800, s1  }
0x6: {  	s3 =	sadd.s32 $0x406200, s4;
	s7 =	smul.u32 $0x640, s5;
	s9 =	ssub.s32 $0x2, s5  }
0x7: {  	_ =	strace $0x80000059;
	s5 =	smul.u32 $0x6400, s5;
	s31 =	sshrl.u32 s9, $0x1  }
0x8: {  	s30 =	sadd.s32 s8, s4;
	s6 =	sadd.s32 s7, s6;
	s8 =	ssub.s32 s9, s31  }
0x9: {  	s5 =	sadd.s32 s5, s30;
	s7 =	simm.s32 $0x2;
	s6 =	sshrl.u32 s6, $0x3  }
0xa: {  	s9 =	simm.s32 $0x80;
	s5 =	sadd.s32 $0x4C9800, s5;
	s6 =	sadd.s32 s6, s4  }
0xb: {  	s4 =	smax.u32 s8, $0x1;
	s8 =	simm.s32 $0x28;
	s6 =	sadd.s32 $0x2600, s6  }
.LBB2_1:
0xc: {  	s12 =	sadd.s32 $0x0, s6  }
0xd: {  	[tilespmem:s2], [sflag:$0x2] =	stream.linear.gather [hbm4b:s12+s2], $0x28, $0x38;
	[tilespmem:$0x1480] =	vst v63  }
0xe: {  	_ =	swait.ge [sflag:s7], $0x28  }
0xf: {  	[sflag:s7] =	ssyncset.done $0x0  }
0x10: {  	[sflag:s7] =	ssyncadd.s32 $0xFFFFFFD8  }
0x11: {  	[tilespmem:s9], [sflag:$0x1] =	stream.indirect.gather [hbm4b:s3+s8], $0x80, s2, s8, $0xb8;
	[tilespmem:$0x1480] =	vst v63  }
0x12: {  	_ =	swait.ge [sflag:s10], $0x1400  }
0x13: {  	[sflag:s10] =	ssyncset.done $0x0  }
0x14: {  	[sflag:s10] =	ssyncadd.s32 $0xFFFFEC00  }
0x15: {  	[hbm4b:s5+s2] =	stream.linear.scatter [tilespmem:s9], [sflag:$0x2], $0x1400, $0x38;
	[tilespmem:$0x1480] =	vst v63  }
0x16: {  	s13 =	simm.s32 $0x5;
	_ =	swait.ge [sflag:s7], $0x1400  }
0x17: {  	s14 =	simm.s32 $0xA;
	s12 =	sadd.s32 $0x280, s5;
	[sflag:s7] =	ssyncset.done $0x0  }
.LBB2_2:
0x18: {  	s15 =	sadd.s32 s13, s6  }
0x19: {  	[sflag:s7] =	ssyncadd.s32 $0xFFFFEC00;
	s13 =	smov.u32 s14;
	s16 =	sadd.s32 $0x5, s14  }
0x1a: {  	[tilespmem:s2], [sflag:$0x2] =	stream.linear.gather [hbm4b:s15+s2], $0x28, $0x38;
	[tilespmem:$0x1480] =	vst v63  }
0x1b: {  	p0 =	sne.s32 s14, $0xC3;
	_ =	swait.ge [sflag:s7], $0x28  }
0x1c: {  	[sflag:s7] =	ssyncset.done $0x0  }
0x1d: {  	[sflag:s7] =	ssyncadd.s32 $0xFFFFFFD8  }
0x1e: {  	[tilespmem:s9], [sflag:$0x1] =	stream.indirect.gather [hbm4b:s3+s8], $0x80, s2, s8, $0xb8;
	[tilespmem:$0x1480] =	vst v63  }
0x1f: {  	_ =	swait.ge [sflag:s10], $0x1400  }
.Ltmp0:
0x20: {  	[sflag:s10] =	ssyncset.done $0x0;
	(pc) =	sbr.rel @p0 .LBB2_2-.Ltmp0, $4  }
0x21: {  	[sflag:s10] =	ssyncadd.s32 $0xFFFFEC00  }
0x22: {  	[hbm4b:s12+s2] =	stream.linear.scatter [tilespmem:s9], [sflag:$0x2], $0x1400, $0x38;
	[tilespmem:$0x1480] =	vst v63  }
0x23: {  	_ =	swait.ge [sflag:s7], $0x1400  }
0x24: {  	s14 =	smov.u32 s16;
	s12 =	sadd.s32 $0x280, s12;
	[sflag:s7] =	ssyncset.done $0x0  }
0x25: {  	s13 =	sadd.s32 s13, s6;
	[sflag:s7] =	ssyncadd.s32 $0xFFFFEC00  }
0x26: {  	[tilespmem:s2], [sflag:$0x2] =	stream.linear.gather [hbm4b:s13+s2], $0x28, $0x38;
	[tilespmem:$0x1480] =	vst v63  }
0x27: {  	_ =	swait.ge [sflag:s7], $0x28  }
0x28: {  	[sflag:s7] =	ssyncset.done $0x0  }
0x29: {  	[sflag:s7] =	ssyncadd.s32 $0xFFFFFFD8  }
0x2a: {  	[tilespmem:s9], [sflag:$0x1] =	stream.indirect.gather [hbm4b:s3+s8], $0x80, s2, s8, $0xb8;
	[tilespmem:$0x1480] =	vst v63  }
0x2b: {  	s11 =	sadd.s32 $0x1, s11;
	_ =	swait.ge [sflag:s10], $0x1400  }
0x2c: {  	p0 =	sne.s32 s11, s4;
	[sflag:s10] =	ssyncset.done $0x0  }
.Ltmp1:
0x2d: {  	[sflag:s10] =	ssyncadd.s32 $0xFFFFEC00;
	(pc) =	sbr.rel @p0 .LBB2_1-.Ltmp1, $4  }
0x2e: {  	[hbm4b:s12+s2] =	stream.linear.scatter [tilespmem:s9], [sflag:$0x2], $0x1400, $0x38;
	[tilespmem:$0x1480] =	vst v63  }
0x2f: {  	_ =	swait.ge [sflag:s7], $0x1400  }
0x30: {  	[sflag:s7] =	ssyncset.done $0x0  }
0x31: {  	[sflag:s7] =	ssyncadd.s32 $0xFFFFEC00  }
0x32: {  	_ =	sfence.sel $0x180000  }
0x33: {  	[bflag:$0x0] =	sbarrier.arrive $0xFFFF  }
0x34: {  	p0 =	sne.s32 s1, $0x0;
	_ =	strace $0x90000059  }
0x35: {  	s0 =	sadd.s32 @!p0 $0x100000, s0;
	[bflag:$0x2] =	sbarrier.arrive $0xFFFF  }
0x36: {  	[sflag:s0] =	ssyncadd.tile.s32 @!p0 $0x1;
	_ =	shalt  }
.Lfunc_end2:
_tile_overlayer_lowered:
.L_overlay_start_2:
0x37: {  	(tag) =	ssettag $0x2  }
0x38: {  	s0 =	rddreg [dreg:$0x0];
	s2 =	stileid.u32  }
0x39: {  	s1 =	rddreg [dreg:$0x1];
	p0 =	sne.s32 s2, $0x0  }
0x3a: {  	s3 =	rddreg [dreg:$0x2];
	[bflag:$0x3] =	sbarrier.arrive $0xFFFF;
	s2 =	simm.s32 @!p0 $0x1C02  }
0x3b: {  	[timem:s3], [sflag:s2] =	dma.local @!p0 [hbm:s0], s1  }
0x3c: {  	s0 =	simm.s32 @!p0 $0x2  }
0x3d: {  	_ =	swait.ge @!p0 [sflag:s0], s1  }
0x3e: {  	s1 =	ssub.s32 @!p0 $0x0, s1;
	[sflag:s0] =	ssyncset.done @!p0 $0x0  }
0x3f: {  	[sflag:s0] =	ssyncadd.s32 @!p0 s1  }
0x40: {  	[bflag:$0x3] =	sbarrier.arrive $0xFFFF  }
0x41: {  	_ =	shalt  }

</sc_bundles>
